<compile_context>
chip_gen: v7x
topology: tpu7x:2x2x1
jax: 0.10.2.dev20260603
libtpu: 0.0.44.dev20260713+nightly
codegen_flags: <defaults>
</compile_context>

<pallas_src>
import functools

import jax
import jax.numpy as jnp
from jax import lax
from jax.experimental import pallas as pl
from jax.experimental.pallas import tpu as pltpu
from jax.experimental.pallas import tpu_sc as plsc

N = 10000
E = 320000
D = 128
H = 128
C = 64

NC = 2
NS = 16
NW = NC * NS
CH = 128
NCH = 79
E_PAD = NW * NCH * CH
ROWS_PER_TILE = 640
N_PAD = NS * ROWS_PER_TILE
ROWB = 400


def _sc_aggregate(with_counts: bool):
  mesh = plsc.VectorSubcoreMesh(core_axis_name="c", subcore_axis_name="s")
  out_type = [jax.ShapeDtypeStruct((NC, N_PAD, H), jnp.float32)]
  scratch = [
      pltpu.VMEM((NCH, CH), jnp.int32),
      pltpu.VMEM((NCH, CH), jnp.int32),
      pltpu.VMEM((CH, H), jnp.float32),
      pltpu.VMEM((16, H), jnp.float32),
      pltpu.VMEM_SHARED((N_PAD, H), jnp.float32),
      pltpu.SemaphoreType.DMA,
  ]
  if with_counts:
    out_type.append(jax.ShapeDtypeStruct((NW, N_PAD), jnp.float32))
    scratch.append(pltpu.VMEM((N_PAD,), jnp.float32))

  @functools.partial(
      pl.kernel, out_type=out_type, scratch_types=scratch, mesh=mesh,
      name="sage_sc_aggregate",
      compiler_params=pltpu.CompilerParams(needs_layout_passes=False),
  )
  def body(src_hbm, dst_hbm, y_hbm, agg_hbm, *rest):
    if with_counts:
      cnt_hbm, src_v, dst_v, rows_v, zb_v, acc_sh, sem, hist_v = rest
    else:
      src_v, dst_v, rows_v, zb_v, acc_sh, sem = rest
    c = lax.axis_index("c")
    s = lax.axis_index("s")
    wid = c * NS + s

    pltpu.sync_copy(src_hbm.at[wid], src_v)
    pltpu.sync_copy(dst_hbm.at[wid], dst_v)

    zeros16 = jnp.zeros((16,), jnp.float32)
    for i in range(16):
      for j in range(H // 16):
        zb_v[i, pl.ds(j * 16, 16)] = zeros16

    base = s * ROWS_PER_TILE
    for r in range(ROWS_PER_TILE // 16):
      pltpu.sync_copy(zb_v, acc_sh.at[pl.ds(base + r * 16, 16)])

    if with_counts:
      def zh(r, carry):
        hist_v[pl.ds(r * 16, 16)] = zeros16
        return carry
      lax.fori_loop(0, N_PAD // 16, zh, 0)

    plsc.subcore_barrier()

    ones16 = jnp.full((16,), 1.0, jnp.float32)

    def chunk(j, carry):
      pltpu.async_copy(y_hbm.at[src_v.at[j]], rows_v, sem).wait()
      pltpu.sync_copy(rows_v, acc_sh.at[dst_v.at[j]], add=True)
      if with_counts:
        for k in range(CH // 16):
          idx16 = dst_v[j, pl.ds(k * 16, 16)]
          plsc.addupdate_scatter(hist_v, [idx16], ones16)
      return carry
    lax.fori_loop(0, NCH, chunk, 0)

    plsc.subcore_barrier()

    pltpu.sync_copy(acc_sh.at[pl.ds(base, ROWS_PER_TILE)],
                    agg_hbm.at[c, pl.ds(base, ROWS_PER_TILE)])
    if with_counts:
      pltpu.sync_copy(hist_v, cnt_hbm.at[wid])

  return body


_sc_agg_counts = _sc_aggregate(with_counts=True)
_sc_agg = _sc_aggregate(with_counts=False)


def _tc_pre(x, W_l, W_r, b):
  def body(x_ref, wl_ref, wr_ref, b_ref, y_ref, r_ref):
    xb = x_ref[...]
    y_ref[...] = jnp.dot(xb, wl_ref[...], preferred_element_type=jnp.float32)
    r_ref[...] = jnp.dot(xb, wr_ref[...],
                         preferred_element_type=jnp.float32) + b_ref[...]

  grid = (N // ROWB,)
  return pl.pallas_call(
      body,
      grid=grid,
      in_specs=[
          pl.BlockSpec((ROWB, D), lambda i: (i, 0)),
          pl.BlockSpec((D, H), lambda i: (0, 0)),
          pl.BlockSpec((D, H), lambda i: (0, 0)),
          pl.BlockSpec((1, H), lambda i: (0, 0)),
      ],
      out_specs=[
          pl.BlockSpec((ROWB, H), lambda i: (i, 0)),
          pl.BlockSpec((ROWB, H), lambda i: (i, 0)),
      ],
      out_shape=[
          jax.ShapeDtypeStruct((N, H), jnp.float32),
          jax.ShapeDtypeStruct((N, H), jnp.float32),
      ],
  )(x, W_l, W_r, b.reshape(1, H))


def _tc_mid(agg, cnt, r, W_l, W_r, b):
  def body(agg_ref, cnt_ref, r_ref, wl_ref, wr_ref, b_ref, y_ref, r2_ref):
    ssum = agg_ref[0] + agg_ref[1]
    deg = jnp.maximum(jnp.sum(cnt_ref[...], axis=1), 1.0)
    h = jnp.maximum(ssum / deg[:, None] + r_ref[...], 0.0)
    y_ref[...] = jnp.dot(h, wl_ref[...], preferred_element_type=jnp.float32)
    r2_ref[...] = jnp.dot(h, wr_ref[...],
                          preferred_element_type=jnp.float32) + b_ref[...]

  grid = (N // ROWB,)
  return pl.pallas_call(
      body,
      grid=grid,
      in_specs=[
          pl.BlockSpec((NC, ROWB, H), lambda i: (0, i, 0)),
          pl.BlockSpec((ROWB, NW), lambda i: (i, 0)),
          pl.BlockSpec((ROWB, H), lambda i: (i, 0)),
          pl.BlockSpec((H, H), lambda i: (0, 0)),
          pl.BlockSpec((H, H), lambda i: (0, 0)),
          pl.BlockSpec((1, H), lambda i: (0, 0)),
      ],
      out_specs=[
          pl.BlockSpec((ROWB, H), lambda i: (i, 0)),
          pl.BlockSpec((ROWB, H), lambda i: (i, 0)),
      ],
      out_shape=[
          jax.ShapeDtypeStruct((N, H), jnp.float32),
          jax.ShapeDtypeStruct((N, H), jnp.float32),
      ],
  )(agg, cnt, r, W_l, W_r, b.reshape(1, H))


def _tc_out(agg, cnt, r, W_out, b_out):
  def body(agg_ref, cnt_ref, r_ref, w_ref, b_ref, o_ref):
    ssum = agg_ref[0] + agg_ref[1]
    deg = jnp.maximum(jnp.sum(cnt_ref[...], axis=1), 1.0)
    h = jnp.maximum(ssum / deg[:, None] + r_ref[...], 0.0)
    o_ref[...] = jnp.dot(h, w_ref[...],
                         preferred_element_type=jnp.float32) + b_ref[...]

  grid = (N // ROWB,)
  return pl.pallas_call(
      body,
      grid=grid,
      in_specs=[
          pl.BlockSpec((NC, ROWB, H), lambda i: (0, i, 0)),
          pl.BlockSpec((ROWB, NW), lambda i: (i, 0)),
          pl.BlockSpec((ROWB, H), lambda i: (i, 0)),
          pl.BlockSpec((H, C), lambda i: (0, 0)),
          pl.BlockSpec((1, C), lambda i: (0, 0)),
      ],
      out_specs=pl.BlockSpec((ROWB, C), lambda i: (i, 0)),
      out_shape=jax.ShapeDtypeStruct((N, C), jnp.float32),
  )(agg, cnt, r, W_out, b_out.reshape(1, C))


def kernel(x, edge_index, W_l1, W_r1, b1, W_l2, W_r2, b2, W_out, b_out):
  src = edge_index[0].astype(jnp.int32)
  dst = edge_index[1].astype(jnp.int32)
  pad = E_PAD - E
  src_p = jnp.concatenate([src, jnp.zeros((pad,), jnp.int32)])
  dst_p = jnp.concatenate([dst, jnp.full((pad,), N, jnp.int32)])
  src_p = src_p.reshape(NW, NCH, CH)
  dst_p = dst_p.reshape(NW, NCH, CH)

  y1, r1 = _tc_pre(x, W_l1, W_r1, b1)
  agg1, cnt = _sc_agg_counts(src_p, dst_p, y1)
  agg1 = agg1[:, :N, :]
  cnt = cnt[:, :N].T

  y2, r2 = _tc_mid(agg1, cnt, r1, W_l2, W_r2, b2)
  (agg2,) = _sc_agg(src_p, dst_p, y2)
  agg2 = agg2[:, :N, :]

  return _tc_out(agg2, cnt, r2, W_out, b_out)

# --- scband reference (transcript-rebuilt; emitter-appended) ---
"""Pipeline reference for scband-graph-sage-37056977830621 (READ-ONLY COPY).

The authoritative reference and input builder live on the scoring server;
editing this copy changes nothing except your own understanding.
"""

import jax, jax.numpy as jnp
import numpy as np

N = 10000
E = 320000
D = 128
H = 128
C = 64


def setup_inputs(seed: int = 0) -> dict:
    key = jax.random.key(seed)
    ks = jax.random.split(key, 12)
    x = jax.random.normal(ks[0], (N, D), dtype=jnp.float32)
    edge_index = jax.random.randint(ks[1], (2, E), 0, N)
    s1 = 1.0 / np.sqrt(D)
    s2 = 1.0 / np.sqrt(H)
    W_l1 = jax.random.uniform(ks[2], (D, H), dtype=jnp.float32, minval=-s1, maxval=s1)
    W_r1 = jax.random.uniform(ks[3], (D, H), dtype=jnp.float32, minval=-s1, maxval=s1)
    b1 = jnp.zeros((H,), dtype=jnp.float32)
    W_l2 = jax.random.uniform(ks[4], (H, H), dtype=jnp.float32, minval=-s2, maxval=s2)
    W_r2 = jax.random.uniform(ks[5], (H, H), dtype=jnp.float32, minval=-s2, maxval=s2)
    b2 = jnp.zeros((H,), dtype=jnp.float32)
    W_out = jax.random.uniform(ks[6], (H, C), dtype=jnp.float32, minval=-s2, maxval=s2)
    b_out = jax.random.uniform(ks[7], (C,), dtype=jnp.float32, minval=-s2, maxval=s2)
    return {"x": x, "edge_index": edge_index, "W_l1": W_l1, "W_r1": W_r1, "b1": b1,
            "W_l2": W_l2, "W_r2": W_r2, "b2": b2, "W_out": W_out, "b_out": b_out}


def _sage_conv(x, edge_index, W_l, W_r, b):
    # PyG SAGEConv: out = lin_l(mean_j x_j) + lin_r(x_i), bias in lin_l
    src = edge_index[0]
    dst = edge_index[1]
    n = x.shape[0]
    msgs = jnp.take(x, src, axis=0)
    summed = jax.ops.segment_sum(msgs, dst, num_segments=n)
    count = jax.ops.segment_sum(jnp.ones((msgs.shape[0],), dtype=x.dtype), dst, num_segments=n)
    mean = summed / jnp.clip(count, 1.0, None)[:, None]
    return mean @ W_l + x @ W_r + b


def reference(x, edge_index, W_l1, W_r1, b1, W_l2, W_r2, b2, W_out, b_out):
    h = _sage_conv(x, edge_index, W_l1, W_r1, b1)
    h = jax.nn.relu(h)
    h = _sage_conv(h, edge_index, W_l2, W_r2, b2)
    h = jax.nn.relu(h)
    out = h @ W_out + b_out
    return out

if __name__ == "__main__":
    import jax
    _d = setup_inputs()
    print(jax.jit(kernel)(*tuple(_d.values())))

</pallas_src>

<mosaic_0001>
#map = affine_map<(d0, d1) -> (0, 0, 0)>
#map1 = affine_map<(d0, d1) -> (0, 0)>
module attributes {stable_mosaic.version = 14 : i64} {
  func.func @sage_sc_aggregate(%arg0: i32, %arg1: i32, %arg2: memref<32x79x128xi32, #tpu.memory_space<hbm>>, %arg3: memref<32x79x128xi32, #tpu.memory_space<hbm>>, %arg4: memref<10000x128xf32, #tpu.memory_space<hbm>>, %arg5: memref<2x10240x128xf32, #tpu.memory_space<hbm>>, %arg6: memref<32x10240xf32, #tpu.memory_space<hbm>>, %arg7: memref<79x128xi32, #tpu.memory_space<vmem>>, %arg8: memref<79x128xi32, #tpu.memory_space<vmem>>, %arg9: memref<128x128xf32, #tpu.memory_space<vmem>>, %arg10: memref<16x128xf32, #tpu.memory_space<vmem>>, %arg11: memref<10240x128xf32, #tpu.memory_space<vmem_shared>>, %arg12: memref<!tpu.dma_semaphore, #tpu.memory_space<semaphore_mem>>, %arg13: memref<10240xf32, #tpu.memory_space<vmem>>) attributes {dimension_semantics = [#tpu.dimension_semantics<core_parallel>, #tpu.dimension_semantics<subcore_parallel>], iteration_bounds = array<i64: 2, 16>, scalar_prefetch = 0 : i64, scratch_operands = 7 : i64, tpu.core_type = #tpu.core_type<sc_vector_subcore>, window_params = [{transform_indices = #map}, {transform_indices = #map}, {transform_indices = #map1}, {transform_indices = #map}, {transform_indices = #map1}]} {
    %mul3A = arith.constant 16 : i32
    %mul3A_0 = arith.muli %arg0, %mul3A : i32
    %add3A = arith.addi %mul3A_0, %arg1 : i32
    "tpu.region"() ({
      %run_scoped3A = tpu.sem_alloc : memref<!tpu.dma_semaphore, #tpu.memory_space<semaphore_mem>>
      %dma_start3A = arith.constant 0 : i32
      %dma_start3A_609 = arith.constant 0 : i32
      %dma_start3A_610 = tpu.memref_slice %arg2[%add3A, %dma_start3A, %dma_start3A_609] : memref<32x79x128xi32, #tpu.memory_space<hbm>> -> memref<1x79x128xi32, #tpu.memory_space<hbm>>
      %dma_start3A_611 = tpu.memref_squeeze %dma_start3A_610 : memref<1x79x128xi32, #tpu.memory_space<hbm>> -> memref<79x128xi32, #tpu.memory_space<hbm>>
      %dma_start3A_612 = arith.constant 0 : i32
      %dma_start3A_613 = arith.constant 0 : i32
      %dma_start3A_614 = tpu.memref_slice %arg2[%add3A, %dma_start3A_612, %dma_start3A_613] : memref<32x79x128xi32, #tpu.memory_space<hbm>> -> memref<1x79x128xi32, #tpu.memory_space<hbm>>
      %dma_start3A_615 = tpu.memref_squeeze %dma_start3A_614 : memref<1x79x128xi32, #tpu.memory_space<hbm>> -> memref<79x128xi32, #tpu.memory_space<hbm>>
      tpu.enqueue_dma source(%dma_start3A_615 : memref<79x128xi32, #tpu.memory_space<hbm>>) target(%arg7 : memref<79x128xi32, #tpu.memory_space<vmem>>) target_semaphore(%run_scoped3A : memref<!tpu.dma_semaphore, #tpu.memory_space<semaphore_mem>>)
      %dma_wait3A = arith.constant 0 : i32
      %dma_wait3A_616 = arith.constant 0 : i32
      %dma_wait3A_617 = tpu.memref_slice %arg2[%add3A, %dma_wait3A, %dma_wait3A_616] : memref<32x79x128xi32, #tpu.memory_space<hbm>> -> memref<1x79x128xi32, #tpu.memory_space<hbm>>
      %dma_wait3A_618 = tpu.memref_squeeze %dma_wait3A_617 : memref<1x79x128xi32, #tpu.memory_space<hbm>> -> memref<79x128xi32, #tpu.memory_space<hbm>>
      %dma_wait3A_619 = arith.constant 0 : i32
      %dma_wait3A_620 = arith.constant 0 : i32
      %dma_wait3A_621 = tpu.memref_slice %arg2[%add3A, %dma_wait3A_619, %dma_wait3A_620] : memref<32x79x128xi32, #tpu.memory_space<hbm>> -> memref<1x79x128xi32, #tpu.memory_space<hbm>>
      %dma_wait3A_622 = tpu.memref_squeeze %dma_wait3A_621 : memref<1x79x128xi32, #tpu.memory_space<hbm>> -> memref<79x128xi32, #tpu.memory_space<hbm>>
      tpu.wait_dma2 semaphore(%run_scoped3A : memref<!tpu.dma_semaphore, #tpu.memory_space<semaphore_mem>>) src(%dma_wait3A_622 : memref<79x128xi32, #tpu.memory_space<hbm>>) dst(%arg7 : memref<79x128xi32, #tpu.memory_space<vmem>>)
      tpu.yield
    }) : () -> ()
    "tpu.region"() ({
      %run_scoped3A = tpu.sem_alloc : memref<!tpu.dma_semaphore, #tpu.memory_space<semaphore_mem>>
      %dma_start3A = arith.constant 0 : i32
      %dma_start3A_609 = arith.constant 0 : i32
      %dma_start3A_610 = tpu.memref_slice %arg3[%add3A, %dma_start3A, %dma_start3A_609] : memref<32x79x128xi32, #tpu.memory_space<hbm>> -> memref<1x79x128xi32, #tpu.memory_space<hbm>>
      %dma_start3A_611 = tpu.memref_squeeze %dma_start3A_610 : memref<1x79x128xi32, #tpu.memory_space<hbm>> -> memref<79x128xi32, #tpu.memory_space<hbm>>
      %dma_start3A_612 = arith.constant 0 : i32
      %dma_start3A_613 = arith.constant 0 : i32
      %dma_start3A_614 = tpu.memref_slice %arg3[%add3A, %dma_start3A_612, %dma_start3A_613] : memref<32x79x128xi32, #tpu.memory_space<hbm>> -> memref<1x79x128xi32, #tpu.memory_space<hbm>>
      %dma_start3A_615 = tpu.memref_squeeze %dma_start3A_614 : memref<1x79x128xi32, #tpu.memory_space<hbm>> -> memref<79x128xi32, #tpu.memory_space<hbm>>
      tpu.enqueue_dma source(%dma_start3A_615 : memref<79x128xi32, #tpu.memory_space<hbm>>) target(%arg8 : memref<79x128xi32, #tpu.memory_space<vmem>>) target_semaphore(%run_scoped3A : memref<!tpu.dma_semaphore, #tpu.memory_space<semaphore_mem>>)
      %dma_wait3A = arith.constant 0 : i32
      %dma_wait3A_616 = arith.constant 0 : i32
      %dma_wait3A_617 = tpu.memref_slice %arg3[%add3A, %dma_wait3A, %dma_wait3A_616] : memref<32x79x128xi32, #tpu.memory_space<hbm>> -> memref<1x79x128xi32, #tpu.memory_space<hbm>>
      %dma_wait3A_618 = tpu.memref_squeeze %dma_wait3A_617 : memref<1x79x128xi32, #tpu.memory_space<hbm>> -> memref<79x128xi32, #tpu.memory_space<hbm>>
      %dma_wait3A_619 = arith.constant 0 : i32
      %dma_wait3A_620 = arith.constant 0 : i32
      %dma_wait3A_621 = tpu.memref_slice %arg3[%add3A, %dma_wait3A_619, %dma_wait3A_620] : memref<32x79x128xi32, #tpu.memory_space<hbm>> -> memref<1x79x128xi32, #tpu.memory_space<hbm>>
      %dma_wait3A_622 = tpu.memref_squeeze %dma_wait3A_621 : memref<1x79x128xi32, #tpu.memory_space<hbm>> -> memref<79x128xi32, #tpu.memory_space<hbm>>
      tpu.wait_dma2 semaphore(%run_scoped3A : memref<!tpu.dma_semaphore, #tpu.memory_space<semaphore_mem>>) src(%dma_wait3A_622 : memref<79x128xi32, #tpu.memory_space<hbm>>) dst(%arg8 : memref<79x128xi32, #tpu.memory_space<vmem>>)
      tpu.yield
    }) : () -> ()
    %broadcast_in_dim3A = arith.constant 0.000000e+00 : f32
    %broadcast_in_dim3A_1 = vector.broadcast %broadcast_in_dim3A : f32 to vector<16xf32>
    %swap3A = arith.constant 0 : i32
    %swap3A_2 = arith.index_cast %swap3A : i32 to index
    %swap3A_3 = arith.constant 0 : index
    %swap3A_4 = tpu.vector_load %arg10[%swap3A_2, %swap3A_3] {strides = array<i32>} : memref<16x128xf32, #tpu.memory_space<vmem>>, vector<16xf32>,
    tpu.vector_store %arg10[%swap3A_2, %swap3A_3], %broadcast_in_dim3A_1 {strides = array<i32>} : memref<16x128xf32, #tpu.memory_space<vmem>>, vector<16xf32>,
    %swap3A_5 = arith.constant 0 : i32
    %swap3A_6 = arith.index_cast %swap3A_5 : i32 to index
    %swap3A_7 = arith.constant 16 : index
    %swap3A_8 = tpu.vector_load %arg10[%swap3A_6, %swap3A_7] {strides = array<i32>} : memref<16x128xf32, #tpu.memory_space<vmem>>, vector<16xf32>,
    tpu.vector_store %arg10[%swap3A_6, %swap3A_7], %broadcast_in_dim3A_1 {strides = array<i32>} : memref<16x128xf32, #tpu.memory_space<vmem>>, vector<16xf32>,
    %swap3A_9 = arith.constant 0 : i32
    %swap3A_10 = arith.index_cast %swap3A_9 : i32 to index
    %swap3A_11 = arith.constant 32 : index
    %swap3A_12 = tpu.vector_load %arg10[%swap3A_10, %swap3A_11] {strides = array<i32>} : memref<16x128xf32, #tpu.memory_space<vmem>>, vector<16xf32>,
    tpu.vector_store %arg10[%swap3A_10, %swap3A_11], %broadcast_in_dim3A_1 {strides = array<i32>} : memref<16x128xf32, #tpu.memory_space<vmem>>, vector<16xf32>,
    %swap3A_13 = arith.constant 0 : i32
    %swap3A_14 = arith.index_cast %swap3A_13 : i32 to index
    %swap3A_15 = arith.constant 48 : index
    %swap3A_16 = tpu.vector_load %arg10[%swap3A_14, %swap3A_15] {strides = array<i32>} : memref<16x128xf32, #tpu.memory_space<vmem>>, vector<16xf32>,
    tpu.vector_store %arg10[%swap3A_14, %swap3A_15], %broadcast_in_dim3A_1 {strides = array<i32>} : memref<16x128xf32, #tpu.memory_space<vmem>>, vector<16xf32>,
    %swap3A_17 = arith.constant 0 : i32
    %swap3A_18 = arith.index_cast %swap3A_17 : i32 to index
    %swap3A_19 = arith.constant 64 : index
    %swap3A_20 = tpu.vector_load %arg10[%swap3A_18, %swap3A_19] {strides = array<i32>} : memref<16x128xf32, #tpu.memory_space<vmem>>, vector<16xf32>,
    tpu.vector_store %arg10[%swap3A_18, %swap3A_19], %broadcast_in_dim3A_1 {strides = array<i32>} : memref<16x128xf32, #tpu.memory_space<vmem>>, vector<16xf32>,
    %swap3A_21 = arith.constant 0 : i32
    %swap3A_22 = arith.index_cast %swap3A_21 : i32 to index
    %swap3A_23 = arith.constant 80 : index
    %swap3A_24 = tpu.vector_load %arg10[%swap3A_22, %swap3A_23] {strides = array<i32>} : memref<16x128xf32, #tpu.memory_space<vmem>>, vector<16xf32>,
    tpu.vector_store %arg10[%swap3A_22, %swap3A_23], %broadcast_in_dim3A_1 {strides = array<i32>} : memref<16x128xf32, #tpu.memory_space<vmem>>, vector<16xf32>,
    %swap3A_25 = arith.constant 0 : i32
    %swap3A_26 = arith.index_cast %swap3A_25 : i32 to index
    %swap3A_27 = arith.constant 96 : index
    %swap3A_28 = tpu.vector_load %arg10[%swap3A_26, %swap3A_27] {strides = array<i32>} : memref<16x128xf32, #tpu.memory_space<vmem>>, vector<16xf32>,
    tpu.vector_store %arg10[%swap3A_26, %swap3A_27], %broadcast_in_dim3A_1 {strides = array<i32>} : memref<16x128xf32, #tpu.memory_space<vmem>>, vector<16xf32>,
    %swap3A_29 = arith.constant 0 : i32
    %swap3A_30 = arith.index_cast %swap3A_29 : i32 to index
    %swap3A_31 = arith.constant 112 : index
    %swap3A_32 = tpu.vector_load %arg10[%swap3A_30, %swap3A_31] {strides = array<i32>} : memref<16x128xf32, #tpu.memory_space<vmem>>, vector<16xf32>,
    tpu.vector_store %arg10[%swap3A_30, %swap3A_31], %broadcast_in_dim3A_1 {strides = array<i32>} : memref<16x128xf32, #tpu.memory_space<vmem>>, vector<16xf32>,
    %swap3A_33 = arith.constant 1 : i32
    %swap3A_34 = arith.index_cast %swap3A_33 : i32 to index
    %swap3A_35 = arith.constant 0 : index
    %swap3A_36 = tpu.vector_load %arg10[%swap3A_34, %swap3A_35] {strides = array<i32>} : memref<16x128xf32, #tpu.memory_space<vmem>>, vector<16xf32>,
    tpu.vector_store %arg10[%swap3A_34, %swap3A_35], %broadcast_in_dim3A_1 {strides = array<i32>} : memref<16x128xf32, #tpu.memory_space<vmem>>, vector<16xf32>,
    %swap3A_37 = arith.constant 1 : i32
    %swap3A_38 = arith.index_cast %swap3A_37 : i32 to index
    %swap3A_39 = arith.constant 16 : index
    %swap3A_40 = tpu.vector_load %arg10[%swap3A_38, %swap3A_39] {strides = array<i32>} : memref<16x128xf32, #tpu.memory_space<vmem>>, vector<16xf32>,
    tpu.vector_store %arg10[%swap3A_38, %swap3A_39], %broadcast_in_dim3A_1 {strides = array<i32>} : memref<16x128xf32, #tpu.memory_space<vmem>>, vector<16xf32>,
    %swap3A_41 = arith.constant 1 : i32
    %swap3A_42 = arith.index_cast %swap3A_41 : i32 to index
    %swap3A_43 = arith.constant 32 : index
    %swap3A_44 = tpu.vector_load %arg10[%swap3A_42, %swap3A_43] {strides = array<i32>} : memref<16x128xf32, #tpu.memory_space<vmem>>, vector<16xf32>,
    tpu.vector_store %arg10[%swap3A_42, %swap3A_43], %broadcast_in_dim3A_1 {strides = array<i32>} : memref<16x128xf32, #tpu.memory_space<vmem>>, vector<16xf32>,
    %swap3A_45 = arith.constant 1 : i32
    %swap3A_46 = arith.index_cast %swap3A_45 : i32 to index
    %swap3A_47 = arith.constant 48 : index
    %swap3A_48 = tpu.vector_load %arg10[%swap3A_46, %swap3A_47] {strides = array<i32>} : memref<16x128xf32, #tpu.memory_space<vmem>>, vector<16xf32>,
    tpu.vector_store %arg10[%swap3A_46, %swap3A_47], %broadcast_in_dim3A_1 {strides = array<i32>} : memref<16x128xf32, #tpu.memory_space<vmem>>, vector<16xf32>,
    %swap3A_49 = arith.constant 1 : i32
    %swap3A_50 = arith.index_cast %swap3A_49 : i32 to index
    %swap3A_51 = arith.constant 64 : index
    %swap3A_52 = tpu.vector_load %arg10[%swap3A_50, %swap3A_51] {strides = array<i32>} : memref<16x128xf32, #tpu.memory_space<vmem>>, vector<16xf32>,
    tpu.vector_store %arg10[%swap3A_50, %swap3A_51], %broadcast_in_dim3A_1 {strides = array<i32>} : memref<16x128xf32, #tpu.memory_space<vmem>>, vector<16xf32>,
    %swap3A_53 = arith.constant 1 : i32
    %swap3A_54 = arith.index_cast %swap3A_53 : i32 to index
    %swap3A_55 = arith.constant 80 : index
    %swap3A_56 = tpu.vector_load %arg10[%swap3A_54, %swap3A_55] {strides = array<i32>} : memref<16x128xf32, #tpu.memory_space<vmem>>, vector<16xf32>,
    tpu.vector_store %arg10[%swap3A_54, %swap3A_55], %broadcast_in_dim3A_1 {strides = array<i32>} : memref<16x128xf32, #tpu.memory_space<vmem>>, vector<16xf32>,
    %swap3A_57 = arith.constant 1 : i32
    %swap3A_58 = arith.index_cast %swap3A_57 : i32 to index
    %swap3A_59 = arith.constant 96 : index
    %swap3A_60 = tpu.vector_load %arg10[%swap3A_58, %swap3A_59] {strides = array<i32>} : memref<16x128xf32, #tpu.memory_space<vmem>>, vector<16xf32>,
    tpu.vector_store %arg10[%swap3A_58, %swap3A_59], %broadcast_in_dim3A_1 {strides = array<i32>} : memref<16x128xf32, #tpu.memory_space<vmem>>, vector<16xf32>,
    %swap3A_61 = arith.constant 1 : i32
    %swap3A_62 = arith.index_cast %swap3A_61 : i32 to index
    %swap3A_63 = arith.constant 112 : index
    %swap3A_64 = tpu.vector_load %arg10[%swap3A_62, %swap3A_63] {strides = array<i32>} : memref<16x128xf32, #tpu.memory_space<vmem>>, vector<16xf32>,
    tpu.vector_store %arg10[%swap3A_62, %swap3A_63], %broadcast_in_dim3A_1 {strides = array<i32>} : memref<16x128xf32, #tpu.memory_space<vmem>>, vector<16xf32>,
    %swap3A_65 = arith.constant 2 : i32
    %swap3A_66 = arith.index_cast %swap3A_65 : i32 to index
    %swap3A_67 = arith.constant 0 : index
    %swap3A_68 = tpu.vector_load %arg10[%swap3A_66, %swap3A_67] {strides = array<i32>} : memref<16x128xf32, #tpu.memory_space<vmem>>, vector<16xf32>,
    tpu.vector_store %arg10[%swap3A_66, %swap3A_67], %broadcast_in_dim3A_1 {strides = array<i32>} : memref<16x128xf32, #tpu.memory_space<vmem>>, vector<16xf32>,
    %swap3A_69 = arith.constant 2 : i32
    %swap3A_70 = arith.index_cast %swap3A_69 : i32 to index
    %swap3A_71 = arith.constant 16 : index
    %swap3A_72 = tpu.vector_load %arg10[%swap3A_70, %swap3A_71] {strides = array<i32>} : memref<16x128xf32, #tpu.memory_space<vmem>>, vector<16xf32>,
    tpu.vector_store %arg10[%swap3A_70, %swap3A_71], %broadcast_in_dim3A_1 {strides = array<i32>} : memref<16x128xf32, #tpu.memory_space<vmem>>, vector<16xf32>,
    %swap3A_73 = arith.constant 2 : i32
    %swap3A_74 = arith.index_cast %swap3A_73 : i32 to index
    %swap3A_75 = arith.constant 32 : index
    %swap3A_76 = tpu.vector_load %arg10[%swap3A_74, %swap3A_75] {strides = array<i32>} : memref<16x128xf32, #tpu.memory_space<vmem>>, vector<16xf32>,
    tpu.vector_store %arg10[%swap3A_74, %swap3A_75], %broadcast_in_dim3A_1 {strides = array<i32>} : memref<16x128xf32, #tpu.memory_space<vmem>>, vector<16xf32>,
    %swap3A_77 = arith.constant 2 : i32
    %swap3A_78 = arith.index_cast %swap3A_77 : i32 to index
    %swap3A_79 = arith.constant 48 : index
    %swap3A_80 = tpu.vector_load %arg10[%swap3A_78, %swap3A_79] {strides = array<i32>} : memref<16x128xf32, #tpu.memory_space<vmem>>, vector<16xf32>,
    tpu.vector_store %arg10[%swap3A_78, %swap3A_79], %broadcast_in_dim3A_1 {strides = array<i32>} : memref<16x128xf32, #tpu.memory_space<vmem>>, vector<16xf32>,
    %swap3A_81 = arith.constant 2 : i32
    %swap3A_82 = arith.index_cast %swap3A_81 : i32 to index
    %swap3A_83 = arith.constant 64 : index
    %swap3A_84 = tpu.vector_load %arg10[%swap3A_82, %swap3A_83] {strides = array<i32>} : memref<16x128xf32, #tpu.memory_space<vmem>>, vector<16xf32>,
    tpu.vector_store %arg10[%swap3A_82, %swap3A_83], %broadcast_in_dim3A_1 {strides = array<i32>} : memref<16x128xf32, #tpu.memory_space<vmem>>, vector<16xf32>,
    %swap3A_85 = arith.constant 2 : i32
    %swap3A_86 = arith.index_cast %swap3A_85 : i32 to index
    %swap3A_87 = arith.constant 80 : index
    %swap3A_88 = tpu.vector_load %arg10[%swap3A_86, %swap3A_87] {strides = array<i32>} : memref<16x128xf32, #tpu.memory_space<vmem>>, vector<16xf32>,
    tpu.vector_store %arg10[%swap3A_86, %swap3A_87], %broadcast_in_dim3A_1 {strides = array<i32>} : memref<16x128xf32, #tpu.memory_space<vmem>>, vector<16xf32>,
    %swap3A_89 = arith.constant 2 : i32
    %swap3A_90 = arith.index_cast %swap3A_89 : i32 to index
    %swap3A_91 = arith.constant 96 : index
    %swap3A_92 = tpu.vector_load %arg10[%swap3A_90, %swap3A_91] {strides = array<i32>} : memref<16x128xf32, #tpu.memory_space<vmem>>, vector<16xf32>,
    tpu.vector_store %arg10[%swap3A_90, %swap3A_91], %broadcast_in_dim3A_1 {strides = array<i32>} : memref<16x128xf32, #tpu.memory_space<vmem>>, vector<16xf32>,
    %swap3A_93 = arith.constant 2 : i32
    %swap3A_94 = arith.index_cast %swap3A_93 : i32 to index
    %swap3A_95 = arith.constant 112 : index
    %swap3A_96 = tpu.vector_load %arg10[%swap3A_94, %swap3A_95] {strides = array<i32>} : memref<16x128xf32, #tpu.memory_space<vmem>>, vector<16xf32>,
    tpu.vector_store %arg10[%swap3A_94, %swap3A_95], %broadcast_in_dim3A_1 {strides = array<i32>} : memref<16x128xf32, #tpu.memory_space<vmem>>, vector<16xf32>,
    %swap3A_97 = arith.constant 3 : i32
    %swap3A_98 = arith.index_cast %swap3A_97 : i32 to index
    %swap3A_99 = arith.constant 0 : index
    %swap3A_100 = tpu.vector_load %arg10[%swap3A_98, %swap3A_99] {strides = array<i32>} : memref<16x128xf32, #tpu.memory_space<vmem>>, vector<16xf32>,
    tpu.vector_store %arg10[%swap3A_98, %swap3A_99], %broadcast_in_dim3A_1 {strides = array<i32>} : memref<16x128xf32, #tpu.memory_space<vmem>>, vector<16xf32>,
    %swap3A_101 = arith.constant 3 : i32
    %swap3A_102 = arith.index_cast %swap3A_101 : i32 to index
    %swap3A_103 = arith.constant 16 : index
    %swap3A_104 = tpu.vector_load %arg10[%swap3A_102, %swap3A_103] {strides = array<i32>} : memref<16x128xf32, #tpu.memory_space<vmem>>, vector<16xf32>,
    tpu.vector_store %arg10[%swap3A_102, %swap3A_103], %broadcast_in_dim3A_1 {strides = array<i32>} : memref<16x128xf32, #tpu.memory_space<vmem>>, vector<16xf32>,
    %swap3A_105 = arith.constant 3 : i32
    %swap3A_106 = arith.index_cast %swap3A_105 : i32 to index
    %swap3A_107 = arith.constant 32 : index
    %swap3A_108 = tpu.vector_load %arg10[%swap3A_106, %swap3A_107] {strides = array<i32>} : memref<16x128xf32, #tpu.memory_space<vmem>>, vector<16xf32>,
    tpu.vector_store %arg10[%swap3A_106, %swap3A_107], %broadcast_in_dim3A_1 {strides = array<i32>} : memref<16x128xf32, #tpu.memory_space<vmem>>, vector<16xf32>,
    %swap3A_109 = arith.constant 3 : i32
    %swap3A_110 = arith.index_cast %swap3A_109 : i32 to index
    %swap3A_111 = arith.constant 48 : index
    %swap3A_112 = tpu.vector_load %arg10[%swap3A_110, %swap3A_111] {strides = array<i32>} : memref<16x128xf32, #tpu.memory_space<vmem>>, vector<16xf32>,
    tpu.vector_store %arg10[%swap3A_110, %swap3A_111], %broadcast_in_dim3A_1 {strides = array<i32>} : memref<16x128xf32, #tpu.memory_space<vmem>>, vector<16xf32>,
    %swap3A_113 = arith.constant 3 : i32
    %swap3A_114 = arith.index_cast %swap3A_113 : i32 to index
    %swap3A_115 = arith.constant 64 : index
    %swap3A_116 = tpu.vector_load %arg10[%swap3A_114, %swap3A_115] {strides = array<i32>} : memref<16x128xf32, #tpu.memory_space<vmem>>, vector<16xf32>,
    tpu.vector_store %arg10[%swap3A_114, %swap3A_115], %broadcast_in_dim3A_1 {strides = array<i32>} : memref<16x128xf32, #tpu.memory_space<vmem>>, vector<16xf32>,
    %swap3A_117 = arith.constant 3 : i32
    %swap3A_118 = arith.index_cast %swap3A_117 : i32 to index
    %swap3A_119 = arith.constant 80 : index
    %swap3A_120 = tpu.vector_load %arg10[%swap3A_118, %swap3A_119] {strides = array<i32>} : memref<16x128xf32, #tpu.memory_space<vmem>>, vector<16xf32>,
    tpu.vector_store %arg10[%swap3A_118, %swap3A_119], %broadcast_in_dim3A_1 {strides = array<i32>} : memref<16x128xf32, #tpu.memory_space<vmem>>, vector<16xf32>,
    %swap3A_121 = arith.constant 3 : i32
    %swap3A_122 = arith.index_cast %swap3A_121 : i32 to index
    %swap3A_123 = arith.constant 96 : index
    %swap3A_124 = tpu.vector_load %arg10[%swap3A_122, %swap3A_123] {strides = array<i32>} : memref<16x128xf32, #tpu.memory_space<vmem>>, vector<16xf32>,
    tpu.vector_store %arg10[%swap3A_122, %swap3A_123], %broadcast_in_dim3A_1 {strides = array<i32>} : memref<16x128xf32, #tpu.memory_space<vmem>>, vector<16xf32>,
    %swap3A_125 = arith.constant 3 : i32
    %swap3A_126 = arith.index_cast %swap3A_125 : i32 to index
    %swap3A_127 = arith.constant 112 : index
    %swap3A_128 = tpu.vector_load %arg10[%swap3A_126, %swap3A_127] {strides = array<i32>} : memref<16x128xf32, #tpu.memory_space<vmem>>, vector<16xf32>,
    tpu.vector_store %arg10[%swap3A_126, %swap3A_127], %broadcast_in_dim3A_1 {strides = array<i32>} : memref<16x128xf32, #tpu.memory_space<vmem>>, vector<16xf32>,
    %swap3A_129 = arith.constant 4 : i32
    %swap3A_130 = arith.index_cast %swap3A_129 : i32 to index
    %swap3A_131 = arith.constant 0 : index
    %swap3A_132 = tpu.vector_load %arg10[%swap3A_130, %swap3A_131] {strides = array<i32>} : memref<16x128xf32, #tpu.memory_space<vmem>>, vector<16xf32>,
    tpu.vector_store %arg10[%swap3A_130, %swap3A_131], %broadcast_in_dim3A_1 {strides = array<i32>} : memref<16x128xf32, #tpu.memory_space<vmem>>, vector<16xf32>,
    %swap3A_133 = arith.constant 4 : i32
    %swap3A_134 = arith.index_cast %swap3A_133 : i32 to index
    %swap3A_135 = arith.constant 16 : index
    %swap3A_136 = tpu.vector_load %arg10[%swap3A_134, %swap3A_135] {strides = array<i32>} : memref<16x128xf32, #tpu.memory_space<vmem>>, vector<16xf32>,
    tpu.vector_store %arg10[%swap3A_134, %swap3A_135], %broadcast_in_dim3A_1 {strides = array<i32>} : memref<16x128xf32, #tpu.memory_space<vmem>>, vector<16xf32>,
    %swap3A_137 = arith.constant 4 : i32
    %swap3A_138 = arith.index_cast %swap3A_137 : i32 to index
    %swap3A_139 = arith.constant 32 : index
    %swap3A_140 = tpu.vector_load %arg10[%swap3A_138, %swap3A_139] {strides = array<i32>} : memref<16x128xf32, #tpu.memory_space<vmem>>, vector<16xf32>,
    tpu.vector_store %arg10[%swap3A_138, %swap3A_139], %broadcast_in_dim3A_1 {strides = array<i32>} : memref<16x128xf32, #tpu.memory_space<vmem>>, vector<16xf32>,
    %swap3A_141 = arith.constant 4 : i32
    %swap3A_142 = arith.index_cast %swap3A_141 : i32 to index
    %swap3A_143 = arith.constant 48 : index
    %swap3A_144 = tpu.vector_load %arg10[%swap3A_142, %swap3A_143] {strides = array<i32>} : memref<16x128xf32, #tpu.memory_space<vmem>>, vector<16xf32>,
    tpu.vector_store %arg10[%swap3A_142, %swap3A_143], %broadcast_in_dim3A_1 {strides = array<i32>} : memref<16x128xf32, #tpu.memory_space<vmem>>, vector<16xf32>,
    %swap3A_145 = arith.constant 4 : i32
    %swap3A_146 = arith.index_cast %swap3A_145 : i32 to index
    %swap3A_147 = arith.constant 64 : index
    %swap3A_148 = tpu.vector_load %arg10[%swap3A_146, %swap3A_147] {strides = array<i32>} : memref<16x128xf32, #tpu.memory_space<vmem>>, vector<16xf32>,
    tpu.vector_store %arg10[%swap3A_146, %swap3A_147], %broadcast_in_dim3A_1 {strides = array<i32>} : memref<16x128xf32, #tpu.memory_space<vmem>>, vector<16xf32>,
    %swap3A_149 = arith.constant 4 : i32
    %swap3A_150 = arith.index_cast %swap3A_149 : i32 to index
    %swap3A_151 = arith.constant 80 : index
    %swap3A_152 = tpu.vector_load %arg10[%swap3A_150, %swap3A_151] {strides = array<i32>} : memref<16x128xf32, #tpu.memory_space<vmem>>, vector<16xf32>,
    tpu.vector_store %arg10[%swap3A_150, %swap3A_151], %broadcast_in_dim3A_1 {strides = array<i32>} : memref<16x128xf32, #tpu.memory_space<vmem>>, vector<16xf32>,
    %swap3A_153 = arith.constant 4 : i32
    %swap3A_154 = arith.index_cast %swap3A_153 : i32 to index
    %swap3A_155 = arith.constant 96 : index
    %swap3A_156 = tpu.vector_load %arg10[%swap3A_154, %swap3A_155] {strides = array<i32>} : memref<16x128xf32, #tpu.memory_space<vmem>>, vector<16xf32>,
    tpu.vector_store %arg10[%swap3A_154, %swap3A_155], %broadcast_in_dim3A_1 {strides = array<i32>} : memref<16x128xf32, #tpu.memory_space<vmem>>, vector<16xf32>,
    %swap3A_157 = arith.constant 4 : i32
    %swap3A_158 = arith.index_cast %swap3A_157 : i32 to index
    %swap3A_159 = arith.constant 112 : index
    %swap3A_160 = tpu.vector_load %arg10[%swap3A_158, %swap3A_159] {strides = array<i32>} : memref<16x128xf32, #tpu.memory_space<vmem>>, vector<16xf32>,
    tpu.vector_store %arg10[%swap3A_158, %swap3A_159], %broadcast_in_dim3A_1 {strides = array<i32>} : memref<16x128xf32, #tpu.memory_space<vmem>>, vector<16xf32>,
    %swap3A_161 = arith.constant 5 : i32
    %swap3A_162 = arith.index_cast %swap3A_161 : i32 to index
    %swap3A_163 = arith.constant 0 : index
    %swap3A_164 = tpu.vector_load %arg10[%swap3A_162, %swap3A_163] {strides = array<i32>} : memref<16x128xf32, #tpu.memory_space<vmem>>, vector<16xf32>,
    tpu.vector_store %arg10[%swap3A_162, %swap3A_163], %broadcast_in_dim3A_1 {strides = array<i32>} : memref<16x128xf32, #tpu.memory_space<vmem>>, vector<16xf32>,
    %swap3A_165 = arith.constant 5 : i32
    %swap3A_166 = arith.index_cast %swap3A_165 : i32 to index
    %swap3A_167 = arith.constant 16 : index
    %swap3A_168 = tpu.vector_load %arg10[%swap3A_166, %swap3A_167] {strides = array<i32>} : memref<16x128xf32, #tpu.memory_space<vmem>>, vector<16xf32>,
    tpu.vector_store %arg10[%swap3A_166, %swap3A_167], %broadcast_in_dim3A_1 {strides = array<i32>} : memref<16x128xf32, #tpu.memory_space<vmem>>, vector<16xf32>,
    %swap3A_169 = arith.constant 5 : i32
    %swap3A_170 = arith.index_cast %swap3A_169 : i32 to index
    %swap3A_171 = arith.constant 32 : index
    %swap3A_172 = tpu.vector_load %arg10[%swap3A_170, %swap3A_171] {strides = array<i32>} : memref<16x128xf32, #tpu.memory_space<vmem>>, vector<16xf32>,
    tpu.vector_store %arg10[%swap3A_170, %swap3A_171], %broadcast_in_dim3A_1 {strides = array<i32>} : memref<16x128xf32, #tpu.memory_space<vmem>>, vector<16xf32>,
    %swap3A_173 = arith.constant 5 : i32
    %swap3A_174 = arith.index_cast %swap3A_173 : i32 to index
    %swap3A_175 = arith.constant 48 : index
    %swap3A_176 = tpu.vector_load %arg10[%swap3A_174, %swap3A_175] {strides = array<i32>} : memref<16x128xf32, #tpu.memory_space<vmem>>, vector<16xf32>,
    tpu.vector_store %arg10[%swap3A_174, %swap3A_175], %broadcast_in_dim3A_1 {strides = array<i32>} : memref<16x128xf32, #tpu.memory_space<vmem>>, vector<16xf32>,
    %swap3A_177 = arith.constant 5 : i32
    %swap3A_178 = arith.index_cast %swap3A_177 : i32 to index
    %swap3A_179 = arith.constant 64 : index
    %swap3A_180 = tpu.vector_load %arg10[%swap3A_178, %swap3A_179] {strides = array<i32>} : memref<16x128xf32, #tpu.memory_space<vmem>>, vector<16xf32>,
    tpu.vector_store %arg10[%swap3A_178, %swap3A_179], %broadcast_in_dim3A_1 {strides = array<i32>} : memref<16x128xf32, #tpu.memory_space<vmem>>, vector<16xf32>,
    %swap3A_181 = arith.constant 5 : i32
    %swap3A_182 = arith.index_cast %swap3A_181 : i32 to index
    %swap3A_183 = arith.constant 80 : index
    %swap3A_184 = tpu.vector_load %arg10[%swap3A_182, %swap3A_183] {strides = array<i32>} : memref<16x128xf32, #tpu.memory_space<vmem>>, vector<16xf32>,
    tpu.vector_store %arg10[%swap3A_182, %swap3A_183], %broadcast_in_dim3A_1 {strides = array<i32>} : memref<16x128xf32, #tpu.memory_space<vmem>>, vector<16xf32>,
    %swap3A_185 = arith.constant 5 : i32
    %swap3A_186 = arith.index_cast %swap3A_185 : i32 to index
    %swap3A_187 = arith.constant 96 : index
    %swap3A_188 = tpu.vector_load %arg10[%swap3A_186, %swap3A_187] {strides = array<i32>} : memref<16x128xf32, #tpu.memory_space<vmem>>, vector<16xf32>,
    tpu.vector_store %arg10[%swap3A_186, %swap3A_187], %broadcast_in_dim3A_1 {strides = array<i32>} : memref<16x128xf32, #tpu.memory_space<vmem>>, vector<16xf32>,
    %swap3A_189 = arith.constant 5 : i32
    %swap3A_190 = arith.index_cast %swap3A_189 : i32 to index
    %swap3A_191 = arith.constant 112 : index
    %swap3A_192 = tpu.vector_load %arg10[%swap3A_190, %swap3A_191] {strides = array<i32>} : memref<16x128xf32, #tpu.memory_space<vmem>>, vector<16xf32>,
    tpu.vector_store %arg10[%swap3A_190, %swap3A_191], %broadcast_in_dim3A_1 {strides = array<i32>} : memref<16x128xf32, #tpu.memory_space<vmem>>, vector<16xf32>,
    %swap3A_193 = arith.constant 6 : i32
    %swap3A_194 = arith.index_cast %swap3A_193 : i32 to index
    %swap3A_195 = arith.constant 0 : index
    %swap3A_196 = tpu.vector_load %arg10[%swap3A_194, %swap3A_195] {strides = array<i32>} : memref<16x128xf32, #tpu.memory_space<vmem>>, vector<16xf32>,
    tpu.vector_store %arg10[%swap3A_194, %swap3A_195], %broadcast_in_dim3A_1 {strides = array<i32>} : memref<16x128xf32, #tpu.memory_space<vmem>>, vector<16xf32>,
    %swap3A_197 = arith.constant 6 : i32
    %swap3A_198 = arith.index_cast %swap3A_197 : i32 to index
    %swap3A_199 = arith.constant 16 : index
    %swap3A_200 = tpu.vector_load %arg10[%swap3A_198, %swap3A_199] {strides = array<i32>} : memref<16x128xf32, #tpu.memory_space<vmem>>, vector<16xf32>,
    tpu.vector_store %arg10[%swap3A_198, %swap3A_199], %broadcast_in_dim3A_1 {strides = array<i32>} : memref<16x128xf32, #tpu.memory_space<vmem>>, vector<16xf32>,
    %swap3A_201 = arith.constant 6 : i32
    %swap3A_202 = arith.index_cast %swap3A_201 : i32 to index
    %swap3A_203 = arith.constant 32 : index
    %swap3A_204 = tpu.vector_load %arg10[%swap3A_202, %swap3A_203] {strides = array<i32>} : memref<16x128xf32, #tpu.memory_space<vmem>>, vector<16xf32>,
    tpu.vector_store %arg10[%swap3A_202, %swap3A_203], %broadcast_in_dim3A_1 {strides = array<i32>} : memref<16x128xf32, #tpu.memory_space<vmem>>, vector<16xf32>,
    %swap3A_205 = arith.constant 6 : i32
    %swap3A_206 = arith.index_cast %swap3A_205 : i32 to index
    %swap3A_207 = arith.constant 48 : index
    %swap3A_208 = tpu.vector_load %arg10[%swap3A_206, %swap3A_207] {strides = array<i32>} : memref<16x128xf32, #tpu.memory_space<vmem>>, vector<16xf32>,
    tpu.vector_store %arg10[%swap3A_206, %swap3A_207], %broadcast_in_dim3A_1 {strides = array<i32>} : memref<16x128xf32, #tpu.memory_space<vmem>>, vector<16xf32>,
    %swap3A_209 = arith.constant 6 : i32
    %swap3A_210 = arith.index_cast %swap3A_209 : i32 to index
    %swap3A_211 = arith.constant 64 : index
    %swap3A_212 = tpu.vector_load %arg10[%swap3A_210, %swap3A_211] {strides = array<i32>} : memref<16x128xf32, #tpu.memory_space<vmem>>, vector<16xf32>,
    tpu.vector_store %arg10[%swap3A_210, %swap3A_211], %broadcast_in_dim3A_1 {strides = array<i32>} : memref<16x128xf32, #tpu.memory_space<vmem>>, vector<16xf32>,
    %swap3A_213 = arith.constant 6 : i32
    %swap3A_214 = arith.index_cast %swap3A_213 : i32 to index
    %swap3A_215 = arith.constant 80 : index
    %swap3A_216 = tpu.vector_load %arg10[%swap3A_214, %swap3A_215] {strides = array<i32>} : memref<16x128xf32, #tpu.memory_space<vmem>>, vector<16xf32>,
    tpu.vector_store %arg10[%swap3A_214, %swap3A_215], %broadcast_in_dim3A_1 {strides = array<i32>} : memref<16x128xf32, #tpu.memory_space<vmem>>, vector<16xf32>,
    %swap3A_217 = arith.constant 6 : i32
    %swap3A_218 = arith.index_cast %swap3A_217 : i32 to index
    %swap3A_219 = arith.constant 96 : index
    %swap3A_220 = tpu.vector_load %arg10[%swap3A_218, %swap3A_219] {strides = array<i32>} : memref<16x128xf32, #tpu.memory_space<vmem>>, vector<16xf32>,
    tpu.vector_store %arg10[%swap3A_218, %swap3A_219], %broadcast_in_dim3A_1 {strides = array<i32>} : memref<16x128xf32, #tpu.memory_space<vmem>>, vector<16xf32>,
    %swap3A_221 = arith.constant 6 : i32
    %swap3A_222 = arith.index_cast %swap3A_221 : i32 to index
    %swap3A_223 = arith.constant 112 : index
    %swap3A_224 = tpu.vector_load %arg10[%swap3A_222, %swap3A_223] {strides = array<i32>} : memref<16x128xf32, #tpu.memory_space<vmem>>, vector<16xf32>,
    tpu.vector_store %arg10[%swap3A_222, %swap3A_223], %broadcast_in_dim3A_1 {strides = array<i32>} : memref<16x128xf32, #tpu.memory_space<vmem>>, vector<16xf32>,
    %swap3A_225 = arith.constant 7 : i32
    %swap3A_226 = arith.index_cast %swap3A_225 : i32 to index
    %swap3A_227 = arith.constant 0 : index
    %swap3A_228 = tpu.vector_load %arg10[%swap3A_226, %swap3A_227] {strides = array<i32>} : memref<16x128xf32, #tpu.memory_space<vmem>>, vector<16xf32>,
    tpu.vector_store %arg10[%swap3A_226, %swap3A_227], %broadcast_in_dim3A_1 {strides = array<i32>} : memref<16x128xf32, #tpu.memory_space<vmem>>, vector<16xf32>,
    %swap3A_229 = arith.constant 7 : i32
    %swap3A_230 = arith.index_cast %swap3A_229 : i32 to index
    %swap3A_231 = arith.constant 16 : index
    %swap3A_232 = tpu.vector_load %arg10[%swap3A_230, %swap3A_231] {strides = array<i32>} : memref<16x128xf32, #tpu.memory_space<vmem>>, vector<16xf32>,
    tpu.vector_store %arg10[%swap3A_230, %swap3A_231], %broadcast_in_dim3A_1 {strides = array<i32>} : memref<16x128xf32, #tpu.memory_space<vmem>>, vector<16xf32>,
    %swap3A_233 = arith.constant 7 : i32
    %swap3A_234 = arith.index_cast %swap3A_233 : i32 to index
    %swap3A_235 = arith.constant 32 : index
    %swap3A_236 = tpu.vector_load %arg10[%swap3A_234, %swap3A_235] {strides = array<i32>} : memref<16x128xf32, #tpu.memory_space<vmem>>, vector<16xf32>,
    tpu.vector_store %arg10[%swap3A_234, %swap3A_235], %broadcast_in_dim3A_1 {strides = array<i32>} : memref<16x128xf32, #tpu.memory_space<vmem>>, vector<16xf32>,
    %swap3A_237 = arith.constant 7 : i32
    %swap3A_238 = arith.index_cast %swap3A_237 : i32 to index
    %swap3A_239 = arith.constant 48 : index
    %swap3A_240 = tpu.vector_load %arg10[%swap3A_238, %swap3A_239] {strides = array<i32>} : memref<16x128xf32, #tpu.memory_space<vmem>>, vector<16xf32>,
    tpu.vector_store %arg10[%swap3A_238, %swap3A_239], %broadcast_in_dim3A_1 {strides = array<i32>} : memref<16x128xf32, #tpu.memory_space<vmem>>, vector<16xf32>,
    %swap3A_241 = arith.constant 7 : i32
    %swap3A_242 = arith.index_cast %swap3A_241 : i32 to index
    %swap3A_243 = arith.constant 64 : index
    %swap3A_244 = tpu.vector_load %arg10[%swap3A_242, %swap3A_243] {strides = array<i32>} : memref<16x128xf32, #tpu.memory_space<vmem>>, vector<16xf32>,
    tpu.vector_store %arg10[%swap3A_242, %swap3A_243], %broadcast_in_dim3A_1 {strides = array<i32>} : memref<16x128xf32, #tpu.memory_space<vmem>>, vector<16xf32>,
    %swap3A_245 = arith.constant 7 : i32
    %swap3A_246 = arith.index_cast %swap3A_245 : i32 to index
    %swap3A_247 = arith.constant 80 : index
    %swap3A_248 = tpu.vector_load %arg10[%swap3A_246, %swap3A_247] {strides = array<i32>} : memref<16x128xf32, #tpu.memory_space<vmem>>, vector<16xf32>,
    tpu.vector_store %arg10[%swap3A_246, %swap3A_247], %broadcast_in_dim3A_1 {strides = array<i32>} : memref<16x128xf32, #tpu.memory_space<vmem>>, vector<16xf32>,
    %swap3A_249 = arith.constant 7 : i32
    %swap3A_250 = arith.index_cast %swap3A_249 : i32 to index
    %swap3A_251 = arith.constant 96 : index
    %swap3A_252 = tpu.vector_load %arg10[%swap3A_250, %swap3A_251] {strides = array<i32>} : memref<16x128xf32, #tpu.memory_space<vmem>>, vector<16xf32>,
    tpu.vector_store %arg10[%swap3A_250, %swap3A_251], %broadcast_in_dim3A_1 {strides = array<i32>} : memref<16x128xf32, #tpu.memory_space<vmem>>, vector<16xf32>,
    %swap3A_253 = arith.constant 7 : i32
    %swap3A_254 = arith.index_cast %swap3A_253 : i32 to index
    %swap3A_255 = arith.constant 112 : index
    %swap3A_256 = tpu.vector_load %arg10[%swap3A_254, %swap3A_255] {strides = array<i32>} : memref<16x128xf32, #tpu.memory_space<vmem>>, vector<16xf32>,
    tpu.vector_store %arg10[%swap3A_254, %swap3A_255], %broadcast_in_dim3A_1 {strides = array<i32>} : memref<16x128xf32, #tpu.memory_space<vmem>>, vector<16xf32>,
    %swap3A_257 = arith.constant 8 : i32
    %swap3A_258 = arith.index_cast %swap3A_257 : i32 to index
    %swap3A_259 = arith.constant 0 : index
    %swap3A_260 = tpu.vector_load %arg10[%swap3A_258, %swap3A_259] {strides = array<i32>} : memref<16x128xf32, #tpu.memory_space<vmem>>, vector<16xf32>,
    tpu.vector_store %arg10[%swap3A_258, %swap3A_259], %broadcast_in_dim3A_1 {strides = array<i32>} : memref<16x128xf32, #tpu.memory_space<vmem>>, vector<16xf32>,
    %swap3A_261 = arith.constant 8 : i32
    %swap3A_262 = arith.index_cast %swap3A_261 : i32 to index
    %swap3A_263 = arith.constant 16 : index
    %swap3A_264 = tpu.vector_load %arg10[%swap3A_262, %swap3A_263] {strides = array<i32>} : memref<16x128xf32, #tpu.memory_space<vmem>>, vector<16xf32>,
    tpu.vector_store %arg10[%swap3A_262, %swap3A_263], %broadcast_in_dim3A_1 {strides = array<i32>} : memref<16x128xf32, #tpu.memory_space<vmem>>, vector<16xf32>,
    %swap3A_265 = arith.constant 8 : i32
    %swap3A_266 = arith.index_cast %swap3A_265 : i32 to index
    %swap3A_267 = arith.constant 32 : index
    %swap3A_268 = tpu.vector_load %arg10[%swap3A_266, %swap3A_267] {strides = array<i32>} : memref<16x128xf32, #tpu.memory_space<vmem>>, vector<16xf32>,
    tpu.vector_store %arg10[%swap3A_266, %swap3A_267], %broadcast_in_dim3A_1 {strides = array<i32>} : memref<16x128xf32, #tpu.memory_space<vmem>>, vector<16xf32>,
    %swap3A_269 = arith.constant 8 : i32
    %swap3A_270 = arith.index_cast %swap3A_269 : i32 to index
    %swap3A_271 = arith.constant 48 : index
    %swap3A_272 = tpu.vector_load %arg10[%swap3A_270, %swap3A_271] {strides = array<i32>} : memref<16x128xf32, #tpu.memory_space<vmem>>, vector<16xf32>,
    tpu.vector_store %arg10[%swap3A_270, %swap3A_271], %broadcast_in_dim3A_1 {strides = array<i32>} : memref<16x128xf32, #tpu.memory_space<vmem>>, vector<16xf32>,
    %swap3A_273 = arith.constant 8 : i32
    %swap3A_274 = arith.index_cast %swap3A_273 : i32 to index
    %swap3A_275 = arith.constant 64 : index
    %swap3A_276 = tpu.vector_load %arg10[%swap3A_274, %swap3A_275] {strides = array<i32>} : memref<16x128xf32, #tpu.memory_space<vmem>>, vector<16xf32>,
    tpu.vector_store %arg10[%swap3A_274, %swap3A_275], %broadcast_in_dim3A_1 {strides = array<i32>} : memref<16x128xf32, #tpu.memory_space<vmem>>, vector<16xf32>,
    %swap3A_277 = arith.constant 8 : i32
    %swap3A_278 = arith.index_cast %swap3A_277 : i32 to index
    %swap3A_279 = arith.constant 80 : index
    %swap3A_280 = tpu.vector_load %arg10[%swap3A_278, %swap3A_279] {strides = array<i32>} : memref<16x128xf32, #tpu.memory_space<vmem>>, vector<16xf32>,
    tpu.vector_store %arg10[%swap3A_278, %swap3A_279], %broadcast_in_dim3A_1 {strides = array<i32>} : memref<16x128xf32, #tpu.memory_space<vmem>>, vector<16xf32>,
    %swap3A_281 = arith.constant 8 : i32
    %swap3A_282 = arith.index_cast %swap3A_281 : i32 to index
    %swap3A_283 = arith.constant 96 : index
    %swap3A_284 = tpu.vector_load %arg10[%swap3A_282, %swap3A_283] {strides = array<i32>} : memref<16x128xf32, #tpu.memory_space<vmem>>, vector<16xf32>,
    tpu.vector_store %arg10[%swap3A_282, %swap3A_283], %broadcast_in_dim3A_1 {strides = array<i32>} : memref<16x128xf32, #tpu.memory_space<vmem>>, vector<16xf32>,
    %swap3A_285 = arith.constant 8 : i32
    %swap3A_286 = arith.index_cast %swap3A_285 : i32 to index
    %swap3A_287 = arith.constant 112 : index
    %swap3A_288 = tpu.vector_load %arg10[%swap3A_286, %swap3A_287] {strides = array<i32>} : memref<16x128xf32, #tpu.memory_space<vmem>>, vector<16xf32>,
    tpu.vector_store %arg10[%swap3A_286, %swap3A_287], %broadcast_in_dim3A_1 {strides = array<i32>} : memref<16x128xf32, #tpu.memory_space<vmem>>, vector<16xf32>,
    %swap3A_289 = arith.constant 9 : i32
    %swap3A_290 = arith.index_cast %swap3A_289 : i32 to index
    %swap3A_291 = arith.constant 0 : index
    %swap3A_292 = tpu.vector_load %arg10[%swap3A_290, %swap3A_291] {strides = array<i32>} : memref<16x128xf32, #tpu.memory_space<vmem>>, vector<16xf32>,
    tpu.vector_store %arg10[%swap3A_290, %swap3A_291], %broadcast_in_dim3A_1 {strides = array<i32>} : memref<16x128xf32, #tpu.memory_space<vmem>>, vector<16xf32>,
    %swap3A_293 = arith.constant 9 : i32
    %swap3A_294 = arith.index_cast %swap3A_293 : i32 to index
    %swap3A_295 = arith.constant 16 : index
    %swap3A_296 = tpu.vector_load %arg10[%swap3A_294, %swap3A_295] {strides = array<i32>} : memref<16x128xf32, #tpu.memory_space<vmem>>, vector<16xf32>,
    tpu.vector_store %arg10[%swap3A_294, %swap3A_295], %broadcast_in_dim3A_1 {strides = array<i32>} : memref<16x128xf32, #tpu.memory_space<vmem>>, vector<16xf32>,
    %swap3A_297 = arith.constant 9 : i32
    %swap3A_298 = arith.index_cast %swap3A_297 : i32 to index
    %swap3A_299 = arith.constant 32 : index
    %swap3A_300 = tpu.vector_load %arg10[%swap3A_298, %swap3A_299] {strides = array<i32>} : memref<16x128xf32, #tpu.memory_space<vmem>>, vector<16xf32>,
    tpu.vector_store %arg10[%swap3A_298, %swap3A_299], %broadcast_in_dim3A_1 {strides = array<i32>} : memref<16x128xf32, #tpu.memory_space<vmem>>, vector<16xf32>,
    %swap3A_301 = arith.constant 9 : i32
    %swap3A_302 = arith.index_cast %swap3A_301 : i32 to index
    %swap3A_303 = arith.constant 48 : index
    %swap3A_304 = tpu.vector_load %arg10[%swap3A_302, %swap3A_303] {strides = array<i32>} : memref<16x128xf32, #tpu.memory_space<vmem>>, vector<16xf32>,
    tpu.vector_store %arg10[%swap3A_302, %swap3A_303], %broadcast_in_dim3A_1 {strides = array<i32>} : memref<16x128xf32, #tpu.memory_space<vmem>>, vector<16xf32>,
    %swap3A_305 = arith.constant 9 : i32
    %swap3A_306 = arith.index_cast %swap3A_305 : i32 to index
    %swap3A_307 = arith.constant 64 : index
    %swap3A_308 = tpu.vector_load %arg10[%swap3A_306, %swap3A_307] {strides = array<i32>} : memref<16x128xf32, #tpu.memory_space<vmem>>, vector<16xf32>,
    tpu.vector_store %arg10[%swap3A_306, %swap3A_307], %broadcast_in_dim3A_1 {strides = array<i32>} : memref<16x128xf32, #tpu.memory_space<vmem>>, vector<16xf32>,
    %swap3A_309 = arith.constant 9 : i32
    %swap3A_310 = arith.index_cast %swap3A_309 : i32 to index
    %swap3A_311 = arith.constant 80 : index
    %swap3A_312 = tpu.vector_load %arg10[%swap3A_310, %swap3A_311] {strides = array<i32>} : memref<16x128xf32, #tpu.memory_space<vmem>>, vector<16xf32>,
    tpu.vector_store %arg10[%swap3A_310, %swap3A_311], %broadcast_in_dim3A_1 {strides = array<i32>} : memref<16x128xf32, #tpu.memory_space<vmem>>, vector<16xf32>,
    %swap3A_313 = arith.constant 9 : i32
    %swap3A_314 = arith.index_cast %swap3A_313 : i32 to index
    %swap3A_315 = arith.constant 96 : index
    %swap3A_316 = tpu.vector_load %arg10[%swap3A_314, %swap3A_315] {strides = array<i32>} : memref<16x128xf32, #tpu.memory_space<vmem>>, vector<16xf32>,
    tpu.vector_store %arg10[%swap3A_314, %swap3A_315], %broadcast_in_dim3A_1 {strides = array<i32>} : memref<16x128xf32, #tpu.memory_space<vmem>>, vector<16xf32>,
    %swap3A_317 = arith.constant 9 : i32
    %swap3A_318 = arith.index_cast %swap3A_317 : i32 to index
    %swap3A_319 = arith.constant 112 : index
    %swap3A_320 = tpu.vector_load %arg10[%swap3A_318, %swap3A_319] {strides = array<i32>} : memref<16x128xf32, #tpu.memory_space<vmem>>, vector<16xf32>,
    tpu.vector_store %arg10[%swap3A_318, %swap3A_319], %broadcast_in_dim3A_1 {strides = array<i32>} : memref<16x128xf32, #tpu.memory_space<vmem>>, vector<16xf32>,
    %swap3A_321 = arith.constant 10 : i32
    %swap3A_322 = arith.index_cast %swap3A_321 : i32 to index
    %swap3A_323 = arith.constant 0 : index
    %swap3A_324 = tpu.vector_load %arg10[%swap3A_322, %swap3A_323] {strides = array<i32>} : memref<16x128xf32, #tpu.memory_space<vmem>>, vector<16xf32>,
    tpu.vector_store %arg10[%swap3A_322, %swap3A_323], %broadcast_in_dim3A_1 {strides = array<i32>} : memref<16x128xf32, #tpu.memory_space<vmem>>, vector<16xf32>,
    %swap3A_325 = arith.constant 10 : i32
    %swap3A_326 = arith.index_cast %swap3A_325 : i32 to index
    %swap3A_327 = arith.constant 16 : index
    %swap3A_328 = tpu.vector_load %arg10[%swap3A_326, %swap3A_327] {strides = array<i32>} : memref<16x128xf32, #tpu.memory_space<vmem>>, vector<16xf32>,
    tpu.vector_store %arg10[%swap3A_326, %swap3A_327], %broadcast_in_dim3A_1 {strides = array<i32>} : memref<16x128xf32, #tpu.memory_space<vmem>>, vector<16xf32>,
    %swap3A_329 = arith.constant 10 : i32
    %swap3A_330 = arith.index_cast %swap3A_329 : i32 to index
    %swap3A_331 = arith.constant 32 : index
    %swap3A_332 = tpu.vector_load %arg10[%swap3A_330, %swap3A_331] {strides = array<i32>} : memref<16x128xf32, #tpu.memory_space<vmem>>, vector<16xf32>,
    tpu.vector_store %arg10[%swap3A_330, %swap3A_331], %broadcast_in_dim3A_1 {strides = array<i32>} : memref<16x128xf32, #tpu.memory_space<vmem>>, vector<16xf32>,
    %swap3A_333 = arith.constant 10 : i32
    %swap3A_334 = arith.index_cast %swap3A_333 : i32 to index
    %swap3A_335 = arith.constant 48 : index
    %swap3A_336 = tpu.vector_load %arg10[%swap3A_334, %swap3A_335] {strides = array<i32>} : memref<16x128xf32, #tpu.memory_space<vmem>>, vector<16xf32>,
    tpu.vector_store %arg10[%swap3A_334, %swap3A_335], %broadcast_in_dim3A_1 {strides = array<i32>} : memref<16x128xf32, #tpu.memory_space<vmem>>, vector<16xf32>,
    %swap3A_337 = arith.constant 10 : i32
    %swap3A_338 = arith.index_cast %swap3A_337 : i32 to index
    %swap3A_339 = arith.constant 64 : index
    %swap3A_340 = tpu.vector_load %arg10[%swap3A_338, %swap3A_339] {strides = array<i32>} : memref<16x128xf32, #tpu.memory_space<vmem>>, vector<16xf32>,
    tpu.vector_store %arg10[%swap3A_338, %swap3A_339], %broadcast_in_dim3A_1 {strides = array<i32>} : memref<16x128xf32, #tpu.memory_space<vmem>>, vector<16xf32>,
    %swap3A_341 = arith.constant 10 : i32
    %swap3A_342 = arith.index_cast %swap3A_341 : i32 to index
    %swap3A_343 = arith.constant 80 : index
    %swap3A_344 = tpu.vector_load %arg10[%swap3A_342, %swap3A_343] {strides = array<i32>} : memref<16x128xf32, #tpu.memory_space<vmem>>, vector<16xf32>,
    tpu.vector_store %arg10[%swap3A_342, %swap3A_343], %broadcast_in_dim3A_1 {strides = array<i32>} : memref<16x128xf32, #tpu.memory_space<vmem>>, vector<16xf32>,
    %swap3A_345 = arith.constant 10 : i32
    %swap3A_346 = arith.index_cast %swap3A_345 : i32 to index
    %swap3A_347 = arith.constant 96 : index
    %swap3A_348 = tpu.vector_load %arg10[%swap3A_346, %swap3A_347] {strides = array<i32>} : memref<16x128xf32, #tpu.memory_space<vmem>>, vector<16xf32>,
    tpu.vector_store %arg10[%swap3A_346, %swap3A_347], %broadcast_in_dim3A_1 {strides = array<i32>} : memref<16x128xf32, #tpu.memory_space<vmem>>, vector<16xf32>,
    %swap3A_349 = arith.constant 10 : i32
    %swap3A_350 = arith.index_cast %swap3A_349 : i32 to index
    %swap3A_351 = arith.constant 112 : index
    %swap3A_352 = tpu.vector_load %arg10[%swap3A_350, %swap3A_351] {strides = array<i32>} : memref<16x128xf32, #tpu.memory_space<vmem>>, vector<16xf32>,
    tpu.vector_store %arg10[%swap3A_350, %swap3A_351], %broadcast_in_dim3A_1 {strides = array<i32>} : memref<16x128xf32, #tpu.memory_space<vmem>>, vector<16xf32>,
    %swap3A_353 = arith.constant 11 : i32
    %swap3A_354 = arith.index_cast %swap3A_353 : i32 to index
    %swap3A_355 = arith.constant 0 : index
    %swap3A_356 = tpu.vector_load %arg10[%swap3A_354, %swap3A_355] {strides = array<i32>} : memref<16x128xf32, #tpu.memory_space<vmem>>, vector<16xf32>,
    tpu.vector_store %arg10[%swap3A_354, %swap3A_355], %broadcast_in_dim3A_1 {strides = array<i32>} : memref<16x128xf32, #tpu.memory_space<vmem>>, vector<16xf32>,
    %swap3A_357 = arith.constant 11 : i32
    %swap3A_358 = arith.index_cast %swap3A_357 : i32 to index
    %swap3A_359 = arith.constant 16 : index
    %swap3A_360 = tpu.vector_load %arg10[%swap3A_358, %swap3A_359] {strides = array<i32>} : memref<16x128xf32, #tpu.memory_space<vmem>>, vector<16xf32>,
    tpu.vector_store %arg10[%swap3A_358, %swap3A_359], %broadcast_in_dim3A_1 {strides = array<i32>} : memref<16x128xf32, #tpu.memory_space<vmem>>, vector<16xf32>,
    %swap3A_361 = arith.constant 11 : i32
    %swap3A_362 = arith.index_cast %swap3A_361 : i32 to index
    %swap3A_363 = arith.constant 32 : index
    %swap3A_364 = tpu.vector_load %arg10[%swap3A_362, %swap3A_363] {strides = array<i32>} : memref<16x128xf32, #tpu.memory_space<vmem>>, vector<16xf32>,
    tpu.vector_store %arg10[%swap3A_362, %swap3A_363], %broadcast_in_dim3A_1 {strides = array<i32>} : memref<16x128xf32, #tpu.memory_space<vmem>>, vector<16xf32>,
    %swap3A_365 = arith.constant 11 : i32
    %swap3A_366 = arith.index_cast %swap3A_365 : i32 to index
    %swap3A_367 = arith.constant 48 : index
    %swap3A_368 = tpu.vector_load %arg10[%swap3A_366, %swap3A_367] {strides = array<i32>} : memref<16x128xf32, #tpu.memory_space<vmem>>, vector<16xf32>,
    tpu.vector_store %arg10[%swap3A_366, %swap3A_367], %broadcast_in_dim3A_1 {strides = array<i32>} : memref<16x128xf32, #tpu.memory_space<vmem>>, vector<16xf32>,
    %swap3A_369 = arith.constant 11 : i32
    %swap3A_370 = arith.index_cast %swap3A_369 : i32 to index
    %swap3A_371 = arith.constant 64 : index
    %swap3A_372 = tpu.vector_load %arg10[%swap3A_370, %swap3A_371] {strides = array<i32>} : memref<16x128xf32, #tpu.memory_space<vmem>>, vector<16xf32>,
    tpu.vector_store %arg10[%swap3A_370, %swap3A_371], %broadcast_in_dim3A_1 {strides = array<i32>} : memref<16x128xf32, #tpu.memory_space<vmem>>, vector<16xf32>,
    %swap3A_373 = arith.constant 11 : i32
    %swap3A_374 = arith.index_cast %swap3A_373 : i32 to index
    %swap3A_375 = arith.constant 80 : index
    %swap3A_376 = tpu.vector_load %arg10[%swap3A_374, %swap3A_375] {strides = array<i32>} : memref<16x128xf32, #tpu.memory_space<vmem>>, vector<16xf32>,
    tpu.vector_store %arg10[%swap3A_374, %swap3A_375], %broadcast_in_dim3A_1 {strides = array<i32>} : memref<16x128xf32, #tpu.memory_space<vmem>>, vector<16xf32>,
    %swap3A_377 = arith.constant 11 : i32
    %swap3A_378 = arith.index_cast %swap3A_377 : i32 to index
    %swap3A_379 = arith.constant 96 : index
    %swap3A_380 = tpu.vector_load %arg10[%swap3A_378, %swap3A_379] {strides = array<i32>} : memref<16x128xf32, #tpu.memory_space<vmem>>, vector<16xf32>,
    tpu.vector_store %arg10[%swap3A_378, %swap3A_379], %broadcast_in_dim3A_1 {strides = array<i32>} : memref<16x128xf32, #tpu.memory_space<vmem>>, vector<16xf32>,
    %swap3A_381 = arith.constant 11 : i32
    %swap3A_382 = arith.index_cast %swap3A_381 : i32 to index
    %swap3A_383 = arith.constant 112 : index
    %swap3A_384 = tpu.vector_load %arg10[%swap3A_382, %swap3A_383] {strides = array<i32>} : memref<16x128xf32, #tpu.memory_space<vmem>>, vector<16xf32>,
    tpu.vector_store %arg10[%swap3A_382, %swap3A_383], %broadcast_in_dim3A_1 {strides = array<i32>} : memref<16x128xf32, #tpu.memory_space<vmem>>, vector<16xf32>,
    %swap3A_385 = arith.constant 12 : i32
    %swap3A_386 = arith.index_cast %swap3A_385 : i32 to index
    %swap3A_387 = arith.constant 0 : index
    %swap3A_388 = tpu.vector_load %arg10[%swap3A_386, %swap3A_387] {strides = array<i32>} : memref<16x128xf32, #tpu.memory_space<vmem>>, vector<16xf32>,
    tpu.vector_store %arg10[%swap3A_386, %swap3A_387], %broadcast_in_dim3A_1 {strides = array<i32>} : memref<16x128xf32, #tpu.memory_space<vmem>>, vector<16xf32>,
    %swap3A_389 = arith.constant 12 : i32
    %swap3A_390 = arith.index_cast %swap3A_389 : i32 to index
    %swap3A_391 = arith.constant 16 : index
    %swap3A_392 = tpu.vector_load %arg10[%swap3A_390, %swap3A_391] {strides = array<i32>} : memref<16x128xf32, #tpu.memory_space<vmem>>, vector<16xf32>,
    tpu.vector_store %arg10[%swap3A_390, %swap3A_391], %broadcast_in_dim3A_1 {strides = array<i32>} : memref<16x128xf32, #tpu.memory_space<vmem>>, vector<16xf32>,
    %swap3A_393 = arith.constant 12 : i32
    %swap3A_394 = arith.index_cast %swap3A_393 : i32 to index
    %swap3A_395 = arith.constant 32 : index
    %swap3A_396 = tpu.vector_load %arg10[%swap3A_394, %swap3A_395] {strides = array<i32>} : memref<16x128xf32, #tpu.memory_space<vmem>>, vector<16xf32>,
    tpu.vector_store %arg10[%swap3A_394, %swap3A_395], %broadcast_in_dim3A_1 {strides = array<i32>} : memref<16x128xf32, #tpu.memory_space<vmem>>, vector<16xf32>,
    %swap3A_397 = arith.constant 12 : i32
    %swap3A_398 = arith.index_cast %swap3A_397 : i32 to index
    %swap3A_399 = arith.constant 48 : index
    %swap3A_400 = tpu.vector_load %arg10[%swap3A_398, %swap3A_399] {strides = array<i32>} : memref<16x128xf32, #tpu.memory_space<vmem>>, vector<16xf32>,
    tpu.vector_store %arg10[%swap3A_398, %swap3A_399], %broadcast_in_dim3A_1 {strides = array<i32>} : memref<16x128xf32, #tpu.memory_space<vmem>>, vector<16xf32>,
    %swap3A_401 = arith.constant 12 : i32
    %swap3A_402 = arith.index_cast %swap3A_401 : i32 to index
    %swap3A_403 = arith.constant 64 : index
    %swap3A_404 = tpu.vector_load %arg10[%swap3A_402, %swap3A_403] {strides = array<i32>} : memref<16x128xf32, #tpu.memory_space<vmem>>, vector<16xf32>,
    tpu.vector_store %arg10[%swap3A_402, %swap3A_403], %broadcast_in_dim3A_1 {strides = array<i32>} : memref<16x128xf32, #tpu.memory_space<vmem>>, vector<16xf32>,
    %swap3A_405 = arith.constant 12 : i32
    %swap3A_406 = arith.index_cast %swap3A_405 : i32 to index
    %swap3A_407 = arith.constant 80 : index
    %swap3A_408 = tpu.vector_load %arg10[%swap3A_406, %swap3A_407] {strides = array<i32>} : memref<16x128xf32, #tpu.memory_space<vmem>>, vector<16xf32>,
    tpu.vector_store %arg10[%swap3A_406, %swap3A_407], %broadcast_in_dim3A_1 {strides = array<i32>} : memref<16x128xf32, #tpu.memory_space<vmem>>, vector<16xf32>,
    %swap3A_409 = arith.constant 12 : i32
    %swap3A_410 = arith.index_cast %swap3A_409 : i32 to index
    %swap3A_411 = arith.constant 96 : index
    %swap3A_412 = tpu.vector_load %arg10[%swap3A_410, %swap3A_411] {strides = array<i32>} : memref<16x128xf32, #tpu.memory_space<vmem>>, vector<16xf32>,
    tpu.vector_store %arg10[%swap3A_410, %swap3A_411], %broadcast_in_dim3A_1 {strides = array<i32>} : memref<16x128xf32, #tpu.memory_space<vmem>>, vector<16xf32>,
    %swap3A_413 = arith.constant 12 : i32
    %swap3A_414 = arith.index_cast %swap3A_413 : i32 to index
    %swap3A_415 = arith.constant 112 : index
    %swap3A_416 = tpu.vector_load %arg10[%swap3A_414, %swap3A_415] {strides = array<i32>} : memref<16x128xf32, #tpu.memory_space<vmem>>, vector<16xf32>,
    tpu.vector_store %arg10[%swap3A_414, %swap3A_415], %broadcast_in_dim3A_1 {strides = array<i32>} : memref<16x128xf32, #tpu.memory_space<vmem>>, vector<16xf32>,
    %swap3A_417 = arith.constant 13 : i32
    %swap3A_418 = arith.index_cast %swap3A_417 : i32 to index
    %swap3A_419 = arith.constant 0 : index
    %swap3A_420 = tpu.vector_load %arg10[%swap3A_418, %swap3A_419] {strides = array<i32>} : memref<16x128xf32, #tpu.memory_space<vmem>>, vector<16xf32>,
    tpu.vector_store %arg10[%swap3A_418, %swap3A_419], %broadcast_in_dim3A_1 {strides = array<i32>} : memref<16x128xf32, #tpu.memory_space<vmem>>, vector<16xf32>,
    %swap3A_421 = arith.constant 13 : i32
    %swap3A_422 = arith.index_cast %swap3A_421 : i32 to index
    %swap3A_423 = arith.constant 16 : index
    %swap3A_424 = tpu.vector_load %arg10[%swap3A_422, %swap3A_423] {strides = array<i32>} : memref<16x128xf32, #tpu.memory_space<vmem>>, vector<16xf32>,
    tpu.vector_store %arg10[%swap3A_422, %swap3A_423], %broadcast_in_dim3A_1 {strides = array<i32>} : memref<16x128xf32, #tpu.memory_space<vmem>>, vector<16xf32>,
    %swap3A_425 = arith.constant 13 : i32
    %swap3A_426 = arith.index_cast %swap3A_425 : i32 to index
    %swap3A_427 = arith.constant 32 : index
    %swap3A_428 = tpu.vector_load %arg10[%swap3A_426, %swap3A_427] {strides = array<i32>} : memref<16x128xf32, #tpu.memory_space<vmem>>, vector<16xf32>,
    tpu.vector_store %arg10[%swap3A_426, %swap3A_427], %broadcast_in_dim3A_1 {strides = array<i32>} : memref<16x128xf32, #tpu.memory_space<vmem>>, vector<16xf32>,
    %swap3A_429 = arith.constant 13 : i32
    %swap3A_430 = arith.index_cast %swap3A_429 : i32 to index
    %swap3A_431 = arith.constant 48 : index
    %swap3A_432 = tpu.vector_load %arg10[%swap3A_430, %swap3A_431] {strides = array<i32>} : memref<16x128xf32, #tpu.memory_space<vmem>>, vector<16xf32>,
    tpu.vector_store %arg10[%swap3A_430, %swap3A_431], %broadcast_in_dim3A_1 {strides = array<i32>} : memref<16x128xf32, #tpu.memory_space<vmem>>, vector<16xf32>,
    %swap3A_433 = arith.constant 13 : i32
    %swap3A_434 = arith.index_cast %swap3A_433 : i32 to index
    %swap3A_435 = arith.constant 64 : index
    %swap3A_436 = tpu.vector_load %arg10[%swap3A_434, %swap3A_435] {strides = array<i32>} : memref<16x128xf32, #tpu.memory_space<vmem>>, vector<16xf32>,
    tpu.vector_store %arg10[%swap3A_434, %swap3A_435], %broadcast_in_dim3A_1 {strides = array<i32>} : memref<16x128xf32, #tpu.memory_space<vmem>>, vector<16xf32>,
    %swap3A_437 = arith.constant 13 : i32
    %swap3A_438 = arith.index_cast %swap3A_437 : i32 to index
    %swap3A_439 = arith.constant 80 : index
    %swap3A_440 = tpu.vector_load %arg10[%swap3A_438, %swap3A_439] {strides = array<i32>} : memref<16x128xf32, #tpu.memory_space<vmem>>, vector<16xf32>,
    tpu.vector_store %arg10[%swap3A_438, %swap3A_439], %broadcast_in_dim3A_1 {strides = array<i32>} : memref<16x128xf32, #tpu.memory_space<vmem>>, vector<16xf32>,
    %swap3A_441 = arith.constant 13 : i32
    %swap3A_442 = arith.index_cast %swap3A_441 : i32 to index
    %swap3A_443 = arith.constant 96 : index
    %swap3A_444 = tpu.vector_load %arg10[%swap3A_442, %swap3A_443] {strides = array<i32>} : memref<16x128xf32, #tpu.memory_space<vmem>>, vector<16xf32>,
    tpu.vector_store %arg10[%swap3A_442, %swap3A_443], %broadcast_in_dim3A_1 {strides = array<i32>} : memref<16x128xf32, #tpu.memory_space<vmem>>, vector<16xf32>,
    %swap3A_445 = arith.constant 13 : i32
    %swap3A_446 = arith.index_cast %swap3A_445 : i32 to index
    %swap3A_447 = arith.constant 112 : index
    %swap3A_448 = tpu.vector_load %arg10[%swap3A_446, %swap3A_447] {strides = array<i32>} : memref<16x128xf32, #tpu.memory_space<vmem>>, vector<16xf32>,
    tpu.vector_store %arg10[%swap3A_446, %swap3A_447], %broadcast_in_dim3A_1 {strides = array<i32>} : memref<16x128xf32, #tpu.memory_space<vmem>>, vector<16xf32>,
    %swap3A_449 = arith.constant 14 : i32
    %swap3A_450 = arith.index_cast %swap3A_449 : i32 to index
    %swap3A_451 = arith.constant 0 : index
    %swap3A_452 = tpu.vector_load %arg10[%swap3A_450, %swap3A_451] {strides = array<i32>} : memref<16x128xf32, #tpu.memory_space<vmem>>, vector<16xf32>,
    tpu.vector_store %arg10[%swap3A_450, %swap3A_451], %broadcast_in_dim3A_1 {strides = array<i32>} : memref<16x128xf32, #tpu.memory_space<vmem>>, vector<16xf32>,
    %swap3A_453 = arith.constant 14 : i32
    %swap3A_454 = arith.index_cast %swap3A_453 : i32 to index
    %swap3A_455 = arith.constant 16 : index
    %swap3A_456 = tpu.vector_load %arg10[%swap3A_454, %swap3A_455] {strides = array<i32>} : memref<16x128xf32, #tpu.memory_space<vmem>>, vector<16xf32>,
    tpu.vector_store %arg10[%swap3A_454, %swap3A_455], %broadcast_in_dim3A_1 {strides = array<i32>} : memref<16x128xf32, #tpu.memory_space<vmem>>, vector<16xf32>,
    %swap3A_457 = arith.constant 14 : i32
    %swap3A_458 = arith.index_cast %swap3A_457 : i32 to index
    %swap3A_459 = arith.constant 32 : index
    %swap3A_460 = tpu.vector_load %arg10[%swap3A_458, %swap3A_459] {strides = array<i32>} : memref<16x128xf32, #tpu.memory_space<vmem>>, vector<16xf32>,
    tpu.vector_store %arg10[%swap3A_458, %swap3A_459], %broadcast_in_dim3A_1 {strides = array<i32>} : memref<16x128xf32, #tpu.memory_space<vmem>>, vector<16xf32>,
    %swap3A_461 = arith.constant 14 : i32
    %swap3A_462 = arith.index_cast %swap3A_461 : i32 to index
    %swap3A_463 = arith.constant 48 : index
    %swap3A_464 = tpu.vector_load %arg10[%swap3A_462, %swap3A_463] {strides = array<i32>} : memref<16x128xf32, #tpu.memory_space<vmem>>, vector<16xf32>,
    tpu.vector_store %arg10[%swap3A_462, %swap3A_463], %broadcast_in_dim3A_1 {strides = array<i32>} : memref<16x128xf32, #tpu.memory_space<vmem>>, vector<16xf32>,
    %swap3A_465 = arith.constant 14 : i32
    %swap3A_466 = arith.index_cast %swap3A_465 : i32 to index
    %swap3A_467 = arith.constant 64 : index
    %swap3A_468 = tpu.vector_load %arg10[%swap3A_466, %swap3A_467] {strides = array<i32>} : memref<16x128xf32, #tpu.memory_space<vmem>>, vector<16xf32>,
    tpu.vector_store %arg10[%swap3A_466, %swap3A_467], %broadcast_in_dim3A_1 {strides = array<i32>} : memref<16x128xf32, #tpu.memory_space<vmem>>, vector<16xf32>,
    %swap3A_469 = arith.constant 14 : i32
    %swap3A_470 = arith.index_cast %swap3A_469 : i32 to index
    %swap3A_471 = arith.constant 80 : index
    %swap3A_472 = tpu.vector_load %arg10[%swap3A_470, %swap3A_471] {strides = array<i32>} : memref<16x128xf32, #tpu.memory_space<vmem>>, vector<16xf32>,
    tpu.vector_store %arg10[%swap3A_470, %swap3A_471], %broadcast_in_dim3A_1 {strides = array<i32>} : memref<16x128xf32, #tpu.memory_space<vmem>>, vector<16xf32>,
    %swap3A_473 = arith.constant 14 : i32
    %swap3A_474 = arith.index_cast %swap3A_473 : i32 to index
    %swap3A_475 = arith.constant 96 : index
    %swap3A_476 = tpu.vector_load %arg10[%swap3A_474, %swap3A_475] {strides = array<i32>} : memref<16x128xf32, #tpu.memory_space<vmem>>, vector<16xf32>,
    tpu.vector_store %arg10[%swap3A_474, %swap3A_475], %broadcast_in_dim3A_1 {strides = array<i32>} : memref<16x128xf32, #tpu.memory_space<vmem>>, vector<16xf32>,
    %swap3A_477 = arith.constant 14 : i32
    %swap3A_478 = arith.index_cast %swap3A_477 : i32 to index
    %swap3A_479 = arith.constant 112 : index
    %swap3A_480 = tpu.vector_load %arg10[%swap3A_478, %swap3A_479] {strides = array<i32>} : memref<16x128xf32, #tpu.memory_space<vmem>>, vector<16xf32>,
    tpu.vector_store %arg10[%swap3A_478, %swap3A_479], %broadcast_in_dim3A_1 {strides = array<i32>} : memref<16x128xf32, #tpu.memory_space<vmem>>, vector<16xf32>,
    %swap3A_481 = arith.constant 15 : i32
    %swap3A_482 = arith.index_cast %swap3A_481 : i32 to index
    %swap3A_483 = arith.constant 0 : index
    %swap3A_484 = tpu.vector_load %arg10[%swap3A_482, %swap3A_483] {strides = array<i32>} : memref<16x128xf32, #tpu.memory_space<vmem>>, vector<16xf32>,
    tpu.vector_store %arg10[%swap3A_482, %swap3A_483], %broadcast_in_dim3A_1 {strides = array<i32>} : memref<16x128xf32, #tpu.memory_space<vmem>>, vector<16xf32>,
    %swap3A_485 = arith.constant 15 : i32
    %swap3A_486 = arith.index_cast %swap3A_485 : i32 to index
    %swap3A_487 = arith.constant 16 : index
    %swap3A_488 = tpu.vector_load %arg10[%swap3A_486, %swap3A_487] {strides = array<i32>} : memref<16x128xf32, #tpu.memory_space<vmem>>, vector<16xf32>,
    tpu.vector_store %arg10[%swap3A_486, %swap3A_487], %broadcast_in_dim3A_1 {strides = array<i32>} : memref<16x128xf32, #tpu.memory_space<vmem>>, vector<16xf32>,
    %swap3A_489 = arith.constant 15 : i32
    %swap3A_490 = arith.index_cast %swap3A_489 : i32 to index
    %swap3A_491 = arith.constant 32 : index
    %swap3A_492 = tpu.vector_load %arg10[%swap3A_490, %swap3A_491] {strides = array<i32>} : memref<16x128xf32, #tpu.memory_space<vmem>>, vector<16xf32>,
    tpu.vector_store %arg10[%swap3A_490, %swap3A_491], %broadcast_in_dim3A_1 {strides = array<i32>} : memref<16x128xf32, #tpu.memory_space<vmem>>, vector<16xf32>,
    %swap3A_493 = arith.constant 15 : i32
    %swap3A_494 = arith.index_cast %swap3A_493 : i32 to index
    %swap3A_495 = arith.constant 48 : index
    %swap3A_496 = tpu.vector_load %arg10[%swap3A_494, %swap3A_495] {strides = array<i32>} : memref<16x128xf32, #tpu.memory_space<vmem>>, vector<16xf32>,
    tpu.vector_store %arg10[%swap3A_494, %swap3A_495], %broadcast_in_dim3A_1 {strides = array<i32>} : memref<16x128xf32, #tpu.memory_space<vmem>>, vector<16xf32>,
    %swap3A_497 = arith.constant 15 : i32
    %swap3A_498 = arith.index_cast %swap3A_497 : i32 to index
    %swap3A_499 = arith.constant 64 : index
    %swap3A_500 = tpu.vector_load %arg10[%swap3A_498, %swap3A_499] {strides = array<i32>} : memref<16x128xf32, #tpu.memory_space<vmem>>, vector<16xf32>,
    tpu.vector_store %arg10[%swap3A_498, %swap3A_499], %broadcast_in_dim3A_1 {strides = array<i32>} : memref<16x128xf32, #tpu.memory_space<vmem>>, vector<16xf32>,
    %swap3A_501 = arith.constant 15 : i32
    %swap3A_502 = arith.index_cast %swap3A_501 : i32 to index
    %swap3A_503 = arith.constant 80 : index
    %swap3A_504 = tpu.vector_load %arg10[%swap3A_502, %swap3A_503] {strides = array<i32>} : memref<16x128xf32, #tpu.memory_space<vmem>>, vector<16xf32>,
    tpu.vector_store %arg10[%swap3A_502, %swap3A_503], %broadcast_in_dim3A_1 {strides = array<i32>} : memref<16x128xf32, #tpu.memory_space<vmem>>, vector<16xf32>,
    %swap3A_505 = arith.constant 15 : i32
    %swap3A_506 = arith.index_cast %swap3A_505 : i32 to index
    %swap3A_507 = arith.constant 96 : index
    %swap3A_508 = tpu.vector_load %arg10[%swap3A_506, %swap3A_507] {strides = array<i32>} : memref<16x128xf32, #tpu.memory_space<vmem>>, vector<16xf32>,
    tpu.vector_store %arg10[%swap3A_506, %swap3A_507], %broadcast_in_dim3A_1 {strides = array<i32>} : memref<16x128xf32, #tpu.memory_space<vmem>>, vector<16xf32>,
    %swap3A_509 = arith.constant 15 : i32
    %swap3A_510 = arith.index_cast %swap3A_509 : i32 to index
    %swap3A_511 = arith.constant 112 : index
    %swap3A_512 = tpu.vector_load %arg10[%swap3A_510, %swap3A_511] {strides = array<i32>} : memref<16x128xf32, #tpu.memory_space<vmem>>, vector<16xf32>,
    tpu.vector_store %arg10[%swap3A_510, %swap3A_511], %broadcast_in_dim3A_1 {strides = array<i32>} : memref<16x128xf32, #tpu.memory_space<vmem>>, vector<16xf32>,
    %mul3A_513 = arith.constant 640 : i32
    %mul3A_514 = arith.muli %arg1, %mul3A_513 : i32
    %add3A_515 = arith.constant 0 : i32
    %add3A_516 = arith.addi %mul3A_514, %add3A_515 : i32
    "tpu.region"() ({
      %run_scoped3A = tpu.sem_alloc : memref<!tpu.dma_semaphore, #tpu.memory_space<semaphore_mem>>
      %dma_start3A = arith.constant 0 : i32
      %dma_start3A_609 = tpu.memref_slice %arg11[%add3A_516, %dma_start3A] : memref<10240x128xf32, #tpu.memory_space<vmem_shared>> -> memref<16x128xf32, #tpu.memory_space<vmem_shared>>
      %dma_start3A_610 = arith.constant 0 : i32
      %dma_start3A_611 = tpu.memref_slice %arg11[%add3A_516, %dma_start3A_610] : memref<10240x128xf32, #tpu.memory_space<vmem_shared>> -> memref<16x128xf32, #tpu.memory_space<vmem_shared>>
      tpu.enqueue_dma source(%arg10 : memref<16x128xf32, #tpu.memory_space<vmem>>) target(%dma_start3A_611 : memref<16x128xf32, #tpu.memory_space<vmem_shared>>) target_semaphore(%run_scoped3A : memref<!tpu.dma_semaphore, #tpu.memory_space<semaphore_mem>>)
      %dma_wait3A = arith.constant 0 : i32
      %dma_wait3A_612 = tpu.memref_slice %arg11[%add3A_516, %dma_wait3A] : memref<10240x128xf32, #tpu.memory_space<vmem_shared>> -> memref<16x128xf32, #tpu.memory_space<vmem_shared>>
      %dma_wait3A_613 = arith.constant 0 : i32
      %dma_wait3A_614 = tpu.memref_slice %arg11[%add3A_516, %dma_wait3A_613] : memref<10240x128xf32, #tpu.memory_space<vmem_shared>> -> memref<16x128xf32, #tpu.memory_space<vmem_shared>>
      tpu.wait_dma2 semaphore(%run_scoped3A : memref<!tpu.dma_semaphore, #tpu.memory_space<semaphore_mem>>) src(%arg10 : memref<16x128xf32, #tpu.memory_space<vmem>>) dst(%dma_wait3A_614 : memref<16x128xf32, #tpu.memory_space<vmem_shared>>)
      tpu.yield
    }) : () -> ()
    %add3A_517 = arith.constant 16 : i32
    %add3A_518 = arith.addi %mul3A_514, %add3A_517 : i32
    "tpu.region"() ({
      %run_scoped3A = tpu.sem_alloc : memref<!tpu.dma_semaphore, #tpu.memory_space<semaphore_mem>>
      %dma_start3A = arith.constant 0 : i32
      %dma_start3A_609 = tpu.memref_slice %arg11[%add3A_518, %dma_start3A] : memref<10240x128xf32, #tpu.memory_space<vmem_shared>> -> memref<16x128xf32, #tpu.memory_space<vmem_shared>>
      %dma_start3A_610 = arith.constant 0 : i32
      %dma_start3A_611 = tpu.memref_slice %arg11[%add3A_518, %dma_start3A_610] : memref<10240x128xf32, #tpu.memory_space<vmem_shared>> -> memref<16x128xf32, #tpu.memory_space<vmem_shared>>
      tpu.enqueue_dma source(%arg10 : memref<16x128xf32, #tpu.memory_space<vmem>>) target(%dma_start3A_611 : memref<16x128xf32, #tpu.memory_space<vmem_shared>>) target_semaphore(%run_scoped3A : memref<!tpu.dma_semaphore, #tpu.memory_space<semaphore_mem>>)
      %dma_wait3A = arith.constant 0 : i32
      %dma_wait3A_612 = tpu.memref_slice %arg11[%add3A_518, %dma_wait3A] : memref<10240x128xf32, #tpu.memory_space<vmem_shared>> -> memref<16x128xf32, #tpu.memory_space<vmem_shared>>
      %dma_wait3A_613 = arith.constant 0 : i32
      %dma_wait3A_614 = tpu.memref_slice %arg11[%add3A_518, %dma_wait3A_613] : memref<10240x128xf32, #tpu.memory_space<vmem_shared>> -> memref<16x128xf32, #tpu.memory_space<vmem_shared>>
      tpu.wait_dma2 semaphore(%run_scoped3A : memref<!tpu.dma_semaphore, #tpu.memory_space<semaphore_mem>>) src(%arg10 : memref<16x128xf32, #tpu.memory_space<vmem>>) dst(%dma_wait3A_614 : memref<16x128xf32, #tpu.memory_space<vmem_shared>>)
      tpu.yield
    }) : () -> ()
    %add3A_519 = arith.constant 32 : i32
    %add3A_520 = arith.addi %mul3A_514, %add3A_519 : i32
    "tpu.region"() ({
      %run_scoped3A = tpu.sem_alloc : memref<!tpu.dma_semaphore, #tpu.memory_space<semaphore_mem>>
      %dma_start3A = arith.constant 0 : i32
      %dma_start3A_609 = tpu.memref_slice %arg11[%add3A_520, %dma_start3A] : memref<10240x128xf32, #tpu.memory_space<vmem_shared>> -> memref<16x128xf32, #tpu.memory_space<vmem_shared>>
      %dma_start3A_610 = arith.constant 0 : i32
      %dma_start3A_611 = tpu.memref_slice %arg11[%add3A_520, %dma_start3A_610] : memref<10240x128xf32, #tpu.memory_space<vmem_shared>> -> memref<16x128xf32, #tpu.memory_space<vmem_shared>>
      tpu.enqueue_dma source(%arg10 : memref<16x128xf32, #tpu.memory_space<vmem>>) target(%dma_start3A_611 : memref<16x128xf32, #tpu.memory_space<vmem_shared>>) target_semaphore(%run_scoped3A : memref<!tpu.dma_semaphore, #tpu.memory_space<semaphore_mem>>)
      %dma_wait3A = arith.constant 0 : i32
      %dma_wait3A_612 = tpu.memref_slice %arg11[%add3A_520, %dma_wait3A] : memref<10240x128xf32, #tpu.memory_space<vmem_shared>> -> memref<16x128xf32, #tpu.memory_space<vmem_shared>>
      %dma_wait3A_613 = arith.constant 0 : i32
      %dma_wait3A_614 = tpu.memref_slice %arg11[%add3A_520, %dma_wait3A_613] : memref<10240x128xf32, #tpu.memory_space<vmem_shared>> -> memref<16x128xf32, #tpu.memory_space<vmem_shared>>
      tpu.wait_dma2 semaphore(%run_scoped3A : memref<!tpu.dma_semaphore, #tpu.memory_space<semaphore_mem>>) src(%arg10 : memref<16x128xf32, #tpu.memory_space<vmem>>) dst(%dma_wait3A_614 : memref<16x128xf32, #tpu.memory_space<vmem_shared>>)
      tpu.yield
    }) : () -> ()
    %add3A_521 = arith.constant 48 : i32
    %add3A_522 = arith.addi %mul3A_514, %add3A_521 : i32
    "tpu.region"() ({
      %run_scoped3A = tpu.sem_alloc : memref<!tpu.dma_semaphore, #tpu.memory_space<semaphore_mem>>
      %dma_start3A = arith.constant 0 : i32
      %dma_start3A_609 = tpu.memref_slice %arg11[%add3A_522, %dma_start3A] : memref<10240x128xf32, #tpu.memory_space<vmem_shared>> -> memref<16x128xf32, #tpu.memory_space<vmem_shared>>
      %dma_start3A_610 = arith.constant 0 : i32
      %dma_start3A_611 = tpu.memref_slice %arg11[%add3A_522, %dma_start3A_610] : memref<10240x128xf32, #tpu.memory_space<vmem_shared>> -> memref<16x128xf32, #tpu.memory_space<vmem_shared>>
      tpu.enqueue_dma source(%arg10 : memref<16x128xf32, #tpu.memory_space<vmem>>) target(%dma_start3A_611 : memref<16x128xf32, #tpu.memory_space<vmem_shared>>) target_semaphore(%run_scoped3A : memref<!tpu.dma_semaphore, #tpu.memory_space<semaphore_mem>>)
      %dma_wait3A = arith.constant 0 : i32
      %dma_wait3A_612 = tpu.memref_slice %arg11[%add3A_522, %dma_wait3A] : memref<10240x128xf32, #tpu.memory_space<vmem_shared>> -> memref<16x128xf32, #tpu.memory_space<vmem_shared>>
      %dma_wait3A_613 = arith.constant 0 : i32
      %dma_wait3A_614 = tpu.memref_slice %arg11[%add3A_522, %dma_wait3A_613] : memref<10240x128xf32, #tpu.memory_space<vmem_shared>> -> memref<16x128xf32, #tpu.memory_space<vmem_shared>>
      tpu.wait_dma2 semaphore(%run_scoped3A : memref<!tpu.dma_semaphore, #tpu.memory_space<semaphore_mem>>) src(%arg10 : memref<16x128xf32, #tpu.memory_space<vmem>>) dst(%dma_wait3A_614 : memref<16x128xf32, #tpu.memory_space<vmem_shared>>)
      tpu.yield
    }) : () -> ()
    %add3A_523 = arith.constant 64 : i32
    %add3A_524 = arith.addi %mul3A_514, %add3A_523 : i32
    "tpu.region"() ({
      %run_scoped3A = tpu.sem_alloc : memref<!tpu.dma_semaphore, #tpu.memory_space<semaphore_mem>>
      %dma_start3A = arith.constant 0 : i32
      %dma_start3A_609 = tpu.memref_slice %arg11[%add3A_524, %dma_start3A] : memref<10240x128xf32, #tpu.memory_space<vmem_shared>> -> memref<16x128xf32, #tpu.memory_space<vmem_shared>>
      %dma_start3A_610 = arith.constant 0 : i32
      %dma_start3A_611 = tpu.memref_slice %arg11[%add3A_524, %dma_start3A_610] : memref<10240x128xf32, #tpu.memory_space<vmem_shared>> -> memref<16x128xf32, #tpu.memory_space<vmem_shared>>
      tpu.enqueue_dma source(%arg10 : memref<16x128xf32, #tpu.memory_space<vmem>>) target(%dma_start3A_611 : memref<16x128xf32, #tpu.memory_space<vmem_shared>>) target_semaphore(%run_scoped3A : memref<!tpu.dma_semaphore, #tpu.memory_space<semaphore_mem>>)
      %dma_wait3A = arith.constant 0 : i32
      %dma_wait3A_612 = tpu.memref_slice %arg11[%add3A_524, %dma_wait3A] : memref<10240x128xf32, #tpu.memory_space<vmem_shared>> -> memref<16x128xf32, #tpu.memory_space<vmem_shared>>
      %dma_wait3A_613 = arith.constant 0 : i32
      %dma_wait3A_614 = tpu.memref_slice %arg11[%add3A_524, %dma_wait3A_613] : memref<10240x128xf32, #tpu.memory_space<vmem_shared>> -> memref<16x128xf32, #tpu.memory_space<vmem_shared>>
      tpu.wait_dma2 semaphore(%run_scoped3A : memref<!tpu.dma_semaphore, #tpu.memory_space<semaphore_mem>>) src(%arg10 : memref<16x128xf32, #tpu.memory_space<vmem>>) dst(%dma_wait3A_614 : memref<16x128xf32, #tpu.memory_space<vmem_shared>>)
      tpu.yield
    }) : () -> ()
    %add3A_525 = arith.constant 80 : i32
    %add3A_526 = arith.addi %mul3A_514, %add3A_525 : i32
    "tpu.region"() ({
      %run_scoped3A = tpu.sem_alloc : memref<!tpu.dma_semaphore, #tpu.memory_space<semaphore_mem>>
      %dma_start3A = arith.constant 0 : i32
      %dma_start3A_609 = tpu.memref_slice %arg11[%add3A_526, %dma_start3A] : memref<10240x128xf32, #tpu.memory_space<vmem_shared>> -> memref<16x128xf32, #tpu.memory_space<vmem_shared>>
      %dma_start3A_610 = arith.constant 0 : i32
      %dma_start3A_611 = tpu.memref_slice %arg11[%add3A_526, %dma_start3A_610] : memref<10240x128xf32, #tpu.memory_space<vmem_shared>> -> memref<16x128xf32, #tpu.memory_space<vmem_shared>>
      tpu.enqueue_dma source(%arg10 : memref<16x128xf32, #tpu.memory_space<vmem>>) target(%dma_start3A_611 : memref<16x128xf32, #tpu.memory_space<vmem_shared>>) target_semaphore(%run_scoped3A : memref<!tpu.dma_semaphore, #tpu.memory_space<semaphore_mem>>)
      %dma_wait3A = arith.constant 0 : i32
      %dma_wait3A_612 = tpu.memref_slice %arg11[%add3A_526, %dma_wait3A] : memref<10240x128xf32, #tpu.memory_space<vmem_shared>> -> memref<16x128xf32, #tpu.memory_space<vmem_shared>>
      %dma_wait3A_613 = arith.constant 0 : i32
      %dma_wait3A_614 = tpu.memref_slice %arg11[%add3A_526, %dma_wait3A_613] : memref<10240x128xf32, #tpu.memory_space<vmem_shared>> -> memref<16x128xf32, #tpu.memory_space<vmem_shared>>
      tpu.wait_dma2 semaphore(%run_scoped3A : memref<!tpu.dma_semaphore, #tpu.memory_space<semaphore_mem>>) src(%arg10 : memref<16x128xf32, #tpu.memory_space<vmem>>) dst(%dma_wait3A_614 : memref<16x128xf32, #tpu.memory_space<vmem_shared>>)
      tpu.yield
    }) : () -> ()
    %add3A_527 = arith.constant 96 : i32
    %add3A_528 = arith.addi %mul3A_514, %add3A_527 : i32
    "tpu.region"() ({
      %run_scoped3A = tpu.sem_alloc : memref<!tpu.dma_semaphore, #tpu.memory_space<semaphore_mem>>
      %dma_start3A = arith.constant 0 : i32
      %dma_start3A_609 = tpu.memref_slice %arg11[%add3A_528, %dma_start3A] : memref<10240x128xf32, #tpu.memory_space<vmem_shared>> -> memref<16x128xf32, #tpu.memory_space<vmem_shared>>
      %dma_start3A_610 = arith.constant 0 : i32
      %dma_start3A_611 = tpu.memref_slice %arg11[%add3A_528, %dma_start3A_610] : memref<10240x128xf32, #tpu.memory_space<vmem_shared>> -> memref<16x128xf32, #tpu.memory_space<vmem_shared>>
      tpu.enqueue_dma source(%arg10 : memref<16x128xf32, #tpu.memory_space<vmem>>) target(%dma_start3A_611 : memref<16x128xf32, #tpu.memory_space<vmem_shared>>) target_semaphore(%run_scoped3A : memref<!tpu.dma_semaphore, #tpu.memory_space<semaphore_mem>>)
      %dma_wait3A = arith.constant 0 : i32
      %dma_wait3A_612 = tpu.memref_slice %arg11[%add3A_528, %dma_wait3A] : memref<10240x128xf32, #tpu.memory_space<vmem_shared>> -> memref<16x128xf32, #tpu.memory_space<vmem_shared>>
      %dma_wait3A_613 = arith.constant 0 : i32
      %dma_wait3A_614 = tpu.memref_slice %arg11[%add3A_528, %dma_wait3A_613] : memref<10240x128xf32, #tpu.memory_space<vmem_shared>> -> memref<16x128xf32, #tpu.memory_space<vmem_shared>>
      tpu.wait_dma2 semaphore(%run_scoped3A : memref<!tpu.dma_semaphore, #tpu.memory_space<semaphore_mem>>) src(%arg10 : memref<16x128xf32, #tpu.memory_space<vmem>>) dst(%dma_wait3A_614 : memref<16x128xf32, #tpu.memory_space<vmem_shared>>)
      tpu.yield
    }) : () -> ()
    %add3A_529 = arith.constant 112 : i32
    %add3A_530 = arith.addi %mul3A_514, %add3A_529 : i32
    "tpu.region"() ({
      %run_scoped3A = tpu.sem_alloc : memref<!tpu.dma_semaphore, #tpu.memory_space<semaphore_mem>>
      %dma_start3A = arith.constant 0 : i32
      %dma_start3A_609 = tpu.memref_slice %arg11[%add3A_530, %dma_start3A] : memref<10240x128xf32, #tpu.memory_space<vmem_shared>> -> memref<16x128xf32, #tpu.memory_space<vmem_shared>>
      %dma_start3A_610 = arith.constant 0 : i32
      %dma_start3A_611 = tpu.memref_slice %arg11[%add3A_530, %dma_start3A_610] : memref<10240x128xf32, #tpu.memory_space<vmem_shared>> -> memref<16x128xf32, #tpu.memory_space<vmem_shared>>
      tpu.enqueue_dma source(%arg10 : memref<16x128xf32, #tpu.memory_space<vmem>>) target(%dma_start3A_611 : memref<16x128xf32, #tpu.memory_space<vmem_shared>>) target_semaphore(%run_scoped3A : memref<!tpu.dma_semaphore, #tpu.memory_space<semaphore_mem>>)
      %dma_wait3A = arith.constant 0 : i32
      %dma_wait3A_612 = tpu.memref_slice %arg11[%add3A_530, %dma_wait3A] : memref<10240x128xf32, #tpu.memory_space<vmem_shared>> -> memref<16x128xf32, #tpu.memory_space<vmem_shared>>
      %dma_wait3A_613 = arith.constant 0 : i32
      %dma_wait3A_614 = tpu.memref_slice %arg11[%add3A_530, %dma_wait3A_613] : memref<10240x128xf32, #tpu.memory_space<vmem_shared>> -> memref<16x128xf32, #tpu.memory_space<vmem_shared>>
      tpu.wait_dma2 semaphore(%run_scoped3A : memref<!tpu.dma_semaphore, #tpu.memory_space<semaphore_mem>>) src(%arg10 : memref<16x128xf32, #tpu.memory_space<vmem>>) dst(%dma_wait3A_614 : memref<16x128xf32, #tpu.memory_space<vmem_shared>>)
      tpu.yield
    }) : () -> ()
    %add3A_531 = arith.constant 128 : i32
    %add3A_532 = arith.addi %mul3A_514, %add3A_531 : i32
    "tpu.region"() ({
      %run_scoped3A = tpu.sem_alloc : memref<!tpu.dma_semaphore, #tpu.memory_space<semaphore_mem>>
      %dma_start3A = arith.constant 0 : i32
      %dma_start3A_609 = tpu.memref_slice %arg11[%add3A_532, %dma_start3A] : memref<10240x128xf32, #tpu.memory_space<vmem_shared>> -> memref<16x128xf32, #tpu.memory_space<vmem_shared>>
      %dma_start3A_610 = arith.constant 0 : i32
      %dma_start3A_611 = tpu.memref_slice %arg11[%add3A_532, %dma_start3A_610] : memref<10240x128xf32, #tpu.memory_space<vmem_shared>> -> memref<16x128xf32, #tpu.memory_space<vmem_shared>>
      tpu.enqueue_dma source(%arg10 : memref<16x128xf32, #tpu.memory_space<vmem>>) target(%dma_start3A_611 : memref<16x128xf32, #tpu.memory_space<vmem_shared>>) target_semaphore(%run_scoped3A : memref<!tpu.dma_semaphore, #tpu.memory_space<semaphore_mem>>)
      %dma_wait3A = arith.constant 0 : i32
      %dma_wait3A_612 = tpu.memref_slice %arg11[%add3A_532, %dma_wait3A] : memref<10240x128xf32, #tpu.memory_space<vmem_shared>> -> memref<16x128xf32, #tpu.memory_space<vmem_shared>>
      %dma_wait3A_613 = arith.constant 0 : i32
      %dma_wait3A_614 = tpu.memref_slice %arg11[%add3A_532, %dma_wait3A_613] : memref<10240x128xf32, #tpu.memory_space<vmem_shared>> -> memref<16x128xf32, #tpu.memory_space<vmem_shared>>
      tpu.wait_dma2 semaphore(%run_scoped3A : memref<!tpu.dma_semaphore, #tpu.memory_space<semaphore_mem>>) src(%arg10 : memref<16x128xf32, #tpu.memory_space<vmem>>) dst(%dma_wait3A_614 : memref<16x128xf32, #tpu.memory_space<vmem_shared>>)
      tpu.yield
    }) : () -> ()
    %add3A_533 = arith.constant 144 : i32
    %add3A_534 = arith.addi %mul3A_514, %add3A_533 : i32
    "tpu.region"() ({
      %run_scoped3A = tpu.sem_alloc : memref<!tpu.dma_semaphore, #tpu.memory_space<semaphore_mem>>
      %dma_start3A = arith.constant 0 : i32
      %dma_start3A_609 = tpu.memref_slice %arg11[%add3A_534, %dma_start3A] : memref<10240x128xf32, #tpu.memory_space<vmem_shared>> -> memref<16x128xf32, #tpu.memory_space<vmem_shared>>
      %dma_start3A_610 = arith.constant 0 : i32
      %dma_start3A_611 = tpu.memref_slice %arg11[%add3A_534, %dma_start3A_610] : memref<10240x128xf32, #tpu.memory_space<vmem_shared>> -> memref<16x128xf32, #tpu.memory_space<vmem_shared>>
      tpu.enqueue_dma source(%arg10 : memref<16x128xf32, #tpu.memory_space<vmem>>) target(%dma_start3A_611 : memref<16x128xf32, #tpu.memory_space<vmem_shared>>) target_semaphore(%run_scoped3A : memref<!tpu.dma_semaphore, #tpu.memory_space<semaphore_mem>>)
      %dma_wait3A = arith.constant 0 : i32
      %dma_wait3A_612 = tpu.memref_slice %arg11[%add3A_534, %dma_wait3A] : memref<10240x128xf32, #tpu.memory_space<vmem_shared>> -> memref<16x128xf32, #tpu.memory_space<vmem_shared>>
      %dma_wait3A_613 = arith.constant 0 : i32
      %dma_wait3A_614 = tpu.memref_slice %arg11[%add3A_534, %dma_wait3A_613] : memref<10240x128xf32, #tpu.memory_space<vmem_shared>> -> memref<16x128xf32, #tpu.memory_space<vmem_shared>>
      tpu.wait_dma2 semaphore(%run_scoped3A : memref<!tpu.dma_semaphore, #tpu.memory_space<semaphore_mem>>) src(%arg10 : memref<16x128xf32, #tpu.memory_space<vmem>>) dst(%dma_wait3A_614 : memref<16x128xf32, #tpu.memory_space<vmem_shared>>)
      tpu.yield
    }) : () -> ()
    %add3A_535 = arith.constant 160 : i32
    %add3A_536 = arith.addi %mul3A_514, %add3A_535 : i32
    "tpu.region"() ({
      %run_scoped3A = tpu.sem_alloc : memref<!tpu.dma_semaphore, #tpu.memory_space<semaphore_mem>>
      %dma_start3A = arith.constant 0 : i32
      %dma_start3A_609 = tpu.memref_slice %arg11[%add3A_536, %dma_start3A] : memref<10240x128xf32, #tpu.memory_space<vmem_shared>> -> memref<16x128xf32, #tpu.memory_space<vmem_shared>>
      %dma_start3A_610 = arith.constant 0 : i32
      %dma_start3A_611 = tpu.memref_slice %arg11[%add3A_536, %dma_start3A_610] : memref<10240x128xf32, #tpu.memory_space<vmem_shared>> -> memref<16x128xf32, #tpu.memory_space<vmem_shared>>
      tpu.enqueue_dma source(%arg10 : memref<16x128xf32, #tpu.memory_space<vmem>>) target(%dma_start3A_611 : memref<16x128xf32, #tpu.memory_space<vmem_shared>>) target_semaphore(%run_scoped3A : memref<!tpu.dma_semaphore, #tpu.memory_space<semaphore_mem>>)
      %dma_wait3A = arith.constant 0 : i32
      %dma_wait3A_612 = tpu.memref_slice %arg11[%add3A_536, %dma_wait3A] : memref<10240x128xf32, #tpu.memory_space<vmem_shared>> -> memref<16x128xf32, #tpu.memory_space<vmem_shared>>
      %dma_wait3A_613 = arith.constant 0 : i32
      %dma_wait3A_614 = tpu.memref_slice %arg11[%add3A_536, %dma_wait3A_613] : memref<10240x128xf32, #tpu.memory_space<vmem_shared>> -> memref<16x128xf32, #tpu.memory_space<vmem_shared>>
      tpu.wait_dma2 semaphore(%run_scoped3A : memref<!tpu.dma_semaphore, #tpu.memory_space<semaphore_mem>>) src(%arg10 : memref<16x128xf32, #tpu.memory_space<vmem>>) dst(%dma_wait3A_614 : memref<16x128xf32, #tpu.memory_space<vmem_shared>>)
      tpu.yield
    }) : () -> ()
    %add3A_537 = arith.constant 176 : i32
    %add3A_538 = arith.addi %mul3A_514, %add3A_537 : i32
    "tpu.region"() ({
      %run_scoped3A = tpu.sem_alloc : memref<!tpu.dma_semaphore, #tpu.memory_space<semaphore_mem>>
      %dma_start3A = arith.constant 0 : i32
      %dma_start3A_609 = tpu.memref_slice %arg11[%add3A_538, %dma_start3A] : memref<10240x128xf32, #tpu.memory_space<vmem_shared>> -> memref<16x128xf32, #tpu.memory_space<vmem_shared>>
      %dma_start3A_610 = arith.constant 0 : i32
      %dma_start3A_611 = tpu.memref_slice %arg11[%add3A_538, %dma_start3A_610] : memref<10240x128xf32, #tpu.memory_space<vmem_shared>> -> memref<16x128xf32, #tpu.memory_space<vmem_shared>>
      tpu.enqueue_dma source(%arg10 : memref<16x128xf32, #tpu.memory_space<vmem>>) target(%dma_start3A_611 : memref<16x128xf32, #tpu.memory_space<vmem_shared>>) target_semaphore(%run_scoped3A : memref<!tpu.dma_semaphore, #tpu.memory_space<semaphore_mem>>)
      %dma_wait3A = arith.constant 0 : i32
      %dma_wait3A_612 = tpu.memref_slice %arg11[%add3A_538, %dma_wait3A] : memref<10240x128xf32, #tpu.memory_space<vmem_shared>> -> memref<16x128xf32, #tpu.memory_space<vmem_shared>>
      %dma_wait3A_613 = arith.constant 0 : i32
      %dma_wait3A_614 = tpu.memref_slice %arg11[%add3A_538, %dma_wait3A_613] : memref<10240x128xf32, #tpu.memory_space<vmem_shared>> -> memref<16x128xf32, #tpu.memory_space<vmem_shared>>
      tpu.wait_dma2 semaphore(%run_scoped3A : memref<!tpu.dma_semaphore, #tpu.memory_space<semaphore_mem>>) src(%arg10 : memref<16x128xf32, #tpu.memory_space<vmem>>) dst(%dma_wait3A_614 : memref<16x128xf32, #tpu.memory_space<vmem_shared>>)
      tpu.yield
    }) : () -> ()
    %add3A_539 = arith.constant 192 : i32
    %add3A_540 = arith.addi %mul3A_514, %add3A_539 : i32
    "tpu.region"() ({
      %run_scoped3A = tpu.sem_alloc : memref<!tpu.dma_semaphore, #tpu.memory_space<semaphore_mem>>
      %dma_start3A = arith.constant 0 : i32
      %dma_start3A_609 = tpu.memref_slice %arg11[%add3A_540, %dma_start3A] : memref<10240x128xf32, #tpu.memory_space<vmem_shared>> -> memref<16x128xf32, #tpu.memory_space<vmem_shared>>
      %dma_start3A_610 = arith.constant 0 : i32
      %dma_start3A_611 = tpu.memref_slice %arg11[%add3A_540, %dma_start3A_610] : memref<10240x128xf32, #tpu.memory_space<vmem_shared>> -> memref<16x128xf32, #tpu.memory_space<vmem_shared>>
      tpu.enqueue_dma source(%arg10 : memref<16x128xf32, #tpu.memory_space<vmem>>) target(%dma_start3A_611 : memref<16x128xf32, #tpu.memory_space<vmem_shared>>) target_semaphore(%run_scoped3A : memref<!tpu.dma_semaphore, #tpu.memory_space<semaphore_mem>>)
      %dma_wait3A = arith.constant 0 : i32
      %dma_wait3A_612 = tpu.memref_slice %arg11[%add3A_540, %dma_wait3A] : memref<10240x128xf32, #tpu.memory_space<vmem_shared>> -> memref<16x128xf32, #tpu.memory_space<vmem_shared>>
      %dma_wait3A_613 = arith.constant 0 : i32
      %dma_wait3A_614 = tpu.memref_slice %arg11[%add3A_540, %dma_wait3A_613] : memref<10240x128xf32, #tpu.memory_space<vmem_shared>> -> memref<16x128xf32, #tpu.memory_space<vmem_shared>>
      tpu.wait_dma2 semaphore(%run_scoped3A : memref<!tpu.dma_semaphore, #tpu.memory_space<semaphore_mem>>) src(%arg10 : memref<16x128xf32, #tpu.memory_space<vmem>>) dst(%dma_wait3A_614 : memref<16x128xf32, #tpu.memory_space<vmem_shared>>)
      tpu.yield
    }) : () -> ()
    %add3A_541 = arith.constant 208 : i32
    %add3A_542 = arith.addi %mul3A_514, %add3A_541 : i32
    "tpu.region"() ({
      %run_scoped3A = tpu.sem_alloc : memref<!tpu.dma_semaphore, #tpu.memory_space<semaphore_mem>>
      %dma_start3A = arith.constant 0 : i32
      %dma_start3A_609 = tpu.memref_slice %arg11[%add3A_542, %dma_start3A] : memref<10240x128xf32, #tpu.memory_space<vmem_shared>> -> memref<16x128xf32, #tpu.memory_space<vmem_shared>>
      %dma_start3A_610 = arith.constant 0 : i32
      %dma_start3A_611 = tpu.memref_slice %arg11[%add3A_542, %dma_start3A_610] : memref<10240x128xf32, #tpu.memory_space<vmem_shared>> -> memref<16x128xf32, #tpu.memory_space<vmem_shared>>
      tpu.enqueue_dma source(%arg10 : memref<16x128xf32, #tpu.memory_space<vmem>>) target(%dma_start3A_611 : memref<16x128xf32, #tpu.memory_space<vmem_shared>>) target_semaphore(%run_scoped3A : memref<!tpu.dma_semaphore, #tpu.memory_space<semaphore_mem>>)
      %dma_wait3A = arith.constant 0 : i32
      %dma_wait3A_612 = tpu.memref_slice %arg11[%add3A_542, %dma_wait3A] : memref<10240x128xf32, #tpu.memory_space<vmem_shared>> -> memref<16x128xf32, #tpu.memory_space<vmem_shared>>
      %dma_wait3A_613 = arith.constant 0 : i32
      %dma_wait3A_614 = tpu.memref_slice %arg11[%add3A_542, %dma_wait3A_613] : memref<10240x128xf32, #tpu.memory_space<vmem_shared>> -> memref<16x128xf32, #tpu.memory_space<vmem_shared>>
      tpu.wait_dma2 semaphore(%run_scoped3A : memref<!tpu.dma_semaphore, #tpu.memory_space<semaphore_mem>>) src(%arg10 : memref<16x128xf32, #tpu.memory_space<vmem>>) dst(%dma_wait3A_614 : memref<16x128xf32, #tpu.memory_space<vmem_shared>>)
      tpu.yield
    }) : () -> ()
    %add3A_543 = arith.constant 224 : i32
    %add3A_544 = arith.addi %mul3A_514, %add3A_543 : i32
    "tpu.region"() ({
      %run_scoped3A = tpu.sem_alloc : memref<!tpu.dma_semaphore, #tpu.memory_space<semaphore_mem>>
      %dma_start3A = arith.constant 0 : i32
      %dma_start3A_609 = tpu.memref_slice %arg11[%add3A_544, %dma_start3A] : memref<10240x128xf32, #tpu.memory_space<vmem_shared>> -> memref<16x128xf32, #tpu.memory_space<vmem_shared>>
      %dma_start3A_610 = arith.constant 0 : i32
      %dma_start3A_611 = tpu.memref_slice %arg11[%add3A_544, %dma_start3A_610] : memref<10240x128xf32, #tpu.memory_space<vmem_shared>> -> memref<16x128xf32, #tpu.memory_space<vmem_shared>>
      tpu.enqueue_dma source(%arg10 : memref<16x128xf32, #tpu.memory_space<vmem>>) target(%dma_start3A_611 : memref<16x128xf32, #tpu.memory_space<vmem_shared>>) target_semaphore(%run_scoped3A : memref<!tpu.dma_semaphore, #tpu.memory_space<semaphore_mem>>)
      %dma_wait3A = arith.constant 0 : i32
      %dma_wait3A_612 = tpu.memref_slice %arg11[%add3A_544, %dma_wait3A] : memref<10240x128xf32, #tpu.memory_space<vmem_shared>> -> memref<16x128xf32, #tpu.memory_space<vmem_shared>>
      %dma_wait3A_613 = arith.constant 0 : i32
      %dma_wait3A_614 = tpu.memref_slice %arg11[%add3A_544, %dma_wait3A_613] : memref<10240x128xf32, #tpu.memory_space<vmem_shared>> -> memref<16x128xf32, #tpu.memory_space<vmem_shared>>
      tpu.wait_dma2 semaphore(%run_scoped3A : memref<!tpu.dma_semaphore, #tpu.memory_space<semaphore_mem>>) src(%arg10 : memref<16x128xf32, #tpu.memory_space<vmem>>) dst(%dma_wait3A_614 : memref<16x128xf32, #tpu.memory_space<vmem_shared>>)
      tpu.yield
    }) : () -> ()
    %add3A_545 = arith.constant 240 : i32
    %add3A_546 = arith.addi %mul3A_514, %add3A_545 : i32
    "tpu.region"() ({
      %run_scoped3A = tpu.sem_alloc : memref<!tpu.dma_semaphore, #tpu.memory_space<semaphore_mem>>
      %dma_start3A = arith.constant 0 : i32
      %dma_start3A_609 = tpu.memref_slice %arg11[%add3A_546, %dma_start3A] : memref<10240x128xf32, #tpu.memory_space<vmem_shared>> -> memref<16x128xf32, #tpu.memory_space<vmem_shared>>
      %dma_start3A_610 = arith.constant 0 : i32
      %dma_start3A_611 = tpu.memref_slice %arg11[%add3A_546, %dma_start3A_610] : memref<10240x128xf32, #tpu.memory_space<vmem_shared>> -> memref<16x128xf32, #tpu.memory_space<vmem_shared>>
      tpu.enqueue_dma source(%arg10 : memref<16x128xf32, #tpu.memory_space<vmem>>) target(%dma_start3A_611 : memref<16x128xf32, #tpu.memory_space<vmem_shared>>) target_semaphore(%run_scoped3A : memref<!tpu.dma_semaphore, #tpu.memory_space<semaphore_mem>>)
      %dma_wait3A = arith.constant 0 : i32
      %dma_wait3A_612 = tpu.memref_slice %arg11[%add3A_546, %dma_wait3A] : memref<10240x128xf32, #tpu.memory_space<vmem_shared>> -> memref<16x128xf32, #tpu.memory_space<vmem_shared>>
      %dma_wait3A_613 = arith.constant 0 : i32
      %dma_wait3A_614 = tpu.memref_slice %arg11[%add3A_546, %dma_wait3A_613] : memref<10240x128xf32, #tpu.memory_space<vmem_shared>> -> memref<16x128xf32, #tpu.memory_space<vmem_shared>>
      tpu.wait_dma2 semaphore(%run_scoped3A : memref<!tpu.dma_semaphore, #tpu.memory_space<semaphore_mem>>) src(%arg10 : memref<16x128xf32, #tpu.memory_space<vmem>>) dst(%dma_wait3A_614 : memref<16x128xf32, #tpu.memory_space<vmem_shared>>)
      tpu.yield
    }) : () -> ()
    %add3A_547 = arith.constant 256 : i32
    %add3A_548 = arith.addi %mul3A_514, %add3A_547 : i32
    "tpu.region"() ({
      %run_scoped3A = tpu.sem_alloc : memref<!tpu.dma_semaphore, #tpu.memory_space<semaphore_mem>>
      %dma_start3A = arith.constant 0 : i32
      %dma_start3A_609 = tpu.memref_slice %arg11[%add3A_548, %dma_start3A] : memref<10240x128xf32, #tpu.memory_space<vmem_shared>> -> memref<16x128xf32, #tpu.memory_space<vmem_shared>>
      %dma_start3A_610 = arith.constant 0 : i32
      %dma_start3A_611 = tpu.memref_slice %arg11[%add3A_548, %dma_start3A_610] : memref<10240x128xf32, #tpu.memory_space<vmem_shared>> -> memref<16x128xf32, #tpu.memory_space<vmem_shared>>
      tpu.enqueue_dma source(%arg10 : memref<16x128xf32, #tpu.memory_space<vmem>>) target(%dma_start3A_611 : memref<16x128xf32, #tpu.memory_space<vmem_shared>>) target_semaphore(%run_scoped3A : memref<!tpu.dma_semaphore, #tpu.memory_space<semaphore_mem>>)
      %dma_wait3A = arith.constant 0 : i32
      %dma_wait3A_612 = tpu.memref_slice %arg11[%add3A_548, %dma_wait3A] : memref<10240x128xf32, #tpu.memory_space<vmem_shared>> -> memref<16x128xf32, #tpu.memory_space<vmem_shared>>
      %dma_wait3A_613 = arith.constant 0 : i32
      %dma_wait3A_614 = tpu.memref_slice %arg11[%add3A_548, %dma_wait3A_613] : memref<10240x128xf32, #tpu.memory_space<vmem_shared>> -> memref<16x128xf32, #tpu.memory_space<vmem_shared>>
      tpu.wait_dma2 semaphore(%run_scoped3A : memref<!tpu.dma_semaphore, #tpu.memory_space<semaphore_mem>>) src(%arg10 : memref<16x128xf32, #tpu.memory_space<vmem>>) dst(%dma_wait3A_614 : memref<16x128xf32, #tpu.memory_space<vmem_shared>>)
      tpu.yield
    }) : () -> ()
    %add3A_549 = arith.constant 272 : i32
    %add3A_550 = arith.addi %mul3A_514, %add3A_549 : i32
    "tpu.region"() ({
      %run_scoped3A = tpu.sem_alloc : memref<!tpu.dma_semaphore, #tpu.memory_space<semaphore_mem>>
      %dma_start3A = arith.constant 0 : i32
      %dma_start3A_609 = tpu.memref_slice %arg11[%add3A_550, %dma_start3A] : memref<10240x128xf32, #tpu.memory_space<vmem_shared>> -> memref<16x128xf32, #tpu.memory_space<vmem_shared>>
      %dma_start3A_610 = arith.constant 0 : i32
      %dma_start3A_611 = tpu.memref_slice %arg11[%add3A_550, %dma_start3A_610] : memref<10240x128xf32, #tpu.memory_space<vmem_shared>> -> memref<16x128xf32, #tpu.memory_space<vmem_shared>>
      tpu.enqueue_dma source(%arg10 : memref<16x128xf32, #tpu.memory_space<vmem>>) target(%dma_start3A_611 : memref<16x128xf32, #tpu.memory_space<vmem_shared>>) target_semaphore(%run_scoped3A : memref<!tpu.dma_semaphore, #tpu.memory_space<semaphore_mem>>)
      %dma_wait3A = arith.constant 0 : i32
      %dma_wait3A_612 = tpu.memref_slice %arg11[%add3A_550, %dma_wait3A] : memref<10240x128xf32, #tpu.memory_space<vmem_shared>> -> memref<16x128xf32, #tpu.memory_space<vmem_shared>>
      %dma_wait3A_613 = arith.constant 0 : i32
      %dma_wait3A_614 = tpu.memref_slice %arg11[%add3A_550, %dma_wait3A_613] : memref<10240x128xf32, #tpu.memory_space<vmem_shared>> -> memref<16x128xf32, #tpu.memory_space<vmem_shared>>
      tpu.wait_dma2 semaphore(%run_scoped3A : memref<!tpu.dma_semaphore, #tpu.memory_space<semaphore_mem>>) src(%arg10 : memref<16x128xf32, #tpu.memory_space<vmem>>) dst(%dma_wait3A_614 : memref<16x128xf32, #tpu.memory_space<vmem_shared>>)
      tpu.yield
    }) : () -> ()
    %add3A_551 = arith.constant 288 : i32
    %add3A_552 = arith.addi %mul3A_514, %add3A_551 : i32
    "tpu.region"() ({
      %run_scoped3A = tpu.sem_alloc : memref<!tpu.dma_semaphore, #tpu.memory_space<semaphore_mem>>
      %dma_start3A = arith.constant 0 : i32
      %dma_start3A_609 = tpu.memref_slice %arg11[%add3A_552, %dma_start3A] : memref<10240x128xf32, #tpu.memory_space<vmem_shared>> -> memref<16x128xf32, #tpu.memory_space<vmem_shared>>
      %dma_start3A_610 = arith.constant 0 : i32
      %dma_start3A_611 = tpu.memref_slice %arg11[%add3A_552, %dma_start3A_610] : memref<10240x128xf32, #tpu.memory_space<vmem_shared>> -> memref<16x128xf32, #tpu.memory_space<vmem_shared>>
      tpu.enqueue_dma source(%arg10 : memref<16x128xf32, #tpu.memory_space<vmem>>) target(%dma_start3A_611 : memref<16x128xf32, #tpu.memory_space<vmem_shared>>) target_semaphore(%run_scoped3A : memref<!tpu.dma_semaphore, #tpu.memory_space<semaphore_mem>>)
      %dma_wait3A = arith.constant 0 : i32
      %dma_wait3A_612 = tpu.memref_slice %arg11[%add3A_552, %dma_wait3A] : memref<10240x128xf32, #tpu.memory_space<vmem_shared>> -> memref<16x128xf32, #tpu.memory_space<vmem_shared>>
      %dma_wait3A_613 = arith.constant 0 : i32
      %dma_wait3A_614 = tpu.memref_slice %arg11[%add3A_552, %dma_wait3A_613] : memref<10240x128xf32, #tpu.memory_space<vmem_shared>> -> memref<16x128xf32, #tpu.memory_space<vmem_shared>>
      tpu.wait_dma2 semaphore(%run_scoped3A : memref<!tpu.dma_semaphore, #tpu.memory_space<semaphore_mem>>) src(%arg10 : memref<16x128xf32, #tpu.memory_space<vmem>>) dst(%dma_wait3A_614 : memref<16x128xf32, #tpu.memory_space<vmem_shared>>)
      tpu.yield
    }) : () -> ()
    %add3A_553 = arith.constant 304 : i32
    %add3A_554 = arith.addi %mul3A_514, %add3A_553 : i32
    "tpu.region"() ({
      %run_scoped3A = tpu.sem_alloc : memref<!tpu.dma_semaphore, #tpu.memory_space<semaphore_mem>>
      %dma_start3A = arith.constant 0 : i32
      %dma_start3A_609 = tpu.memref_slice %arg11[%add3A_554, %dma_start3A] : memref<10240x128xf32, #tpu.memory_space<vmem_shared>> -> memref<16x128xf32, #tpu.memory_space<vmem_shared>>
      %dma_start3A_610 = arith.constant 0 : i32
      %dma_start3A_611 = tpu.memref_slice %arg11[%add3A_554, %dma_start3A_610] : memref<10240x128xf32, #tpu.memory_space<vmem_shared>> -> memref<16x128xf32, #tpu.memory_space<vmem_shared>>
      tpu.enqueue_dma source(%arg10 : memref<16x128xf32, #tpu.memory_space<vmem>>) target(%dma_start3A_611 : memref<16x128xf32, #tpu.memory_space<vmem_shared>>) target_semaphore(%run_scoped3A : memref<!tpu.dma_semaphore, #tpu.memory_space<semaphore_mem>>)
      %dma_wait3A = arith.constant 0 : i32
      %dma_wait3A_612 = tpu.memref_slice %arg11[%add3A_554, %dma_wait3A] : memref<10240x128xf32, #tpu.memory_space<vmem_shared>> -> memref<16x128xf32, #tpu.memory_space<vmem_shared>>
      %dma_wait3A_613 = arith.constant 0 : i32
      %dma_wait3A_614 = tpu.memref_slice %arg11[%add3A_554, %dma_wait3A_613] : memref<10240x128xf32, #tpu.memory_space<vmem_shared>> -> memref<16x128xf32, #tpu.memory_space<vmem_shared>>
      tpu.wait_dma2 semaphore(%run_scoped3A : memref<!tpu.dma_semaphore, #tpu.memory_space<semaphore_mem>>) src(%arg10 : memref<16x128xf32, #tpu.memory_space<vmem>>) dst(%dma_wait3A_614 : memref<16x128xf32, #tpu.memory_space<vmem_shared>>)
      tpu.yield
    }) : () -> ()
    %add3A_555 = arith.constant 320 : i32
    %add3A_556 = arith.addi %mul3A_514, %add3A_555 : i32
    "tpu.region"() ({
      %run_scoped3A = tpu.sem_alloc : memref<!tpu.dma_semaphore, #tpu.memory_space<semaphore_mem>>
      %dma_start3A = arith.constant 0 : i32
      %dma_start3A_609 = tpu.memref_slice %arg11[%add3A_556, %dma_start3A] : memref<10240x128xf32, #tpu.memory_space<vmem_shared>> -> memref<16x128xf32, #tpu.memory_space<vmem_shared>>
      %dma_start3A_610 = arith.constant 0 : i32
      %dma_start3A_611 = tpu.memref_slice %arg11[%add3A_556, %dma_start3A_610] : memref<10240x128xf32, #tpu.memory_space<vmem_shared>> -> memref<16x128xf32, #tpu.memory_space<vmem_shared>>
      tpu.enqueue_dma source(%arg10 : memref<16x128xf32, #tpu.memory_space<vmem>>) target(%dma_start3A_611 : memref<16x128xf32, #tpu.memory_space<vmem_shared>>) target_semaphore(%run_scoped3A : memref<!tpu.dma_semaphore, #tpu.memory_space<semaphore_mem>>)
      %dma_wait3A = arith.constant 0 : i32
      %dma_wait3A_612 = tpu.memref_slice %arg11[%add3A_556, %dma_wait3A] : memref<10240x128xf32, #tpu.memory_space<vmem_shared>> -> memref<16x128xf32, #tpu.memory_space<vmem_shared>>
      %dma_wait3A_613 = arith.constant 0 : i32
      %dma_wait3A_614 = tpu.memref_slice %arg11[%add3A_556, %dma_wait3A_613] : memref<10240x128xf32, #tpu.memory_space<vmem_shared>> -> memref<16x128xf32, #tpu.memory_space<vmem_shared>>
      tpu.wait_dma2 semaphore(%run_scoped3A : memref<!tpu.dma_semaphore, #tpu.memory_space<semaphore_mem>>) src(%arg10 : memref<16x128xf32, #tpu.memory_space<vmem>>) dst(%dma_wait3A_614 : memref<16x128xf32, #tpu.memory_space<vmem_shared>>)
      tpu.yield
    }) : () -> ()
    %add3A_557 = arith.constant 336 : i32
    %add3A_558 = arith.addi %mul3A_514, %add3A_557 : i32
    "tpu.region"() ({
      %run_scoped3A = tpu.sem_alloc : memref<!tpu.dma_semaphore, #tpu.memory_space<semaphore_mem>>
      %dma_start3A = arith.constant 0 : i32
      %dma_start3A_609 = tpu.memref_slice %arg11[%add3A_558, %dma_start3A] : memref<10240x128xf32, #tpu.memory_space<vmem_shared>> -> memref<16x128xf32, #tpu.memory_space<vmem_shared>>
      %dma_start3A_610 = arith.constant 0 : i32
      %dma_start3A_611 = tpu.memref_slice %arg11[%add3A_558, %dma_start3A_610] : memref<10240x128xf32, #tpu.memory_space<vmem_shared>> -> memref<16x128xf32, #tpu.memory_space<vmem_shared>>
      tpu.enqueue_dma source(%arg10 : memref<16x128xf32, #tpu.memory_space<vmem>>) target(%dma_start3A_611 : memref<16x128xf32, #tpu.memory_space<vmem_shared>>) target_semaphore(%run_scoped3A : memref<!tpu.dma_semaphore, #tpu.memory_space<semaphore_mem>>)
      %dma_wait3A = arith.constant 0 : i32
      %dma_wait3A_612 = tpu.memref_slice %arg11[%add3A_558, %dma_wait3A] : memref<10240x128xf32, #tpu.memory_space<vmem_shared>> -> memref<16x128xf32, #tpu.memory_space<vmem_shared>>
      %dma_wait3A_613 = arith.constant 0 : i32
      %dma_wait3A_614 = tpu.memref_slice %arg11[%add3A_558, %dma_wait3A_613] : memref<10240x128xf32, #tpu.memory_space<vmem_shared>> -> memref<16x128xf32, #tpu.memory_space<vmem_shared>>
      tpu.wait_dma2 semaphore(%run_scoped3A : memref<!tpu.dma_semaphore, #tpu.memory_space<semaphore_mem>>) src(%arg10 : memref<16x128xf32, #tpu.memory_space<vmem>>) dst(%dma_wait3A_614 : memref<16x128xf32, #tpu.memory_space<vmem_shared>>)
      tpu.yield
    }) : () -> ()
    %add3A_559 = arith.constant 352 : i32
    %add3A_560 = arith.addi %mul3A_514, %add3A_559 : i32
    "tpu.region"() ({
      %run_scoped3A = tpu.sem_alloc : memref<!tpu.dma_semaphore, #tpu.memory_space<semaphore_mem>>
      %dma_start3A = arith.constant 0 : i32
      %dma_start3A_609 = tpu.memref_slice %arg11[%add3A_560, %dma_start3A] : memref<10240x128xf32, #tpu.memory_space<vmem_shared>> -> memref<16x128xf32, #tpu.memory_space<vmem_shared>>
      %dma_start3A_610 = arith.constant 0 : i32
      %dma_start3A_611 = tpu.memref_slice %arg11[%add3A_560, %dma_start3A_610] : memref<10240x128xf32, #tpu.memory_space<vmem_shared>> -> memref<16x128xf32, #tpu.memory_space<vmem_shared>>
      tpu.enqueue_dma source(%arg10 : memref<16x128xf32, #tpu.memory_space<vmem>>) target(%dma_start3A_611 : memref<16x128xf32, #tpu.memory_space<vmem_shared>>) target_semaphore(%run_scoped3A : memref<!tpu.dma_semaphore, #tpu.memory_space<semaphore_mem>>)
      %dma_wait3A = arith.constant 0 : i32
      %dma_wait3A_612 = tpu.memref_slice %arg11[%add3A_560, %dma_wait3A] : memref<10240x128xf32, #tpu.memory_space<vmem_shared>> -> memref<16x128xf32, #tpu.memory_space<vmem_shared>>
      %dma_wait3A_613 = arith.constant 0 : i32
      %dma_wait3A_614 = tpu.memref_slice %arg11[%add3A_560, %dma_wait3A_613] : memref<10240x128xf32, #tpu.memory_space<vmem_shared>> -> memref<16x128xf32, #tpu.memory_space<vmem_shared>>
      tpu.wait_dma2 semaphore(%run_scoped3A : memref<!tpu.dma_semaphore, #tpu.memory_space<semaphore_mem>>) src(%arg10 : memref<16x128xf32, #tpu.memory_space<vmem>>) dst(%dma_wait3A_614 : memref<16x128xf32, #tpu.memory_space<vmem_shared>>)
      tpu.yield
    }) : () -> ()
    %add3A_561 = arith.constant 368 : i32
    %add3A_562 = arith.addi %mul3A_514, %add3A_561 : i32
    "tpu.region"() ({
      %run_scoped3A = tpu.sem_alloc : memref<!tpu.dma_semaphore, #tpu.memory_space<semaphore_mem>>
      %dma_start3A = arith.constant 0 : i32
      %dma_start3A_609 = tpu.memref_slice %arg11[%add3A_562, %dma_start3A] : memref<10240x128xf32, #tpu.memory_space<vmem_shared>> -> memref<16x128xf32, #tpu.memory_space<vmem_shared>>
      %dma_start3A_610 = arith.constant 0 : i32
      %dma_start3A_611 = tpu.memref_slice %arg11[%add3A_562, %dma_start3A_610] : memref<10240x128xf32, #tpu.memory_space<vmem_shared>> -> memref<16x128xf32, #tpu.memory_space<vmem_shared>>
      tpu.enqueue_dma source(%arg10 : memref<16x128xf32, #tpu.memory_space<vmem>>) target(%dma_start3A_611 : memref<16x128xf32, #tpu.memory_space<vmem_shared>>) target_semaphore(%run_scoped3A : memref<!tpu.dma_semaphore, #tpu.memory_space<semaphore_mem>>)
      %dma_wait3A = arith.constant 0 : i32
      %dma_wait3A_612 = tpu.memref_slice %arg11[%add3A_562, %dma_wait3A] : memref<10240x128xf32, #tpu.memory_space<vmem_shared>> -> memref<16x128xf32, #tpu.memory_space<vmem_shared>>
      %dma_wait3A_613 = arith.constant 0 : i32
      %dma_wait3A_614 = tpu.memref_slice %arg11[%add3A_562, %dma_wait3A_613] : memref<10240x128xf32, #tpu.memory_space<vmem_shared>> -> memref<16x128xf32, #tpu.memory_space<vmem_shared>>
      tpu.wait_dma2 semaphore(%run_scoped3A : memref<!tpu.dma_semaphore, #tpu.memory_space<semaphore_mem>>) src(%arg10 : memref<16x128xf32, #tpu.memory_space<vmem>>) dst(%dma_wait3A_614 : memref<16x128xf32, #tpu.memory_space<vmem_shared>>)
      tpu.yield
    }) : () -> ()
    %add3A_563 = arith.constant 384 : i32
    %add3A_564 = arith.addi %mul3A_514, %add3A_563 : i32
    "tpu.region"() ({
      %run_scoped3A = tpu.sem_alloc : memref<!tpu.dma_semaphore, #tpu.memory_space<semaphore_mem>>
      %dma_start3A = arith.constant 0 : i32
      %dma_start3A_609 = tpu.memref_slice %arg11[%add3A_564, %dma_start3A] : memref<10240x128xf32, #tpu.memory_space<vmem_shared>> -> memref<16x128xf32, #tpu.memory_space<vmem_shared>>
      %dma_start3A_610 = arith.constant 0 : i32
      %dma_start3A_611 = tpu.memref_slice %arg11[%add3A_564, %dma_start3A_610] : memref<10240x128xf32, #tpu.memory_space<vmem_shared>> -> memref<16x128xf32, #tpu.memory_space<vmem_shared>>
      tpu.enqueue_dma source(%arg10 : memref<16x128xf32, #tpu.memory_space<vmem>>) target(%dma_start3A_611 : memref<16x128xf32, #tpu.memory_space<vmem_shared>>) target_semaphore(%run_scoped3A : memref<!tpu.dma_semaphore, #tpu.memory_space<semaphore_mem>>)
      %dma_wait3A = arith.constant 0 : i32
      %dma_wait3A_612 = tpu.memref_slice %arg11[%add3A_564, %dma_wait3A] : memref<10240x128xf32, #tpu.memory_space<vmem_shared>> -> memref<16x128xf32, #tpu.memory_space<vmem_shared>>
      %dma_wait3A_613 = arith.constant 0 : i32
      %dma_wait3A_614 = tpu.memref_slice %arg11[%add3A_564, %dma_wait3A_613] : memref<10240x128xf32, #tpu.memory_space<vmem_shared>> -> memref<16x128xf32, #tpu.memory_space<vmem_shared>>
      tpu.wait_dma2 semaphore(%run_scoped3A : memref<!tpu.dma_semaphore, #tpu.memory_space<semaphore_mem>>) src(%arg10 : memref<16x128xf32, #tpu.memory_space<vmem>>) dst(%dma_wait3A_614 : memref<16x128xf32, #tpu.memory_space<vmem_shared>>)
      tpu.yield
    }) : () -> ()
    %add3A_565 = arith.constant 400 : i32
    %add3A_566 = arith.addi %mul3A_514, %add3A_565 : i32
    "tpu.region"() ({
      %run_scoped3A = tpu.sem_alloc : memref<!tpu.dma_semaphore, #tpu.memory_space<semaphore_mem>>
      %dma_start3A = arith.constant 0 : i32
      %dma_start3A_609 = tpu.memref_slice %arg11[%add3A_566, %dma_start3A] : memref<10240x128xf32, #tpu.memory_space<vmem_shared>> -> memref<16x128xf32, #tpu.memory_space<vmem_shared>>
      %dma_start3A_610 = arith.constant 0 : i32
      %dma_start3A_611 = tpu.memref_slice %arg11[%add3A_566, %dma_start3A_610] : memref<10240x128xf32, #tpu.memory_space<vmem_shared>> -> memref<16x128xf32, #tpu.memory_space<vmem_shared>>
      tpu.enqueue_dma source(%arg10 : memref<16x128xf32, #tpu.memory_space<vmem>>) target(%dma_start3A_611 : memref<16x128xf32, #tpu.memory_space<vmem_shared>>) target_semaphore(%run_scoped3A : memref<!tpu.dma_semaphore, #tpu.memory_space<semaphore_mem>>)
      %dma_wait3A = arith.constant 0 : i32
      %dma_wait3A_612 = tpu.memref_slice %arg11[%add3A_566, %dma_wait3A] : memref<10240x128xf32, #tpu.memory_space<vmem_shared>> -> memref<16x128xf32, #tpu.memory_space<vmem_shared>>
      %dma_wait3A_613 = arith.constant 0 : i32
      %dma_wait3A_614 = tpu.memref_slice %arg11[%add3A_566, %dma_wait3A_613] : memref<10240x128xf32, #tpu.memory_space<vmem_shared>> -> memref<16x128xf32, #tpu.memory_space<vmem_shared>>
      tpu.wait_dma2 semaphore(%run_scoped3A : memref<!tpu.dma_semaphore, #tpu.memory_space<semaphore_mem>>) src(%arg10 : memref<16x128xf32, #tpu.memory_space<vmem>>) dst(%dma_wait3A_614 : memref<16x128xf32, #tpu.memory_space<vmem_shared>>)
      tpu.yield
    }) : () -> ()
    %add3A_567 = arith.constant 416 : i32
    %add3A_568 = arith.addi %mul3A_514, %add3A_567 : i32
    "tpu.region"() ({
      %run_scoped3A = tpu.sem_alloc : memref<!tpu.dma_semaphore, #tpu.memory_space<semaphore_mem>>
      %dma_start3A = arith.constant 0 : i32
      %dma_start3A_609 = tpu.memref_slice %arg11[%add3A_568, %dma_start3A] : memref<10240x128xf32, #tpu.memory_space<vmem_shared>> -> memref<16x128xf32, #tpu.memory_space<vmem_shared>>
      %dma_start3A_610 = arith.constant 0 : i32
      %dma_start3A_611 = tpu.memref_slice %arg11[%add3A_568, %dma_start3A_610] : memref<10240x128xf32, #tpu.memory_space<vmem_shared>> -> memref<16x128xf32, #tpu.memory_space<vmem_shared>>
      tpu.enqueue_dma source(%arg10 : memref<16x128xf32, #tpu.memory_space<vmem>>) target(%dma_start3A_611 : memref<16x128xf32, #tpu.memory_space<vmem_shared>>) target_semaphore(%run_scoped3A : memref<!tpu.dma_semaphore, #tpu.memory_space<semaphore_mem>>)
      %dma_wait3A = arith.constant 0 : i32
      %dma_wait3A_612 = tpu.memref_slice %arg11[%add3A_568, %dma_wait3A] : memref<10240x128xf32, #tpu.memory_space<vmem_shared>> -> memref<16x128xf32, #tpu.memory_space<vmem_shared>>
      %dma_wait3A_613 = arith.constant 0 : i32
      %dma_wait3A_614 = tpu.memref_slice %arg11[%add3A_568, %dma_wait3A_613] : memref<10240x128xf32, #tpu.memory_space<vmem_shared>> -> memref<16x128xf32, #tpu.memory_space<vmem_shared>>
      tpu.wait_dma2 semaphore(%run_scoped3A : memref<!tpu.dma_semaphore, #tpu.memory_space<semaphore_mem>>) src(%arg10 : memref<16x128xf32, #tpu.memory_space<vmem>>) dst(%dma_wait3A_614 : memref<16x128xf32, #tpu.memory_space<vmem_shared>>)
      tpu.yield
    }) : () -> ()
    %add3A_569 = arith.constant 432 : i32
    %add3A_570 = arith.addi %mul3A_514, %add3A_569 : i32
    "tpu.region"() ({
      %run_scoped3A = tpu.sem_alloc : memref<!tpu.dma_semaphore, #tpu.memory_space<semaphore_mem>>
      %dma_start3A = arith.constant 0 : i32
      %dma_start3A_609 = tpu.memref_slice %arg11[%add3A_570, %dma_start3A] : memref<10240x128xf32, #tpu.memory_space<vmem_shared>> -> memref<16x128xf32, #tpu.memory_space<vmem_shared>>
      %dma_start3A_610 = arith.constant 0 : i32
      %dma_start3A_611 = tpu.memref_slice %arg11[%add3A_570, %dma_start3A_610] : memref<10240x128xf32, #tpu.memory_space<vmem_shared>> -> memref<16x128xf32, #tpu.memory_space<vmem_shared>>
      tpu.enqueue_dma source(%arg10 : memref<16x128xf32, #tpu.memory_space<vmem>>) target(%dma_start3A_611 : memref<16x128xf32, #tpu.memory_space<vmem_shared>>) target_semaphore(%run_scoped3A : memref<!tpu.dma_semaphore, #tpu.memory_space<semaphore_mem>>)
      %dma_wait3A = arith.constant 0 : i32
      %dma_wait3A_612 = tpu.memref_slice %arg11[%add3A_570, %dma_wait3A] : memref<10240x128xf32, #tpu.memory_space<vmem_shared>> -> memref<16x128xf32, #tpu.memory_space<vmem_shared>>
      %dma_wait3A_613 = arith.constant 0 : i32
      %dma_wait3A_614 = tpu.memref_slice %arg11[%add3A_570, %dma_wait3A_613] : memref<10240x128xf32, #tpu.memory_space<vmem_shared>> -> memref<16x128xf32, #tpu.memory_space<vmem_shared>>
      tpu.wait_dma2 semaphore(%run_scoped3A : memref<!tpu.dma_semaphore, #tpu.memory_space<semaphore_mem>>) src(%arg10 : memref<16x128xf32, #tpu.memory_space<vmem>>) dst(%dma_wait3A_614 : memref<16x128xf32, #tpu.memory_space<vmem_shared>>)
      tpu.yield
    }) : () -> ()
    %add3A_571 = arith.constant 448 : i32
    %add3A_572 = arith.addi %mul3A_514, %add3A_571 : i32
    "tpu.region"() ({
      %run_scoped3A = tpu.sem_alloc : memref<!tpu.dma_semaphore, #tpu.memory_space<semaphore_mem>>
      %dma_start3A = arith.constant 0 : i32
      %dma_start3A_609 = tpu.memref_slice %arg11[%add3A_572, %dma_start3A] : memref<10240x128xf32, #tpu.memory_space<vmem_shared>> -> memref<16x128xf32, #tpu.memory_space<vmem_shared>>
      %dma_start3A_610 = arith.constant 0 : i32
      %dma_start3A_611 = tpu.memref_slice %arg11[%add3A_572, %dma_start3A_610] : memref<10240x128xf32, #tpu.memory_space<vmem_shared>> -> memref<16x128xf32, #tpu.memory_space<vmem_shared>>
      tpu.enqueue_dma source(%arg10 : memref<16x128xf32, #tpu.memory_space<vmem>>) target(%dma_start3A_611 : memref<16x128xf32, #tpu.memory_space<vmem_shared>>) target_semaphore(%run_scoped3A : memref<!tpu.dma_semaphore, #tpu.memory_space<semaphore_mem>>)
      %dma_wait3A = arith.constant 0 : i32
      %dma_wait3A_612 = tpu.memref_slice %arg11[%add3A_572, %dma_wait3A] : memref<10240x128xf32, #tpu.memory_space<vmem_shared>> -> memref<16x128xf32, #tpu.memory_space<vmem_shared>>
      %dma_wait3A_613 = arith.constant 0 : i32
      %dma_wait3A_614 = tpu.memref_slice %arg11[%add3A_572, %dma_wait3A_613] : memref<10240x128xf32, #tpu.memory_space<vmem_shared>> -> memref<16x128xf32, #tpu.memory_space<vmem_shared>>
      tpu.wait_dma2 semaphore(%run_scoped3A : memref<!tpu.dma_semaphore, #tpu.memory_space<semaphore_mem>>) src(%arg10 : memref<16x128xf32, #tpu.memory_space<vmem>>) dst(%dma_wait3A_614 : memref<16x128xf32, #tpu.memory_space<vmem_shared>>)
      tpu.yield
    }) : () -> ()
    %add3A_573 = arith.constant 464 : i32
    %add3A_574 = arith.addi %mul3A_514, %add3A_573 : i32
    "tpu.region"() ({
      %run_scoped3A = tpu.sem_alloc : memref<!tpu.dma_semaphore, #tpu.memory_space<semaphore_mem>>
      %dma_start3A = arith.constant 0 : i32
      %dma_start3A_609 = tpu.memref_slice %arg11[%add3A_574, %dma_start3A] : memref<10240x128xf32, #tpu.memory_space<vmem_shared>> -> memref<16x128xf32, #tpu.memory_space<vmem_shared>>
      %dma_start3A_610 = arith.constant 0 : i32
      %dma_start3A_611 = tpu.memref_slice %arg11[%add3A_574, %dma_start3A_610] : memref<10240x128xf32, #tpu.memory_space<vmem_shared>> -> memref<16x128xf32, #tpu.memory_space<vmem_shared>>
      tpu.enqueue_dma source(%arg10 : memref<16x128xf32, #tpu.memory_space<vmem>>) target(%dma_start3A_611 : memref<16x128xf32, #tpu.memory_space<vmem_shared>>) target_semaphore(%run_scoped3A : memref<!tpu.dma_semaphore, #tpu.memory_space<semaphore_mem>>)
      %dma_wait3A = arith.constant 0 : i32
      %dma_wait3A_612 = tpu.memref_slice %arg11[%add3A_574, %dma_wait3A] : memref<10240x128xf32, #tpu.memory_space<vmem_shared>> -> memref<16x128xf32, #tpu.memory_space<vmem_shared>>
      %dma_wait3A_613 = arith.constant 0 : i32
      %dma_wait3A_614 = tpu.memref_slice %arg11[%add3A_574, %dma_wait3A_613] : memref<10240x128xf32, #tpu.memory_space<vmem_shared>> -> memref<16x128xf32, #tpu.memory_space<vmem_shared>>
      tpu.wait_dma2 semaphore(%run_scoped3A : memref<!tpu.dma_semaphore, #tpu.memory_space<semaphore_mem>>) src(%arg10 : memref<16x128xf32, #tpu.memory_space<vmem>>) dst(%dma_wait3A_614 : memref<16x128xf32, #tpu.memory_space<vmem_shared>>)
      tpu.yield
    }) : () -> ()
    %add3A_575 = arith.constant 480 : i32
    %add3A_576 = arith.addi %mul3A_514, %add3A_575 : i32
    "tpu.region"() ({
      %run_scoped3A = tpu.sem_alloc : memref<!tpu.dma_semaphore, #tpu.memory_space<semaphore_mem>>
      %dma_start3A = arith.constant 0 : i32
      %dma_start3A_609 = tpu.memref_slice %arg11[%add3A_576, %dma_start3A] : memref<10240x128xf32, #tpu.memory_space<vmem_shared>> -> memref<16x128xf32, #tpu.memory_space<vmem_shared>>
      %dma_start3A_610 = arith.constant 0 : i32
      %dma_start3A_611 = tpu.memref_slice %arg11[%add3A_576, %dma_start3A_610] : memref<10240x128xf32, #tpu.memory_space<vmem_shared>> -> memref<16x128xf32, #tpu.memory_space<vmem_shared>>
      tpu.enqueue_dma source(%arg10 : memref<16x128xf32, #tpu.memory_space<vmem>>) target(%dma_start3A_611 : memref<16x128xf32, #tpu.memory_space<vmem_shared>>) target_semaphore(%run_scoped3A : memref<!tpu.dma_semaphore, #tpu.memory_space<semaphore_mem>>)
      %dma_wait3A = arith.constant 0 : i32
      %dma_wait3A_612 = tpu.memref_slice %arg11[%add3A_576, %dma_wait3A] : memref<10240x128xf32, #tpu.memory_space<vmem_shared>> -> memref<16x128xf32, #tpu.memory_space<vmem_shared>>
      %dma_wait3A_613 = arith.constant 0 : i32
      %dma_wait3A_614 = tpu.memref_slice %arg11[%add3A_576, %dma_wait3A_613] : memref<10240x128xf32, #tpu.memory_space<vmem_shared>> -> memref<16x128xf32, #tpu.memory_space<vmem_shared>>
      tpu.wait_dma2 semaphore(%run_scoped3A : memref<!tpu.dma_semaphore, #tpu.memory_space<semaphore_mem>>) src(%arg10 : memref<16x128xf32, #tpu.memory_space<vmem>>) dst(%dma_wait3A_614 : memref<16x128xf32, #tpu.memory_space<vmem_shared>>)
      tpu.yield
    }) : () -> ()
    %add3A_577 = arith.constant 496 : i32
    %add3A_578 = arith.addi %mul3A_514, %add3A_577 : i32
    "tpu.region"() ({
      %run_scoped3A = tpu.sem_alloc : memref<!tpu.dma_semaphore, #tpu.memory_space<semaphore_mem>>
      %dma_start3A = arith.constant 0 : i32
      %dma_start3A_609 = tpu.memref_slice %arg11[%add3A_578, %dma_start3A] : memref<10240x128xf32, #tpu.memory_space<vmem_shared>> -> memref<16x128xf32, #tpu.memory_space<vmem_shared>>
      %dma_start3A_610 = arith.constant 0 : i32
      %dma_start3A_611 = tpu.memref_slice %arg11[%add3A_578, %dma_start3A_610] : memref<10240x128xf32, #tpu.memory_space<vmem_shared>> -> memref<16x128xf32, #tpu.memory_space<vmem_shared>>
      tpu.enqueue_dma source(%arg10 : memref<16x128xf32, #tpu.memory_space<vmem>>) target(%dma_start3A_611 : memref<16x128xf32, #tpu.memory_space<vmem_shared>>) target_semaphore(%run_scoped3A : memref<!tpu.dma_semaphore, #tpu.memory_space<semaphore_mem>>)
      %dma_wait3A = arith.constant 0 : i32
      %dma_wait3A_612 = tpu.memref_slice %arg11[%add3A_578, %dma_wait3A] : memref<10240x128xf32, #tpu.memory_space<vmem_shared>> -> memref<16x128xf32, #tpu.memory_space<vmem_shared>>
      %dma_wait3A_613 = arith.constant 0 : i32
      %dma_wait3A_614 = tpu.memref_slice %arg11[%add3A_578, %dma_wait3A_613] : memref<10240x128xf32, #tpu.memory_space<vmem_shared>> -> memref<16x128xf32, #tpu.memory_space<vmem_shared>>
      tpu.wait_dma2 semaphore(%run_scoped3A : memref<!tpu.dma_semaphore, #tpu.memory_space<semaphore_mem>>) src(%arg10 : memref<16x128xf32, #tpu.memory_space<vmem>>) dst(%dma_wait3A_614 : memref<16x128xf32, #tpu.memory_space<vmem_shared>>)
      tpu.yield
    }) : () -> ()
    %add3A_579 = arith.constant 512 : i32
    %add3A_580 = arith.addi %mul3A_514, %add3A_579 : i32
    "tpu.region"() ({
      %run_scoped3A = tpu.sem_alloc : memref<!tpu.dma_semaphore, #tpu.memory_space<semaphore_mem>>
      %dma_start3A = arith.constant 0 : i32
      %dma_start3A_609 = tpu.memref_slice %arg11[%add3A_580, %dma_start3A] : memref<10240x128xf32, #tpu.memory_space<vmem_shared>> -> memref<16x128xf32, #tpu.memory_space<vmem_shared>>
      %dma_start3A_610 = arith.constant 0 : i32
      %dma_start3A_611 = tpu.memref_slice %arg11[%add3A_580, %dma_start3A_610] : memref<10240x128xf32, #tpu.memory_space<vmem_shared>> -> memref<16x128xf32, #tpu.memory_space<vmem_shared>>
      tpu.enqueue_dma source(%arg10 : memref<16x128xf32, #tpu.memory_space<vmem>>) target(%dma_start3A_611 : memref<16x128xf32, #tpu.memory_space<vmem_shared>>) target_semaphore(%run_scoped3A : memref<!tpu.dma_semaphore, #tpu.memory_space<semaphore_mem>>)
      %dma_wait3A = arith.constant 0 : i32
      %dma_wait3A_612 = tpu.memref_slice %arg11[%add3A_580, %dma_wait3A] : memref<10240x128xf32, #tpu.memory_space<vmem_shared>> -> memref<16x128xf32, #tpu.memory_space<vmem_shared>>
      %dma_wait3A_613 = arith.constant 0 : i32
      %dma_wait3A_614 = tpu.memref_slice %arg11[%add3A_580, %dma_wait3A_613] : memref<10240x128xf32, #tpu.memory_space<vmem_shared>> -> memref<16x128xf32, #tpu.memory_space<vmem_shared>>
      tpu.wait_dma2 semaphore(%run_scoped3A : memref<!tpu.dma_semaphore, #tpu.memory_space<semaphore_mem>>) src(%arg10 : memref<16x128xf32, #tpu.memory_space<vmem>>) dst(%dma_wait3A_614 : memref<16x128xf32, #tpu.memory_space<vmem_shared>>)
      tpu.yield
    }) : () -> ()
    %add3A_581 = arith.constant 528 : i32
    %add3A_582 = arith.addi %mul3A_514, %add3A_581 : i32
    "tpu.region"() ({
      %run_scoped3A = tpu.sem_alloc : memref<!tpu.dma_semaphore, #tpu.memory_space<semaphore_mem>>
      %dma_start3A = arith.constant 0 : i32
      %dma_start3A_609 = tpu.memref_slice %arg11[%add3A_582, %dma_start3A] : memref<10240x128xf32, #tpu.memory_space<vmem_shared>> -> memref<16x128xf32, #tpu.memory_space<vmem_shared>>
      %dma_start3A_610 = arith.constant 0 : i32
      %dma_start3A_611 = tpu.memref_slice %arg11[%add3A_582, %dma_start3A_610] : memref<10240x128xf32, #tpu.memory_space<vmem_shared>> -> memref<16x128xf32, #tpu.memory_space<vmem_shared>>
      tpu.enqueue_dma source(%arg10 : memref<16x128xf32, #tpu.memory_space<vmem>>) target(%dma_start3A_611 : memref<16x128xf32, #tpu.memory_space<vmem_shared>>) target_semaphore(%run_scoped3A : memref<!tpu.dma_semaphore, #tpu.memory_space<semaphore_mem>>)
      %dma_wait3A = arith.constant 0 : i32
      %dma_wait3A_612 = tpu.memref_slice %arg11[%add3A_582, %dma_wait3A] : memref<10240x128xf32, #tpu.memory_space<vmem_shared>> -> memref<16x128xf32, #tpu.memory_space<vmem_shared>>
      %dma_wait3A_613 = arith.constant 0 : i32
      %dma_wait3A_614 = tpu.memref_slice %arg11[%add3A_582, %dma_wait3A_613] : memref<10240x128xf32, #tpu.memory_space<vmem_shared>> -> memref<16x128xf32, #tpu.memory_space<vmem_shared>>
      tpu.wait_dma2 semaphore(%run_scoped3A : memref<!tpu.dma_semaphore, #tpu.memory_space<semaphore_mem>>) src(%arg10 : memref<16x128xf32, #tpu.memory_space<vmem>>) dst(%dma_wait3A_614 : memref<16x128xf32, #tpu.memory_space<vmem_shared>>)
      tpu.yield
    }) : () -> ()
    %add3A_583 = arith.constant 544 : i32
    %add3A_584 = arith.addi %mul3A_514, %add3A_583 : i32
    "tpu.region"() ({
      %run_scoped3A = tpu.sem_alloc : memref<!tpu.dma_semaphore, #tpu.memory_space<semaphore_mem>>
      %dma_start3A = arith.constant 0 : i32
      %dma_start3A_609 = tpu.memref_slice %arg11[%add3A_584, %dma_start3A] : memref<10240x128xf32, #tpu.memory_space<vmem_shared>> -> memref<16x128xf32, #tpu.memory_space<vmem_shared>>
      %dma_start3A_610 = arith.constant 0 : i32
      %dma_start3A_611 = tpu.memref_slice %arg11[%add3A_584, %dma_start3A_610] : memref<10240x128xf32, #tpu.memory_space<vmem_shared>> -> memref<16x128xf32, #tpu.memory_space<vmem_shared>>
      tpu.enqueue_dma source(%arg10 : memref<16x128xf32, #tpu.memory_space<vmem>>) target(%dma_start3A_611 : memref<16x128xf32, #tpu.memory_space<vmem_shared>>) target_semaphore(%run_scoped3A : memref<!tpu.dma_semaphore, #tpu.memory_space<semaphore_mem>>)
      %dma_wait3A = arith.constant 0 : i32
      %dma_wait3A_612 = tpu.memref_slice %arg11[%add3A_584, %dma_wait3A] : memref<10240x128xf32, #tpu.memory_space<vmem_shared>> -> memref<16x128xf32, #tpu.memory_space<vmem_shared>>
      %dma_wait3A_613 = arith.constant 0 : i32
      %dma_wait3A_614 = tpu.memref_slice %arg11[%add3A_584, %dma_wait3A_613] : memref<10240x128xf32, #tpu.memory_space<vmem_shared>> -> memref<16x128xf32, #tpu.memory_space<vmem_shared>>
      tpu.wait_dma2 semaphore(%run_scoped3A : memref<!tpu.dma_semaphore, #tpu.memory_space<semaphore_mem>>) src(%arg10 : memref<16x128xf32, #tpu.memory_space<vmem>>) dst(%dma_wait3A_614 : memref<16x128xf32, #tpu.memory_space<vmem_shared>>)
      tpu.yield
    }) : () -> ()
    %add3A_585 = arith.constant 560 : i32
    %add3A_586 = arith.addi %mul3A_514, %add3A_585 : i32
    "tpu.region"() ({
      %run_scoped3A = tpu.sem_alloc : memref<!tpu.dma_semaphore, #tpu.memory_space<semaphore_mem>>
      %dma_start3A = arith.constant 0 : i32
      %dma_start3A_609 = tpu.memref_slice %arg11[%add3A_586, %dma_start3A] : memref<10240x128xf32, #tpu.memory_space<vmem_shared>> -> memref<16x128xf32, #tpu.memory_space<vmem_shared>>
      %dma_start3A_610 = arith.constant 0 : i32
      %dma_start3A_611 = tpu.memref_slice %arg11[%add3A_586, %dma_start3A_610] : memref<10240x128xf32, #tpu.memory_space<vmem_shared>> -> memref<16x128xf32, #tpu.memory_space<vmem_shared>>
      tpu.enqueue_dma source(%arg10 : memref<16x128xf32, #tpu.memory_space<vmem>>) target(%dma_start3A_611 : memref<16x128xf32, #tpu.memory_space<vmem_shared>>) target_semaphore(%run_scoped3A : memref<!tpu.dma_semaphore, #tpu.memory_space<semaphore_mem>>)
      %dma_wait3A = arith.constant 0 : i32
      %dma_wait3A_612 = tpu.memref_slice %arg11[%add3A_586, %dma_wait3A] : memref<10240x128xf32, #tpu.memory_space<vmem_shared>> -> memref<16x128xf32, #tpu.memory_space<vmem_shared>>
      %dma_wait3A_613 = arith.constant 0 : i32
      %dma_wait3A_614 = tpu.memref_slice %arg11[%add3A_586, %dma_wait3A_613] : memref<10240x128xf32, #tpu.memory_space<vmem_shared>> -> memref<16x128xf32, #tpu.memory_space<vmem_shared>>
      tpu.wait_dma2 semaphore(%run_scoped3A : memref<!tpu.dma_semaphore, #tpu.memory_space<semaphore_mem>>) src(%arg10 : memref<16x128xf32, #tpu.memory_space<vmem>>) dst(%dma_wait3A_614 : memref<16x128xf32, #tpu.memory_space<vmem_shared>>)
      tpu.yield
    }) : () -> ()
    %add3A_587 = arith.constant 576 : i32
    %add3A_588 = arith.addi %mul3A_514, %add3A_587 : i32
    "tpu.region"() ({
      %run_scoped3A = tpu.sem_alloc : memref<!tpu.dma_semaphore, #tpu.memory_space<semaphore_mem>>
      %dma_start3A = arith.constant 0 : i32
      %dma_start3A_609 = tpu.memref_slice %arg11[%add3A_588, %dma_start3A] : memref<10240x128xf32, #tpu.memory_space<vmem_shared>> -> memref<16x128xf32, #tpu.memory_space<vmem_shared>>
      %dma_start3A_610 = arith.constant 0 : i32
      %dma_start3A_611 = tpu.memref_slice %arg11[%add3A_588, %dma_start3A_610] : memref<10240x128xf32, #tpu.memory_space<vmem_shared>> -> memref<16x128xf32, #tpu.memory_space<vmem_shared>>
      tpu.enqueue_dma source(%arg10 : memref<16x128xf32, #tpu.memory_space<vmem>>) target(%dma_start3A_611 : memref<16x128xf32, #tpu.memory_space<vmem_shared>>) target_semaphore(%run_scoped3A : memref<!tpu.dma_semaphore, #tpu.memory_space<semaphore_mem>>)
      %dma_wait3A = arith.constant 0 : i32
      %dma_wait3A_612 = tpu.memref_slice %arg11[%add3A_588, %dma_wait3A] : memref<10240x128xf32, #tpu.memory_space<vmem_shared>> -> memref<16x128xf32, #tpu.memory_space<vmem_shared>>
      %dma_wait3A_613 = arith.constant 0 : i32
      %dma_wait3A_614 = tpu.memref_slice %arg11[%add3A_588, %dma_wait3A_613] : memref<10240x128xf32, #tpu.memory_space<vmem_shared>> -> memref<16x128xf32, #tpu.memory_space<vmem_shared>>
      tpu.wait_dma2 semaphore(%run_scoped3A : memref<!tpu.dma_semaphore, #tpu.memory_space<semaphore_mem>>) src(%arg10 : memref<16x128xf32, #tpu.memory_space<vmem>>) dst(%dma_wait3A_614 : memref<16x128xf32, #tpu.memory_space<vmem_shared>>)
      tpu.yield
    }) : () -> ()
    %add3A_589 = arith.constant 592 : i32
    %add3A_590 = arith.addi %mul3A_514, %add3A_589 : i32
    "tpu.region"() ({
      %run_scoped3A = tpu.sem_alloc : memref<!tpu.dma_semaphore, #tpu.memory_space<semaphore_mem>>
      %dma_start3A = arith.constant 0 : i32
      %dma_start3A_609 = tpu.memref_slice %arg11[%add3A_590, %dma_start3A] : memref<10240x128xf32, #tpu.memory_space<vmem_shared>> -> memref<16x128xf32, #tpu.memory_space<vmem_shared>>
      %dma_start3A_610 = arith.constant 0 : i32
      %dma_start3A_611 = tpu.memref_slice %arg11[%add3A_590, %dma_start3A_610] : memref<10240x128xf32, #tpu.memory_space<vmem_shared>> -> memref<16x128xf32, #tpu.memory_space<vmem_shared>>
      tpu.enqueue_dma source(%arg10 : memref<16x128xf32, #tpu.memory_space<vmem>>) target(%dma_start3A_611 : memref<16x128xf32, #tpu.memory_space<vmem_shared>>) target_semaphore(%run_scoped3A : memref<!tpu.dma_semaphore, #tpu.memory_space<semaphore_mem>>)
      %dma_wait3A = arith.constant 0 : i32
      %dma_wait3A_612 = tpu.memref_slice %arg11[%add3A_590, %dma_wait3A] : memref<10240x128xf32, #tpu.memory_space<vmem_shared>> -> memref<16x128xf32, #tpu.memory_space<vmem_shared>>
      %dma_wait3A_613 = arith.constant 0 : i32
      %dma_wait3A_614 = tpu.memref_slice %arg11[%add3A_590, %dma_wait3A_613] : memref<10240x128xf32, #tpu.memory_space<vmem_shared>> -> memref<16x128xf32, #tpu.memory_space<vmem_shared>>
      tpu.wait_dma2 semaphore(%run_scoped3A : memref<!tpu.dma_semaphore, #tpu.memory_space<semaphore_mem>>) src(%arg10 : memref<16x128xf32, #tpu.memory_space<vmem>>) dst(%dma_wait3A_614 : memref<16x128xf32, #tpu.memory_space<vmem_shared>>)
      tpu.yield
    }) : () -> ()
    %add3A_591 = arith.constant 608 : i32
    %add3A_592 = arith.addi %mul3A_514, %add3A_591 : i32
    "tpu.region"() ({
      %run_scoped3A = tpu.sem_alloc : memref<!tpu.dma_semaphore, #tpu.memory_space<semaphore_mem>>
      %dma_start3A = arith.constant 0 : i32
      %dma_start3A_609 = tpu.memref_slice %arg11[%add3A_592, %dma_start3A] : memref<10240x128xf32, #tpu.memory_space<vmem_shared>> -> memref<16x128xf32, #tpu.memory_space<vmem_shared>>
      %dma_start3A_610 = arith.constant 0 : i32
      %dma_start3A_611 = tpu.memref_slice %arg11[%add3A_592, %dma_start3A_610] : memref<10240x128xf32, #tpu.memory_space<vmem_shared>> -> memref<16x128xf32, #tpu.memory_space<vmem_shared>>
      tpu.enqueue_dma source(%arg10 : memref<16x128xf32, #tpu.memory_space<vmem>>) target(%dma_start3A_611 : memref<16x128xf32, #tpu.memory_space<vmem_shared>>) target_semaphore(%run_scoped3A : memref<!tpu.dma_semaphore, #tpu.memory_space<semaphore_mem>>)
      %dma_wait3A = arith.constant 0 : i32
      %dma_wait3A_612 = tpu.memref_slice %arg11[%add3A_592, %dma_wait3A] : memref<10240x128xf32, #tpu.memory_space<vmem_shared>> -> memref<16x128xf32, #tpu.memory_space<vmem_shared>>
      %dma_wait3A_613 = arith.constant 0 : i32
      %dma_wait3A_614 = tpu.memref_slice %arg11[%add3A_592, %dma_wait3A_613] : memref<10240x128xf32, #tpu.memory_space<vmem_shared>> -> memref<16x128xf32, #tpu.memory_space<vmem_shared>>
      tpu.wait_dma2 semaphore(%run_scoped3A : memref<!tpu.dma_semaphore, #tpu.memory_space<semaphore_mem>>) src(%arg10 : memref<16x128xf32, #tpu.memory_space<vmem>>) dst(%dma_wait3A_614 : memref<16x128xf32, #tpu.memory_space<vmem_shared>>)
      tpu.yield
    }) : () -> ()
    %add3A_593 = arith.constant 624 : i32
    %add3A_594 = arith.addi %mul3A_514, %add3A_593 : i32
    "tpu.region"() ({
      %run_scoped3A = tpu.sem_alloc : memref<!tpu.dma_semaphore, #tpu.memory_space<semaphore_mem>>
      %dma_start3A = arith.constant 0 : i32
      %dma_start3A_609 = tpu.memref_slice %arg11[%add3A_594, %dma_start3A] : memref<10240x128xf32, #tpu.memory_space<vmem_shared>> -> memref<16x128xf32, #tpu.memory_space<vmem_shared>>
      %dma_start3A_610 = arith.constant 0 : i32
      %dma_start3A_611 = tpu.memref_slice %arg11[%add3A_594, %dma_start3A_610] : memref<10240x128xf32, #tpu.memory_space<vmem_shared>> -> memref<16x128xf32, #tpu.memory_space<vmem_shared>>
      tpu.enqueue_dma source(%arg10 : memref<16x128xf32, #tpu.memory_space<vmem>>) target(%dma_start3A_611 : memref<16x128xf32, #tpu.memory_space<vmem_shared>>) target_semaphore(%run_scoped3A : memref<!tpu.dma_semaphore, #tpu.memory_space<semaphore_mem>>)
      %dma_wait3A = arith.constant 0 : i32
      %dma_wait3A_612 = tpu.memref_slice %arg11[%add3A_594, %dma_wait3A] : memref<10240x128xf32, #tpu.memory_space<vmem_shared>> -> memref<16x128xf32, #tpu.memory_space<vmem_shared>>
      %dma_wait3A_613 = arith.constant 0 : i32
      %dma_wait3A_614 = tpu.memref_slice %arg11[%add3A_594, %dma_wait3A_613] : memref<10240x128xf32, #tpu.memory_space<vmem_shared>> -> memref<16x128xf32, #tpu.memory_space<vmem_shared>>
      tpu.wait_dma2 semaphore(%run_scoped3A : memref<!tpu.dma_semaphore, #tpu.memory_space<semaphore_mem>>) src(%arg10 : memref<16x128xf32, #tpu.memory_space<vmem>>) dst(%dma_wait3A_614 : memref<16x128xf32, #tpu.memory_space<vmem_shared>>)
      tpu.yield
    }) : () -> ()
    %scan3A = arith.constant 0 : i32
    %scan3A_595 = arith.constant 0 : i32
    %scan3A_596 = arith.constant 640 : i32
    %scan3A_597 = arith.addi %scan3A_595, %scan3A_596 : i32
    %scan3A_598 = arith.constant 1 : i32
    scf.for %scan3A_609 = %scan3A_595 to %scan3A_597 step %scan3A_598  : i32 {
      %mul3A_610 = arith.constant 16 : i32
      %mul3A_611 = arith.muli %scan3A_609, %mul3A_610 : i32
      %swap3A_612 = arith.index_cast %mul3A_611 : i32 to index
      %swap3A_613 = tpu.vector_load %arg13[%swap3A_612] {strides = array<i32>} : memref<10240xf32, #tpu.memory_space<vmem>>, vector<16xf32>,
      tpu.vector_store %arg13[%swap3A_612], %broadcast_in_dim3A_1 {strides = array<i32>} : memref<10240xf32, #tpu.memory_space<vmem>>, vector<16xf32>,
    }
    %scan3A_599 = arith.constant 640 : i32
    %barrier3A = arith.constant 0 : index
    tpu.barrier barrier_id(%barrier3A)
    %broadcast_in_dim3A_600 = arith.constant 1.000000e+00 : f32
    %broadcast_in_dim3A_601 = vector.broadcast %broadcast_in_dim3A_600 : f32 to vector<16xf32>
    %scan3A_602 = arith.constant 0 : i32
    %scan3A_603 = arith.constant 0 : i32
    %scan3A_604 = arith.constant 79 : i32
    %scan3A_605 = arith.addi %scan3A_603, %scan3A_604 : i32
    %scan3A_606 = arith.constant 1 : i32
    scf.for %scan3A_609 = %scan3A_603 to %scan3A_605 step %scan3A_606  : i32 {
      %dma_start3A = arith.constant 0 : i32
      %dma_start3A_610 = tpu.memref_slice %arg7[%scan3A_609, %dma_start3A] : memref<79x128xi32, #tpu.memory_space<vmem>> -> memref<1x128xi32, #tpu.memory_space<vmem>>
      %dma_start3A_611 = tpu.memref_squeeze %dma_start3A_610 : memref<1x128xi32, #tpu.memory_space<vmem>> -> memref<128xi32, #tpu.memory_space<vmem>>
      %dma_start3A_612 = arith.constant 0 : i32
      %dma_start3A_613 = arith.constant 0 : i32
      %dma_start3A_614 = tpu.memref_slice %arg4[%dma_start3A_612, %dma_start3A_613] : memref<10000x128xf32, #tpu.memory_space<hbm>> -> memref<10000x128xf32, #tpu.memory_space<hbm>>
      tpu.enqueue_indirect_dma source(%dma_start3A_614 : memref<10000x128xf32, #tpu.memory_space<hbm>>) target(%arg9 : memref<128x128xf32, #tpu.memory_space<vmem>>) offsets(%dma_start3A_611 : memref<128xi32, #tpu.memory_space<vmem>>) semaphore(%arg12 : memref<!tpu.dma_semaphore, #tpu.memory_space<semaphore_mem>>)
      %dma_wait3A = arith.constant 0 : i32
      %dma_wait3A_615 = tpu.memref_slice %arg7[%scan3A_609, %dma_wait3A] : memref<79x128xi32, #tpu.memory_space<vmem>> -> memref<1x128xi32, #tpu.memory_space<vmem>>
      %dma_wait3A_616 = tpu.memref_squeeze %dma_wait3A_615 : memref<1x128xi32, #tpu.memory_space<vmem>> -> memref<128xi32, #tpu.memory_space<vmem>>
      %dma_wait3A_617 = arith.constant 0 : i32
      %dma_wait3A_618 = arith.constant 0 : i32
      %dma_wait3A_619 = tpu.memref_slice %arg4[%dma_wait3A_617, %dma_wait3A_618] : memref<10000x128xf32, #tpu.memory_space<hbm>> -> memref<10000x128xf32, #tpu.memory_space<hbm>>
      tpu.wait_indirect_dma semaphore(%arg12 : memref<!tpu.dma_semaphore, #tpu.memory_space<semaphore_mem>>) src(%dma_wait3A_619 : memref<10000x128xf32, #tpu.memory_space<hbm>>) dst(%arg9 : memref<128x128xf32, #tpu.memory_space<vmem>>)
      "tpu.region"() ({
        %run_scoped3A = tpu.sem_alloc : memref<!tpu.dma_semaphore, #tpu.memory_space<semaphore_mem>>
        %dma_start3A_643 = arith.constant 0 : i32
        %dma_start3A_644 = tpu.memref_slice %arg8[%scan3A_609, %dma_start3A_643] : memref<79x128xi32, #tpu.memory_space<vmem>> -> memref<1x128xi32, #tpu.memory_space<vmem>>
        %dma_start3A_645 = tpu.memref_squeeze %dma_start3A_644 : memref<1x128xi32, #tpu.memory_space<vmem>> -> memref<128xi32, #tpu.memory_space<vmem>>
        %dma_start3A_646 = arith.constant 0 : i32
        %dma_start3A_647 = arith.constant 0 : i32
        %dma_start3A_648 = tpu.memref_slice %arg11[%dma_start3A_646, %dma_start3A_647] : memref<10240x128xf32, #tpu.memory_space<vmem_shared>> -> memref<10240x128xf32, #tpu.memory_space<vmem_shared>>
        tpu.enqueue_indirect_dma source(%arg9 : memref<128x128xf32, #tpu.memory_space<vmem>>) target(%dma_start3A_648 : memref<10240x128xf32, #tpu.memory_space<vmem_shared>>) offsets(%dma_start3A_645 : memref<128xi32, #tpu.memory_space<vmem>>) semaphore(%run_scoped3A : memref<!tpu.dma_semaphore, #tpu.memory_space<semaphore_mem>>) {add = true}
        %dma_wait3A_649 = arith.constant 0 : i32
        %dma_wait3A_650 = tpu.memref_slice %arg8[%scan3A_609, %dma_wait3A_649] : memref<79x128xi32, #tpu.memory_space<vmem>> -> memref<1x128xi32, #tpu.memory_space<vmem>>
        %dma_wait3A_651 = tpu.memref_squeeze %dma_wait3A_650 : memref<1x128xi32, #tpu.memory_space<vmem>> -> memref<128xi32, #tpu.memory_space<vmem>>
        %dma_wait3A_652 = arith.constant 0 : i32
        %dma_wait3A_653 = arith.constant 0 : i32
        %dma_wait3A_654 = tpu.memref_slice %arg11[%dma_wait3A_652, %dma_wait3A_653] : memref<10240x128xf32, #tpu.memory_space<vmem_shared>> -> memref<10240x128xf32, #tpu.memory_space<vmem_shared>>
        tpu.wait_indirect_dma semaphore(%run_scoped3A : memref<!tpu.dma_semaphore, #tpu.memory_space<semaphore_mem>>) src(%arg9 : memref<128x128xf32, #tpu.memory_space<vmem>>) dst(%dma_wait3A_654 : memref<10240x128xf32, #tpu.memory_space<vmem_shared>>)
        tpu.yield
      }) : () -> ()
      %get3A = arith.index_cast %scan3A_609 : i32 to index
      %get3A_620 = arith.constant 0 : index
      %get3A_621 = tpu.vector_load %arg8[%get3A, %get3A_620] {strides = array<i32>} : memref<79x128xi32, #tpu.memory_space<vmem>>, vector<16xi32>,
      tpu.vector_store_idx %arg13[%get3A_621], %broadcast_in_dim3A_601 {add = true} : memref<10240xf32, #tpu.memory_space<vmem>>[vector<16xi32>], vector<16xf32>,
      %get3A_622 = arith.index_cast %scan3A_609 : i32 to index
      %get3A_623 = arith.constant 16 : index
      %get3A_624 = tpu.vector_load %arg8[%get3A_622, %get3A_623] {strides = array<i32>} : memref<79x128xi32, #tpu.memory_space<vmem>>, vector<16xi32>,
      tpu.vector_store_idx %arg13[%get3A_624], %broadcast_in_dim3A_601 {add = true} : memref<10240xf32, #tpu.memory_space<vmem>>[vector<16xi32>], vector<16xf32>,
      %get3A_625 = arith.index_cast %scan3A_609 : i32 to index
      %get3A_626 = arith.constant 32 : index
      %get3A_627 = tpu.vector_load %arg8[%get3A_625, %get3A_626] {strides = array<i32>} : memref<79x128xi32, #tpu.memory_space<vmem>>, vector<16xi32>,
      tpu.vector_store_idx %arg13[%get3A_627], %broadcast_in_dim3A_601 {add = true} : memref<10240xf32, #tpu.memory_space<vmem>>[vector<16xi32>], vector<16xf32>,
      %get3A_628 = arith.index_cast %scan3A_609 : i32 to index
      %get3A_629 = arith.constant 48 : index
      %get3A_630 = tpu.vector_load %arg8[%get3A_628, %get3A_629] {strides = array<i32>} : memref<79x128xi32, #tpu.memory_space<vmem>>, vector<16xi32>,
      tpu.vector_store_idx %arg13[%get3A_630], %broadcast_in_dim3A_601 {add = true} : memref<10240xf32, #tpu.memory_space<vmem>>[vector<16xi32>], vector<16xf32>,
      %get3A_631 = arith.index_cast %scan3A_609 : i32 to index
      %get3A_632 = arith.constant 64 : index
      %get3A_633 = tpu.vector_load %arg8[%get3A_631, %get3A_632] {strides = array<i32>} : memref<79x128xi32, #tpu.memory_space<vmem>>, vector<16xi32>,
      tpu.vector_store_idx %arg13[%get3A_633], %broadcast_in_dim3A_601 {add = true} : memref<10240xf32, #tpu.memory_space<vmem>>[vector<16xi32>], vector<16xf32>,
      %get3A_634 = arith.index_cast %scan3A_609 : i32 to index
      %get3A_635 = arith.constant 80 : index
      %get3A_636 = tpu.vector_load %arg8[%get3A_634, %get3A_635] {strides = array<i32>} : memref<79x128xi32, #tpu.memory_space<vmem>>, vector<16xi32>,
      tpu.vector_store_idx %arg13[%get3A_636], %broadcast_in_dim3A_601 {add = true} : memref<10240xf32, #tpu.memory_space<vmem>>[vector<16xi32>], vector<16xf32>,
      %get3A_637 = arith.index_cast %scan3A_609 : i32 to index
      %get3A_638 = arith.constant 96 : index
      %get3A_639 = tpu.vector_load %arg8[%get3A_637, %get3A_638] {strides = array<i32>} : memref<79x128xi32, #tpu.memory_space<vmem>>, vector<16xi32>,
      tpu.vector_store_idx %arg13[%get3A_639], %broadcast_in_dim3A_601 {add = true} : memref<10240xf32, #tpu.memory_space<vmem>>[vector<16xi32>], vector<16xf32>,
      %get3A_640 = arith.index_cast %scan3A_609 : i32 to index
      %get3A_641 = arith.constant 112 : index
      %get3A_642 = tpu.vector_load %arg8[%get3A_640, %get3A_641] {strides = array<i32>} : memref<79x128xi32, #tpu.memory_space<vmem>>, vector<16xi32>,
      tpu.vector_store_idx %arg13[%get3A_642], %broadcast_in_dim3A_601 {add = true} : memref<10240xf32, #tpu.memory_space<vmem>>[vector<16xi32>], vector<16xf32>,
    }
    %scan3A_607 = arith.constant 79 : i32
    %barrier3A_608 = arith.constant 0 : index
    tpu.barrier barrier_id(%barrier3A_608)
    "tpu.region"() ({
      %run_scoped3A = tpu.sem_alloc : memref<!tpu.dma_semaphore, #tpu.memory_space<semaphore_mem>>
      %dma_start3A = arith.constant 0 : i32
      %dma_start3A_609 = tpu.memref_slice %arg5[%arg0, %mul3A_514, %dma_start3A] : memref<2x10240x128xf32, #tpu.memory_space<hbm>> -> memref<1x640x128xf32, #tpu.memory_space<hbm>>
      %dma_start3A_610 = tpu.memref_squeeze %dma_start3A_609 : memref<1x640x128xf32, #tpu.memory_space<hbm>> -> memref<640x128xf32, #tpu.memory_space<hbm>>
      %dma_start3A_611 = arith.constant 0 : i32
      %dma_start3A_612 = tpu.memref_slice %arg11[%mul3A_514, %dma_start3A_611] : memref<10240x128xf32, #tpu.memory_space<vmem_shared>> -> memref<640x128xf32, #tpu.memory_space<vmem_shared>>
      tpu.enqueue_dma source(%dma_start3A_612 : memref<640x128xf32, #tpu.memory_space<vmem_shared>>) target(%dma_start3A_610 : memref<640x128xf32, #tpu.memory_space<hbm>>) target_semaphore(%run_scoped3A : memref<!tpu.dma_semaphore, #tpu.memory_space<semaphore_mem>>)
      %dma_wait3A = arith.constant 0 : i32
      %dma_wait3A_613 = tpu.memref_slice %arg5[%arg0, %mul3A_514, %dma_wait3A] : memref<2x10240x128xf32, #tpu.memory_space<hbm>> -> memref<1x640x128xf32, #tpu.memory_space<hbm>>
      %dma_wait3A_614 = tpu.memref_squeeze %dma_wait3A_613 : memref<1x640x128xf32, #tpu.memory_space<hbm>> -> memref<640x128xf32, #tpu.memory_space<hbm>>
      %dma_wait3A_615 = arith.constant 0 : i32
      %dma_wait3A_616 = tpu.memref_slice %arg11[%mul3A_514, %dma_wait3A_615] : memref<10240x128xf32, #tpu.memory_space<vmem_shared>> -> memref<640x128xf32, #tpu.memory_space<vmem_shared>>
      tpu.wait_dma2 semaphore(%run_scoped3A : memref<!tpu.dma_semaphore, #tpu.memory_space<semaphore_mem>>) src(%dma_wait3A_616 : memref<640x128xf32, #tpu.memory_space<vmem_shared>>) dst(%dma_wait3A_614 : memref<640x128xf32, #tpu.memory_space<hbm>>)
      tpu.yield
    }) : () -> ()
    "tpu.region"() ({
      %run_scoped3A = tpu.sem_alloc : memref<!tpu.dma_semaphore, #tpu.memory_space<semaphore_mem>>
      %dma_start3A = arith.constant 0 : i32
      %dma_start3A_609 = tpu.memref_slice %arg6[%add3A, %dma_start3A] : memref<32x10240xf32, #tpu.memory_space<hbm>> -> memref<1x10240xf32, #tpu.memory_space<hbm>>
      %dma_start3A_610 = tpu.memref_squeeze %dma_start3A_609 : memref<1x10240xf32, #tpu.memory_space<hbm>> -> memref<10240xf32, #tpu.memory_space<hbm>>
      %dma_start3A_611 = arith.constant 0 : i32
      %dma_start3A_612 = tpu.memref_slice %arg6[%add3A, %dma_start3A_611] : memref<32x10240xf32, #tpu.memory_space<hbm>> -> memref<1x10240xf32, #tpu.memory_space<hbm>>
      %dma_start3A_613 = tpu.memref_squeeze %dma_start3A_612 : memref<1x10240xf32, #tpu.memory_space<hbm>> -> memref<10240xf32, #tpu.memory_space<hbm>>
      tpu.enqueue_dma source(%arg13 : memref<10240xf32, #tpu.memory_space<vmem>>) target(%dma_start3A_613 : memref<10240xf32, #tpu.memory_space<hbm>>) target_semaphore(%run_scoped3A : memref<!tpu.dma_semaphore, #tpu.memory_space<semaphore_mem>>)
      %dma_wait3A = arith.constant 0 : i32
      %dma_wait3A_614 = tpu.memref_slice %arg6[%add3A, %dma_wait3A] : memref<32x10240xf32, #tpu.memory_space<hbm>> -> memref<1x10240xf32, #tpu.memory_space<hbm>>
      %dma_wait3A_615 = tpu.memref_squeeze %dma_wait3A_614 : memref<1x10240xf32, #tpu.memory_space<hbm>> -> memref<10240xf32, #tpu.memory_space<hbm>>
      %dma_wait3A_616 = arith.constant 0 : i32
      %dma_wait3A_617 = tpu.memref_slice %arg6[%add3A, %dma_wait3A_616] : memref<32x10240xf32, #tpu.memory_space<hbm>> -> memref<1x10240xf32, #tpu.memory_space<hbm>>
      %dma_wait3A_618 = tpu.memref_squeeze %dma_wait3A_617 : memref<1x10240xf32, #tpu.memory_space<hbm>> -> memref<10240xf32, #tpu.memory_space<hbm>>
      tpu.wait_dma2 semaphore(%run_scoped3A : memref<!tpu.dma_semaphore, #tpu.memory_space<semaphore_mem>>) src(%arg13 : memref<10240xf32, #tpu.memory_space<vmem>>) dst(%dma_wait3A_618 : memref<10240xf32, #tpu.memory_space<hbm>>)
      tpu.yield
    }) : () -> ()
    return
  }
}

#map = affine_map<(d0, d1) -> (0, 0, 0)>
#map1 = affine_map<(d0, d1) -> (0, 0)>
module attributes {stable_mosaic.version = 14 : i64} {
  func.func @sage_sc_aggregate(%arg0: i32, %arg1: i32, %arg2: memref<32x79x128xi32, #tpu.memory_space<hbm>>, %arg3: memref<32x79x128xi32, #tpu.memory_space<hbm>>, %arg4: memref<10000x128xf32, #tpu.memory_space<hbm>>, %arg5: memref<2x10240x128xf32, #tpu.memory_space<hbm>>, %arg6: memref<79x128xi32, #tpu.memory_space<vmem>>, %arg7: memref<79x128xi32, #tpu.memory_space<vmem>>, %arg8: memref<128x128xf32, #tpu.memory_space<vmem>>, %arg9: memref<16x128xf32, #tpu.memory_space<vmem>>, %arg10: memref<10240x128xf32, #tpu.memory_space<vmem_shared>>, %arg11: memref<!tpu.dma_semaphore, #tpu.memory_space<semaphore_mem>>) attributes {dimension_semantics = [#tpu.dimension_semantics<core_parallel>, #tpu.dimension_semantics<subcore_parallel>], iteration_bounds = array<i64: 2, 16>, scalar_prefetch = 0 : i64, scratch_operands = 6 : i64, tpu.core_type = #tpu.core_type<sc_vector_subcore>, window_params = [{transform_indices = #map}, {transform_indices = #map}, {transform_indices = #map1}, {transform_indices = #map}]} {
    %mul3A = arith.constant 16 : i32
    %mul3A_0 = arith.muli %arg0, %mul3A : i32
    %add3A = arith.addi %mul3A_0, %arg1 : i32
    "tpu.region"() ({
      %run_scoped3A = tpu.sem_alloc : memref<!tpu.dma_semaphore, #tpu.memory_space<semaphore_mem>>
      %dma_start3A = arith.constant 0 : i32
      %dma_start3A_603 = arith.constant 0 : i32
      %dma_start3A_604 = tpu.memref_slice %arg2[%add3A, %dma_start3A, %dma_start3A_603] : memref<32x79x128xi32, #tpu.memory_space<hbm>> -> memref<1x79x128xi32, #tpu.memory_space<hbm>>
      %dma_start3A_605 = tpu.memref_squeeze %dma_start3A_604 : memref<1x79x128xi32, #tpu.memory_space<hbm>> -> memref<79x128xi32, #tpu.memory_space<hbm>>
      %dma_start3A_606 = arith.constant 0 : i32
      %dma_start3A_607 = arith.constant 0 : i32
      %dma_start3A_608 = tpu.memref_slice %arg2[%add3A, %dma_start3A_606, %dma_start3A_607] : memref<32x79x128xi32, #tpu.memory_space<hbm>> -> memref<1x79x128xi32, #tpu.memory_space<hbm>>
      %dma_start3A_609 = tpu.memref_squeeze %dma_start3A_608 : memref<1x79x128xi32, #tpu.memory_space<hbm>> -> memref<79x128xi32, #tpu.memory_space<hbm>>
      tpu.enqueue_dma source(%dma_start3A_609 : memref<79x128xi32, #tpu.memory_space<hbm>>) target(%arg6 : memref<79x128xi32, #tpu.memory_space<vmem>>) target_semaphore(%run_scoped3A : memref<!tpu.dma_semaphore, #tpu.memory_space<semaphore_mem>>)
      %dma_wait3A = arith.constant 0 : i32
      %dma_wait3A_610 = arith.constant 0 : i32
      %dma_wait3A_611 = tpu.memref_slice %arg2[%add3A, %dma_wait3A, %dma_wait3A_610] : memref<32x79x128xi32, #tpu.memory_space<hbm>> -> memref<1x79x128xi32, #tpu.memory_space<hbm>>
      %dma_wait3A_612 = tpu.memref_squeeze %dma_wait3A_611 : memref<1x79x128xi32, #tpu.memory_space<hbm>> -> memref<79x128xi32, #tpu.memory_space<hbm>>
      %dma_wait3A_613 = arith.constant 0 : i32
      %dma_wait3A_614 = arith.constant 0 : i32
      %dma_wait3A_615 = tpu.memref_slice %arg2[%add3A, %dma_wait3A_613, %dma_wait3A_614] : memref<32x79x128xi32, #tpu.memory_space<hbm>> -> memref<1x79x128xi32, #tpu.memory_space<hbm>>
      %dma_wait3A_616 = tpu.memref_squeeze %dma_wait3A_615 : memref<1x79x128xi32, #tpu.memory_space<hbm>> -> memref<79x128xi32, #tpu.memory_space<hbm>>
      tpu.wait_dma2 semaphore(%run_scoped3A : memref<!tpu.dma_semaphore, #tpu.memory_space<semaphore_mem>>) src(%dma_wait3A_616 : memref<79x128xi32, #tpu.memory_space<hbm>>) dst(%arg6 : memref<79x128xi32, #tpu.memory_space<vmem>>)
      tpu.yield
    }) : () -> ()
    "tpu.region"() ({
      %run_scoped3A = tpu.sem_alloc : memref<!tpu.dma_semaphore, #tpu.memory_space<semaphore_mem>>
      %dma_start3A = arith.constant 0 : i32
      %dma_start3A_603 = arith.constant 0 : i32
      %dma_start3A_604 = tpu.memref_slice %arg3[%add3A, %dma_start3A, %dma_start3A_603] : memref<32x79x128xi32, #tpu.memory_space<hbm>> -> memref<1x79x128xi32, #tpu.memory_space<hbm>>
      %dma_start3A_605 = tpu.memref_squeeze %dma_start3A_604 : memref<1x79x128xi32, #tpu.memory_space<hbm>> -> memref<79x128xi32, #tpu.memory_space<hbm>>
      %dma_start3A_606 = arith.constant 0 : i32
      %dma_start3A_607 = arith.constant 0 : i32
      %dma_start3A_608 = tpu.memref_slice %arg3[%add3A, %dma_start3A_606, %dma_start3A_607] : memref<32x79x128xi32, #tpu.memory_space<hbm>> -> memref<1x79x128xi32, #tpu.memory_space<hbm>>
      %dma_start3A_609 = tpu.memref_squeeze %dma_start3A_608 : memref<1x79x128xi32, #tpu.memory_space<hbm>> -> memref<79x128xi32, #tpu.memory_space<hbm>>
      tpu.enqueue_dma source(%dma_start3A_609 : memref<79x128xi32, #tpu.memory_space<hbm>>) target(%arg7 : memref<79x128xi32, #tpu.memory_space<vmem>>) target_semaphore(%run_scoped3A : memref<!tpu.dma_semaphore, #tpu.memory_space<semaphore_mem>>)
      %dma_wait3A = arith.constant 0 : i32
      %dma_wait3A_610 = arith.constant 0 : i32
      %dma_wait3A_611 = tpu.memref_slice %arg3[%add3A, %dma_wait3A, %dma_wait3A_610] : memref<32x79x128xi32, #tpu.memory_space<hbm>> -> memref<1x79x128xi32, #tpu.memory_space<hbm>>
      %dma_wait3A_612 = tpu.memref_squeeze %dma_wait3A_611 : memref<1x79x128xi32, #tpu.memory_space<hbm>> -> memref<79x128xi32, #tpu.memory_space<hbm>>
      %dma_wait3A_613 = arith.constant 0 : i32
      %dma_wait3A_614 = arith.constant 0 : i32
      %dma_wait3A_615 = tpu.memref_slice %arg3[%add3A, %dma_wait3A_613, %dma_wait3A_614] : memref<32x79x128xi32, #tpu.memory_space<hbm>> -> memref<1x79x128xi32, #tpu.memory_space<hbm>>
      %dma_wait3A_616 = tpu.memref_squeeze %dma_wait3A_615 : memref<1x79x128xi32, #tpu.memory_space<hbm>> -> memref<79x128xi32, #tpu.memory_space<hbm>>
      tpu.wait_dma2 semaphore(%run_scoped3A : memref<!tpu.dma_semaphore, #tpu.memory_space<semaphore_mem>>) src(%dma_wait3A_616 : memref<79x128xi32, #tpu.memory_space<hbm>>) dst(%arg7 : memref<79x128xi32, #tpu.memory_space<vmem>>)
      tpu.yield
    }) : () -> ()
    %broadcast_in_dim3A = arith.constant 0.000000e+00 : f32
    %broadcast_in_dim3A_1 = vector.broadcast %broadcast_in_dim3A : f32 to vector<16xf32>
    %swap3A = arith.constant 0 : i32
    %swap3A_2 = arith.index_cast %swap3A : i32 to index
    %swap3A_3 = arith.constant 0 : index
    %swap3A_4 = tpu.vector_load %arg9[%swap3A_2, %swap3A_3] {strides = array<i32>} : memref<16x128xf32, #tpu.memory_space<vmem>>, vector<16xf32>,
    tpu.vector_store %arg9[%swap3A_2, %swap3A_3], %broadcast_in_dim3A_1 {strides = array<i32>} : memref<16x128xf32, #tpu.memory_space<vmem>>, vector<16xf32>,
    %swap3A_5 = arith.constant 0 : i32
    %swap3A_6 = arith.index_cast %swap3A_5 : i32 to index
    %swap3A_7 = arith.constant 16 : index
    %swap3A_8 = tpu.vector_load %arg9[%swap3A_6, %swap3A_7] {strides = array<i32>} : memref<16x128xf32, #tpu.memory_space<vmem>>, vector<16xf32>,
    tpu.vector_store %arg9[%swap3A_6, %swap3A_7], %broadcast_in_dim3A_1 {strides = array<i32>} : memref<16x128xf32, #tpu.memory_space<vmem>>, vector<16xf32>,
    %swap3A_9 = arith.constant 0 : i32
    %swap3A_10 = arith.index_cast %swap3A_9 : i32 to index
    %swap3A_11 = arith.constant 32 : index
    %swap3A_12 = tpu.vector_load %arg9[%swap3A_10, %swap3A_11] {strides = array<i32>} : memref<16x128xf32, #tpu.memory_space<vmem>>, vector<16xf32>,
    tpu.vector_store %arg9[%swap3A_10, %swap3A_11], %broadcast_in_dim3A_1 {strides = array<i32>} : memref<16x128xf32, #tpu.memory_space<vmem>>, vector<16xf32>,
    %swap3A_13 = arith.constant 0 : i32
    %swap3A_14 = arith.index_cast %swap3A_13 : i32 to index
    %swap3A_15 = arith.constant 48 : index
    %swap3A_16 = tpu.vector_load %arg9[%swap3A_14, %swap3A_15] {strides = array<i32>} : memref<16x128xf32, #tpu.memory_space<vmem>>, vector<16xf32>,
    tpu.vector_store %arg9[%swap3A_14, %swap3A_15], %broadcast_in_dim3A_1 {strides = array<i32>} : memref<16x128xf32, #tpu.memory_space<vmem>>, vector<16xf32>,
    %swap3A_17 = arith.constant 0 : i32
    %swap3A_18 = arith.index_cast %swap3A_17 : i32 to index
    %swap3A_19 = arith.constant 64 : index
    %swap3A_20 = tpu.vector_load %arg9[%swap3A_18, %swap3A_19] {strides = array<i32>} : memref<16x128xf32, #tpu.memory_space<vmem>>, vector<16xf32>,
    tpu.vector_store %arg9[%swap3A_18, %swap3A_19], %broadcast_in_dim3A_1 {strides = array<i32>} : memref<16x128xf32, #tpu.memory_space<vmem>>, vector<16xf32>,
    %swap3A_21 = arith.constant 0 : i32
    %swap3A_22 = arith.index_cast %swap3A_21 : i32 to index
    %swap3A_23 = arith.constant 80 : index
    %swap3A_24 = tpu.vector_load %arg9[%swap3A_22, %swap3A_23] {strides = array<i32>} : memref<16x128xf32, #tpu.memory_space<vmem>>, vector<16xf32>,
    tpu.vector_store %arg9[%swap3A_22, %swap3A_23], %broadcast_in_dim3A_1 {strides = array<i32>} : memref<16x128xf32, #tpu.memory_space<vmem>>, vector<16xf32>,
    %swap3A_25 = arith.constant 0 : i32
    %swap3A_26 = arith.index_cast %swap3A_25 : i32 to index
    %swap3A_27 = arith.constant 96 : index
    %swap3A_28 = tpu.vector_load %arg9[%swap3A_26, %swap3A_27] {strides = array<i32>} : memref<16x128xf32, #tpu.memory_space<vmem>>, vector<16xf32>,
    tpu.vector_store %arg9[%swap3A_26, %swap3A_27], %broadcast_in_dim3A_1 {strides = array<i32>} : memref<16x128xf32, #tpu.memory_space<vmem>>, vector<16xf32>,
    %swap3A_29 = arith.constant 0 : i32
    %swap3A_30 = arith.index_cast %swap3A_29 : i32 to index
    %swap3A_31 = arith.constant 112 : index
    %swap3A_32 = tpu.vector_load %arg9[%swap3A_30, %swap3A_31] {strides = array<i32>} : memref<16x128xf32, #tpu.memory_space<vmem>>, vector<16xf32>,
    tpu.vector_store %arg9[%swap3A_30, %swap3A_31], %broadcast_in_dim3A_1 {strides = array<i32>} : memref<16x128xf32, #tpu.memory_space<vmem>>, vector<16xf32>,
    %swap3A_33 = arith.constant 1 : i32
    %swap3A_34 = arith.index_cast %swap3A_33 : i32 to index
    %swap3A_35 = arith.constant 0 : index
    %swap3A_36 = tpu.vector_load %arg9[%swap3A_34, %swap3A_35] {strides = array<i32>} : memref<16x128xf32, #tpu.memory_space<vmem>>, vector<16xf32>,
    tpu.vector_store %arg9[%swap3A_34, %swap3A_35], %broadcast_in_dim3A_1 {strides = array<i32>} : memref<16x128xf32, #tpu.memory_space<vmem>>, vector<16xf32>,
    %swap3A_37 = arith.constant 1 : i32
    %swap3A_38 = arith.index_cast %swap3A_37 : i32 to index
    %swap3A_39 = arith.constant 16 : index
    %swap3A_40 = tpu.vector_load %arg9[%swap3A_38, %swap3A_39] {strides = array<i32>} : memref<16x128xf32, #tpu.memory_space<vmem>>, vector<16xf32>,
    tpu.vector_store %arg9[%swap3A_38, %swap3A_39], %broadcast_in_dim3A_1 {strides = array<i32>} : memref<16x128xf32, #tpu.memory_space<vmem>>, vector<16xf32>,
    %swap3A_41 = arith.constant 1 : i32
    %swap3A_42 = arith.index_cast %swap3A_41 : i32 to index
    %swap3A_43 = arith.constant 32 : index
    %swap3A_44 = tpu.vector_load %arg9[%swap3A_42, %swap3A_43] {strides = array<i32>} : memref<16x128xf32, #tpu.memory_space<vmem>>, vector<16xf32>,
    tpu.vector_store %arg9[%swap3A_42, %swap3A_43], %broadcast_in_dim3A_1 {strides = array<i32>} : memref<16x128xf32, #tpu.memory_space<vmem>>, vector<16xf32>,
    %swap3A_45 = arith.constant 1 : i32
    %swap3A_46 = arith.index_cast %swap3A_45 : i32 to index
    %swap3A_47 = arith.constant 48 : index
    %swap3A_48 = tpu.vector_load %arg9[%swap3A_46, %swap3A_47] {strides = array<i32>} : memref<16x128xf32, #tpu.memory_space<vmem>>, vector<16xf32>,
    tpu.vector_store %arg9[%swap3A_46, %swap3A_47], %broadcast_in_dim3A_1 {strides = array<i32>} : memref<16x128xf32, #tpu.memory_space<vmem>>, vector<16xf32>,
    %swap3A_49 = arith.constant 1 : i32
    %swap3A_50 = arith.index_cast %swap3A_49 : i32 to index
    %swap3A_51 = arith.constant 64 : index
    %swap3A_52 = tpu.vector_load %arg9[%swap3A_50, %swap3A_51] {strides = array<i32>} : memref<16x128xf32, #tpu.memory_space<vmem>>, vector<16xf32>,
    tpu.vector_store %arg9[%swap3A_50, %swap3A_51], %broadcast_in_dim3A_1 {strides = array<i32>} : memref<16x128xf32, #tpu.memory_space<vmem>>, vector<16xf32>,
    %swap3A_53 = arith.constant 1 : i32
    %swap3A_54 = arith.index_cast %swap3A_53 : i32 to index
    %swap3A_55 = arith.constant 80 : index
    %swap3A_56 = tpu.vector_load %arg9[%swap3A_54, %swap3A_55] {strides = array<i32>} : memref<16x128xf32, #tpu.memory_space<vmem>>, vector<16xf32>,
    tpu.vector_store %arg9[%swap3A_54, %swap3A_55], %broadcast_in_dim3A_1 {strides = array<i32>} : memref<16x128xf32, #tpu.memory_space<vmem>>, vector<16xf32>,
    %swap3A_57 = arith.constant 1 : i32
    %swap3A_58 = arith.index_cast %swap3A_57 : i32 to index
    %swap3A_59 = arith.constant 96 : index
    %swap3A_60 = tpu.vector_load %arg9[%swap3A_58, %swap3A_59] {strides = array<i32>} : memref<16x128xf32, #tpu.memory_space<vmem>>, vector<16xf32>,
    tpu.vector_store %arg9[%swap3A_58, %swap3A_59], %broadcast_in_dim3A_1 {strides = array<i32>} : memref<16x128xf32, #tpu.memory_space<vmem>>, vector<16xf32>,
    %swap3A_61 = arith.constant 1 : i32
    %swap3A_62 = arith.index_cast %swap3A_61 : i32 to index
    %swap3A_63 = arith.constant 112 : index
    %swap3A_64 = tpu.vector_load %arg9[%swap3A_62, %swap3A_63] {strides = array<i32>} : memref<16x128xf32, #tpu.memory_space<vmem>>, vector<16xf32>,
    tpu.vector_store %arg9[%swap3A_62, %swap3A_63], %broadcast_in_dim3A_1 {strides = array<i32>} : memref<16x128xf32, #tpu.memory_space<vmem>>, vector<16xf32>,
    %swap3A_65 = arith.constant 2 : i32
    %swap3A_66 = arith.index_cast %swap3A_65 : i32 to index
    %swap3A_67 = arith.constant 0 : index
    %swap3A_68 = tpu.vector_load %arg9[%swap3A_66, %swap3A_67] {strides = array<i32>} : memref<16x128xf32, #tpu.memory_space<vmem>>, vector<16xf32>,
    tpu.vector_store %arg9[%swap3A_66, %swap3A_67], %broadcast_in_dim3A_1 {strides = array<i32>} : memref<16x128xf32, #tpu.memory_space<vmem>>, vector<16xf32>,
    %swap3A_69 = arith.constant 2 : i32
    %swap3A_70 = arith.index_cast %swap3A_69 : i32 to index
    %swap3A_71 = arith.constant 16 : index
    %swap3A_72 = tpu.vector_load %arg9[%swap3A_70, %swap3A_71] {strides = array<i32>} : memref<16x128xf32, #tpu.memory_space<vmem>>, vector<16xf32>,
    tpu.vector_store %arg9[%swap3A_70, %swap3A_71], %broadcast_in_dim3A_1 {strides = array<i32>} : memref<16x128xf32, #tpu.memory_space<vmem>>, vector<16xf32>,
    %swap3A_73 = arith.constant 2 : i32
    %swap3A_74 = arith.index_cast %swap3A_73 : i32 to index
    %swap3A_75 = arith.constant 32 : index
    %swap3A_76 = tpu.vector_load %arg9[%swap3A_74, %swap3A_75] {strides = array<i32>} : memref<16x128xf32, #tpu.memory_space<vmem>>, vector<16xf32>,
    tpu.vector_store %arg9[%swap3A_74, %swap3A_75], %broadcast_in_dim3A_1 {strides = array<i32>} : memref<16x128xf32, #tpu.memory_space<vmem>>, vector<16xf32>,
    %swap3A_77 = arith.constant 2 : i32
    %swap3A_78 = arith.index_cast %swap3A_77 : i32 to index
    %swap3A_79 = arith.constant 48 : index
    %swap3A_80 = tpu.vector_load %arg9[%swap3A_78, %swap3A_79] {strides = array<i32>} : memref<16x128xf32, #tpu.memory_space<vmem>>, vector<16xf32>,
    tpu.vector_store %arg9[%swap3A_78, %swap3A_79], %broadcast_in_dim3A_1 {strides = array<i32>} : memref<16x128xf32, #tpu.memory_space<vmem>>, vector<16xf32>,
    %swap3A_81 = arith.constant 2 : i32
    %swap3A_82 = arith.index_cast %swap3A_81 : i32 to index
    %swap3A_83 = arith.constant 64 : index
    %swap3A_84 = tpu.vector_load %arg9[%swap3A_82, %swap3A_83] {strides = array<i32>} : memref<16x128xf32, #tpu.memory_space<vmem>>, vector<16xf32>,
    tpu.vector_store %arg9[%swap3A_82, %swap3A_83], %broadcast_in_dim3A_1 {strides = array<i32>} : memref<16x128xf32, #tpu.memory_space<vmem>>, vector<16xf32>,
    %swap3A_85 = arith.constant 2 : i32
    %swap3A_86 = arith.index_cast %swap3A_85 : i32 to index
    %swap3A_87 = arith.constant 80 : index
    %swap3A_88 = tpu.vector_load %arg9[%swap3A_86, %swap3A_87] {strides = array<i32>} : memref<16x128xf32, #tpu.memory_space<vmem>>, vector<16xf32>,
    tpu.vector_store %arg9[%swap3A_86, %swap3A_87], %broadcast_in_dim3A_1 {strides = array<i32>} : memref<16x128xf32, #tpu.memory_space<vmem>>, vector<16xf32>,
    %swap3A_89 = arith.constant 2 : i32
    %swap3A_90 = arith.index_cast %swap3A_89 : i32 to index
    %swap3A_91 = arith.constant 96 : index
    %swap3A_92 = tpu.vector_load %arg9[%swap3A_90, %swap3A_91] {strides = array<i32>} : memref<16x128xf32, #tpu.memory_space<vmem>>, vector<16xf32>,
    tpu.vector_store %arg9[%swap3A_90, %swap3A_91], %broadcast_in_dim3A_1 {strides = array<i32>} : memref<16x128xf32, #tpu.memory_space<vmem>>, vector<16xf32>,
    %swap3A_93 = arith.constant 2 : i32
    %swap3A_94 = arith.index_cast %swap3A_93 : i32 to index
    %swap3A_95 = arith.constant 112 : index
    %swap3A_96 = tpu.vector_load %arg9[%swap3A_94, %swap3A_95] {strides = array<i32>} : memref<16x128xf32, #tpu.memory_space<vmem>>, vector<16xf32>,
    tpu.vector_store %arg9[%swap3A_94, %swap3A_95], %broadcast_in_dim3A_1 {strides = array<i32>} : memref<16x128xf32, #tpu.memory_space<vmem>>, vector<16xf32>,
    %swap3A_97 = arith.constant 3 : i32
    %swap3A_98 = arith.index_cast %swap3A_97 : i32 to index
    %swap3A_99 = arith.constant 0 : index
    %swap3A_100 = tpu.vector_load %arg9[%swap3A_98, %swap3A_99] {strides = array<i32>} : memref<16x128xf32, #tpu.memory_space<vmem>>, vector<16xf32>,
    tpu.vector_store %arg9[%swap3A_98, %swap3A_99], %broadcast_in_dim3A_1 {strides = array<i32>} : memref<16x128xf32, #tpu.memory_space<vmem>>, vector<16xf32>,
    %swap3A_101 = arith.constant 3 : i32
    %swap3A_102 = arith.index_cast %swap3A_101 : i32 to index
    %swap3A_103 = arith.constant 16 : index
    %swap3A_104 = tpu.vector_load %arg9[%swap3A_102, %swap3A_103] {strides = array<i32>} : memref<16x128xf32, #tpu.memory_space<vmem>>, vector<16xf32>,
    tpu.vector_store %arg9[%swap3A_102, %swap3A_103], %broadcast_in_dim3A_1 {strides = array<i32>} : memref<16x128xf32, #tpu.memory_space<vmem>>, vector<16xf32>,
    %swap3A_105 = arith.constant 3 : i32
    %swap3A_106 = arith.index_cast %swap3A_105 : i32 to index
    %swap3A_107 = arith.constant 32 : index
    %swap3A_108 = tpu.vector_load %arg9[%swap3A_106, %swap3A_107] {strides = array<i32>} : memref<16x128xf32, #tpu.memory_space<vmem>>, vector<16xf32>,
    tpu.vector_store %arg9[%swap3A_106, %swap3A_107], %broadcast_in_dim3A_1 {strides = array<i32>} : memref<16x128xf32, #tpu.memory_space<vmem>>, vector<16xf32>,
    %swap3A_109 = arith.constant 3 : i32
    %swap3A_110 = arith.index_cast %swap3A_109 : i32 to index
    %swap3A_111 = arith.constant 48 : index
    %swap3A_112 = tpu.vector_load %arg9[%swap3A_110, %swap3A_111] {strides = array<i32>} : memref<16x128xf32, #tpu.memory_space<vmem>>, vector<16xf32>,
    tpu.vector_store %arg9[%swap3A_110, %swap3A_111], %broadcast_in_dim3A_1 {strides = array<i32>} : memref<16x128xf32, #tpu.memory_space<vmem>>, vector<16xf32>,
    %swap3A_113 = arith.constant 3 : i32
    %swap3A_114 = arith.index_cast %swap3A_113 : i32 to index
    %swap3A_115 = arith.constant 64 : index
    %swap3A_116 = tpu.vector_load %arg9[%swap3A_114, %swap3A_115] {strides = array<i32>} : memref<16x128xf32, #tpu.memory_space<vmem>>, vector<16xf32>,
    tpu.vector_store %arg9[%swap3A_114, %swap3A_115], %broadcast_in_dim3A_1 {strides = array<i32>} : memref<16x128xf32, #tpu.memory_space<vmem>>, vector<16xf32>,
    %swap3A_117 = arith.constant 3 : i32
    %swap3A_118 = arith.index_cast %swap3A_117 : i32 to index
    %swap3A_119 = arith.constant 80 : index
    %swap3A_120 = tpu.vector_load %arg9[%swap3A_118, %swap3A_119] {strides = array<i32>} : memref<16x128xf32, #tpu.memory_space<vmem>>, vector<16xf32>,
    tpu.vector_store %arg9[%swap3A_118, %swap3A_119], %broadcast_in_dim3A_1 {strides = array<i32>} : memref<16x128xf32, #tpu.memory_space<vmem>>, vector<16xf32>,
    %swap3A_121 = arith.constant 3 : i32
    %swap3A_122 = arith.index_cast %swap3A_121 : i32 to index
    %swap3A_123 = arith.constant 96 : index
    %swap3A_124 = tpu.vector_load %arg9[%swap3A_122, %swap3A_123] {strides = array<i32>} : memref<16x128xf32, #tpu.memory_space<vmem>>, vector<16xf32>,
    tpu.vector_store %arg9[%swap3A_122, %swap3A_123], %broadcast_in_dim3A_1 {strides = array<i32>} : memref<16x128xf32, #tpu.memory_space<vmem>>, vector<16xf32>,
    %swap3A_125 = arith.constant 3 : i32
    %swap3A_126 = arith.index_cast %swap3A_125 : i32 to index
    %swap3A_127 = arith.constant 112 : index
    %swap3A_128 = tpu.vector_load %arg9[%swap3A_126, %swap3A_127] {strides = array<i32>} : memref<16x128xf32, #tpu.memory_space<vmem>>, vector<16xf32>,
    tpu.vector_store %arg9[%swap3A_126, %swap3A_127], %broadcast_in_dim3A_1 {strides = array<i32>} : memref<16x128xf32, #tpu.memory_space<vmem>>, vector<16xf32>,
    %swap3A_129 = arith.constant 4 : i32
    %swap3A_130 = arith.index_cast %swap3A_129 : i32 to index
    %swap3A_131 = arith.constant 0 : index
    %swap3A_132 = tpu.vector_load %arg9[%swap3A_130, %swap3A_131] {strides = array<i32>} : memref<16x128xf32, #tpu.memory_space<vmem>>, vector<16xf32>,
    tpu.vector_store %arg9[%swap3A_130, %swap3A_131], %broadcast_in_dim3A_1 {strides = array<i32>} : memref<16x128xf32, #tpu.memory_space<vmem>>, vector<16xf32>,
    %swap3A_133 = arith.constant 4 : i32
    %swap3A_134 = arith.index_cast %swap3A_133 : i32 to index
    %swap3A_135 = arith.constant 16 : index
    %swap3A_136 = tpu.vector_load %arg9[%swap3A_134, %swap3A_135] {strides = array<i32>} : memref<16x128xf32, #tpu.memory_space<vmem>>, vector<16xf32>,
    tpu.vector_store %arg9[%swap3A_134, %swap3A_135], %broadcast_in_dim3A_1 {strides = array<i32>} : memref<16x128xf32, #tpu.memory_space<vmem>>, vector<16xf32>,
    %swap3A_137 = arith.constant 4 : i32
    %swap3A_138 = arith.index_cast %swap3A_137 : i32 to index
    %swap3A_139 = arith.constant 32 : index
    %swap3A_140 = tpu.vector_load %arg9[%swap3A_138, %swap3A_139] {strides = array<i32>} : memref<16x128xf32, #tpu.memory_space<vmem>>, vector<16xf32>,
    tpu.vector_store %arg9[%swap3A_138, %swap3A_139], %broadcast_in_dim3A_1 {strides = array<i32>} : memref<16x128xf32, #tpu.memory_space<vmem>>, vector<16xf32>,
    %swap3A_141 = arith.constant 4 : i32
    %swap3A_142 = arith.index_cast %swap3A_141 : i32 to index
    %swap3A_143 = arith.constant 48 : index
    %swap3A_144 = tpu.vector_load %arg9[%swap3A_142, %swap3A_143] {strides = array<i32>} : memref<16x128xf32, #tpu.memory_space<vmem>>, vector<16xf32>,
    tpu.vector_store %arg9[%swap3A_142, %swap3A_143], %broadcast_in_dim3A_1 {strides = array<i32>} : memref<16x128xf32, #tpu.memory_space<vmem>>, vector<16xf32>,
    %swap3A_145 = arith.constant 4 : i32
    %swap3A_146 = arith.index_cast %swap3A_145 : i32 to index
    %swap3A_147 = arith.constant 64 : index
    %swap3A_148 = tpu.vector_load %arg9[%swap3A_146, %swap3A_147] {strides = array<i32>} : memref<16x128xf32, #tpu.memory_space<vmem>>, vector<16xf32>,
    tpu.vector_store %arg9[%swap3A_146, %swap3A_147], %broadcast_in_dim3A_1 {strides = array<i32>} : memref<16x128xf32, #tpu.memory_space<vmem>>, vector<16xf32>,
    %swap3A_149 = arith.constant 4 : i32
    %swap3A_150 = arith.index_cast %swap3A_149 : i32 to index
    %swap3A_151 = arith.constant 80 : index
    %swap3A_152 = tpu.vector_load %arg9[%swap3A_150, %swap3A_151] {strides = array<i32>} : memref<16x128xf32, #tpu.memory_space<vmem>>, vector<16xf32>,
    tpu.vector_store %arg9[%swap3A_150, %swap3A_151], %broadcast_in_dim3A_1 {strides = array<i32>} : memref<16x128xf32, #tpu.memory_space<vmem>>, vector<16xf32>,
    %swap3A_153 = arith.constant 4 : i32
    %swap3A_154 = arith.index_cast %swap3A_153 : i32 to index
    %swap3A_155 = arith.constant 96 : index
    %swap3A_156 = tpu.vector_load %arg9[%swap3A_154, %swap3A_155] {strides = array<i32>} : memref<16x128xf32, #tpu.memory_space<vmem>>, vector<16xf32>,
    tpu.vector_store %arg9[%swap3A_154, %swap3A_155], %broadcast_in_dim3A_1 {strides = array<i32>} : memref<16x128xf32, #tpu.memory_space<vmem>>, vector<16xf32>,
    %swap3A_157 = arith.constant 4 : i32
    %swap3A_158 = arith.index_cast %swap3A_157 : i32 to index
    %swap3A_159 = arith.constant 112 : index
    %swap3A_160 = tpu.vector_load %arg9[%swap3A_158, %swap3A_159] {strides = array<i32>} : memref<16x128xf32, #tpu.memory_space<vmem>>, vector<16xf32>,
    tpu.vector_store %arg9[%swap3A_158, %swap3A_159], %broadcast_in_dim3A_1 {strides = array<i32>} : memref<16x128xf32, #tpu.memory_space<vmem>>, vector<16xf32>,
    %swap3A_161 = arith.constant 5 : i32
    %swap3A_162 = arith.index_cast %swap3A_161 : i32 to index
    %swap3A_163 = arith.constant 0 : index
    %swap3A_164 = tpu.vector_load %arg9[%swap3A_162, %swap3A_163] {strides = array<i32>} : memref<16x128xf32, #tpu.memory_space<vmem>>, vector<16xf32>,
    tpu.vector_store %arg9[%swap3A_162, %swap3A_163], %broadcast_in_dim3A_1 {strides = array<i32>} : memref<16x128xf32, #tpu.memory_space<vmem>>, vector<16xf32>,
    %swap3A_165 = arith.constant 5 : i32
    %swap3A_166 = arith.index_cast %swap3A_165 : i32 to index
    %swap3A_167 = arith.constant 16 : index
    %swap3A_168 = tpu.vector_load %arg9[%swap3A_166, %swap3A_167] {strides = array<i32>} : memref<16x128xf32, #tpu.memory_space<vmem>>, vector<16xf32>,
    tpu.vector_store %arg9[%swap3A_166, %swap3A_167], %broadcast_in_dim3A_1 {strides = array<i32>} : memref<16x128xf32, #tpu.memory_space<vmem>>, vector<16xf32>,
    %swap3A_169 = arith.constant 5 : i32
    %swap3A_170 = arith.index_cast %swap3A_169 : i32 to index
    %swap3A_171 = arith.constant 32 : index
    %swap3A_172 = tpu.vector_load %arg9[%swap3A_170, %swap3A_171] {strides = array<i32>} : memref<16x128xf32, #tpu.memory_space<vmem>>, vector<16xf32>,
    tpu.vector_store %arg9[%swap3A_170, %swap3A_171], %broadcast_in_dim3A_1 {strides = array<i32>} : memref<16x128xf32, #tpu.memory_space<vmem>>, vector<16xf32>,
    %swap3A_173 = arith.constant 5 : i32
    %swap3A_174 = arith.index_cast %swap3A_173 : i32 to index
    %swap3A_175 = arith.constant 48 : index
    %swap3A_176 = tpu.vector_load %arg9[%swap3A_174, %swap3A_175] {strides = array<i32>} : memref<16x128xf32, #tpu.memory_space<vmem>>, vector<16xf32>,
    tpu.vector_store %arg9[%swap3A_174, %swap3A_175], %broadcast_in_dim3A_1 {strides = array<i32>} : memref<16x128xf32, #tpu.memory_space<vmem>>, vector<16xf32>,
    %swap3A_177 = arith.constant 5 : i32
    %swap3A_178 = arith.index_cast %swap3A_177 : i32 to index
    %swap3A_179 = arith.constant 64 : index
    %swap3A_180 = tpu.vector_load %arg9[%swap3A_178, %swap3A_179] {strides = array<i32>} : memref<16x128xf32, #tpu.memory_space<vmem>>, vector<16xf32>,
    tpu.vector_store %arg9[%swap3A_178, %swap3A_179], %broadcast_in_dim3A_1 {strides = array<i32>} : memref<16x128xf32, #tpu.memory_space<vmem>>, vector<16xf32>,
    %swap3A_181 = arith.constant 5 : i32
    %swap3A_182 = arith.index_cast %swap3A_181 : i32 to index
    %swap3A_183 = arith.constant 80 : index
    %swap3A_184 = tpu.vector_load %arg9[%swap3A_182, %swap3A_183] {strides = array<i32>} : memref<16x128xf32, #tpu.memory_space<vmem>>, vector<16xf32>,
    tpu.vector_store %arg9[%swap3A_182, %swap3A_183], %broadcast_in_dim3A_1 {strides = array<i32>} : memref<16x128xf32, #tpu.memory_space<vmem>>, vector<16xf32>,
    %swap3A_185 = arith.constant 5 : i32
    %swap3A_186 = arith.index_cast %swap3A_185 : i32 to index
    %swap3A_187 = arith.constant 96 : index
    %swap3A_188 = tpu.vector_load %arg9[%swap3A_186, %swap3A_187] {strides = array<i32>} : memref<16x128xf32, #tpu.memory_space<vmem>>, vector<16xf32>,
    tpu.vector_store %arg9[%swap3A_186, %swap3A_187], %broadcast_in_dim3A_1 {strides = array<i32>} : memref<16x128xf32, #tpu.memory_space<vmem>>, vector<16xf32>,
    %swap3A_189 = arith.constant 5 : i32
    %swap3A_190 = arith.index_cast %swap3A_189 : i32 to index
    %swap3A_191 = arith.constant 112 : index
    %swap3A_192 = tpu.vector_load %arg9[%swap3A_190, %swap3A_191] {strides = array<i32>} : memref<16x128xf32, #tpu.memory_space<vmem>>, vector<16xf32>,
    tpu.vector_store %arg9[%swap3A_190, %swap3A_191], %broadcast_in_dim3A_1 {strides = array<i32>} : memref<16x128xf32, #tpu.memory_space<vmem>>, vector<16xf32>,
    %swap3A_193 = arith.constant 6 : i32
    %swap3A_194 = arith.index_cast %swap3A_193 : i32 to index
    %swap3A_195 = arith.constant 0 : index
    %swap3A_196 = tpu.vector_load %arg9[%swap3A_194, %swap3A_195] {strides = array<i32>} : memref<16x128xf32, #tpu.memory_space<vmem>>, vector<16xf32>,
    tpu.vector_store %arg9[%swap3A_194, %swap3A_195], %broadcast_in_dim3A_1 {strides = array<i32>} : memref<16x128xf32, #tpu.memory_space<vmem>>, vector<16xf32>,
    %swap3A_197 = arith.constant 6 : i32
    %swap3A_198 = arith.index_cast %swap3A_197 : i32 to index
    %swap3A_199 = arith.constant 16 : index
    %swap3A_200 = tpu.vector_load %arg9[%swap3A_198, %swap3A_199] {strides = array<i32>} : memref<16x128xf32, #tpu.memory_space<vmem>>, vector<16xf32>,
    tpu.vector_store %arg9[%swap3A_198, %swap3A_199], %broadcast_in_dim3A_1 {strides = array<i32>} : memref<16x128xf32, #tpu.memory_space<vmem>>, vector<16xf32>,
    %swap3A_201 = arith.constant 6 : i32
    %swap3A_202 = arith.index_cast %swap3A_201 : i32 to index
    %swap3A_203 = arith.constant 32 : index
    %swap3A_204 = tpu.vector_load %arg9[%swap3A_202, %swap3A_203] {strides = array<i32>} : memref<16x128xf32, #tpu.memory_space<vmem>>, vector<16xf32>,
    tpu.vector_store %arg9[%swap3A_202, %swap3A_203], %broadcast_in_dim3A_1 {strides = array<i32>} : memref<16x128xf32, #tpu.memory_space<vmem>>, vector<16xf32>,
    %swap3A_205 = arith.constant 6 : i32
    %swap3A_206 = arith.index_cast %swap3A_205 : i32 to index
    %swap3A_207 = arith.constant 48 : index
    %swap3A_208 = tpu.vector_load %arg9[%swap3A_206, %swap3A_207] {strides = array<i32>} : memref<16x128xf32, #tpu.memory_space<vmem>>, vector<16xf32>,
    tpu.vector_store %arg9[%swap3A_206, %swap3A_207], %broadcast_in_dim3A_1 {strides = array<i32>} : memref<16x128xf32, #tpu.memory_space<vmem>>, vector<16xf32>,
    %swap3A_209 = arith.constant 6 : i32
    %swap3A_210 = arith.index_cast %swap3A_209 : i32 to index
    %swap3A_211 = arith.constant 64 : index
    %swap3A_212 = tpu.vector_load %arg9[%swap3A_210, %swap3A_211] {strides = array<i32>} : memref<16x128xf32, #tpu.memory_space<vmem>>, vector<16xf32>,
    tpu.vector_store %arg9[%swap3A_210, %swap3A_211], %broadcast_in_dim3A_1 {strides = array<i32>} : memref<16x128xf32, #tpu.memory_space<vmem>>, vector<16xf32>,
    %swap3A_213 = arith.constant 6 : i32
    %swap3A_214 = arith.index_cast %swap3A_213 : i32 to index
    %swap3A_215 = arith.constant 80 : index
    %swap3A_216 = tpu.vector_load %arg9[%swap3A_214, %swap3A_215] {strides = array<i32>} : memref<16x128xf32, #tpu.memory_space<vmem>>, vector<16xf32>,
    tpu.vector_store %arg9[%swap3A_214, %swap3A_215], %broadcast_in_dim3A_1 {strides = array<i32>} : memref<16x128xf32, #tpu.memory_space<vmem>>, vector<16xf32>,
    %swap3A_217 = arith.constant 6 : i32
    %swap3A_218 = arith.index_cast %swap3A_217 : i32 to index
    %swap3A_219 = arith.constant 96 : index
    %swap3A_220 = tpu.vector_load %arg9[%swap3A_218, %swap3A_219] {strides = array<i32>} : memref<16x128xf32, #tpu.memory_space<vmem>>, vector<16xf32>,
    tpu.vector_store %arg9[%swap3A_218, %swap3A_219], %broadcast_in_dim3A_1 {strides = array<i32>} : memref<16x128xf32, #tpu.memory_space<vmem>>, vector<16xf32>,
    %swap3A_221 = arith.constant 6 : i32
    %swap3A_222 = arith.index_cast %swap3A_221 : i32 to index
    %swap3A_223 = arith.constant 112 : index
    %swap3A_224 = tpu.vector_load %arg9[%swap3A_222, %swap3A_223] {strides = array<i32>} : memref<16x128xf32, #tpu.memory_space<vmem>>, vector<16xf32>,
    tpu.vector_store %arg9[%swap3A_222, %swap3A_223], %broadcast_in_dim3A_1 {strides = array<i32>} : memref<16x128xf32, #tpu.memory_space<vmem>>, vector<16xf32>,
    %swap3A_225 = arith.constant 7 : i32
    %swap3A_226 = arith.index_cast %swap3A_225 : i32 to index
    %swap3A_227 = arith.constant 0 : index
    %swap3A_228 = tpu.vector_load %arg9[%swap3A_226, %swap3A_227] {strides = array<i32>} : memref<16x128xf32, #tpu.memory_space<vmem>>, vector<16xf32>,
    tpu.vector_store %arg9[%swap3A_226, %swap3A_227], %broadcast_in_dim3A_1 {strides = array<i32>} : memref<16x128xf32, #tpu.memory_space<vmem>>, vector<16xf32>,
    %swap3A_229 = arith.constant 7 : i32
    %swap3A_230 = arith.index_cast %swap3A_229 : i32 to index
    %swap3A_231 = arith.constant 16 : index
    %swap3A_232 = tpu.vector_load %arg9[%swap3A_230, %swap3A_231] {strides = array<i32>} : memref<16x128xf32, #tpu.memory_space<vmem>>, vector<16xf32>,
    tpu.vector_store %arg9[%swap3A_230, %swap3A_231], %broadcast_in_dim3A_1 {strides = array<i32>} : memref<16x128xf32, #tpu.memory_space<vmem>>, vector<16xf32>,
    %swap3A_233 = arith.constant 7 : i32
    %swap3A_234 = arith.index_cast %swap3A_233 : i32 to index
    %swap3A_235 = arith.constant 32 : index
    %swap3A_236 = tpu.vector_load %arg9[%swap3A_234, %swap3A_235] {strides = array<i32>} : memref<16x128xf32, #tpu.memory_space<vmem>>, vector<16xf32>,
    tpu.vector_store %arg9[%swap3A_234, %swap3A_235], %broadcast_in_dim3A_1 {strides = array<i32>} : memref<16x128xf32, #tpu.memory_space<vmem>>, vector<16xf32>,
    %swap3A_237 = arith.constant 7 : i32
    %swap3A_238 = arith.index_cast %swap3A_237 : i32 to index
    %swap3A_239 = arith.constant 48 : index
    %swap3A_240 = tpu.vector_load %arg9[%swap3A_238, %swap3A_239] {strides = array<i32>} : memref<16x128xf32, #tpu.memory_space<vmem>>, vector<16xf32>,
    tpu.vector_store %arg9[%swap3A_238, %swap3A_239], %broadcast_in_dim3A_1 {strides = array<i32>} : memref<16x128xf32, #tpu.memory_space<vmem>>, vector<16xf32>,
    %swap3A_241 = arith.constant 7 : i32
    %swap3A_242 = arith.index_cast %swap3A_241 : i32 to index
    %swap3A_243 = arith.constant 64 : index
    %swap3A_244 = tpu.vector_load %arg9[%swap3A_242, %swap3A_243] {strides = array<i32>} : memref<16x128xf32, #tpu.memory_space<vmem>>, vector<16xf32>,
    tpu.vector_store %arg9[%swap3A_242, %swap3A_243], %broadcast_in_dim3A_1 {strides = array<i32>} : memref<16x128xf32, #tpu.memory_space<vmem>>, vector<16xf32>,
    %swap3A_245 = arith.constant 7 : i32
    %swap3A_246 = arith.index_cast %swap3A_245 : i32 to index
    %swap3A_247 = arith.constant 80 : index
    %swap3A_248 = tpu.vector_load %arg9[%swap3A_246, %swap3A_247] {strides = array<i32>} : memref<16x128xf32, #tpu.memory_space<vmem>>, vector<16xf32>,
    tpu.vector_store %arg9[%swap3A_246, %swap3A_247], %broadcast_in_dim3A_1 {strides = array<i32>} : memref<16x128xf32, #tpu.memory_space<vmem>>, vector<16xf32>,
    %swap3A_249 = arith.constant 7 : i32
    %swap3A_250 = arith.index_cast %swap3A_249 : i32 to index
    %swap3A_251 = arith.constant 96 : index
    %swap3A_252 = tpu.vector_load %arg9[%swap3A_250, %swap3A_251] {strides = array<i32>} : memref<16x128xf32, #tpu.memory_space<vmem>>, vector<16xf32>,
    tpu.vector_store %arg9[%swap3A_250, %swap3A_251], %broadcast_in_dim3A_1 {strides = array<i32>} : memref<16x128xf32, #tpu.memory_space<vmem>>, vector<16xf32>,
    %swap3A_253 = arith.constant 7 : i32
    %swap3A_254 = arith.index_cast %swap3A_253 : i32 to index
    %swap3A_255 = arith.constant 112 : index
    %swap3A_256 = tpu.vector_load %arg9[%swap3A_254, %swap3A_255] {strides = array<i32>} : memref<16x128xf32, #tpu.memory_space<vmem>>, vector<16xf32>,
    tpu.vector_store %arg9[%swap3A_254, %swap3A_255], %broadcast_in_dim3A_1 {strides = array<i32>} : memref<16x128xf32, #tpu.memory_space<vmem>>, vector<16xf32>,
    %swap3A_257 = arith.constant 8 : i32
    %swap3A_258 = arith.index_cast %swap3A_257 : i32 to index
    %swap3A_259 = arith.constant 0 : index
    %swap3A_260 = tpu.vector_load %arg9[%swap3A_258, %swap3A_259] {strides = array<i32>} : memref<16x128xf32, #tpu.memory_space<vmem>>, vector<16xf32>,
    tpu.vector_store %arg9[%swap3A_258, %swap3A_259], %broadcast_in_dim3A_1 {strides = array<i32>} : memref<16x128xf32, #tpu.memory_space<vmem>>, vector<16xf32>,
    %swap3A_261 = arith.constant 8 : i32
    %swap3A_262 = arith.index_cast %swap3A_261 : i32 to index
    %swap3A_263 = arith.constant 16 : index
    %swap3A_264 = tpu.vector_load %arg9[%swap3A_262, %swap3A_263] {strides = array<i32>} : memref<16x128xf32, #tpu.memory_space<vmem>>, vector<16xf32>,
    tpu.vector_store %arg9[%swap3A_262, %swap3A_263], %broadcast_in_dim3A_1 {strides = array<i32>} : memref<16x128xf32, #tpu.memory_space<vmem>>, vector<16xf32>,
    %swap3A_265 = arith.constant 8 : i32
    %swap3A_266 = arith.index_cast %swap3A_265 : i32 to index
    %swap3A_267 = arith.constant 32 : index
    %swap3A_268 = tpu.vector_load %arg9[%swap3A_266, %swap3A_267] {strides = array<i32>} : memref<16x128xf32, #tpu.memory_space<vmem>>, vector<16xf32>,
    tpu.vector_store %arg9[%swap3A_266, %swap3A_267], %broadcast_in_dim3A_1 {strides = array<i32>} : memref<16x128xf32, #tpu.memory_space<vmem>>, vector<16xf32>,
    %swap3A_269 = arith.constant 8 : i32
    %swap3A_270 = arith.index_cast %swap3A_269 : i32 to index
    %swap3A_271 = arith.constant 48 : index
    %swap3A_272 = tpu.vector_load %arg9[%swap3A_270, %swap3A_271] {strides = array<i32>} : memref<16x128xf32, #tpu.memory_space<vmem>>, vector<16xf32>,
    tpu.vector_store %arg9[%swap3A_270, %swap3A_271], %broadcast_in_dim3A_1 {strides = array<i32>} : memref<16x128xf32, #tpu.memory_space<vmem>>, vector<16xf32>,
    %swap3A_273 = arith.constant 8 : i32
    %swap3A_274 = arith.index_cast %swap3A_273 : i32 to index
    %swap3A_275 = arith.constant 64 : index
    %swap3A_276 = tpu.vector_load %arg9[%swap3A_274, %swap3A_275] {strides = array<i32>} : memref<16x128xf32, #tpu.memory_space<vmem>>, vector<16xf32>,
    tpu.vector_store %arg9[%swap3A_274, %swap3A_275], %broadcast_in_dim3A_1 {strides = array<i32>} : memref<16x128xf32, #tpu.memory_space<vmem>>, vector<16xf32>,
    %swap3A_277 = arith.constant 8 : i32
    %swap3A_278 = arith.index_cast %swap3A_277 : i32 to index
    %swap3A_279 = arith.constant 80 : index
    %swap3A_280 = tpu.vector_load %arg9[%swap3A_278, %swap3A_279] {strides = array<i32>} : memref<16x128xf32, #tpu.memory_space<vmem>>, vector<16xf32>,
    tpu.vector_store %arg9[%swap3A_278, %swap3A_279], %broadcast_in_dim3A_1 {strides = array<i32>} : memref<16x128xf32, #tpu.memory_space<vmem>>, vector<16xf32>,
    %swap3A_281 = arith.constant 8 : i32
    %swap3A_282 = arith.index_cast %swap3A_281 : i32 to index
    %swap3A_283 = arith.constant 96 : index
    %swap3A_284 = tpu.vector_load %arg9[%swap3A_282, %swap3A_283] {strides = array<i32>} : memref<16x128xf32, #tpu.memory_space<vmem>>, vector<16xf32>,
    tpu.vector_store %arg9[%swap3A_282, %swap3A_283], %broadcast_in_dim3A_1 {strides = array<i32>} : memref<16x128xf32, #tpu.memory_space<vmem>>, vector<16xf32>,
    %swap3A_285 = arith.constant 8 : i32
    %swap3A_286 = arith.index_cast %swap3A_285 : i32 to index
    %swap3A_287 = arith.constant 112 : index
    %swap3A_288 = tpu.vector_load %arg9[%swap3A_286, %swap3A_287] {strides = array<i32>} : memref<16x128xf32, #tpu.memory_space<vmem>>, vector<16xf32>,
    tpu.vector_store %arg9[%swap3A_286, %swap3A_287], %broadcast_in_dim3A_1 {strides = array<i32>} : memref<16x128xf32, #tpu.memory_space<vmem>>, vector<16xf32>,
    %swap3A_289 = arith.constant 9 : i32
    %swap3A_290 = arith.index_cast %swap3A_289 : i32 to index
    %swap3A_291 = arith.constant 0 : index
    %swap3A_292 = tpu.vector_load %arg9[%swap3A_290, %swap3A_291] {strides = array<i32>} : memref<16x128xf32, #tpu.memory_space<vmem>>, vector<16xf32>,
    tpu.vector_store %arg9[%swap3A_290, %swap3A_291], %broadcast_in_dim3A_1 {strides = array<i32>} : memref<16x128xf32, #tpu.memory_space<vmem>>, vector<16xf32>,
    %swap3A_293 = arith.constant 9 : i32
    %swap3A_294 = arith.index_cast %swap3A_293 : i32 to index
    %swap3A_295 = arith.constant 16 : index
    %swap3A_296 = tpu.vector_load %arg9[%swap3A_294, %swap3A_295] {strides = array<i32>} : memref<16x128xf32, #tpu.memory_space<vmem>>, vector<16xf32>,
    tpu.vector_store %arg9[%swap3A_294, %swap3A_295], %broadcast_in_dim3A_1 {strides = array<i32>} : memref<16x128xf32, #tpu.memory_space<vmem>>, vector<16xf32>,
    %swap3A_297 = arith.constant 9 : i32
    %swap3A_298 = arith.index_cast %swap3A_297 : i32 to index
    %swap3A_299 = arith.constant 32 : index
    %swap3A_300 = tpu.vector_load %arg9[%swap3A_298, %swap3A_299] {strides = array<i32>} : memref<16x128xf32, #tpu.memory_space<vmem>>, vector<16xf32>,
    tpu.vector_store %arg9[%swap3A_298, %swap3A_299], %broadcast_in_dim3A_1 {strides = array<i32>} : memref<16x128xf32, #tpu.memory_space<vmem>>, vector<16xf32>,
    %swap3A_301 = arith.constant 9 : i32
    %swap3A_302 = arith.index_cast %swap3A_301 : i32 to index
    %swap3A_303 = arith.constant 48 : index
    %swap3A_304 = tpu.vector_load %arg9[%swap3A_302, %swap3A_303] {strides = array<i32>} : memref<16x128xf32, #tpu.memory_space<vmem>>, vector<16xf32>,
    tpu.vector_store %arg9[%swap3A_302, %swap3A_303], %broadcast_in_dim3A_1 {strides = array<i32>} : memref<16x128xf32, #tpu.memory_space<vmem>>, vector<16xf32>,
    %swap3A_305 = arith.constant 9 : i32
    %swap3A_306 = arith.index_cast %swap3A_305 : i32 to index
    %swap3A_307 = arith.constant 64 : index
    %swap3A_308 = tpu.vector_load %arg9[%swap3A_306, %swap3A_307] {strides = array<i32>} : memref<16x128xf32, #tpu.memory_space<vmem>>, vector<16xf32>,
    tpu.vector_store %arg9[%swap3A_306, %swap3A_307], %broadcast_in_dim3A_1 {strides = array<i32>} : memref<16x128xf32, #tpu.memory_space<vmem>>, vector<16xf32>,
    %swap3A_309 = arith.constant 9 : i32
    %swap3A_310 = arith.index_cast %swap3A_309 : i32 to index
    %swap3A_311 = arith.constant 80 : index
    %swap3A_312 = tpu.vector_load %arg9[%swap3A_310, %swap3A_311] {strides = array<i32>} : memref<16x128xf32, #tpu.memory_space<vmem>>, vector<16xf32>,
    tpu.vector_store %arg9[%swap3A_310, %swap3A_311], %broadcast_in_dim3A_1 {strides = array<i32>} : memref<16x128xf32, #tpu.memory_space<vmem>>, vector<16xf32>,
    %swap3A_313 = arith.constant 9 : i32
    %swap3A_314 = arith.index_cast %swap3A_313 : i32 to index
    %swap3A_315 = arith.constant 96 : index
    %swap3A_316 = tpu.vector_load %arg9[%swap3A_314, %swap3A_315] {strides = array<i32>} : memref<16x128xf32, #tpu.memory_space<vmem>>, vector<16xf32>,
    tpu.vector_store %arg9[%swap3A_314, %swap3A_315], %broadcast_in_dim3A_1 {strides = array<i32>} : memref<16x128xf32, #tpu.memory_space<vmem>>, vector<16xf32>,
    %swap3A_317 = arith.constant 9 : i32
    %swap3A_318 = arith.index_cast %swap3A_317 : i32 to index
    %swap3A_319 = arith.constant 112 : index
    %swap3A_320 = tpu.vector_load %arg9[%swap3A_318, %swap3A_319] {strides = array<i32>} : memref<16x128xf32, #tpu.memory_space<vmem>>, vector<16xf32>,
    tpu.vector_store %arg9[%swap3A_318, %swap3A_319], %broadcast_in_dim3A_1 {strides = array<i32>} : memref<16x128xf32, #tpu.memory_space<vmem>>, vector<16xf32>,
    %swap3A_321 = arith.constant 10 : i32
    %swap3A_322 = arith.index_cast %swap3A_321 : i32 to index
    %swap3A_323 = arith.constant 0 : index
    %swap3A_324 = tpu.vector_load %arg9[%swap3A_322, %swap3A_323] {strides = array<i32>} : memref<16x128xf32, #tpu.memory_space<vmem>>, vector<16xf32>,
    tpu.vector_store %arg9[%swap3A_322, %swap3A_323], %broadcast_in_dim3A_1 {strides = array<i32>} : memref<16x128xf32, #tpu.memory_space<vmem>>, vector<16xf32>,
    %swap3A_325 = arith.constant 10 : i32
    %swap3A_326 = arith.index_cast %swap3A_325 : i32 to index
    %swap3A_327 = arith.constant 16 : index
    %swap3A_328 = tpu.vector_load %arg9[%swap3A_326, %swap3A_327] {strides = array<i32>} : memref<16x128xf32, #tpu.memory_space<vmem>>, vector<16xf32>,
    tpu.vector_store %arg9[%swap3A_326, %swap3A_327], %broadcast_in_dim3A_1 {strides = array<i32>} : memref<16x128xf32, #tpu.memory_space<vmem>>, vector<16xf32>,
    %swap3A_329 = arith.constant 10 : i32
    %swap3A_330 = arith.index_cast %swap3A_329 : i32 to index
    %swap3A_331 = arith.constant 32 : index
    %swap3A_332 = tpu.vector_load %arg9[%swap3A_330, %swap3A_331] {strides = array<i32>} : memref<16x128xf32, #tpu.memory_space<vmem>>, vector<16xf32>,
    tpu.vector_store %arg9[%swap3A_330, %swap3A_331], %broadcast_in_dim3A_1 {strides = array<i32>} : memref<16x128xf32, #tpu.memory_space<vmem>>, vector<16xf32>,
    %swap3A_333 = arith.constant 10 : i32
    %swap3A_334 = arith.index_cast %swap3A_333 : i32 to index
    %swap3A_335 = arith.constant 48 : index
    %swap3A_336 = tpu.vector_load %arg9[%swap3A_334, %swap3A_335] {strides = array<i32>} : memref<16x128xf32, #tpu.memory_space<vmem>>, vector<16xf32>,
    tpu.vector_store %arg9[%swap3A_334, %swap3A_335], %broadcast_in_dim3A_1 {strides = array<i32>} : memref<16x128xf32, #tpu.memory_space<vmem>>, vector<16xf32>,
    %swap3A_337 = arith.constant 10 : i32
    %swap3A_338 = arith.index_cast %swap3A_337 : i32 to index
    %swap3A_339 = arith.constant 64 : index
    %swap3A_340 = tpu.vector_load %arg9[%swap3A_338, %swap3A_339] {strides = array<i32>} : memref<16x128xf32, #tpu.memory_space<vmem>>, vector<16xf32>,
    tpu.vector_store %arg9[%swap3A_338, %swap3A_339], %broadcast_in_dim3A_1 {strides = array<i32>} : memref<16x128xf32, #tpu.memory_space<vmem>>, vector<16xf32>,
    %swap3A_341 = arith.constant 10 : i32
    %swap3A_342 = arith.index_cast %swap3A_341 : i32 to index
    %swap3A_343 = arith.constant 80 : index
    %swap3A_344 = tpu.vector_load %arg9[%swap3A_342, %swap3A_343] {strides = array<i32>} : memref<16x128xf32, #tpu.memory_space<vmem>>, vector<16xf32>,
    tpu.vector_store %arg9[%swap3A_342, %swap3A_343], %broadcast_in_dim3A_1 {strides = array<i32>} : memref<16x128xf32, #tpu.memory_space<vmem>>, vector<16xf32>,
    %swap3A_345 = arith.constant 10 : i32
    %swap3A_346 = arith.index_cast %swap3A_345 : i32 to index
    %swap3A_347 = arith.constant 96 : index
    %swap3A_348 = tpu.vector_load %arg9[%swap3A_346, %swap3A_347] {strides = array<i32>} : memref<16x128xf32, #tpu.memory_space<vmem>>, vector<16xf32>,
    tpu.vector_store %arg9[%swap3A_346, %swap3A_347], %broadcast_in_dim3A_1 {strides = array<i32>} : memref<16x128xf32, #tpu.memory_space<vmem>>, vector<16xf32>,
    %swap3A_349 = arith.constant 10 : i32
    %swap3A_350 = arith.index_cast %swap3A_349 : i32 to index
    %swap3A_351 = arith.constant 112 : index
    %swap3A_352 = tpu.vector_load %arg9[%swap3A_350, %swap3A_351] {strides = array<i32>} : memref<16x128xf32, #tpu.memory_space<vmem>>, vector<16xf32>,
    tpu.vector_store %arg9[%swap3A_350, %swap3A_351], %broadcast_in_dim3A_1 {strides = array<i32>} : memref<16x128xf32, #tpu.memory_space<vmem>>, vector<16xf32>,
    %swap3A_353 = arith.constant 11 : i32
    %swap3A_354 = arith.index_cast %swap3A_353 : i32 to index
    %swap3A_355 = arith.constant 0 : index
    %swap3A_356 = tpu.vector_load %arg9[%swap3A_354, %swap3A_355] {strides = array<i32>} : memref<16x128xf32, #tpu.memory_space<vmem>>, vector<16xf32>,
    tpu.vector_store %arg9[%swap3A_354, %swap3A_355], %broadcast_in_dim3A_1 {strides = array<i32>} : memref<16x128xf32, #tpu.memory_space<vmem>>, vector<16xf32>,
    %swap3A_357 = arith.constant 11 : i32
    %swap3A_358 = arith.index_cast %swap3A_357 : i32 to index
    %swap3A_359 = arith.constant 16 : index
    %swap3A_360 = tpu.vector_load %arg9[%swap3A_358, %swap3A_359] {strides = array<i32>} : memref<16x128xf32, #tpu.memory_space<vmem>>, vector<16xf32>,
    tpu.vector_store %arg9[%swap3A_358, %swap3A_359], %broadcast_in_dim3A_1 {strides = array<i32>} : memref<16x128xf32, #tpu.memory_space<vmem>>, vector<16xf32>,
    %swap3A_361 = arith.constant 11 : i32
    %swap3A_362 = arith.index_cast %swap3A_361 : i32 to index
    %swap3A_363 = arith.constant 32 : index
    %swap3A_364 = tpu.vector_load %arg9[%swap3A_362, %swap3A_363] {strides = array<i32>} : memref<16x128xf32, #tpu.memory_space<vmem>>, vector<16xf32>,
    tpu.vector_store %arg9[%swap3A_362, %swap3A_363], %broadcast_in_dim3A_1 {strides = array<i32>} : memref<16x128xf32, #tpu.memory_space<vmem>>, vector<16xf32>,
    %swap3A_365 = arith.constant 11 : i32
    %swap3A_366 = arith.index_cast %swap3A_365 : i32 to index
    %swap3A_367 = arith.constant 48 : index
    %swap3A_368 = tpu.vector_load %arg9[%swap3A_366, %swap3A_367] {strides = array<i32>} : memref<16x128xf32, #tpu.memory_space<vmem>>, vector<16xf32>,
    tpu.vector_store %arg9[%swap3A_366, %swap3A_367], %broadcast_in_dim3A_1 {strides = array<i32>} : memref<16x128xf32, #tpu.memory_space<vmem>>, vector<16xf32>,
    %swap3A_369 = arith.constant 11 : i32
    %swap3A_370 = arith.index_cast %swap3A_369 : i32 to index
    %swap3A_371 = arith.constant 64 : index
    %swap3A_372 = tpu.vector_load %arg9[%swap3A_370, %swap3A_371] {strides = array<i32>} : memref<16x128xf32, #tpu.memory_space<vmem>>, vector<16xf32>,
    tpu.vector_store %arg9[%swap3A_370, %swap3A_371], %broadcast_in_dim3A_1 {strides = array<i32>} : memref<16x128xf32, #tpu.memory_space<vmem>>, vector<16xf32>,
    %swap3A_373 = arith.constant 11 : i32
    %swap3A_374 = arith.index_cast %swap3A_373 : i32 to index
    %swap3A_375 = arith.constant 80 : index
    %swap3A_376 = tpu.vector_load %arg9[%swap3A_374, %swap3A_375] {strides = array<i32>} : memref<16x128xf32, #tpu.memory_space<vmem>>, vector<16xf32>,
    tpu.vector_store %arg9[%swap3A_374, %swap3A_375], %broadcast_in_dim3A_1 {strides = array<i32>} : memref<16x128xf32, #tpu.memory_space<vmem>>, vector<16xf32>,
    %swap3A_377 = arith.constant 11 : i32
    %swap3A_378 = arith.index_cast %swap3A_377 : i32 to index
    %swap3A_379 = arith.constant 96 : index
    %swap3A_380 = tpu.vector_load %arg9[%swap3A_378, %swap3A_379] {strides = array<i32>} : memref<16x128xf32, #tpu.memory_space<vmem>>, vector<16xf32>,
    tpu.vector_store %arg9[%swap3A_378, %swap3A_379], %broadcast_in_dim3A_1 {strides = array<i32>} : memref<16x128xf32, #tpu.memory_space<vmem>>, vector<16xf32>,
    %swap3A_381 = arith.constant 11 : i32
    %swap3A_382 = arith.index_cast %swap3A_381 : i32 to index
    %swap3A_383 = arith.constant 112 : index
    %swap3A_384 = tpu.vector_load %arg9[%swap3A_382, %swap3A_383] {strides = array<i32>} : memref<16x128xf32, #tpu.memory_space<vmem>>, vector<16xf32>,
    tpu.vector_store %arg9[%swap3A_382, %swap3A_383], %broadcast_in_dim3A_1 {strides = array<i32>} : memref<16x128xf32, #tpu.memory_space<vmem>>, vector<16xf32>,
    %swap3A_385 = arith.constant 12 : i32
    %swap3A_386 = arith.index_cast %swap3A_385 : i32 to index
    %swap3A_387 = arith.constant 0 : index
    %swap3A_388 = tpu.vector_load %arg9[%swap3A_386, %swap3A_387] {strides = array<i32>} : memref<16x128xf32, #tpu.memory_space<vmem>>, vector<16xf32>,
    tpu.vector_store %arg9[%swap3A_386, %swap3A_387], %broadcast_in_dim3A_1 {strides = array<i32>} : memref<16x128xf32, #tpu.memory_space<vmem>>, vector<16xf32>,
    %swap3A_389 = arith.constant 12 : i32
    %swap3A_390 = arith.index_cast %swap3A_389 : i32 to index
    %swap3A_391 = arith.constant 16 : index
    %swap3A_392 = tpu.vector_load %arg9[%swap3A_390, %swap3A_391] {strides = array<i32>} : memref<16x128xf32, #tpu.memory_space<vmem>>, vector<16xf32>,
    tpu.vector_store %arg9[%swap3A_390, %swap3A_391], %broadcast_in_dim3A_1 {strides = array<i32>} : memref<16x128xf32, #tpu.memory_space<vmem>>, vector<16xf32>,
    %swap3A_393 = arith.constant 12 : i32
    %swap3A_394 = arith.index_cast %swap3A_393 : i32 to index
    %swap3A_395 = arith.constant 32 : index
    %swap3A_396 = tpu.vector_load %arg9[%swap3A_394, %swap3A_395] {strides = array<i32>} : memref<16x128xf32, #tpu.memory_space<vmem>>, vector<16xf32>,
    tpu.vector_store %arg9[%swap3A_394, %swap3A_395], %broadcast_in_dim3A_1 {strides = array<i32>} : memref<16x128xf32, #tpu.memory_space<vmem>>, vector<16xf32>,
    %swap3A_397 = arith.constant 12 : i32
    %swap3A_398 = arith.index_cast %swap3A_397 : i32 to index
    %swap3A_399 = arith.constant 48 : index
    %swap3A_400 = tpu.vector_load %arg9[%swap3A_398, %swap3A_399] {strides = array<i32>} : memref<16x128xf32, #tpu.memory_space<vmem>>, vector<16xf32>,
    tpu.vector_store %arg9[%swap3A_398, %swap3A_399], %broadcast_in_dim3A_1 {strides = array<i32>} : memref<16x128xf32, #tpu.memory_space<vmem>>, vector<16xf32>,
    %swap3A_401 = arith.constant 12 : i32
    %swap3A_402 = arith.index_cast %swap3A_401 : i32 to index
    %swap3A_403 = arith.constant 64 : index
    %swap3A_404 = tpu.vector_load %arg9[%swap3A_402, %swap3A_403] {strides = array<i32>} : memref<16x128xf32, #tpu.memory_space<vmem>>, vector<16xf32>,
    tpu.vector_store %arg9[%swap3A_402, %swap3A_403], %broadcast_in_dim3A_1 {strides = array<i32>} : memref<16x128xf32, #tpu.memory_space<vmem>>, vector<16xf32>,
    %swap3A_405 = arith.constant 12 : i32
    %swap3A_406 = arith.index_cast %swap3A_405 : i32 to index
    %swap3A_407 = arith.constant 80 : index
    %swap3A_408 = tpu.vector_load %arg9[%swap3A_406, %swap3A_407] {strides = array<i32>} : memref<16x128xf32, #tpu.memory_space<vmem>>, vector<16xf32>,
    tpu.vector_store %arg9[%swap3A_406, %swap3A_407], %broadcast_in_dim3A_1 {strides = array<i32>} : memref<16x128xf32, #tpu.memory_space<vmem>>, vector<16xf32>,
    %swap3A_409 = arith.constant 12 : i32
    %swap3A_410 = arith.index_cast %swap3A_409 : i32 to index
    %swap3A_411 = arith.constant 96 : index
    %swap3A_412 = tpu.vector_load %arg9[%swap3A_410, %swap3A_411] {strides = array<i32>} : memref<16x128xf32, #tpu.memory_space<vmem>>, vector<16xf32>,
    tpu.vector_store %arg9[%swap3A_410, %swap3A_411], %broadcast_in_dim3A_1 {strides = array<i32>} : memref<16x128xf32, #tpu.memory_space<vmem>>, vector<16xf32>,
    %swap3A_413 = arith.constant 12 : i32
    %swap3A_414 = arith.index_cast %swap3A_413 : i32 to index
    %swap3A_415 = arith.constant 112 : index
    %swap3A_416 = tpu.vector_load %arg9[%swap3A_414, %swap3A_415] {strides = array<i32>} : memref<16x128xf32, #tpu.memory_space<vmem>>, vector<16xf32>,
    tpu.vector_store %arg9[%swap3A_414, %swap3A_415], %broadcast_in_dim3A_1 {strides = array<i32>} : memref<16x128xf32, #tpu.memory_space<vmem>>, vector<16xf32>,
    %swap3A_417 = arith.constant 13 : i32
    %swap3A_418 = arith.index_cast %swap3A_417 : i32 to index
    %swap3A_419 = arith.constant 0 : index
    %swap3A_420 = tpu.vector_load %arg9[%swap3A_418, %swap3A_419] {strides = array<i32>} : memref<16x128xf32, #tpu.memory_space<vmem>>, vector<16xf32>,
    tpu.vector_store %arg9[%swap3A_418, %swap3A_419], %broadcast_in_dim3A_1 {strides = array<i32>} : memref<16x128xf32, #tpu.memory_space<vmem>>, vector<16xf32>,
    %swap3A_421 = arith.constant 13 : i32
    %swap3A_422 = arith.index_cast %swap3A_421 : i32 to index
    %swap3A_423 = arith.constant 16 : index
    %swap3A_424 = tpu.vector_load %arg9[%swap3A_422, %swap3A_423] {strides = array<i32>} : memref<16x128xf32, #tpu.memory_space<vmem>>, vector<16xf32>,
    tpu.vector_store %arg9[%swap3A_422, %swap3A_423], %broadcast_in_dim3A_1 {strides = array<i32>} : memref<16x128xf32, #tpu.memory_space<vmem>>, vector<16xf32>,
    %swap3A_425 = arith.constant 13 : i32
    %swap3A_426 = arith.index_cast %swap3A_425 : i32 to index
    %swap3A_427 = arith.constant 32 : index
    %swap3A_428 = tpu.vector_load %arg9[%swap3A_426, %swap3A_427] {strides = array<i32>} : memref<16x128xf32, #tpu.memory_space<vmem>>, vector<16xf32>,
    tpu.vector_store %arg9[%swap3A_426, %swap3A_427], %broadcast_in_dim3A_1 {strides = array<i32>} : memref<16x128xf32, #tpu.memory_space<vmem>>, vector<16xf32>,
    %swap3A_429 = arith.constant 13 : i32
    %swap3A_430 = arith.index_cast %swap3A_429 : i32 to index
    %swap3A_431 = arith.constant 48 : index
    %swap3A_432 = tpu.vector_load %arg9[%swap3A_430, %swap3A_431] {strides = array<i32>} : memref<16x128xf32, #tpu.memory_space<vmem>>, vector<16xf32>,
    tpu.vector_store %arg9[%swap3A_430, %swap3A_431], %broadcast_in_dim3A_1 {strides = array<i32>} : memref<16x128xf32, #tpu.memory_space<vmem>>, vector<16xf32>,
    %swap3A_433 = arith.constant 13 : i32
    %swap3A_434 = arith.index_cast %swap3A_433 : i32 to index
    %swap3A_435 = arith.constant 64 : index
    %swap3A_436 = tpu.vector_load %arg9[%swap3A_434, %swap3A_435] {strides = array<i32>} : memref<16x128xf32, #tpu.memory_space<vmem>>, vector<16xf32>,
    tpu.vector_store %arg9[%swap3A_434, %swap3A_435], %broadcast_in_dim3A_1 {strides = array<i32>} : memref<16x128xf32, #tpu.memory_space<vmem>>, vector<16xf32>,
    %swap3A_437 = arith.constant 13 : i32
    %swap3A_438 = arith.index_cast %swap3A_437 : i32 to index
    %swap3A_439 = arith.constant 80 : index
    %swap3A_440 = tpu.vector_load %arg9[%swap3A_438, %swap3A_439] {strides = array<i32>} : memref<16x128xf32, #tpu.memory_space<vmem>>, vector<16xf32>,
    tpu.vector_store %arg9[%swap3A_438, %swap3A_439], %broadcast_in_dim3A_1 {strides = array<i32>} : memref<16x128xf32, #tpu.memory_space<vmem>>, vector<16xf32>,
    %swap3A_441 = arith.constant 13 : i32
    %swap3A_442 = arith.index_cast %swap3A_441 : i32 to index
    %swap3A_443 = arith.constant 96 : index
    %swap3A_444 = tpu.vector_load %arg9[%swap3A_442, %swap3A_443] {strides = array<i32>} : memref<16x128xf32, #tpu.memory_space<vmem>>, vector<16xf32>,
    tpu.vector_store %arg9[%swap3A_442, %swap3A_443], %broadcast_in_dim3A_1 {strides = array<i32>} : memref<16x128xf32, #tpu.memory_space<vmem>>, vector<16xf32>,
    %swap3A_445 = arith.constant 13 : i32
    %swap3A_446 = arith.index_cast %swap3A_445 : i32 to index
    %swap3A_447 = arith.constant 112 : index
    %swap3A_448 = tpu.vector_load %arg9[%swap3A_446, %swap3A_447] {strides = array<i32>} : memref<16x128xf32, #tpu.memory_space<vmem>>, vector<16xf32>,
    tpu.vector_store %arg9[%swap3A_446, %swap3A_447], %broadcast_in_dim3A_1 {strides = array<i32>} : memref<16x128xf32, #tpu.memory_space<vmem>>, vector<16xf32>,
    %swap3A_449 = arith.constant 14 : i32
    %swap3A_450 = arith.index_cast %swap3A_449 : i32 to index
    %swap3A_451 = arith.constant 0 : index
    %swap3A_452 = tpu.vector_load %arg9[%swap3A_450, %swap3A_451] {strides = array<i32>} : memref<16x128xf32, #tpu.memory_space<vmem>>, vector<16xf32>,
    tpu.vector_store %arg9[%swap3A_450, %swap3A_451], %broadcast_in_dim3A_1 {strides = array<i32>} : memref<16x128xf32, #tpu.memory_space<vmem>>, vector<16xf32>,
    %swap3A_453 = arith.constant 14 : i32
    %swap3A_454 = arith.index_cast %swap3A_453 : i32 to index
    %swap3A_455 = arith.constant 16 : index
    %swap3A_456 = tpu.vector_load %arg9[%swap3A_454, %swap3A_455] {strides = array<i32>} : memref<16x128xf32, #tpu.memory_space<vmem>>, vector<16xf32>,
    tpu.vector_store %arg9[%swap3A_454, %swap3A_455], %broadcast_in_dim3A_1 {strides = array<i32>} : memref<16x128xf32, #tpu.memory_space<vmem>>, vector<16xf32>,
    %swap3A_457 = arith.constant 14 : i32
    %swap3A_458 = arith.index_cast %swap3A_457 : i32 to index
    %swap3A_459 = arith.constant 32 : index
    %swap3A_460 = tpu.vector_load %arg9[%swap3A_458, %swap3A_459] {strides = array<i32>} : memref<16x128xf32, #tpu.memory_space<vmem>>, vector<16xf32>,
    tpu.vector_store %arg9[%swap3A_458, %swap3A_459], %broadcast_in_dim3A_1 {strides = array<i32>} : memref<16x128xf32, #tpu.memory_space<vmem>>, vector<16xf32>,
    %swap3A_461 = arith.constant 14 : i32
    %swap3A_462 = arith.index_cast %swap3A_461 : i32 to index
    %swap3A_463 = arith.constant 48 : index
    %swap3A_464 = tpu.vector_load %arg9[%swap3A_462, %swap3A_463] {strides = array<i32>} : memref<16x128xf32, #tpu.memory_space<vmem>>, vector<16xf32>,
    tpu.vector_store %arg9[%swap3A_462, %swap3A_463], %broadcast_in_dim3A_1 {strides = array<i32>} : memref<16x128xf32, #tpu.memory_space<vmem>>, vector<16xf32>,
    %swap3A_465 = arith.constant 14 : i32
    %swap3A_466 = arith.index_cast %swap3A_465 : i32 to index
    %swap3A_467 = arith.constant 64 : index
    %swap3A_468 = tpu.vector_load %arg9[%swap3A_466, %swap3A_467] {strides = array<i32>} : memref<16x128xf32, #tpu.memory_space<vmem>>, vector<16xf32>,
    tpu.vector_store %arg9[%swap3A_466, %swap3A_467], %broadcast_in_dim3A_1 {strides = array<i32>} : memref<16x128xf32, #tpu.memory_space<vmem>>, vector<16xf32>,
    %swap3A_469 = arith.constant 14 : i32
    %swap3A_470 = arith.index_cast %swap3A_469 : i32 to index
    %swap3A_471 = arith.constant 80 : index
    %swap3A_472 = tpu.vector_load %arg9[%swap3A_470, %swap3A_471] {strides = array<i32>} : memref<16x128xf32, #tpu.memory_space<vmem>>, vector<16xf32>,
    tpu.vector_store %arg9[%swap3A_470, %swap3A_471], %broadcast_in_dim3A_1 {strides = array<i32>} : memref<16x128xf32, #tpu.memory_space<vmem>>, vector<16xf32>,
    %swap3A_473 = arith.constant 14 : i32
    %swap3A_474 = arith.index_cast %swap3A_473 : i32 to index
    %swap3A_475 = arith.constant 96 : index
    %swap3A_476 = tpu.vector_load %arg9[%swap3A_474, %swap3A_475] {strides = array<i32>} : memref<16x128xf32, #tpu.memory_space<vmem>>, vector<16xf32>,
    tpu.vector_store %arg9[%swap3A_474, %swap3A_475], %broadcast_in_dim3A_1 {strides = array<i32>} : memref<16x128xf32, #tpu.memory_space<vmem>>, vector<16xf32>,
    %swap3A_477 = arith.constant 14 : i32
    %swap3A_478 = arith.index_cast %swap3A_477 : i32 to index
    %swap3A_479 = arith.constant 112 : index
    %swap3A_480 = tpu.vector_load %arg9[%swap3A_478, %swap3A_479] {strides = array<i32>} : memref<16x128xf32, #tpu.memory_space<vmem>>, vector<16xf32>,
    tpu.vector_store %arg9[%swap3A_478, %swap3A_479], %broadcast_in_dim3A_1 {strides = array<i32>} : memref<16x128xf32, #tpu.memory_space<vmem>>, vector<16xf32>,
    %swap3A_481 = arith.constant 15 : i32
    %swap3A_482 = arith.index_cast %swap3A_481 : i32 to index
    %swap3A_483 = arith.constant 0 : index
    %swap3A_484 = tpu.vector_load %arg9[%swap3A_482, %swap3A_483] {strides = array<i32>} : memref<16x128xf32, #tpu.memory_space<vmem>>, vector<16xf32>,
    tpu.vector_store %arg9[%swap3A_482, %swap3A_483], %broadcast_in_dim3A_1 {strides = array<i32>} : memref<16x128xf32, #tpu.memory_space<vmem>>, vector<16xf32>,
    %swap3A_485 = arith.constant 15 : i32
    %swap3A_486 = arith.index_cast %swap3A_485 : i32 to index
    %swap3A_487 = arith.constant 16 : index
    %swap3A_488 = tpu.vector_load %arg9[%swap3A_486, %swap3A_487] {strides = array<i32>} : memref<16x128xf32, #tpu.memory_space<vmem>>, vector<16xf32>,
    tpu.vector_store %arg9[%swap3A_486, %swap3A_487], %broadcast_in_dim3A_1 {strides = array<i32>} : memref<16x128xf32, #tpu.memory_space<vmem>>, vector<16xf32>,
    %swap3A_489 = arith.constant 15 : i32
    %swap3A_490 = arith.index_cast %swap3A_489 : i32 to index
    %swap3A_491 = arith.constant 32 : index
    %swap3A_492 = tpu.vector_load %arg9[%swap3A_490, %swap3A_491] {strides = array<i32>} : memref<16x128xf32, #tpu.memory_space<vmem>>, vector<16xf32>,
    tpu.vector_store %arg9[%swap3A_490, %swap3A_491], %broadcast_in_dim3A_1 {strides = array<i32>} : memref<16x128xf32, #tpu.memory_space<vmem>>, vector<16xf32>,
    %swap3A_493 = arith.constant 15 : i32
    %swap3A_494 = arith.index_cast %swap3A_493 : i32 to index
    %swap3A_495 = arith.constant 48 : index
    %swap3A_496 = tpu.vector_load %arg9[%swap3A_494, %swap3A_495] {strides = array<i32>} : memref<16x128xf32, #tpu.memory_space<vmem>>, vector<16xf32>,
    tpu.vector_store %arg9[%swap3A_494, %swap3A_495], %broadcast_in_dim3A_1 {strides = array<i32>} : memref<16x128xf32, #tpu.memory_space<vmem>>, vector<16xf32>,
    %swap3A_497 = arith.constant 15 : i32
    %swap3A_498 = arith.index_cast %swap3A_497 : i32 to index
    %swap3A_499 = arith.constant 64 : index
    %swap3A_500 = tpu.vector_load %arg9[%swap3A_498, %swap3A_499] {strides = array<i32>} : memref<16x128xf32, #tpu.memory_space<vmem>>, vector<16xf32>,
    tpu.vector_store %arg9[%swap3A_498, %swap3A_499], %broadcast_in_dim3A_1 {strides = array<i32>} : memref<16x128xf32, #tpu.memory_space<vmem>>, vector<16xf32>,
    %swap3A_501 = arith.constant 15 : i32
    %swap3A_502 = arith.index_cast %swap3A_501 : i32 to index
    %swap3A_503 = arith.constant 80 : index
    %swap3A_504 = tpu.vector_load %arg9[%swap3A_502, %swap3A_503] {strides = array<i32>} : memref<16x128xf32, #tpu.memory_space<vmem>>, vector<16xf32>,
    tpu.vector_store %arg9[%swap3A_502, %swap3A_503], %broadcast_in_dim3A_1 {strides = array<i32>} : memref<16x128xf32, #tpu.memory_space<vmem>>, vector<16xf32>,
    %swap3A_505 = arith.constant 15 : i32
    %swap3A_506 = arith.index_cast %swap3A_505 : i32 to index
    %swap3A_507 = arith.constant 96 : index
    %swap3A_508 = tpu.vector_load %arg9[%swap3A_506, %swap3A_507] {strides = array<i32>} : memref<16x128xf32, #tpu.memory_space<vmem>>, vector<16xf32>,
    tpu.vector_store %arg9[%swap3A_506, %swap3A_507], %broadcast_in_dim3A_1 {strides = array<i32>} : memref<16x128xf32, #tpu.memory_space<vmem>>, vector<16xf32>,
    %swap3A_509 = arith.constant 15 : i32
    %swap3A_510 = arith.index_cast %swap3A_509 : i32 to index
    %swap3A_511 = arith.constant 112 : index
    %swap3A_512 = tpu.vector_load %arg9[%swap3A_510, %swap3A_511] {strides = array<i32>} : memref<16x128xf32, #tpu.memory_space<vmem>>, vector<16xf32>,
    tpu.vector_store %arg9[%swap3A_510, %swap3A_511], %broadcast_in_dim3A_1 {strides = array<i32>} : memref<16x128xf32, #tpu.memory_space<vmem>>, vector<16xf32>,
    %mul3A_513 = arith.constant 640 : i32
    %mul3A_514 = arith.muli %arg1, %mul3A_513 : i32
    %add3A_515 = arith.constant 0 : i32
    %add3A_516 = arith.addi %mul3A_514, %add3A_515 : i32
    "tpu.region"() ({
      %run_scoped3A = tpu.sem_alloc : memref<!tpu.dma_semaphore, #tpu.memory_space<semaphore_mem>>
      %dma_start3A = arith.constant 0 : i32
      %dma_start3A_603 = tpu.memref_slice %arg10[%add3A_516, %dma_start3A] : memref<10240x128xf32, #tpu.memory_space<vmem_shared>> -> memref<16x128xf32, #tpu.memory_space<vmem_shared>>
      %dma_start3A_604 = arith.constant 0 : i32
      %dma_start3A_605 = tpu.memref_slice %arg10[%add3A_516, %dma_start3A_604] : memref<10240x128xf32, #tpu.memory_space<vmem_shared>> -> memref<16x128xf32, #tpu.memory_space<vmem_shared>>
      tpu.enqueue_dma source(%arg9 : memref<16x128xf32, #tpu.memory_space<vmem>>) target(%dma_start3A_605 : memref<16x128xf32, #tpu.memory_space<vmem_shared>>) target_semaphore(%run_scoped3A : memref<!tpu.dma_semaphore, #tpu.memory_space<semaphore_mem>>)
      %dma_wait3A = arith.constant 0 : i32
      %dma_wait3A_606 = tpu.memref_slice %arg10[%add3A_516, %dma_wait3A] : memref<10240x128xf32, #tpu.memory_space<vmem_shared>> -> memref<16x128xf32, #tpu.memory_space<vmem_shared>>
      %dma_wait3A_607 = arith.constant 0 : i32
      %dma_wait3A_608 = tpu.memref_slice %arg10[%add3A_516, %dma_wait3A_607] : memref<10240x128xf32, #tpu.memory_space<vmem_shared>> -> memref<16x128xf32, #tpu.memory_space<vmem_shared>>
      tpu.wait_dma2 semaphore(%run_scoped3A : memref<!tpu.dma_semaphore, #tpu.memory_space<semaphore_mem>>) src(%arg9 : memref<16x128xf32, #tpu.memory_space<vmem>>) dst(%dma_wait3A_608 : memref<16x128xf32, #tpu.memory_space<vmem_shared>>)
      tpu.yield
    }) : () -> ()
    %add3A_517 = arith.constant 16 : i32
    %add3A_518 = arith.addi %mul3A_514, %add3A_517 : i32
    "tpu.region"() ({
      %run_scoped3A = tpu.sem_alloc : memref<!tpu.dma_semaphore, #tpu.memory_space<semaphore_mem>>
      %dma_start3A = arith.constant 0 : i32
      %dma_start3A_603 = tpu.memref_slice %arg10[%add3A_518, %dma_start3A] : memref<10240x128xf32, #tpu.memory_space<vmem_shared>> -> memref<16x128xf32, #tpu.memory_space<vmem_shared>>
      %dma_start3A_604 = arith.constant 0 : i32
      %dma_start3A_605 = tpu.memref_slice %arg10[%add3A_518, %dma_start3A_604] : memref<10240x128xf32, #tpu.memory_space<vmem_shared>> -> memref<16x128xf32, #tpu.memory_space<vmem_shared>>
      tpu.enqueue_dma source(%arg9 : memref<16x128xf32, #tpu.memory_space<vmem>>) target(%dma_start3A_605 : memref<16x128xf32, #tpu.memory_space<vmem_shared>>) target_semaphore(%run_scoped3A : memref<!tpu.dma_semaphore, #tpu.memory_space<semaphore_mem>>)
      %dma_wait3A = arith.constant 0 : i32
      %dma_wait3A_606 = tpu.memref_slice %arg10[%add3A_518, %dma_wait3A] : memref<10240x128xf32, #tpu.memory_space<vmem_shared>> -> memref<16x128xf32, #tpu.memory_space<vmem_shared>>
      %dma_wait3A_607 = arith.constant 0 : i32
      %dma_wait3A_608 = tpu.memref_slice %arg10[%add3A_518, %dma_wait3A_607] : memref<10240x128xf32, #tpu.memory_space<vmem_shared>> -> memref<16x128xf32, #tpu.memory_space<vmem_shared>>
      tpu.wait_dma2 semaphore(%run_scoped3A : memref<!tpu.dma_semaphore, #tpu.memory_space<semaphore_mem>>) src(%arg9 : memref<16x128xf32, #tpu.memory_space<vmem>>) dst(%dma_wait3A_608 : memref<16x128xf32, #tpu.memory_space<vmem_shared>>)
      tpu.yield
    }) : () -> ()
    %add3A_519 = arith.constant 32 : i32
    %add3A_520 = arith.addi %mul3A_514, %add3A_519 : i32
    "tpu.region"() ({
      %run_scoped3A = tpu.sem_alloc : memref<!tpu.dma_semaphore, #tpu.memory_space<semaphore_mem>>
      %dma_start3A = arith.constant 0 : i32
      %dma_start3A_603 = tpu.memref_slice %arg10[%add3A_520, %dma_start3A] : memref<10240x128xf32, #tpu.memory_space<vmem_shared>> -> memref<16x128xf32, #tpu.memory_space<vmem_shared>>
      %dma_start3A_604 = arith.constant 0 : i32
      %dma_start3A_605 = tpu.memref_slice %arg10[%add3A_520, %dma_start3A_604] : memref<10240x128xf32, #tpu.memory_space<vmem_shared>> -> memref<16x128xf32, #tpu.memory_space<vmem_shared>>
      tpu.enqueue_dma source(%arg9 : memref<16x128xf32, #tpu.memory_space<vmem>>) target(%dma_start3A_605 : memref<16x128xf32, #tpu.memory_space<vmem_shared>>) target_semaphore(%run_scoped3A : memref<!tpu.dma_semaphore, #tpu.memory_space<semaphore_mem>>)
      %dma_wait3A = arith.constant 0 : i32
      %dma_wait3A_606 = tpu.memref_slice %arg10[%add3A_520, %dma_wait3A] : memref<10240x128xf32, #tpu.memory_space<vmem_shared>> -> memref<16x128xf32, #tpu.memory_space<vmem_shared>>
      %dma_wait3A_607 = arith.constant 0 : i32
      %dma_wait3A_608 = tpu.memref_slice %arg10[%add3A_520, %dma_wait3A_607] : memref<10240x128xf32, #tpu.memory_space<vmem_shared>> -> memref<16x128xf32, #tpu.memory_space<vmem_shared>>
      tpu.wait_dma2 semaphore(%run_scoped3A : memref<!tpu.dma_semaphore, #tpu.memory_space<semaphore_mem>>) src(%arg9 : memref<16x128xf32, #tpu.memory_space<vmem>>) dst(%dma_wait3A_608 : memref<16x128xf32, #tpu.memory_space<vmem_shared>>)
      tpu.yield
    }) : () -> ()
    %add3A_521 = arith.constant 48 : i32
    %add3A_522 = arith.addi %mul3A_514, %add3A_521 : i32
    "tpu.region"() ({
      %run_scoped3A = tpu.sem_alloc : memref<!tpu.dma_semaphore, #tpu.memory_space<semaphore_mem>>
      %dma_start3A = arith.constant 0 : i32
      %dma_start3A_603 = tpu.memref_slice %arg10[%add3A_522, %dma_start3A] : memref<10240x128xf32, #tpu.memory_space<vmem_shared>> -> memref<16x128xf32, #tpu.memory_space<vmem_shared>>
      %dma_start3A_604 = arith.constant 0 : i32
      %dma_start3A_605 = tpu.memref_slice %arg10[%add3A_522, %dma_start3A_604] : memref<10240x128xf32, #tpu.memory_space<vmem_shared>> -> memref<16x128xf32, #tpu.memory_space<vmem_shared>>
      tpu.enqueue_dma source(%arg9 : memref<16x128xf32, #tpu.memory_space<vmem>>) target(%dma_start3A_605 : memref<16x128xf32, #tpu.memory_space<vmem_shared>>) target_semaphore(%run_scoped3A : memref<!tpu.dma_semaphore, #tpu.memory_space<semaphore_mem>>)
      %dma_wait3A = arith.constant 0 : i32
      %dma_wait3A_606 = tpu.memref_slice %arg10[%add3A_522, %dma_wait3A] : memref<10240x128xf32, #tpu.memory_space<vmem_shared>> -> memref<16x128xf32, #tpu.memory_space<vmem_shared>>
      %dma_wait3A_607 = arith.constant 0 : i32
      %dma_wait3A_608 = tpu.memref_slice %arg10[%add3A_522, %dma_wait3A_607] : memref<10240x128xf32, #tpu.memory_space<vmem_shared>> -> memref<16x128xf32, #tpu.memory_space<vmem_shared>>
      tpu.wait_dma2 semaphore(%run_scoped3A : memref<!tpu.dma_semaphore, #tpu.memory_space<semaphore_mem>>) src(%arg9 : memref<16x128xf32, #tpu.memory_space<vmem>>) dst(%dma_wait3A_608 : memref<16x128xf32, #tpu.memory_space<vmem_shared>>)
      tpu.yield
    }) : () -> ()
    %add3A_523 = arith.constant 64 : i32
    %add3A_524 = arith.addi %mul3A_514, %add3A_523 : i32
    "tpu.region"() ({
      %run_scoped3A = tpu.sem_alloc : memref<!tpu.dma_semaphore, #tpu.memory_space<semaphore_mem>>
      %dma_start3A = arith.constant 0 : i32
      %dma_start3A_603 = tpu.memref_slice %arg10[%add3A_524, %dma_start3A] : memref<10240x128xf32, #tpu.memory_space<vmem_shared>> -> memref<16x128xf32, #tpu.memory_space<vmem_shared>>
      %dma_start3A_604 = arith.constant 0 : i32
      %dma_start3A_605 = tpu.memref_slice %arg10[%add3A_524, %dma_start3A_604] : memref<10240x128xf32, #tpu.memory_space<vmem_shared>> -> memref<16x128xf32, #tpu.memory_space<vmem_shared>>
      tpu.enqueue_dma source(%arg9 : memref<16x128xf32, #tpu.memory_space<vmem>>) target(%dma_start3A_605 : memref<16x128xf32, #tpu.memory_space<vmem_shared>>) target_semaphore(%run_scoped3A : memref<!tpu.dma_semaphore, #tpu.memory_space<semaphore_mem>>)
      %dma_wait3A = arith.constant 0 : i32
      %dma_wait3A_606 = tpu.memref_slice %arg10[%add3A_524, %dma_wait3A] : memref<10240x128xf32, #tpu.memory_space<vmem_shared>> -> memref<16x128xf32, #tpu.memory_space<vmem_shared>>
      %dma_wait3A_607 = arith.constant 0 : i32
      %dma_wait3A_608 = tpu.memref_slice %arg10[%add3A_524, %dma_wait3A_607] : memref<10240x128xf32, #tpu.memory_space<vmem_shared>> -> memref<16x128xf32, #tpu.memory_space<vmem_shared>>
      tpu.wait_dma2 semaphore(%run_scoped3A : memref<!tpu.dma_semaphore, #tpu.memory_space<semaphore_mem>>) src(%arg9 : memref<16x128xf32, #tpu.memory_space<vmem>>) dst(%dma_wait3A_608 : memref<16x128xf32, #tpu.memory_space<vmem_shared>>)
      tpu.yield
    }) : () -> ()
    %add3A_525 = arith.constant 80 : i32
    %add3A_526 = arith.addi %mul3A_514, %add3A_525 : i32
    "tpu.region"() ({
      %run_scoped3A = tpu.sem_alloc : memref<!tpu.dma_semaphore, #tpu.memory_space<semaphore_mem>>
      %dma_start3A = arith.constant 0 : i32
      %dma_start3A_603 = tpu.memref_slice %arg10[%add3A_526, %dma_start3A] : memref<10240x128xf32, #tpu.memory_space<vmem_shared>> -> memref<16x128xf32, #tpu.memory_space<vmem_shared>>
      %dma_start3A_604 = arith.constant 0 : i32
      %dma_start3A_605 = tpu.memref_slice %arg10[%add3A_526, %dma_start3A_604] : memref<10240x128xf32, #tpu.memory_space<vmem_shared>> -> memref<16x128xf32, #tpu.memory_space<vmem_shared>>
      tpu.enqueue_dma source(%arg9 : memref<16x128xf32, #tpu.memory_space<vmem>>) target(%dma_start3A_605 : memref<16x128xf32, #tpu.memory_space<vmem_shared>>) target_semaphore(%run_scoped3A : memref<!tpu.dma_semaphore, #tpu.memory_space<semaphore_mem>>)
      %dma_wait3A = arith.constant 0 : i32
      %dma_wait3A_606 = tpu.memref_slice %arg10[%add3A_526, %dma_wait3A] : memref<10240x128xf32, #tpu.memory_space<vmem_shared>> -> memref<16x128xf32, #tpu.memory_space<vmem_shared>>
      %dma_wait3A_607 = arith.constant 0 : i32
      %dma_wait3A_608 = tpu.memref_slice %arg10[%add3A_526, %dma_wait3A_607] : memref<10240x128xf32, #tpu.memory_space<vmem_shared>> -> memref<16x128xf32, #tpu.memory_space<vmem_shared>>
      tpu.wait_dma2 semaphore(%run_scoped3A : memref<!tpu.dma_semaphore, #tpu.memory_space<semaphore_mem>>) src(%arg9 : memref<16x128xf32, #tpu.memory_space<vmem>>) dst(%dma_wait3A_608 : memref<16x128xf32, #tpu.memory_space<vmem_shared>>)
      tpu.yield
    }) : () -> ()
    %add3A_527 = arith.constant 96 : i32
    %add3A_528 = arith.addi %mul3A_514, %add3A_527 : i32
    "tpu.region"() ({
      %run_scoped3A = tpu.sem_alloc : memref<!tpu.dma_semaphore, #tpu.memory_space<semaphore_mem>>
      %dma_start3A = arith.constant 0 : i32
      %dma_start3A_603 = tpu.memref_slice %arg10[%add3A_528, %dma_start3A] : memref<10240x128xf32, #tpu.memory_space<vmem_shared>> -> memref<16x128xf32, #tpu.memory_space<vmem_shared>>
      %dma_start3A_604 = arith.constant 0 : i32
      %dma_start3A_605 = tpu.memref_slice %arg10[%add3A_528, %dma_start3A_604] : memref<10240x128xf32, #tpu.memory_space<vmem_shared>> -> memref<16x128xf32, #tpu.memory_space<vmem_shared>>
      tpu.enqueue_dma source(%arg9 : memref<16x128xf32, #tpu.memory_space<vmem>>) target(%dma_start3A_605 : memref<16x128xf32, #tpu.memory_space<vmem_shared>>) target_semaphore(%run_scoped3A : memref<!tpu.dma_semaphore, #tpu.memory_space<semaphore_mem>>)
      %dma_wait3A = arith.constant 0 : i32
      %dma_wait3A_606 = tpu.memref_slice %arg10[%add3A_528, %dma_wait3A] : memref<10240x128xf32, #tpu.memory_space<vmem_shared>> -> memref<16x128xf32, #tpu.memory_space<vmem_shared>>
      %dma_wait3A_607 = arith.constant 0 : i32
      %dma_wait3A_608 = tpu.memref_slice %arg10[%add3A_528, %dma_wait3A_607] : memref<10240x128xf32, #tpu.memory_space<vmem_shared>> -> memref<16x128xf32, #tpu.memory_space<vmem_shared>>
      tpu.wait_dma2 semaphore(%run_scoped3A : memref<!tpu.dma_semaphore, #tpu.memory_space<semaphore_mem>>) src(%arg9 : memref<16x128xf32, #tpu.memory_space<vmem>>) dst(%dma_wait3A_608 : memref<16x128xf32, #tpu.memory_space<vmem_shared>>)
      tpu.yield
    }) : () -> ()
    %add3A_529 = arith.constant 112 : i32
    %add3A_530 = arith.addi %mul3A_514, %add3A_529 : i32
    "tpu.region"() ({
      %run_scoped3A = tpu.sem_alloc : memref<!tpu.dma_semaphore, #tpu.memory_space<semaphore_mem>>
      %dma_start3A = arith.constant 0 : i32
      %dma_start3A_603 = tpu.memref_slice %arg10[%add3A_530, %dma_start3A] : memref<10240x128xf32, #tpu.memory_space<vmem_shared>> -> memref<16x128xf32, #tpu.memory_space<vmem_shared>>
      %dma_start3A_604 = arith.constant 0 : i32
      %dma_start3A_605 = tpu.memref_slice %arg10[%add3A_530, %dma_start3A_604] : memref<10240x128xf32, #tpu.memory_space<vmem_shared>> -> memref<16x128xf32, #tpu.memory_space<vmem_shared>>
      tpu.enqueue_dma source(%arg9 : memref<16x128xf32, #tpu.memory_space<vmem>>) target(%dma_start3A_605 : memref<16x128xf32, #tpu.memory_space<vmem_shared>>) target_semaphore(%run_scoped3A : memref<!tpu.dma_semaphore, #tpu.memory_space<semaphore_mem>>)
      %dma_wait3A = arith.constant 0 : i32
      %dma_wait3A_606 = tpu.memref_slice %arg10[%add3A_530, %dma_wait3A] : memref<10240x128xf32, #tpu.memory_space<vmem_shared>> -> memref<16x128xf32, #tpu.memory_space<vmem_shared>>
      %dma_wait3A_607 = arith.constant 0 : i32
      %dma_wait3A_608 = tpu.memref_slice %arg10[%add3A_530, %dma_wait3A_607] : memref<10240x128xf32, #tpu.memory_space<vmem_shared>> -> memref<16x128xf32, #tpu.memory_space<vmem_shared>>
      tpu.wait_dma2 semaphore(%run_scoped3A : memref<!tpu.dma_semaphore, #tpu.memory_space<semaphore_mem>>) src(%arg9 : memref<16x128xf32, #tpu.memory_space<vmem>>) dst(%dma_wait3A_608 : memref<16x128xf32, #tpu.memory_space<vmem_shared>>)
      tpu.yield
    }) : () -> ()
    %add3A_531 = arith.constant 128 : i32
    %add3A_532 = arith.addi %mul3A_514, %add3A_531 : i32
    "tpu.region"() ({
      %run_scoped3A = tpu.sem_alloc : memref<!tpu.dma_semaphore, #tpu.memory_space<semaphore_mem>>
      %dma_start3A = arith.constant 0 : i32
      %dma_start3A_603 = tpu.memref_slice %arg10[%add3A_532, %dma_start3A] : memref<10240x128xf32, #tpu.memory_space<vmem_shared>> -> memref<16x128xf32, #tpu.memory_space<vmem_shared>>
      %dma_start3A_604 = arith.constant 0 : i32
      %dma_start3A_605 = tpu.memref_slice %arg10[%add3A_532, %dma_start3A_604] : memref<10240x128xf32, #tpu.memory_space<vmem_shared>> -> memref<16x128xf32, #tpu.memory_space<vmem_shared>>
      tpu.enqueue_dma source(%arg9 : memref<16x128xf32, #tpu.memory_space<vmem>>) target(%dma_start3A_605 : memref<16x128xf32, #tpu.memory_space<vmem_shared>>) target_semaphore(%run_scoped3A : memref<!tpu.dma_semaphore, #tpu.memory_space<semaphore_mem>>)
      %dma_wait3A = arith.constant 0 : i32
      %dma_wait3A_606 = tpu.memref_slice %arg10[%add3A_532, %dma_wait3A] : memref<10240x128xf32, #tpu.memory_space<vmem_shared>> -> memref<16x128xf32, #tpu.memory_space<vmem_shared>>
      %dma_wait3A_607 = arith.constant 0 : i32
      %dma_wait3A_608 = tpu.memref_slice %arg10[%add3A_532, %dma_wait3A_607] : memref<10240x128xf32, #tpu.memory_space<vmem_shared>> -> memref<16x128xf32, #tpu.memory_space<vmem_shared>>
      tpu.wait_dma2 semaphore(%run_scoped3A : memref<!tpu.dma_semaphore, #tpu.memory_space<semaphore_mem>>) src(%arg9 : memref<16x128xf32, #tpu.memory_space<vmem>>) dst(%dma_wait3A_608 : memref<16x128xf32, #tpu.memory_space<vmem_shared>>)
      tpu.yield
    }) : () -> ()
    %add3A_533 = arith.constant 144 : i32
    %add3A_534 = arith.addi %mul3A_514, %add3A_533 : i32
    "tpu.region"() ({
      %run_scoped3A = tpu.sem_alloc : memref<!tpu.dma_semaphore, #tpu.memory_space<semaphore_mem>>
      %dma_start3A = arith.constant 0 : i32
      %dma_start3A_603 = tpu.memref_slice %arg10[%add3A_534, %dma_start3A] : memref<10240x128xf32, #tpu.memory_space<vmem_shared>> -> memref<16x128xf32, #tpu.memory_space<vmem_shared>>
      %dma_start3A_604 = arith.constant 0 : i32
      %dma_start3A_605 = tpu.memref_slice %arg10[%add3A_534, %dma_start3A_604] : memref<10240x128xf32, #tpu.memory_space<vmem_shared>> -> memref<16x128xf32, #tpu.memory_space<vmem_shared>>
      tpu.enqueue_dma source(%arg9 : memref<16x128xf32, #tpu.memory_space<vmem>>) target(%dma_start3A_605 : memref<16x128xf32, #tpu.memory_space<vmem_shared>>) target_semaphore(%run_scoped3A : memref<!tpu.dma_semaphore, #tpu.memory_space<semaphore_mem>>)
      %dma_wait3A = arith.constant 0 : i32
      %dma_wait3A_606 = tpu.memref_slice %arg10[%add3A_534, %dma_wait3A] : memref<10240x128xf32, #tpu.memory_space<vmem_shared>> -> memref<16x128xf32, #tpu.memory_space<vmem_shared>>
      %dma_wait3A_607 = arith.constant 0 : i32
      %dma_wait3A_608 = tpu.memref_slice %arg10[%add3A_534, %dma_wait3A_607] : memref<10240x128xf32, #tpu.memory_space<vmem_shared>> -> memref<16x128xf32, #tpu.memory_space<vmem_shared>>
      tpu.wait_dma2 semaphore(%run_scoped3A : memref<!tpu.dma_semaphore, #tpu.memory_space<semaphore_mem>>) src(%arg9 : memref<16x128xf32, #tpu.memory_space<vmem>>) dst(%dma_wait3A_608 : memref<16x128xf32, #tpu.memory_space<vmem_shared>>)
      tpu.yield
    }) : () -> ()
    %add3A_535 = arith.constant 160 : i32
    %add3A_536 = arith.addi %mul3A_514, %add3A_535 : i32
    "tpu.region"() ({
      %run_scoped3A = tpu.sem_alloc : memref<!tpu.dma_semaphore, #tpu.memory_space<semaphore_mem>>
      %dma_start3A = arith.constant 0 : i32
      %dma_start3A_603 = tpu.memref_slice %arg10[%add3A_536, %dma_start3A] : memref<10240x128xf32, #tpu.memory_space<vmem_shared>> -> memref<16x128xf32, #tpu.memory_space<vmem_shared>>
      %dma_start3A_604 = arith.constant 0 : i32
      %dma_start3A_605 = tpu.memref_slice %arg10[%add3A_536, %dma_start3A_604] : memref<10240x128xf32, #tpu.memory_space<vmem_shared>> -> memref<16x128xf32, #tpu.memory_space<vmem_shared>>
      tpu.enqueue_dma source(%arg9 : memref<16x128xf32, #tpu.memory_space<vmem>>) target(%dma_start3A_605 : memref<16x128xf32, #tpu.memory_space<vmem_shared>>) target_semaphore(%run_scoped3A : memref<!tpu.dma_semaphore, #tpu.memory_space<semaphore_mem>>)
      %dma_wait3A = arith.constant 0 : i32
      %dma_wait3A_606 = tpu.memref_slice %arg10[%add3A_536, %dma_wait3A] : memref<10240x128xf32, #tpu.memory_space<vmem_shared>> -> memref<16x128xf32, #tpu.memory_space<vmem_shared>>
      %dma_wait3A_607 = arith.constant 0 : i32
      %dma_wait3A_608 = tpu.memref_slice %arg10[%add3A_536, %dma_wait3A_607] : memref<10240x128xf32, #tpu.memory_space<vmem_shared>> -> memref<16x128xf32, #tpu.memory_space<vmem_shared>>
      tpu.wait_dma2 semaphore(%run_scoped3A : memref<!tpu.dma_semaphore, #tpu.memory_space<semaphore_mem>>) src(%arg9 : memref<16x128xf32, #tpu.memory_space<vmem>>) dst(%dma_wait3A_608 : memref<16x128xf32, #tpu.memory_space<vmem_shared>>)
      tpu.yield
    }) : () -> ()
    %add3A_537 = arith.constant 176 : i32
    %add3A_538 = arith.addi %mul3A_514, %add3A_537 : i32
    "tpu.region"() ({
      %run_scoped3A = tpu.sem_alloc : memref<!tpu.dma_semaphore, #tpu.memory_space<semaphore_mem>>
      %dma_start3A = arith.constant 0 : i32
      %dma_start3A_603 = tpu.memref_slice %arg10[%add3A_538, %dma_start3A] : memref<10240x128xf32, #tpu.memory_space<vmem_shared>> -> memref<16x128xf32, #tpu.memory_space<vmem_shared>>
      %dma_start3A_604 = arith.constant 0 : i32
      %dma_start3A_605 = tpu.memref_slice %arg10[%add3A_538, %dma_start3A_604] : memref<10240x128xf32, #tpu.memory_space<vmem_shared>> -> memref<16x128xf32, #tpu.memory_space<vmem_shared>>
      tpu.enqueue_dma source(%arg9 : memref<16x128xf32, #tpu.memory_space<vmem>>) target(%dma_start3A_605 : memref<16x128xf32, #tpu.memory_space<vmem_shared>>) target_semaphore(%run_scoped3A : memref<!tpu.dma_semaphore, #tpu.memory_space<semaphore_mem>>)
      %dma_wait3A = arith.constant 0 : i32
      %dma_wait3A_606 = tpu.memref_slice %arg10[%add3A_538, %dma_wait3A] : memref<10240x128xf32, #tpu.memory_space<vmem_shared>> -> memref<16x128xf32, #tpu.memory_space<vmem_shared>>
      %dma_wait3A_607 = arith.constant 0 : i32
      %dma_wait3A_608 = tpu.memref_slice %arg10[%add3A_538, %dma_wait3A_607] : memref<10240x128xf32, #tpu.memory_space<vmem_shared>> -> memref<16x128xf32, #tpu.memory_space<vmem_shared>>
      tpu.wait_dma2 semaphore(%run_scoped3A : memref<!tpu.dma_semaphore, #tpu.memory_space<semaphore_mem>>) src(%arg9 : memref<16x128xf32, #tpu.memory_space<vmem>>) dst(%dma_wait3A_608 : memref<16x128xf32, #tpu.memory_space<vmem_shared>>)
      tpu.yield
    }) : () -> ()
    %add3A_539 = arith.constant 192 : i32
    %add3A_540 = arith.addi %mul3A_514, %add3A_539 : i32
    "tpu.region"() ({
      %run_scoped3A = tpu.sem_alloc : memref<!tpu.dma_semaphore, #tpu.memory_space<semaphore_mem>>
      %dma_start3A = arith.constant 0 : i32
      %dma_start3A_603 = tpu.memref_slice %arg10[%add3A_540, %dma_start3A] : memref<10240x128xf32, #tpu.memory_space<vmem_shared>> -> memref<16x128xf32, #tpu.memory_space<vmem_shared>>
      %dma_start3A_604 = arith.constant 0 : i32
      %dma_start3A_605 = tpu.memref_slice %arg10[%add3A_540, %dma_start3A_604] : memref<10240x128xf32, #tpu.memory_space<vmem_shared>> -> memref<16x128xf32, #tpu.memory_space<vmem_shared>>
      tpu.enqueue_dma source(%arg9 : memref<16x128xf32, #tpu.memory_space<vmem>>) target(%dma_start3A_605 : memref<16x128xf32, #tpu.memory_space<vmem_shared>>) target_semaphore(%run_scoped3A : memref<!tpu.dma_semaphore, #tpu.memory_space<semaphore_mem>>)
      %dma_wait3A = arith.constant 0 : i32
      %dma_wait3A_606 = tpu.memref_slice %arg10[%add3A_540, %dma_wait3A] : memref<10240x128xf32, #tpu.memory_space<vmem_shared>> -> memref<16x128xf32, #tpu.memory_space<vmem_shared>>
      %dma_wait3A_607 = arith.constant 0 : i32
      %dma_wait3A_608 = tpu.memref_slice %arg10[%add3A_540, %dma_wait3A_607] : memref<10240x128xf32, #tpu.memory_space<vmem_shared>> -> memref<16x128xf32, #tpu.memory_space<vmem_shared>>
      tpu.wait_dma2 semaphore(%run_scoped3A : memref<!tpu.dma_semaphore, #tpu.memory_space<semaphore_mem>>) src(%arg9 : memref<16x128xf32, #tpu.memory_space<vmem>>) dst(%dma_wait3A_608 : memref<16x128xf32, #tpu.memory_space<vmem_shared>>)
      tpu.yield
    }) : () -> ()
    %add3A_541 = arith.constant 208 : i32
    %add3A_542 = arith.addi %mul3A_514, %add3A_541 : i32
    "tpu.region"() ({
      %run_scoped3A = tpu.sem_alloc : memref<!tpu.dma_semaphore, #tpu.memory_space<semaphore_mem>>
      %dma_start3A = arith.constant 0 : i32
      %dma_start3A_603 = tpu.memref_slice %arg10[%add3A_542, %dma_start3A] : memref<10240x128xf32, #tpu.memory_space<vmem_shared>> -> memref<16x128xf32, #tpu.memory_space<vmem_shared>>
      %dma_start3A_604 = arith.constant 0 : i32
      %dma_start3A_605 = tpu.memref_slice %arg10[%add3A_542, %dma_start3A_604] : memref<10240x128xf32, #tpu.memory_space<vmem_shared>> -> memref<16x128xf32, #tpu.memory_space<vmem_shared>>
      tpu.enqueue_dma source(%arg9 : memref<16x128xf32, #tpu.memory_space<vmem>>) target(%dma_start3A_605 : memref<16x128xf32, #tpu.memory_space<vmem_shared>>) target_semaphore(%run_scoped3A : memref<!tpu.dma_semaphore, #tpu.memory_space<semaphore_mem>>)
      %dma_wait3A = arith.constant 0 : i32
      %dma_wait3A_606 = tpu.memref_slice %arg10[%add3A_542, %dma_wait3A] : memref<10240x128xf32, #tpu.memory_space<vmem_shared>> -> memref<16x128xf32, #tpu.memory_space<vmem_shared>>
      %dma_wait3A_607 = arith.constant 0 : i32
      %dma_wait3A_608 = tpu.memref_slice %arg10[%add3A_542, %dma_wait3A_607] : memref<10240x128xf32, #tpu.memory_space<vmem_shared>> -> memref<16x128xf32, #tpu.memory_space<vmem_shared>>
      tpu.wait_dma2 semaphore(%run_scoped3A : memref<!tpu.dma_semaphore, #tpu.memory_space<semaphore_mem>>) src(%arg9 : memref<16x128xf32, #tpu.memory_space<vmem>>) dst(%dma_wait3A_608 : memref<16x128xf32, #tpu.memory_space<vmem_shared>>)
      tpu.yield
    }) : () -> ()
    %add3A_543 = arith.constant 224 : i32
    %add3A_544 = arith.addi %mul3A_514, %add3A_543 : i32
    "tpu.region"() ({
      %run_scoped3A = tpu.sem_alloc : memref<!tpu.dma_semaphore, #tpu.memory_space<semaphore_mem>>
      %dma_start3A = arith.constant 0 : i32
      %dma_start3A_603 = tpu.memref_slice %arg10[%add3A_544, %dma_start3A] : memref<10240x128xf32, #tpu.memory_space<vmem_shared>> -> memref<16x128xf32, #tpu.memory_space<vmem_shared>>
      %dma_start3A_604 = arith.constant 0 : i32
      %dma_start3A_605 = tpu.memref_slice %arg10[%add3A_544, %dma_start3A_604] : memref<10240x128xf32, #tpu.memory_space<vmem_shared>> -> memref<16x128xf32, #tpu.memory_space<vmem_shared>>
      tpu.enqueue_dma source(%arg9 : memref<16x128xf32, #tpu.memory_space<vmem>>) target(%dma_start3A_605 : memref<16x128xf32, #tpu.memory_space<vmem_shared>>) target_semaphore(%run_scoped3A : memref<!tpu.dma_semaphore, #tpu.memory_space<semaphore_mem>>)
      %dma_wait3A = arith.constant 0 : i32
      %dma_wait3A_606 = tpu.memref_slice %arg10[%add3A_544, %dma_wait3A] : memref<10240x128xf32, #tpu.memory_space<vmem_shared>> -> memref<16x128xf32, #tpu.memory_space<vmem_shared>>
      %dma_wait3A_607 = arith.constant 0 : i32
      %dma_wait3A_608 = tpu.memref_slice %arg10[%add3A_544, %dma_wait3A_607] : memref<10240x128xf32, #tpu.memory_space<vmem_shared>> -> memref<16x128xf32, #tpu.memory_space<vmem_shared>>
      tpu.wait_dma2 semaphore(%run_scoped3A : memref<!tpu.dma_semaphore, #tpu.memory_space<semaphore_mem>>) src(%arg9 : memref<16x128xf32, #tpu.memory_space<vmem>>) dst(%dma_wait3A_608 : memref<16x128xf32, #tpu.memory_space<vmem_shared>>)
      tpu.yield
    }) : () -> ()
    %add3A_545 = arith.constant 240 : i32
    %add3A_546 = arith.addi %mul3A_514, %add3A_545 : i32
    "tpu.region"() ({
      %run_scoped3A = tpu.sem_alloc : memref<!tpu.dma_semaphore, #tpu.memory_space<semaphore_mem>>
      %dma_start3A = arith.constant 0 : i32
      %dma_start3A_603 = tpu.memref_slice %arg10[%add3A_546, %dma_start3A] : memref<10240x128xf32, #tpu.memory_space<vmem_shared>> -> memref<16x128xf32, #tpu.memory_space<vmem_shared>>
      %dma_start3A_604 = arith.constant 0 : i32
      %dma_start3A_605 = tpu.memref_slice %arg10[%add3A_546, %dma_start3A_604] : memref<10240x128xf32, #tpu.memory_space<vmem_shared>> -> memref<16x128xf32, #tpu.memory_space<vmem_shared>>
      tpu.enqueue_dma source(%arg9 : memref<16x128xf32, #tpu.memory_space<vmem>>) target(%dma_start3A_605 : memref<16x128xf32, #tpu.memory_space<vmem_shared>>) target_semaphore(%run_scoped3A : memref<!tpu.dma_semaphore, #tpu.memory_space<semaphore_mem>>)
      %dma_wait3A = arith.constant 0 : i32
      %dma_wait3A_606 = tpu.memref_slice %arg10[%add3A_546, %dma_wait3A] : memref<10240x128xf32, #tpu.memory_space<vmem_shared>> -> memref<16x128xf32, #tpu.memory_space<vmem_shared>>
      %dma_wait3A_607 = arith.constant 0 : i32
      %dma_wait3A_608 = tpu.memref_slice %arg10[%add3A_546, %dma_wait3A_607] : memref<10240x128xf32, #tpu.memory_space<vmem_shared>> -> memref<16x128xf32, #tpu.memory_space<vmem_shared>>
      tpu.wait_dma2 semaphore(%run_scoped3A : memref<!tpu.dma_semaphore, #tpu.memory_space<semaphore_mem>>) src(%arg9 : memref<16x128xf32, #tpu.memory_space<vmem>>) dst(%dma_wait3A_608 : memref<16x128xf32, #tpu.memory_space<vmem_shared>>)
      tpu.yield
    }) : () -> ()
    %add3A_547 = arith.constant 256 : i32
    %add3A_548 = arith.addi %mul3A_514, %add3A_547 : i32
    "tpu.region"() ({
      %run_scoped3A = tpu.sem_alloc : memref<!tpu.dma_semaphore, #tpu.memory_space<semaphore_mem>>
      %dma_start3A = arith.constant 0 : i32
      %dma_start3A_603 = tpu.memref_slice %arg10[%add3A_548, %dma_start3A] : memref<10240x128xf32, #tpu.memory_space<vmem_shared>> -> memref<16x128xf32, #tpu.memory_space<vmem_shared>>
      %dma_start3A_604 = arith.constant 0 : i32
      %dma_start3A_605 = tpu.memref_slice %arg10[%add3A_548, %dma_start3A_604] : memref<10240x128xf32, #tpu.memory_space<vmem_shared>> -> memref<16x128xf32, #tpu.memory_space<vmem_shared>>
      tpu.enqueue_dma source(%arg9 : memref<16x128xf32, #tpu.memory_space<vmem>>) target(%dma_start3A_605 : memref<16x128xf32, #tpu.memory_space<vmem_shared>>) target_semaphore(%run_scoped3A : memref<!tpu.dma_semaphore, #tpu.memory_space<semaphore_mem>>)
      %dma_wait3A = arith.constant 0 : i32
      %dma_wait3A_606 = tpu.memref_slice %arg10[%add3A_548, %dma_wait3A] : memref<10240x128xf32, #tpu.memory_space<vmem_shared>> -> memref<16x128xf32, #tpu.memory_space<vmem_shared>>
      %dma_wait3A_607 = arith.constant 0 : i32
      %dma_wait3A_608 = tpu.memref_slice %arg10[%add3A_548, %dma_wait3A_607] : memref<10240x128xf32, #tpu.memory_space<vmem_shared>> -> memref<16x128xf32, #tpu.memory_space<vmem_shared>>
      tpu.wait_dma2 semaphore(%run_scoped3A : memref<!tpu.dma_semaphore, #tpu.memory_space<semaphore_mem>>) src(%arg9 : memref<16x128xf32, #tpu.memory_space<vmem>>) dst(%dma_wait3A_608 : memref<16x128xf32, #tpu.memory_space<vmem_shared>>)
      tpu.yield
    }) : () -> ()
    %add3A_549 = arith.constant 272 : i32
    %add3A_550 = arith.addi %mul3A_514, %add3A_549 : i32
    "tpu.region"() ({
      %run_scoped3A = tpu.sem_alloc : memref<!tpu.dma_semaphore, #tpu.memory_space<semaphore_mem>>
      %dma_start3A = arith.constant 0 : i32
      %dma_start3A_603 = tpu.memref_slice %arg10[%add3A_550, %dma_start3A] : memref<10240x128xf32, #tpu.memory_space<vmem_shared>> -> memref<16x128xf32, #tpu.memory_space<vmem_shared>>
      %dma_start3A_604 = arith.constant 0 : i32
      %dma_start3A_605 = tpu.memref_slice %arg10[%add3A_550, %dma_start3A_604] : memref<10240x128xf32, #tpu.memory_space<vmem_shared>> -> memref<16x128xf32, #tpu.memory_space<vmem_shared>>
      tpu.enqueue_dma source(%arg9 : memref<16x128xf32, #tpu.memory_space<vmem>>) target(%dma_start3A_605 : memref<16x128xf32, #tpu.memory_space<vmem_shared>>) target_semaphore(%run_scoped3A : memref<!tpu.dma_semaphore, #tpu.memory_space<semaphore_mem>>)
      %dma_wait3A = arith.constant 0 : i32
      %dma_wait3A_606 = tpu.memref_slice %arg10[%add3A_550, %dma_wait3A] : memref<10240x128xf32, #tpu.memory_space<vmem_shared>> -> memref<16x128xf32, #tpu.memory_space<vmem_shared>>
      %dma_wait3A_607 = arith.constant 0 : i32
      %dma_wait3A_608 = tpu.memref_slice %arg10[%add3A_550, %dma_wait3A_607] : memref<10240x128xf32, #tpu.memory_space<vmem_shared>> -> memref<16x128xf32, #tpu.memory_space<vmem_shared>>
      tpu.wait_dma2 semaphore(%run_scoped3A : memref<!tpu.dma_semaphore, #tpu.memory_space<semaphore_mem>>) src(%arg9 : memref<16x128xf32, #tpu.memory_space<vmem>>) dst(%dma_wait3A_608 : memref<16x128xf32, #tpu.memory_space<vmem_shared>>)
      tpu.yield
    }) : () -> ()
    %add3A_551 = arith.constant 288 : i32
    %add3A_552 = arith.addi %mul3A_514, %add3A_551 : i32
    "tpu.region"() ({
      %run_scoped3A = tpu.sem_alloc : memref<!tpu.dma_semaphore, #tpu.memory_space<semaphore_mem>>
      %dma_start3A = arith.constant 0 : i32
      %dma_start3A_603 = tpu.memref_slice %arg10[%add3A_552, %dma_start3A] : memref<10240x128xf32, #tpu.memory_space<vmem_shared>> -> memref<16x128xf32, #tpu.memory_space<vmem_shared>>
      %dma_start3A_604 = arith.constant 0 : i32
      %dma_start3A_605 = tpu.memref_slice %arg10[%add3A_552, %dma_start3A_604] : memref<10240x128xf32, #tpu.memory_space<vmem_shared>> -> memref<16x128xf32, #tpu.memory_space<vmem_shared>>
      tpu.enqueue_dma source(%arg9 : memref<16x128xf32, #tpu.memory_space<vmem>>) target(%dma_start3A_605 : memref<16x128xf32, #tpu.memory_space<vmem_shared>>) target_semaphore(%run_scoped3A : memref<!tpu.dma_semaphore, #tpu.memory_space<semaphore_mem>>)
      %dma_wait3A = arith.constant 0 : i32
      %dma_wait3A_606 = tpu.memref_slice %arg10[%add3A_552, %dma_wait3A] : memref<10240x128xf32, #tpu.memory_space<vmem_shared>> -> memref<16x128xf32, #tpu.memory_space<vmem_shared>>
      %dma_wait3A_607 = arith.constant 0 : i32
      %dma_wait3A_608 = tpu.memref_slice %arg10[%add3A_552, %dma_wait3A_607] : memref<10240x128xf32, #tpu.memory_space<vmem_shared>> -> memref<16x128xf32, #tpu.memory_space<vmem_shared>>
      tpu.wait_dma2 semaphore(%run_scoped3A : memref<!tpu.dma_semaphore, #tpu.memory_space<semaphore_mem>>) src(%arg9 : memref<16x128xf32, #tpu.memory_space<vmem>>) dst(%dma_wait3A_608 : memref<16x128xf32, #tpu.memory_space<vmem_shared>>)
      tpu.yield
    }) : () -> ()
    %add3A_553 = arith.constant 304 : i32
    %add3A_554 = arith.addi %mul3A_514, %add3A_553 : i32
    "tpu.region"() ({
      %run_scoped3A = tpu.sem_alloc : memref<!tpu.dma_semaphore, #tpu.memory_space<semaphore_mem>>
      %dma_start3A = arith.constant 0 : i32
      %dma_start3A_603 = tpu.memref_slice %arg10[%add3A_554, %dma_start3A] : memref<10240x128xf32, #tpu.memory_space<vmem_shared>> -> memref<16x128xf32, #tpu.memory_space<vmem_shared>>
      %dma_start3A_604 = arith.constant 0 : i32
      %dma_start3A_605 = tpu.memref_slice %arg10[%add3A_554, %dma_start3A_604] : memref<10240x128xf32, #tpu.memory_space<vmem_shared>> -> memref<16x128xf32, #tpu.memory_space<vmem_shared>>
      tpu.enqueue_dma source(%arg9 : memref<16x128xf32, #tpu.memory_space<vmem>>) target(%dma_start3A_605 : memref<16x128xf32, #tpu.memory_space<vmem_shared>>) target_semaphore(%run_scoped3A : memref<!tpu.dma_semaphore, #tpu.memory_space<semaphore_mem>>)
      %dma_wait3A = arith.constant 0 : i32
      %dma_wait3A_606 = tpu.memref_slice %arg10[%add3A_554, %dma_wait3A] : memref<10240x128xf32, #tpu.memory_space<vmem_shared>> -> memref<16x128xf32, #tpu.memory_space<vmem_shared>>
      %dma_wait3A_607 = arith.constant 0 : i32
      %dma_wait3A_608 = tpu.memref_slice %arg10[%add3A_554, %dma_wait3A_607] : memref<10240x128xf32, #tpu.memory_space<vmem_shared>> -> memref<16x128xf32, #tpu.memory_space<vmem_shared>>
      tpu.wait_dma2 semaphore(%run_scoped3A : memref<!tpu.dma_semaphore, #tpu.memory_space<semaphore_mem>>) src(%arg9 : memref<16x128xf32, #tpu.memory_space<vmem>>) dst(%dma_wait3A_608 : memref<16x128xf32, #tpu.memory_space<vmem_shared>>)
      tpu.yield
    }) : () -> ()
    %add3A_555 = arith.constant 320 : i32
    %add3A_556 = arith.addi %mul3A_514, %add3A_555 : i32
    "tpu.region"() ({
      %run_scoped3A = tpu.sem_alloc : memref<!tpu.dma_semaphore, #tpu.memory_space<semaphore_mem>>
      %dma_start3A = arith.constant 0 : i32
      %dma_start3A_603 = tpu.memref_slice %arg10[%add3A_556, %dma_start3A] : memref<10240x128xf32, #tpu.memory_space<vmem_shared>> -> memref<16x128xf32, #tpu.memory_space<vmem_shared>>
      %dma_start3A_604 = arith.constant 0 : i32
      %dma_start3A_605 = tpu.memref_slice %arg10[%add3A_556, %dma_start3A_604] : memref<10240x128xf32, #tpu.memory_space<vmem_shared>> -> memref<16x128xf32, #tpu.memory_space<vmem_shared>>
      tpu.enqueue_dma source(%arg9 : memref<16x128xf32, #tpu.memory_space<vmem>>) target(%dma_start3A_605 : memref<16x128xf32, #tpu.memory_space<vmem_shared>>) target_semaphore(%run_scoped3A : memref<!tpu.dma_semaphore, #tpu.memory_space<semaphore_mem>>)
      %dma_wait3A = arith.constant 0 : i32
      %dma_wait3A_606 = tpu.memref_slice %arg10[%add3A_556, %dma_wait3A] : memref<10240x128xf32, #tpu.memory_space<vmem_shared>> -> memref<16x128xf32, #tpu.memory_space<vmem_shared>>
      %dma_wait3A_607 = arith.constant 0 : i32
      %dma_wait3A_608 = tpu.memref_slice %arg10[%add3A_556, %dma_wait3A_607] : memref<10240x128xf32, #tpu.memory_space<vmem_shared>> -> memref<16x128xf32, #tpu.memory_space<vmem_shared>>
      tpu.wait_dma2 semaphore(%run_scoped3A : memref<!tpu.dma_semaphore, #tpu.memory_space<semaphore_mem>>) src(%arg9 : memref<16x128xf32, #tpu.memory_space<vmem>>) dst(%dma_wait3A_608 : memref<16x128xf32, #tpu.memory_space<vmem_shared>>)
      tpu.yield
    }) : () -> ()
    %add3A_557 = arith.constant 336 : i32
    %add3A_558 = arith.addi %mul3A_514, %add3A_557 : i32
    "tpu.region"() ({
      %run_scoped3A = tpu.sem_alloc : memref<!tpu.dma_semaphore, #tpu.memory_space<semaphore_mem>>
      %dma_start3A = arith.constant 0 : i32
      %dma_start3A_603 = tpu.memref_slice %arg10[%add3A_558, %dma_start3A] : memref<10240x128xf32, #tpu.memory_space<vmem_shared>> -> memref<16x128xf32, #tpu.memory_space<vmem_shared>>
      %dma_start3A_604 = arith.constant 0 : i32
      %dma_start3A_605 = tpu.memref_slice %arg10[%add3A_558, %dma_start3A_604] : memref<10240x128xf32, #tpu.memory_space<vmem_shared>> -> memref<16x128xf32, #tpu.memory_space<vmem_shared>>
      tpu.enqueue_dma source(%arg9 : memref<16x128xf32, #tpu.memory_space<vmem>>) target(%dma_start3A_605 : memref<16x128xf32, #tpu.memory_space<vmem_shared>>) target_semaphore(%run_scoped3A : memref<!tpu.dma_semaphore, #tpu.memory_space<semaphore_mem>>)
      %dma_wait3A = arith.constant 0 : i32
      %dma_wait3A_606 = tpu.memref_slice %arg10[%add3A_558, %dma_wait3A] : memref<10240x128xf32, #tpu.memory_space<vmem_shared>> -> memref<16x128xf32, #tpu.memory_space<vmem_shared>>
      %dma_wait3A_607 = arith.constant 0 : i32
      %dma_wait3A_608 = tpu.memref_slice %arg10[%add3A_558, %dma_wait3A_607] : memref<10240x128xf32, #tpu.memory_space<vmem_shared>> -> memref<16x128xf32, #tpu.memory_space<vmem_shared>>
      tpu.wait_dma2 semaphore(%run_scoped3A : memref<!tpu.dma_semaphore, #tpu.memory_space<semaphore_mem>>) src(%arg9 : memref<16x128xf32, #tpu.memory_space<vmem>>) dst(%dma_wait3A_608 : memref<16x128xf32, #tpu.memory_space<vmem_shared>>)
      tpu.yield
    }) : () -> ()
    %add3A_559 = arith.constant 352 : i32
    %add3A_560 = arith.addi %mul3A_514, %add3A_559 : i32
    "tpu.region"() ({
      %run_scoped3A = tpu.sem_alloc : memref<!tpu.dma_semaphore, #tpu.memory_space<semaphore_mem>>
      %dma_start3A = arith.constant 0 : i32
      %dma_start3A_603 = tpu.memref_slice %arg10[%add3A_560, %dma_start3A] : memref<10240x128xf32, #tpu.memory_space<vmem_shared>> -> memref<16x128xf32, #tpu.memory_space<vmem_shared>>
      %dma_start3A_604 = arith.constant 0 : i32
      %dma_start3A_605 = tpu.memref_slice %arg10[%add3A_560, %dma_start3A_604] : memref<10240x128xf32, #tpu.memory_space<vmem_shared>> -> memref<16x128xf32, #tpu.memory_space<vmem_shared>>
      tpu.enqueue_dma source(%arg9 : memref<16x128xf32, #tpu.memory_space<vmem>>) target(%dma_start3A_605 : memref<16x128xf32, #tpu.memory_space<vmem_shared>>) target_semaphore(%run_scoped3A : memref<!tpu.dma_semaphore, #tpu.memory_space<semaphore_mem>>)
      %dma_wait3A = arith.constant 0 : i32
      %dma_wait3A_606 = tpu.memref_slice %arg10[%add3A_560, %dma_wait3A] : memref<10240x128xf32, #tpu.memory_space<vmem_shared>> -> memref<16x128xf32, #tpu.memory_space<vmem_shared>>
      %dma_wait3A_607 = arith.constant 0 : i32
      %dma_wait3A_608 = tpu.memref_slice %arg10[%add3A_560, %dma_wait3A_607] : memref<10240x128xf32, #tpu.memory_space<vmem_shared>> -> memref<16x128xf32, #tpu.memory_space<vmem_shared>>
      tpu.wait_dma2 semaphore(%run_scoped3A : memref<!tpu.dma_semaphore, #tpu.memory_space<semaphore_mem>>) src(%arg9 : memref<16x128xf32, #tpu.memory_space<vmem>>) dst(%dma_wait3A_608 : memref<16x128xf32, #tpu.memory_space<vmem_shared>>)
      tpu.yield
    }) : () -> ()
    %add3A_561 = arith.constant 368 : i32
    %add3A_562 = arith.addi %mul3A_514, %add3A_561 : i32
    "tpu.region"() ({
      %run_scoped3A = tpu.sem_alloc : memref<!tpu.dma_semaphore, #tpu.memory_space<semaphore_mem>>
      %dma_start3A = arith.constant 0 : i32
      %dma_start3A_603 = tpu.memref_slice %arg10[%add3A_562, %dma_start3A] : memref<10240x128xf32, #tpu.memory_space<vmem_shared>> -> memref<16x128xf32, #tpu.memory_space<vmem_shared>>
      %dma_start3A_604 = arith.constant 0 : i32
      %dma_start3A_605 = tpu.memref_slice %arg10[%add3A_562, %dma_start3A_604] : memref<10240x128xf32, #tpu.memory_space<vmem_shared>> -> memref<16x128xf32, #tpu.memory_space<vmem_shared>>
      tpu.enqueue_dma source(%arg9 : memref<16x128xf32, #tpu.memory_space<vmem>>) target(%dma_start3A_605 : memref<16x128xf32, #tpu.memory_space<vmem_shared>>) target_semaphore(%run_scoped3A : memref<!tpu.dma_semaphore, #tpu.memory_space<semaphore_mem>>)
      %dma_wait3A = arith.constant 0 : i32
      %dma_wait3A_606 = tpu.memref_slice %arg10[%add3A_562, %dma_wait3A] : memref<10240x128xf32, #tpu.memory_space<vmem_shared>> -> memref<16x128xf32, #tpu.memory_space<vmem_shared>>
      %dma_wait3A_607 = arith.constant 0 : i32
      %dma_wait3A_608 = tpu.memref_slice %arg10[%add3A_562, %dma_wait3A_607] : memref<10240x128xf32, #tpu.memory_space<vmem_shared>> -> memref<16x128xf32, #tpu.memory_space<vmem_shared>>
      tpu.wait_dma2 semaphore(%run_scoped3A : memref<!tpu.dma_semaphore, #tpu.memory_space<semaphore_mem>>) src(%arg9 : memref<16x128xf32, #tpu.memory_space<vmem>>) dst(%dma_wait3A_608 : memref<16x128xf32, #tpu.memory_space<vmem_shared>>)
      tpu.yield
    }) : () -> ()
    %add3A_563 = arith.constant 384 : i32
    %add3A_564 = arith.addi %mul3A_514, %add3A_563 : i32
    "tpu.region"() ({
      %run_scoped3A = tpu.sem_alloc : memref<!tpu.dma_semaphore, #tpu.memory_space<semaphore_mem>>
      %dma_start3A = arith.constant 0 : i32
      %dma_start3A_603 = tpu.memref_slice %arg10[%add3A_564, %dma_start3A] : memref<10240x128xf32, #tpu.memory_space<vmem_shared>> -> memref<16x128xf32, #tpu.memory_space<vmem_shared>>
      %dma_start3A_604 = arith.constant 0 : i32
      %dma_start3A_605 = tpu.memref_slice %arg10[%add3A_564, %dma_start3A_604] : memref<10240x128xf32, #tpu.memory_space<vmem_shared>> -> memref<16x128xf32, #tpu.memory_space<vmem_shared>>
      tpu.enqueue_dma source(%arg9 : memref<16x128xf32, #tpu.memory_space<vmem>>) target(%dma_start3A_605 : memref<16x128xf32, #tpu.memory_space<vmem_shared>>) target_semaphore(%run_scoped3A : memref<!tpu.dma_semaphore, #tpu.memory_space<semaphore_mem>>)
      %dma_wait3A = arith.constant 0 : i32
      %dma_wait3A_606 = tpu.memref_slice %arg10[%add3A_564, %dma_wait3A] : memref<10240x128xf32, #tpu.memory_space<vmem_shared>> -> memref<16x128xf32, #tpu.memory_space<vmem_shared>>
      %dma_wait3A_607 = arith.constant 0 : i32
      %dma_wait3A_608 = tpu.memref_slice %arg10[%add3A_564, %dma_wait3A_607] : memref<10240x128xf32, #tpu.memory_space<vmem_shared>> -> memref<16x128xf32, #tpu.memory_space<vmem_shared>>
      tpu.wait_dma2 semaphore(%run_scoped3A : memref<!tpu.dma_semaphore, #tpu.memory_space<semaphore_mem>>) src(%arg9 : memref<16x128xf32, #tpu.memory_space<vmem>>) dst(%dma_wait3A_608 : memref<16x128xf32, #tpu.memory_space<vmem_shared>>)
      tpu.yield
    }) : () -> ()
    %add3A_565 = arith.constant 400 : i32
    %add3A_566 = arith.addi %mul3A_514, %add3A_565 : i32
    "tpu.region"() ({
      %run_scoped3A = tpu.sem_alloc : memref<!tpu.dma_semaphore, #tpu.memory_space<semaphore_mem>>
      %dma_start3A = arith.constant 0 : i32
      %dma_start3A_603 = tpu.memref_slice %arg10[%add3A_566, %dma_start3A] : memref<10240x128xf32, #tpu.memory_space<vmem_shared>> -> memref<16x128xf32, #tpu.memory_space<vmem_shared>>
      %dma_start3A_604 = arith.constant 0 : i32
      %dma_start3A_605 = tpu.memref_slice %arg10[%add3A_566, %dma_start3A_604] : memref<10240x128xf32, #tpu.memory_space<vmem_shared>> -> memref<16x128xf32, #tpu.memory_space<vmem_shared>>
      tpu.enqueue_dma source(%arg9 : memref<16x128xf32, #tpu.memory_space<vmem>>) target(%dma_start3A_605 : memref<16x128xf32, #tpu.memory_space<vmem_shared>>) target_semaphore(%run_scoped3A : memref<!tpu.dma_semaphore, #tpu.memory_space<semaphore_mem>>)
      %dma_wait3A = arith.constant 0 : i32
      %dma_wait3A_606 = tpu.memref_slice %arg10[%add3A_566, %dma_wait3A] : memref<10240x128xf32, #tpu.memory_space<vmem_shared>> -> memref<16x128xf32, #tpu.memory_space<vmem_shared>>
      %dma_wait3A_607 = arith.constant 0 : i32
      %dma_wait3A_608 = tpu.memref_slice %arg10[%add3A_566, %dma_wait3A_607] : memref<10240x128xf32, #tpu.memory_space<vmem_shared>> -> memref<16x128xf32, #tpu.memory_space<vmem_shared>>
      tpu.wait_dma2 semaphore(%run_scoped3A : memref<!tpu.dma_semaphore, #tpu.memory_space<semaphore_mem>>) src(%arg9 : memref<16x128xf32, #tpu.memory_space<vmem>>) dst(%dma_wait3A_608 : memref<16x128xf32, #tpu.memory_space<vmem_shared>>)
      tpu.yield
    }) : () -> ()
    %add3A_567 = arith.constant 416 : i32
    %add3A_568 = arith.addi %mul3A_514, %add3A_567 : i32
    "tpu.region"() ({
      %run_scoped3A = tpu.sem_alloc : memref<!tpu.dma_semaphore, #tpu.memory_space<semaphore_mem>>
      %dma_start3A = arith.constant 0 : i32
      %dma_start3A_603 = tpu.memref_slice %arg10[%add3A_568, %dma_start3A] : memref<10240x128xf32, #tpu.memory_space<vmem_shared>> -> memref<16x128xf32, #tpu.memory_space<vmem_shared>>
      %dma_start3A_604 = arith.constant 0 : i32
      %dma_start3A_605 = tpu.memref_slice %arg10[%add3A_568, %dma_start3A_604] : memref<10240x128xf32, #tpu.memory_space<vmem_shared>> -> memref<16x128xf32, #tpu.memory_space<vmem_shared>>
      tpu.enqueue_dma source(%arg9 : memref<16x128xf32, #tpu.memory_space<vmem>>) target(%dma_start3A_605 : memref<16x128xf32, #tpu.memory_space<vmem_shared>>) target_semaphore(%run_scoped3A : memref<!tpu.dma_semaphore, #tpu.memory_space<semaphore_mem>>)
      %dma_wait3A = arith.constant 0 : i32
      %dma_wait3A_606 = tpu.memref_slice %arg10[%add3A_568, %dma_wait3A] : memref<10240x128xf32, #tpu.memory_space<vmem_shared>> -> memref<16x128xf32, #tpu.memory_space<vmem_shared>>
      %dma_wait3A_607 = arith.constant 0 : i32
      %dma_wait3A_608 = tpu.memref_slice %arg10[%add3A_568, %dma_wait3A_607] : memref<10240x128xf32, #tpu.memory_space<vmem_shared>> -> memref<16x128xf32, #tpu.memory_space<vmem_shared>>
      tpu.wait_dma2 semaphore(%run_scoped3A : memref<!tpu.dma_semaphore, #tpu.memory_space<semaphore_mem>>) src(%arg9 : memref<16x128xf32, #tpu.memory_space<vmem>>) dst(%dma_wait3A_608 : memref<16x128xf32, #tpu.memory_space<vmem_shared>>)
      tpu.yield
    }) : () -> ()
    %add3A_569 = arith.constant 432 : i32
    %add3A_570 = arith.addi %mul3A_514, %add3A_569 : i32
    "tpu.region"() ({
      %run_scoped3A = tpu.sem_alloc : memref<!tpu.dma_semaphore, #tpu.memory_space<semaphore_mem>>
      %dma_start3A = arith.constant 0 : i32
      %dma_start3A_603 = tpu.memref_slice %arg10[%add3A_570, %dma_start3A] : memref<10240x128xf32, #tpu.memory_space<vmem_shared>> -> memref<16x128xf32, #tpu.memory_space<vmem_shared>>
      %dma_start3A_604 = arith.constant 0 : i32
      %dma_start3A_605 = tpu.memref_slice %arg10[%add3A_570, %dma_start3A_604] : memref<10240x128xf32, #tpu.memory_space<vmem_shared>> -> memref<16x128xf32, #tpu.memory_space<vmem_shared>>
      tpu.enqueue_dma source(%arg9 : memref<16x128xf32, #tpu.memory_space<vmem>>) target(%dma_start3A_605 : memref<16x128xf32, #tpu.memory_space<vmem_shared>>) target_semaphore(%run_scoped3A : memref<!tpu.dma_semaphore, #tpu.memory_space<semaphore_mem>>)
      %dma_wait3A = arith.constant 0 : i32
      %dma_wait3A_606 = tpu.memref_slice %arg10[%add3A_570, %dma_wait3A] : memref<10240x128xf32, #tpu.memory_space<vmem_shared>> -> memref<16x128xf32, #tpu.memory_space<vmem_shared>>
      %dma_wait3A_607 = arith.constant 0 : i32
      %dma_wait3A_608 = tpu.memref_slice %arg10[%add3A_570, %dma_wait3A_607] : memref<10240x128xf32, #tpu.memory_space<vmem_shared>> -> memref<16x128xf32, #tpu.memory_space<vmem_shared>>
      tpu.wait_dma2 semaphore(%run_scoped3A : memref<!tpu.dma_semaphore, #tpu.memory_space<semaphore_mem>>) src(%arg9 : memref<16x128xf32, #tpu.memory_space<vmem>>) dst(%dma_wait3A_608 : memref<16x128xf32, #tpu.memory_space<vmem_shared>>)
      tpu.yield
    }) : () -> ()
    %add3A_571 = arith.constant 448 : i32
    %add3A_572 = arith.addi %mul3A_514, %add3A_571 : i32
    "tpu.region"() ({
      %run_scoped3A = tpu.sem_alloc : memref<!tpu.dma_semaphore, #tpu.memory_space<semaphore_mem>>
      %dma_start3A = arith.constant 0 : i32
      %dma_start3A_603 = tpu.memref_slice %arg10[%add3A_572, %dma_start3A] : memref<10240x128xf32, #tpu.memory_space<vmem_shared>> -> memref<16x128xf32, #tpu.memory_space<vmem_shared>>
      %dma_start3A_604 = arith.constant 0 : i32
      %dma_start3A_605 = tpu.memref_slice %arg10[%add3A_572, %dma_start3A_604] : memref<10240x128xf32, #tpu.memory_space<vmem_shared>> -> memref<16x128xf32, #tpu.memory_space<vmem_shared>>
      tpu.enqueue_dma source(%arg9 : memref<16x128xf32, #tpu.memory_space<vmem>>) target(%dma_start3A_605 : memref<16x128xf32, #tpu.memory_space<vmem_shared>>) target_semaphore(%run_scoped3A : memref<!tpu.dma_semaphore, #tpu.memory_space<semaphore_mem>>)
      %dma_wait3A = arith.constant 0 : i32
      %dma_wait3A_606 = tpu.memref_slice %arg10[%add3A_572, %dma_wait3A] : memref<10240x128xf32, #tpu.memory_space<vmem_shared>> -> memref<16x128xf32, #tpu.memory_space<vmem_shared>>
      %dma_wait3A_607 = arith.constant 0 : i32
      %dma_wait3A_608 = tpu.memref_slice %arg10[%add3A_572, %dma_wait3A_607] : memref<10240x128xf32, #tpu.memory_space<vmem_shared>> -> memref<16x128xf32, #tpu.memory_space<vmem_shared>>
      tpu.wait_dma2 semaphore(%run_scoped3A : memref<!tpu.dma_semaphore, #tpu.memory_space<semaphore_mem>>) src(%arg9 : memref<16x128xf32, #tpu.memory_space<vmem>>) dst(%dma_wait3A_608 : memref<16x128xf32, #tpu.memory_space<vmem_shared>>)
      tpu.yield
    }) : () -> ()
    %add3A_573 = arith.constant 464 : i32
    %add3A_574 = arith.addi %mul3A_514, %add3A_573 : i32
    "tpu.region"() ({
      %run_scoped3A = tpu.sem_alloc : memref<!tpu.dma_semaphore, #tpu.memory_space<semaphore_mem>>
      %dma_start3A = arith.constant 0 : i32
      %dma_start3A_603 = tpu.memref_slice %arg10[%add3A_574, %dma_start3A] : memref<10240x128xf32, #tpu.memory_space<vmem_shared>> -> memref<16x128xf32, #tpu.memory_space<vmem_shared>>
      %dma_start3A_604 = arith.constant 0 : i32
      %dma_start3A_605 = tpu.memref_slice %arg10[%add3A_574, %dma_start3A_604] : memref<10240x128xf32, #tpu.memory_space<vmem_shared>> -> memref<16x128xf32, #tpu.memory_space<vmem_shared>>
      tpu.enqueue_dma source(%arg9 : memref<16x128xf32, #tpu.memory_space<vmem>>) target(%dma_start3A_605 : memref<16x128xf32, #tpu.memory_space<vmem_shared>>) target_semaphore(%run_scoped3A : memref<!tpu.dma_semaphore, #tpu.memory_space<semaphore_mem>>)
      %dma_wait3A = arith.constant 0 : i32
      %dma_wait3A_606 = tpu.memref_slice %arg10[%add3A_574, %dma_wait3A] : memref<10240x128xf32, #tpu.memory_space<vmem_shared>> -> memref<16x128xf32, #tpu.memory_space<vmem_shared>>
      %dma_wait3A_607 = arith.constant 0 : i32
      %dma_wait3A_608 = tpu.memref_slice %arg10[%add3A_574, %dma_wait3A_607] : memref<10240x128xf32, #tpu.memory_space<vmem_shared>> -> memref<16x128xf32, #tpu.memory_space<vmem_shared>>
      tpu.wait_dma2 semaphore(%run_scoped3A : memref<!tpu.dma_semaphore, #tpu.memory_space<semaphore_mem>>) src(%arg9 : memref<16x128xf32, #tpu.memory_space<vmem>>) dst(%dma_wait3A_608 : memref<16x128xf32, #tpu.memory_space<vmem_shared>>)
      tpu.yield
    }) : () -> ()
    %add3A_575 = arith.constant 480 : i32
    %add3A_576 = arith.addi %mul3A_514, %add3A_575 : i32
    "tpu.region"() ({
      %run_scoped3A = tpu.sem_alloc : memref<!tpu.dma_semaphore, #tpu.memory_space<semaphore_mem>>
      %dma_start3A = arith.constant 0 : i32
      %dma_start3A_603 = tpu.memref_slice %arg10[%add3A_576, %dma_start3A] : memref<10240x128xf32, #tpu.memory_space<vmem_shared>> -> memref<16x128xf32, #tpu.memory_space<vmem_shared>>
      %dma_start3A_604 = arith.constant 0 : i32
      %dma_start3A_605 = tpu.memref_slice %arg10[%add3A_576, %dma_start3A_604] : memref<10240x128xf32, #tpu.memory_space<vmem_shared>> -> memref<16x128xf32, #tpu.memory_space<vmem_shared>>
      tpu.enqueue_dma source(%arg9 : memref<16x128xf32, #tpu.memory_space<vmem>>) target(%dma_start3A_605 : memref<16x128xf32, #tpu.memory_space<vmem_shared>>) target_semaphore(%run_scoped3A : memref<!tpu.dma_semaphore, #tpu.memory_space<semaphore_mem>>)
      %dma_wait3A = arith.constant 0 : i32
      %dma_wait3A_606 = tpu.memref_slice %arg10[%add3A_576, %dma_wait3A] : memref<10240x128xf32, #tpu.memory_space<vmem_shared>> -> memref<16x128xf32, #tpu.memory_space<vmem_shared>>
      %dma_wait3A_607 = arith.constant 0 : i32
      %dma_wait3A_608 = tpu.memref_slice %arg10[%add3A_576, %dma_wait3A_607] : memref<10240x128xf32, #tpu.memory_space<vmem_shared>> -> memref<16x128xf32, #tpu.memory_space<vmem_shared>>
      tpu.wait_dma2 semaphore(%run_scoped3A : memref<!tpu.dma_semaphore, #tpu.memory_space<semaphore_mem>>) src(%arg9 : memref<16x128xf32, #tpu.memory_space<vmem>>) dst(%dma_wait3A_608 : memref<16x128xf32, #tpu.memory_space<vmem_shared>>)
      tpu.yield
    }) : () -> ()
    %add3A_577 = arith.constant 496 : i32
    %add3A_578 = arith.addi %mul3A_514, %add3A_577 : i32
    "tpu.region"() ({
      %run_scoped3A = tpu.sem_alloc : memref<!tpu.dma_semaphore, #tpu.memory_space<semaphore_mem>>
      %dma_start3A = arith.constant 0 : i32
      %dma_start3A_603 = tpu.memref_slice %arg10[%add3A_578, %dma_start3A] : memref<10240x128xf32, #tpu.memory_space<vmem_shared>> -> memref<16x128xf32, #tpu.memory_space<vmem_shared>>
      %dma_start3A_604 = arith.constant 0 : i32
      %dma_start3A_605 = tpu.memref_slice %arg10[%add3A_578, %dma_start3A_604] : memref<10240x128xf32, #tpu.memory_space<vmem_shared>> -> memref<16x128xf32, #tpu.memory_space<vmem_shared>>
      tpu.enqueue_dma source(%arg9 : memref<16x128xf32, #tpu.memory_space<vmem>>) target(%dma_start3A_605 : memref<16x128xf32, #tpu.memory_space<vmem_shared>>) target_semaphore(%run_scoped3A : memref<!tpu.dma_semaphore, #tpu.memory_space<semaphore_mem>>)
      %dma_wait3A = arith.constant 0 : i32
      %dma_wait3A_606 = tpu.memref_slice %arg10[%add3A_578, %dma_wait3A] : memref<10240x128xf32, #tpu.memory_space<vmem_shared>> -> memref<16x128xf32, #tpu.memory_space<vmem_shared>>
      %dma_wait3A_607 = arith.constant 0 : i32
      %dma_wait3A_608 = tpu.memref_slice %arg10[%add3A_578, %dma_wait3A_607] : memref<10240x128xf32, #tpu.memory_space<vmem_shared>> -> memref<16x128xf32, #tpu.memory_space<vmem_shared>>
      tpu.wait_dma2 semaphore(%run_scoped3A : memref<!tpu.dma_semaphore, #tpu.memory_space<semaphore_mem>>) src(%arg9 : memref<16x128xf32, #tpu.memory_space<vmem>>) dst(%dma_wait3A_608 : memref<16x128xf32, #tpu.memory_space<vmem_shared>>)
      tpu.yield
    }) : () -> ()
    %add3A_579 = arith.constant 512 : i32
    %add3A_580 = arith.addi %mul3A_514, %add3A_579 : i32
    "tpu.region"() ({
      %run_scoped3A = tpu.sem_alloc : memref<!tpu.dma_semaphore, #tpu.memory_space<semaphore_mem>>
      %dma_start3A = arith.constant 0 : i32
      %dma_start3A_603 = tpu.memref_slice %arg10[%add3A_580, %dma_start3A] : memref<10240x128xf32, #tpu.memory_space<vmem_shared>> -> memref<16x128xf32, #tpu.memory_space<vmem_shared>>
      %dma_start3A_604 = arith.constant 0 : i32
      %dma_start3A_605 = tpu.memref_slice %arg10[%add3A_580, %dma_start3A_604] : memref<10240x128xf32, #tpu.memory_space<vmem_shared>> -> memref<16x128xf32, #tpu.memory_space<vmem_shared>>
      tpu.enqueue_dma source(%arg9 : memref<16x128xf32, #tpu.memory_space<vmem>>) target(%dma_start3A_605 : memref<16x128xf32, #tpu.memory_space<vmem_shared>>) target_semaphore(%run_scoped3A : memref<!tpu.dma_semaphore, #tpu.memory_space<semaphore_mem>>)
      %dma_wait3A = arith.constant 0 : i32
      %dma_wait3A_606 = tpu.memref_slice %arg10[%add3A_580, %dma_wait3A] : memref<10240x128xf32, #tpu.memory_space<vmem_shared>> -> memref<16x128xf32, #tpu.memory_space<vmem_shared>>
      %dma_wait3A_607 = arith.constant 0 : i32
      %dma_wait3A_608 = tpu.memref_slice %arg10[%add3A_580, %dma_wait3A_607] : memref<10240x128xf32, #tpu.memory_space<vmem_shared>> -> memref<16x128xf32, #tpu.memory_space<vmem_shared>>
      tpu.wait_dma2 semaphore(%run_scoped3A : memref<!tpu.dma_semaphore, #tpu.memory_space<semaphore_mem>>) src(%arg9 : memref<16x128xf32, #tpu.memory_space<vmem>>) dst(%dma_wait3A_608 : memref<16x128xf32, #tpu.memory_space<vmem_shared>>)
      tpu.yield
    }) : () -> ()
    %add3A_581 = arith.constant 528 : i32
    %add3A_582 = arith.addi %mul3A_514, %add3A_581 : i32
    "tpu.region"() ({
      %run_scoped3A = tpu.sem_alloc : memref<!tpu.dma_semaphore, #tpu.memory_space<semaphore_mem>>
      %dma_start3A = arith.constant 0 : i32
      %dma_start3A_603 = tpu.memref_slice %arg10[%add3A_582, %dma_start3A] : memref<10240x128xf32, #tpu.memory_space<vmem_shared>> -> memref<16x128xf32, #tpu.memory_space<vmem_shared>>
      %dma_start3A_604 = arith.constant 0 : i32
      %dma_start3A_605 = tpu.memref_slice %arg10[%add3A_582, %dma_start3A_604] : memref<10240x128xf32, #tpu.memory_space<vmem_shared>> -> memref<16x128xf32, #tpu.memory_space<vmem_shared>>
      tpu.enqueue_dma source(%arg9 : memref<16x128xf32, #tpu.memory_space<vmem>>) target(%dma_start3A_605 : memref<16x128xf32, #tpu.memory_space<vmem_shared>>) target_semaphore(%run_scoped3A : memref<!tpu.dma_semaphore, #tpu.memory_space<semaphore_mem>>)
      %dma_wait3A = arith.constant 0 : i32
      %dma_wait3A_606 = tpu.memref_slice %arg10[%add3A_582, %dma_wait3A] : memref<10240x128xf32, #tpu.memory_space<vmem_shared>> -> memref<16x128xf32, #tpu.memory_space<vmem_shared>>
      %dma_wait3A_607 = arith.constant 0 : i32
      %dma_wait3A_608 = tpu.memref_slice %arg10[%add3A_582, %dma_wait3A_607] : memref<10240x128xf32, #tpu.memory_space<vmem_shared>> -> memref<16x128xf32, #tpu.memory_space<vmem_shared>>
      tpu.wait_dma2 semaphore(%run_scoped3A : memref<!tpu.dma_semaphore, #tpu.memory_space<semaphore_mem>>) src(%arg9 : memref<16x128xf32, #tpu.memory_space<vmem>>) dst(%dma_wait3A_608 : memref<16x128xf32, #tpu.memory_space<vmem_shared>>)
      tpu.yield
    }) : () -> ()
    %add3A_583 = arith.constant 544 : i32
    %add3A_584 = arith.addi %mul3A_514, %add3A_583 : i32
    "tpu.region"() ({
      %run_scoped3A = tpu.sem_alloc : memref<!tpu.dma_semaphore, #tpu.memory_space<semaphore_mem>>
      %dma_start3A = arith.constant 0 : i32
      %dma_start3A_603 = tpu.memref_slice %arg10[%add3A_584, %dma_start3A] : memref<10240x128xf32, #tpu.memory_space<vmem_shared>> -> memref<16x128xf32, #tpu.memory_space<vmem_shared>>
      %dma_start3A_604 = arith.constant 0 : i32
      %dma_start3A_605 = tpu.memref_slice %arg10[%add3A_584, %dma_start3A_604] : memref<10240x128xf32, #tpu.memory_space<vmem_shared>> -> memref<16x128xf32, #tpu.memory_space<vmem_shared>>
      tpu.enqueue_dma source(%arg9 : memref<16x128xf32, #tpu.memory_space<vmem>>) target(%dma_start3A_605 : memref<16x128xf32, #tpu.memory_space<vmem_shared>>) target_semaphore(%run_scoped3A : memref<!tpu.dma_semaphore, #tpu.memory_space<semaphore_mem>>)
      %dma_wait3A = arith.constant 0 : i32
      %dma_wait3A_606 = tpu.memref_slice %arg10[%add3A_584, %dma_wait3A] : memref<10240x128xf32, #tpu.memory_space<vmem_shared>> -> memref<16x128xf32, #tpu.memory_space<vmem_shared>>
      %dma_wait3A_607 = arith.constant 0 : i32
      %dma_wait3A_608 = tpu.memref_slice %arg10[%add3A_584, %dma_wait3A_607] : memref<10240x128xf32, #tpu.memory_space<vmem_shared>> -> memref<16x128xf32, #tpu.memory_space<vmem_shared>>
      tpu.wait_dma2 semaphore(%run_scoped3A : memref<!tpu.dma_semaphore, #tpu.memory_space<semaphore_mem>>) src(%arg9 : memref<16x128xf32, #tpu.memory_space<vmem>>) dst(%dma_wait3A_608 : memref<16x128xf32, #tpu.memory_space<vmem_shared>>)
      tpu.yield
    }) : () -> ()
    %add3A_585 = arith.constant 560 : i32
    %add3A_586 = arith.addi %mul3A_514, %add3A_585 : i32
    "tpu.region"() ({
      %run_scoped3A = tpu.sem_alloc : memref<!tpu.dma_semaphore, #tpu.memory_space<semaphore_mem>>
      %dma_start3A = arith.constant 0 : i32
      %dma_start3A_603 = tpu.memref_slice %arg10[%add3A_586, %dma_start3A] : memref<10240x128xf32, #tpu.memory_space<vmem_shared>> -> memref<16x128xf32, #tpu.memory_space<vmem_shared>>
      %dma_start3A_604 = arith.constant 0 : i32
      %dma_start3A_605 = tpu.memref_slice %arg10[%add3A_586, %dma_start3A_604] : memref<10240x128xf32, #tpu.memory_space<vmem_shared>> -> memref<16x128xf32, #tpu.memory_space<vmem_shared>>
      tpu.enqueue_dma source(%arg9 : memref<16x128xf32, #tpu.memory_space<vmem>>) target(%dma_start3A_605 : memref<16x128xf32, #tpu.memory_space<vmem_shared>>) target_semaphore(%run_scoped3A : memref<!tpu.dma_semaphore, #tpu.memory_space<semaphore_mem>>)
      %dma_wait3A = arith.constant 0 : i32
      %dma_wait3A_606 = tpu.memref_slice %arg10[%add3A_586, %dma_wait3A] : memref<10240x128xf32, #tpu.memory_space<vmem_shared>> -> memref<16x128xf32, #tpu.memory_space<vmem_shared>>
      %dma_wait3A_607 = arith.constant 0 : i32
      %dma_wait3A_608 = tpu.memref_slice %arg10[%add3A_586, %dma_wait3A_607] : memref<10240x128xf32, #tpu.memory_space<vmem_shared>> -> memref<16x128xf32, #tpu.memory_space<vmem_shared>>
      tpu.wait_dma2 semaphore(%run_scoped3A : memref<!tpu.dma_semaphore, #tpu.memory_space<semaphore_mem>>) src(%arg9 : memref<16x128xf32, #tpu.memory_space<vmem>>) dst(%dma_wait3A_608 : memref<16x128xf32, #tpu.memory_space<vmem_shared>>)
      tpu.yield
    }) : () -> ()
    %add3A_587 = arith.constant 576 : i32
    %add3A_588 = arith.addi %mul3A_514, %add3A_587 : i32
    "tpu.region"() ({
      %run_scoped3A = tpu.sem_alloc : memref<!tpu.dma_semaphore, #tpu.memory_space<semaphore_mem>>
      %dma_start3A = arith.constant 0 : i32
      %dma_start3A_603 = tpu.memref_slice %arg10[%add3A_588, %dma_start3A] : memref<10240x128xf32, #tpu.memory_space<vmem_shared>> -> memref<16x128xf32, #tpu.memory_space<vmem_shared>>
      %dma_start3A_604 = arith.constant 0 : i32
      %dma_start3A_605 = tpu.memref_slice %arg10[%add3A_588, %dma_start3A_604] : memref<10240x128xf32, #tpu.memory_space<vmem_shared>> -> memref<16x128xf32, #tpu.memory_space<vmem_shared>>
      tpu.enqueue_dma source(%arg9 : memref<16x128xf32, #tpu.memory_space<vmem>>) target(%dma_start3A_605 : memref<16x128xf32, #tpu.memory_space<vmem_shared>>) target_semaphore(%run_scoped3A : memref<!tpu.dma_semaphore, #tpu.memory_space<semaphore_mem>>)
      %dma_wait3A = arith.constant 0 : i32
      %dma_wait3A_606 = tpu.memref_slice %arg10[%add3A_588, %dma_wait3A] : memref<10240x128xf32, #tpu.memory_space<vmem_shared>> -> memref<16x128xf32, #tpu.memory_space<vmem_shared>>
      %dma_wait3A_607 = arith.constant 0 : i32
      %dma_wait3A_608 = tpu.memref_slice %arg10[%add3A_588, %dma_wait3A_607] : memref<10240x128xf32, #tpu.memory_space<vmem_shared>> -> memref<16x128xf32, #tpu.memory_space<vmem_shared>>
      tpu.wait_dma2 semaphore(%run_scoped3A : memref<!tpu.dma_semaphore, #tpu.memory_space<semaphore_mem>>) src(%arg9 : memref<16x128xf32, #tpu.memory_space<vmem>>) dst(%dma_wait3A_608 : memref<16x128xf32, #tpu.memory_space<vmem_shared>>)
      tpu.yield
    }) : () -> ()
    %add3A_589 = arith.constant 592 : i32
    %add3A_590 = arith.addi %mul3A_514, %add3A_589 : i32
    "tpu.region"() ({
      %run_scoped3A = tpu.sem_alloc : memref<!tpu.dma_semaphore, #tpu.memory_space<semaphore_mem>>
      %dma_start3A = arith.constant 0 : i32
      %dma_start3A_603 = tpu.memref_slice %arg10[%add3A_590, %dma_start3A] : memref<10240x128xf32, #tpu.memory_space<vmem_shared>> -> memref<16x128xf32, #tpu.memory_space<vmem_shared>>
      %dma_start3A_604 = arith.constant 0 : i32
      %dma_start3A_605 = tpu.memref_slice %arg10[%add3A_590, %dma_start3A_604] : memref<10240x128xf32, #tpu.memory_space<vmem_shared>> -> memref<16x128xf32, #tpu.memory_space<vmem_shared>>
      tpu.enqueue_dma source(%arg9 : memref<16x128xf32, #tpu.memory_space<vmem>>) target(%dma_start3A_605 : memref<16x128xf32, #tpu.memory_space<vmem_shared>>) target_semaphore(%run_scoped3A : memref<!tpu.dma_semaphore, #tpu.memory_space<semaphore_mem>>)
      %dma_wait3A = arith.constant 0 : i32
      %dma_wait3A_606 = tpu.memref_slice %arg10[%add3A_590, %dma_wait3A] : memref<10240x128xf32, #tpu.memory_space<vmem_shared>> -> memref<16x128xf32, #tpu.memory_space<vmem_shared>>
      %dma_wait3A_607 = arith.constant 0 : i32
      %dma_wait3A_608 = tpu.memref_slice %arg10[%add3A_590, %dma_wait3A_607] : memref<10240x128xf32, #tpu.memory_space<vmem_shared>> -> memref<16x128xf32, #tpu.memory_space<vmem_shared>>
      tpu.wait_dma2 semaphore(%run_scoped3A : memref<!tpu.dma_semaphore, #tpu.memory_space<semaphore_mem>>) src(%arg9 : memref<16x128xf32, #tpu.memory_space<vmem>>) dst(%dma_wait3A_608 : memref<16x128xf32, #tpu.memory_space<vmem_shared>>)
      tpu.yield
    }) : () -> ()
    %add3A_591 = arith.constant 608 : i32
    %add3A_592 = arith.addi %mul3A_514, %add3A_591 : i32
    "tpu.region"() ({
      %run_scoped3A = tpu.sem_alloc : memref<!tpu.dma_semaphore, #tpu.memory_space<semaphore_mem>>
      %dma_start3A = arith.constant 0 : i32
      %dma_start3A_603 = tpu.memref_slice %arg10[%add3A_592, %dma_start3A] : memref<10240x128xf32, #tpu.memory_space<vmem_shared>> -> memref<16x128xf32, #tpu.memory_space<vmem_shared>>
      %dma_start3A_604 = arith.constant 0 : i32
      %dma_start3A_605 = tpu.memref_slice %arg10[%add3A_592, %dma_start3A_604] : memref<10240x128xf32, #tpu.memory_space<vmem_shared>> -> memref<16x128xf32, #tpu.memory_space<vmem_shared>>
      tpu.enqueue_dma source(%arg9 : memref<16x128xf32, #tpu.memory_space<vmem>>) target(%dma_start3A_605 : memref<16x128xf32, #tpu.memory_space<vmem_shared>>) target_semaphore(%run_scoped3A : memref<!tpu.dma_semaphore, #tpu.memory_space<semaphore_mem>>)
      %dma_wait3A = arith.constant 0 : i32
      %dma_wait3A_606 = tpu.memref_slice %arg10[%add3A_592, %dma_wait3A] : memref<10240x128xf32, #tpu.memory_space<vmem_shared>> -> memref<16x128xf32, #tpu.memory_space<vmem_shared>>
      %dma_wait3A_607 = arith.constant 0 : i32
      %dma_wait3A_608 = tpu.memref_slice %arg10[%add3A_592, %dma_wait3A_607] : memref<10240x128xf32, #tpu.memory_space<vmem_shared>> -> memref<16x128xf32, #tpu.memory_space<vmem_shared>>
      tpu.wait_dma2 semaphore(%run_scoped3A : memref<!tpu.dma_semaphore, #tpu.memory_space<semaphore_mem>>) src(%arg9 : memref<16x128xf32, #tpu.memory_space<vmem>>) dst(%dma_wait3A_608 : memref<16x128xf32, #tpu.memory_space<vmem_shared>>)
      tpu.yield
    }) : () -> ()
    %add3A_593 = arith.constant 624 : i32
    %add3A_594 = arith.addi %mul3A_514, %add3A_593 : i32
    "tpu.region"() ({
      %run_scoped3A = tpu.sem_alloc : memref<!tpu.dma_semaphore, #tpu.memory_space<semaphore_mem>>
      %dma_start3A = arith.constant 0 : i32
      %dma_start3A_603 = tpu.memref_slice %arg10[%add3A_594, %dma_start3A] : memref<10240x128xf32, #tpu.memory_space<vmem_shared>> -> memref<16x128xf32, #tpu.memory_space<vmem_shared>>
      %dma_start3A_604 = arith.constant 0 : i32
      %dma_start3A_605 = tpu.memref_slice %arg10[%add3A_594, %dma_start3A_604] : memref<10240x128xf32, #tpu.memory_space<vmem_shared>> -> memref<16x128xf32, #tpu.memory_space<vmem_shared>>
      tpu.enqueue_dma source(%arg9 : memref<16x128xf32, #tpu.memory_space<vmem>>) target(%dma_start3A_605 : memref<16x128xf32, #tpu.memory_space<vmem_shared>>) target_semaphore(%run_scoped3A : memref<!tpu.dma_semaphore, #tpu.memory_space<semaphore_mem>>)
      %dma_wait3A = arith.constant 0 : i32
      %dma_wait3A_606 = tpu.memref_slice %arg10[%add3A_594, %dma_wait3A] : memref<10240x128xf32, #tpu.memory_space<vmem_shared>> -> memref<16x128xf32, #tpu.memory_space<vmem_shared>>
      %dma_wait3A_607 = arith.constant 0 : i32
      %dma_wait3A_608 = tpu.memref_slice %arg10[%add3A_594, %dma_wait3A_607] : memref<10240x128xf32, #tpu.memory_space<vmem_shared>> -> memref<16x128xf32, #tpu.memory_space<vmem_shared>>
      tpu.wait_dma2 semaphore(%run_scoped3A : memref<!tpu.dma_semaphore, #tpu.memory_space<semaphore_mem>>) src(%arg9 : memref<16x128xf32, #tpu.memory_space<vmem>>) dst(%dma_wait3A_608 : memref<16x128xf32, #tpu.memory_space<vmem_shared>>)
      tpu.yield
    }) : () -> ()
    %barrier3A = arith.constant 0 : index
    tpu.barrier barrier_id(%barrier3A)
    %broadcast_in_dim3A_595 = arith.constant 1.000000e+00 : f32
    %broadcast_in_dim3A_596 = vector.broadcast %broadcast_in_dim3A_595 : f32 to vector<16xf32>
    %scan3A = arith.constant 0 : i32
    %scan3A_597 = arith.constant 0 : i32
    %scan3A_598 = arith.constant 79 : i32
    %scan3A_599 = arith.addi %scan3A_597, %scan3A_598 : i32
    %scan3A_600 = arith.constant 1 : i32
    scf.for %scan3A_603 = %scan3A_597 to %scan3A_599 step %scan3A_600  : i32 {
      %dma_start3A = arith.constant 0 : i32
      %dma_start3A_604 = tpu.memref_slice %arg6[%scan3A_603, %dma_start3A] : memref<79x128xi32, #tpu.memory_space<vmem>> -> memref<1x128xi32, #tpu.memory_space<vmem>>
      %dma_start3A_605 = tpu.memref_squeeze %dma_start3A_604 : memref<1x128xi32, #tpu.memory_space<vmem>> -> memref<128xi32, #tpu.memory_space<vmem>>
      %dma_start3A_606 = arith.constant 0 : i32
      %dma_start3A_607 = arith.constant 0 : i32
      %dma_start3A_608 = tpu.memref_slice %arg4[%dma_start3A_606, %dma_start3A_607] : memref<10000x128xf32, #tpu.memory_space<hbm>> -> memref<10000x128xf32, #tpu.memory_space<hbm>>
      tpu.enqueue_indirect_dma source(%dma_start3A_608 : memref<10000x128xf32, #tpu.memory_space<hbm>>) target(%arg8 : memref<128x128xf32, #tpu.memory_space<vmem>>) offsets(%dma_start3A_605 : memref<128xi32, #tpu.memory_space<vmem>>) semaphore(%arg11 : memref<!tpu.dma_semaphore, #tpu.memory_space<semaphore_mem>>)
      %dma_wait3A = arith.constant 0 : i32
      %dma_wait3A_609 = tpu.memref_slice %arg6[%scan3A_603, %dma_wait3A] : memref<79x128xi32, #tpu.memory_space<vmem>> -> memref<1x128xi32, #tpu.memory_space<vmem>>
      %dma_wait3A_610 = tpu.memref_squeeze %dma_wait3A_609 : memref<1x128xi32, #tpu.memory_space<vmem>> -> memref<128xi32, #tpu.memory_space<vmem>>
      %dma_wait3A_611 = arith.constant 0 : i32
      %dma_wait3A_612 = arith.constant 0 : i32
      %dma_wait3A_613 = tpu.memref_slice %arg4[%dma_wait3A_611, %dma_wait3A_612] : memref<10000x128xf32, #tpu.memory_space<hbm>> -> memref<10000x128xf32, #tpu.memory_space<hbm>>
      tpu.wait_indirect_dma semaphore(%arg11 : memref<!tpu.dma_semaphore, #tpu.memory_space<semaphore_mem>>) src(%dma_wait3A_613 : memref<10000x128xf32, #tpu.memory_space<hbm>>) dst(%arg8 : memref<128x128xf32, #tpu.memory_space<vmem>>)
      "tpu.region"() ({
        %run_scoped3A = tpu.sem_alloc : memref<!tpu.dma_semaphore, #tpu.memory_space<semaphore_mem>>
        %dma_start3A_614 = arith.constant 0 : i32
        %dma_start3A_615 = tpu.memref_slice %arg7[%scan3A_603, %dma_start3A_614] : memref<79x128xi32, #tpu.memory_space<vmem>> -> memref<1x128xi32, #tpu.memory_space<vmem>>
        %dma_start3A_616 = tpu.memref_squeeze %dma_start3A_615 : memref<1x128xi32, #tpu.memory_space<vmem>> -> memref<128xi32, #tpu.memory_space<vmem>>
        %dma_start3A_617 = arith.constant 0 : i32
        %dma_start3A_618 = arith.constant 0 : i32
        %dma_start3A_619 = tpu.memref_slice %arg10[%dma_start3A_617, %dma_start3A_618] : memref<10240x128xf32, #tpu.memory_space<vmem_shared>> -> memref<10240x128xf32, #tpu.memory_space<vmem_shared>>
        tpu.enqueue_indirect_dma source(%arg8 : memref<128x128xf32, #tpu.memory_space<vmem>>) target(%dma_start3A_619 : memref<10240x128xf32, #tpu.memory_space<vmem_shared>>) offsets(%dma_start3A_616 : memref<128xi32, #tpu.memory_space<vmem>>) semaphore(%run_scoped3A : memref<!tpu.dma_semaphore, #tpu.memory_space<semaphore_mem>>) {add = true}
        %dma_wait3A_620 = arith.constant 0 : i32
        %dma_wait3A_621 = tpu.memref_slice %arg7[%scan3A_603, %dma_wait3A_620] : memref<79x128xi32, #tpu.memory_space<vmem>> -> memref<1x128xi32, #tpu.memory_space<vmem>>
        %dma_wait3A_622 = tpu.memref_squeeze %dma_wait3A_621 : memref<1x128xi32, #tpu.memory_space<vmem>> -> memref<128xi32, #tpu.memory_space<vmem>>
        %dma_wait3A_623 = arith.constant 0 : i32
        %dma_wait3A_624 = arith.constant 0 : i32
        %dma_wait3A_625 = tpu.memref_slice %arg10[%dma_wait3A_623, %dma_wait3A_624] : memref<10240x128xf32, #tpu.memory_space<vmem_shared>> -> memref<10240x128xf32, #tpu.memory_space<vmem_shared>>
        tpu.wait_indirect_dma semaphore(%run_scoped3A : memref<!tpu.dma_semaphore, #tpu.memory_space<semaphore_mem>>) src(%arg8 : memref<128x128xf32, #tpu.memory_space<vmem>>) dst(%dma_wait3A_625 : memref<10240x128xf32, #tpu.memory_space<vmem_shared>>)
        tpu.yield
      }) : () -> ()
    }
    %scan3A_601 = arith.constant 79 : i32
    %barrier3A_602 = arith.constant 0 : index
    tpu.barrier barrier_id(%barrier3A_602)
    "tpu.region"() ({
      %run_scoped3A = tpu.sem_alloc : memref<!tpu.dma_semaphore, #tpu.memory_space<semaphore_mem>>
      %dma_start3A = arith.constant 0 : i32
      %dma_start3A_603 = tpu.memref_slice %arg5[%arg0, %mul3A_514, %dma_start3A] : memref<2x10240x128xf32, #tpu.memory_space<hbm>> -> memref<1x640x128xf32, #tpu.memory_space<hbm>>
      %dma_start3A_604 = tpu.memref_squeeze %dma_start3A_603 : memref<1x640x128xf32, #tpu.memory_space<hbm>> -> memref<640x128xf32, #tpu.memory_space<hbm>>
      %dma_start3A_605 = arith.constant 0 : i32
      %dma_start3A_606 = tpu.memref_slice %arg10[%mul3A_514, %dma_start3A_605] : memref<10240x128xf32, #tpu.memory_space<vmem_shared>> -> memref<640x128xf32, #tpu.memory_space<vmem_shared>>
      tpu.enqueue_dma source(%dma_start3A_606 : memref<640x128xf32, #tpu.memory_space<vmem_shared>>) target(%dma_start3A_604 : memref<640x128xf32, #tpu.memory_space<hbm>>) target_semaphore(%run_scoped3A : memref<!tpu.dma_semaphore, #tpu.memory_space<semaphore_mem>>)
      %dma_wait3A = arith.constant 0 : i32
      %dma_wait3A_607 = tpu.memref_slice %arg5[%arg0, %mul3A_514, %dma_wait3A] : memref<2x10240x128xf32, #tpu.memory_space<hbm>> -> memref<1x640x128xf32, #tpu.memory_space<hbm>>
      %dma_wait3A_608 = tpu.memref_squeeze %dma_wait3A_607 : memref<1x640x128xf32, #tpu.memory_space<hbm>> -> memref<640x128xf32, #tpu.memory_space<hbm>>
      %dma_wait3A_609 = arith.constant 0 : i32
      %dma_wait3A_610 = tpu.memref_slice %arg10[%mul3A_514, %dma_wait3A_609] : memref<10240x128xf32, #tpu.memory_space<vmem_shared>> -> memref<640x128xf32, #tpu.memory_space<vmem_shared>>
      tpu.wait_dma2 semaphore(%run_scoped3A : memref<!tpu.dma_semaphore, #tpu.memory_space<semaphore_mem>>) src(%dma_wait3A_610 : memref<640x128xf32, #tpu.memory_space<vmem_shared>>) dst(%dma_wait3A_608 : memref<640x128xf32, #tpu.memory_space<hbm>>)
      tpu.yield
    }) : () -> ()
    return
  }
}

module attributes {stable_mosaic.version = 14 : i64} {
  func.func @body(%arg0: i32, %arg1: memref<400x128xf32, #tpu.memory_space<vmem>>, %arg2: memref<128x128xf32, #tpu.memory_space<vmem>>, %arg3: memref<128x128xf32, #tpu.memory_space<vmem>>, %arg4: memref<1x128xf32, #tpu.memory_space<vmem>>, %arg5: memref<400x128xf32, #tpu.memory_space<vmem>>, %arg6: memref<400x128xf32, #tpu.memory_space<vmem>>) attributes {dimension_semantics = [#tpu.dimension_semantics<arbitrary>], iteration_bounds = array<i64: 25>, scalar_prefetch = 0 : i64, scratch_operands = 0 : i64, tpu.core_type = #tpu.core_type<tc>, window_params = [{transform_indices = @transform_0, window_bounds = array<i64: 400, 128>}, {pipeline_mode = #tpu.pipeline_mode<synchronous>, transform_indices = @transform_1, window_bounds = array<i64: 128, 128>}, {pipeline_mode = #tpu.pipeline_mode<synchronous>, transform_indices = @transform_2, window_bounds = array<i64: 128, 128>}, {pipeline_mode = #tpu.pipeline_mode<synchronous>, transform_indices = @transform_3, window_bounds = array<i64: 1, 128>}, {transform_indices = @transform_4, window_bounds = array<i64: 400, 128>}, {transform_indices = @transform_5, window_bounds = array<i64: 400, 128>}]} {
    %get3A = arith.constant 0 : index
    %get3A_0 = arith.constant 0 : index
    %get3A_1 = vector.load %arg1[%get3A, %get3A_0] : memref<400x128xf32, #tpu.memory_space<vmem>>, vector<400x128xf32>
    %get3A_2 = arith.constant 0 : index
    %get3A_3 = arith.constant 0 : index
    %get3A_4 = vector.load %arg2[%get3A_2, %get3A_3] : memref<128x128xf32, #tpu.memory_space<vmem>>, vector<128x128xf32>
    %dot_general3A = arith.constant dense<0.000000e+00> : vector<400x128xf32>
    %dot_general3A_5 = tpu.matmul %get3A_1, %get3A_4, %dot_general3A {dimension_numbers = #tpu.dot_dimension_numbers<[1], [0], [0], [1], [0, 0, 1, 1], [], []>, transpose_lhs_hint = false} : vector<400x128xf32>, vector<128x128xf32>, vector<400x128xf32> -> vector<400x128xf32>
    %swap3A = arith.constant 0 : index
    %swap3A_6 = arith.constant 0 : index
    %swap3A_7 = vector.load %arg5[%swap3A, %swap3A_6] : memref<400x128xf32, #tpu.memory_space<vmem>>, vector<400x128xf32>
    tpu.vector_store %arg5[%swap3A, %swap3A_6], %dot_general3A_5 {strides = array<i32>} : memref<400x128xf32, #tpu.memory_space<vmem>>, vector<400x128xf32>,
    %get3A_8 = arith.constant 0 : index
    %get3A_9 = arith.constant 0 : index
    %get3A_10 = vector.load %arg3[%get3A_8, %get3A_9] : memref<128x128xf32, #tpu.memory_space<vmem>>, vector<128x128xf32>
    %dot_general3A_11 = arith.constant dense<0.000000e+00> : vector<400x128xf32>
    %dot_general3A_12 = tpu.matmul %get3A_1, %get3A_10, %dot_general3A_11 {dimension_numbers = #tpu.dot_dimension_numbers<[1], [0], [0], [1], [0, 0, 1, 1], [], []>, transpose_lhs_hint = false} : vector<400x128xf32>, vector<128x128xf32>, vector<400x128xf32> -> vector<400x128xf32>
    %get3A_13 = arith.constant 0 : index
    %get3A_14 = arith.constant 0 : index
    %get3A_15 = vector.load %arg4[%get3A_13, %get3A_14] : memref<1x128xf32, #tpu.memory_space<vmem>>, vector<1x128xf32>
    %add3A = vector.broadcast %get3A_15 : vector<1x128xf32> to vector<400x128xf32>
    %add3A_16 = arith.addf %dot_general3A_12, %add3A : vector<400x128xf32>
    %swap3A_17 = arith.constant 0 : index
    %swap3A_18 = arith.constant 0 : index
    %swap3A_19 = vector.load %arg6[%swap3A_17, %swap3A_18] : memref<400x128xf32, #tpu.memory_space<vmem>>, vector<400x128xf32>
    tpu.vector_store %arg6[%swap3A_17, %swap3A_18], %add3A_16 {strides = array<i32>} : memref<400x128xf32, #tpu.memory_space<vmem>>, vector<400x128xf32>,
    return
  }
  func.func @transform_0(%arg0: i32) -> (i32, i32) {
    %c0_i32 = arith.constant 0 : i32
    %c0_i32_0 = arith.constant 0 : i32
    return %arg0, %c0_i32 : i32, i32
  }
  func.func @transform_1(%arg0: i32) -> (i32, i32) {
    %c0_i32 = arith.constant 0 : i32
    %c0_i32_0 = arith.constant 0 : i32
    %c0_i32_1 = arith.constant 0 : i32
    return %c0_i32, %c0_i32_0 : i32, i32
  }
  func.func @transform_2(%arg0: i32) -> (i32, i32) {
    %c0_i32 = arith.constant 0 : i32
    %c0_i32_0 = arith.constant 0 : i32
    %c0_i32_1 = arith.constant 0 : i32
    return %c0_i32, %c0_i32_0 : i32, i32
  }
  func.func @transform_3(%arg0: i32) -> (i32, i32) {
    %c0_i32 = arith.constant 0 : i32
    %c0_i32_0 = arith.constant 0 : i32
    %c0_i32_1 = arith.constant 0 : i32
    return %c0_i32, %c0_i32_0 : i32, i32
  }
  func.func @transform_4(%arg0: i32) -> (i32, i32) {
    %c0_i32 = arith.constant 0 : i32
    %c0_i32_0 = arith.constant 0 : i32
    return %arg0, %c0_i32 : i32, i32
  }
  func.func @transform_5(%arg0: i32) -> (i32, i32) {
    %c0_i32 = arith.constant 0 : i32
    %c0_i32_0 = arith.constant 0 : i32
    return %arg0, %c0_i32 : i32, i32
  }
}

module attributes {stable_mosaic.version = 14 : i64} {
  func.func @body(%arg0: i32, %arg1: memref<2x400x128xf32, #tpu.memory_space<vmem>>, %arg2: memref<400x32xf32, #tpu.memory_space<vmem>>, %arg3: memref<400x128xf32, #tpu.memory_space<vmem>>, %arg4: memref<128x128xf32, #tpu.memory_space<vmem>>, %arg5: memref<128x128xf32, #tpu.memory_space<vmem>>, %arg6: memref<1x128xf32, #tpu.memory_space<vmem>>, %arg7: memref<400x128xf32, #tpu.memory_space<vmem>>, %arg8: memref<400x128xf32, #tpu.memory_space<vmem>>) attributes {dimension_semantics = [#tpu.dimension_semantics<arbitrary>], iteration_bounds = array<i64: 25>, scalar_prefetch = 0 : i64, scratch_operands = 0 : i64, tpu.core_type = #tpu.core_type<tc>, window_params = [{transform_indices = @transform_0, window_bounds = array<i64: 2, 400, 128>}, {transform_indices = @transform_1, window_bounds = array<i64: 400, 32>}, {transform_indices = @transform_2, window_bounds = array<i64: 400, 128>}, {pipeline_mode = #tpu.pipeline_mode<synchronous>, transform_indices = @transform_3, window_bounds = array<i64: 128, 128>}, {pipeline_mode = #tpu.pipeline_mode<synchronous>, transform_indices = @transform_4, window_bounds = array<i64: 128, 128>}, {pipeline_mode = #tpu.pipeline_mode<synchronous>, transform_indices = @transform_5, window_bounds = array<i64: 1, 128>}, {transform_indices = @transform_6, window_bounds = array<i64: 400, 128>}, {transform_indices = @transform_7, window_bounds = array<i64: 400, 128>}]} {
    %get3A = arith.constant 0 : index
    %get3A_0 = arith.constant 0 : index
    %get3A_1 = arith.constant 0 : index
    %get3A_2 = vector.load %arg1[%get3A, %get3A_0, %get3A_1] : memref<2x400x128xf32, #tpu.memory_space<vmem>>, vector<1x400x128xf32>
    %get3A_3 = vector.shape_cast %get3A_2 : vector<1x400x128xf32> to vector<400x128xf32>
    %get3A_4 = arith.constant 1 : index
    %get3A_5 = arith.constant 0 : index
    %get3A_6 = arith.constant 0 : index
    %get3A_7 = vector.load %arg1[%get3A_4, %get3A_5, %get3A_6] : memref<2x400x128xf32, #tpu.memory_space<vmem>>, vector<1x400x128xf32>
    %get3A_8 = vector.shape_cast %get3A_7 : vector<1x400x128xf32> to vector<400x128xf32>
    %add3A = arith.addf %get3A_3, %get3A_8 : vector<400x128xf32>
    %get3A_9 = arith.constant 0 : index
    %get3A_10 = arith.constant 0 : index
    %get3A_11 = vector.load %arg2[%get3A_9, %get3A_10] : memref<400x32xf32, #tpu.memory_space<vmem>>, vector<400x32xf32>
    %reduce_sum3A = arith.constant dense<0.000000e+00> : vector<400xf32>
    %reduce_sum3A_12 = vector.multi_reduction <add>, %get3A_11, %reduce_sum3A [1] : vector<400x32xf32> to vector<400xf32>
    %max3A = arith.constant 1.000000e+00 : f32
    %max3A_13 = vector.broadcast %max3A : f32 to vector<400xf32>
    %max3A_14 = arith.maximumf %reduce_sum3A_12, %max3A_13 : vector<400xf32>
    %broadcast_in_dim3A = vector.shape_cast %max3A_14 : vector<400xf32> to vector<400x1xf32>
    %div3A = vector.broadcast %broadcast_in_dim3A : vector<400x1xf32> to vector<400x128xf32>
    %div3A_15 = arith.divf %add3A, %div3A : vector<400x128xf32>
    %get3A_16 = arith.constant 0 : index
    %get3A_17 = arith.constant 0 : index
    %get3A_18 = vector.load %arg3[%get3A_16, %get3A_17] : memref<400x128xf32, #tpu.memory_space<vmem>>, vector<400x128xf32>
    %add3A_19 = arith.addf %div3A_15, %get3A_18 : vector<400x128xf32>
    %max3A_20 = arith.constant 0.000000e+00 : f32
    %max3A_21 = vector.broadcast %max3A_20 : f32 to vector<400x128xf32>
    %max3A_22 = arith.maximumf %add3A_19, %max3A_21 : vector<400x128xf32>
    %get3A_23 = arith.constant 0 : index
    %get3A_24 = arith.constant 0 : index
    %get3A_25 = vector.load %arg4[%get3A_23, %get3A_24] : memref<128x128xf32, #tpu.memory_space<vmem>>, vector<128x128xf32>
    %dot_general3A = arith.constant dense<0.000000e+00> : vector<400x128xf32>
    %dot_general3A_26 = tpu.matmul %max3A_22, %get3A_25, %dot_general3A {dimension_numbers = #tpu.dot_dimension_numbers<[1], [0], [0], [1], [0, 0, 1, 1], [], []>, transpose_lhs_hint = false} : vector<400x128xf32>, vector<128x128xf32>, vector<400x128xf32> -> vector<400x128xf32>
    %swap3A = arith.constant 0 : index
    %swap3A_27 = arith.constant 0 : index
    %swap3A_28 = vector.load %arg7[%swap3A, %swap3A_27] : memref<400x128xf32, #tpu.memory_space<vmem>>, vector<400x128xf32>
    tpu.vector_store %arg7[%swap3A, %swap3A_27], %dot_general3A_26 {strides = array<i32>} : memref<400x128xf32, #tpu.memory_space<vmem>>, vector<400x128xf32>,
    %get3A_29 = arith.constant 0 : index
    %get3A_30 = arith.constant 0 : index
    %get3A_31 = vector.load %arg5[%get3A_29, %get3A_30] : memref<128x128xf32, #tpu.memory_space<vmem>>, vector<128x128xf32>
    %dot_general3A_32 = arith.constant dense<0.000000e+00> : vector<400x128xf32>
    %dot_general3A_33 = tpu.matmul %max3A_22, %get3A_31, %dot_general3A_32 {dimension_numbers = #tpu.dot_dimension_numbers<[1], [0], [0], [1], [0, 0, 1, 1], [], []>, transpose_lhs_hint = false} : vector<400x128xf32>, vector<128x128xf32>, vector<400x128xf32> -> vector<400x128xf32>
    %get3A_34 = arith.constant 0 : index
    %get3A_35 = arith.constant 0 : index
    %get3A_36 = vector.load %arg6[%get3A_34, %get3A_35] : memref<1x128xf32, #tpu.memory_space<vmem>>, vector<1x128xf32>
    %add3A_37 = vector.broadcast %get3A_36 : vector<1x128xf32> to vector<400x128xf32>
    %add3A_38 = arith.addf %dot_general3A_33, %add3A_37 : vector<400x128xf32>
    %swap3A_39 = arith.constant 0 : index
    %swap3A_40 = arith.constant 0 : index
    %swap3A_41 = vector.load %arg8[%swap3A_39, %swap3A_40] : memref<400x128xf32, #tpu.memory_space<vmem>>, vector<400x128xf32>
    tpu.vector_store %arg8[%swap3A_39, %swap3A_40], %add3A_38 {strides = array<i32>} : memref<400x128xf32, #tpu.memory_space<vmem>>, vector<400x128xf32>,
    return
  }
  func.func @transform_0(%arg0: i32) -> (i32, i32, i32) {
    %c0_i32 = arith.constant 0 : i32
    %c0_i32_0 = arith.constant 0 : i32
    %c0_i32_1 = arith.constant 0 : i32
    return %c0_i32, %arg0, %c0_i32_0 : i32, i32, i32
  }
  func.func @transform_1(%arg0: i32) -> (i32, i32) {
    %c0_i32 = arith.constant 0 : i32
    %c0_i32_0 = arith.constant 0 : i32
    return %arg0, %c0_i32 : i32, i32
  }
  func.func @transform_2(%arg0: i32) -> (i32, i32) {
    %c0_i32 = arith.constant 0 : i32
    %c0_i32_0 = arith.constant 0 : i32
    return %arg0, %c0_i32 : i32, i32
  }
  func.func @transform_3(%arg0: i32) -> (i32, i32) {
    %c0_i32 = arith.constant 0 : i32
    %c0_i32_0 = arith.constant 0 : i32
    %c0_i32_1 = arith.constant 0 : i32
    return %c0_i32, %c0_i32_0 : i32, i32
  }
  func.func @transform_4(%arg0: i32) -> (i32, i32) {
    %c0_i32 = arith.constant 0 : i32
    %c0_i32_0 = arith.constant 0 : i32
    %c0_i32_1 = arith.constant 0 : i32
    return %c0_i32, %c0_i32_0 : i32, i32
  }
  func.func @transform_5(%arg0: i32) -> (i32, i32) {
    %c0_i32 = arith.constant 0 : i32
    %c0_i32_0 = arith.constant 0 : i32
    %c0_i32_1 = arith.constant 0 : i32
    return %c0_i32, %c0_i32_0 : i32, i32
  }
  func.func @transform_6(%arg0: i32) -> (i32, i32) {
    %c0_i32 = arith.constant 0 : i32
    %c0_i32_0 = arith.constant 0 : i32
    return %arg0, %c0_i32 : i32, i32
  }
  func.func @transform_7(%arg0: i32) -> (i32, i32) {
    %c0_i32 = arith.constant 0 : i32
    %c0_i32_0 = arith.constant 0 : i32
    return %arg0, %c0_i32 : i32, i32
  }
}

module attributes {stable_mosaic.version = 14 : i64} {
  func.func @body(%arg0: i32, %arg1: memref<2x400x128xf32, #tpu.memory_space<vmem>>, %arg2: memref<400x32xf32, #tpu.memory_space<vmem>>, %arg3: memref<400x128xf32, #tpu.memory_space<vmem>>, %arg4: memref<128x64xf32, #tpu.memory_space<vmem>>, %arg5: memref<1x64xf32, #tpu.memory_space<vmem>>, %arg6: memref<400x64xf32, #tpu.memory_space<vmem>>) attributes {dimension_semantics = [#tpu.dimension_semantics<arbitrary>], iteration_bounds = array<i64: 25>, scalar_prefetch = 0 : i64, scratch_operands = 0 : i64, tpu.core_type = #tpu.core_type<tc>, window_params = [{transform_indices = @transform_0, window_bounds = array<i64: 2, 400, 128>}, {transform_indices = @transform_1, window_bounds = array<i64: 400, 32>}, {transform_indices = @transform_2, window_bounds = array<i64: 400, 128>}, {pipeline_mode = #tpu.pipeline_mode<synchronous>, transform_indices = @transform_3, window_bounds = array<i64: 128, 64>}, {pipeline_mode = #tpu.pipeline_mode<synchronous>, transform_indices = @transform_4, window_bounds = array<i64: 1, 64>}, {transform_indices = @transform_5, window_bounds = array<i64: 400, 64>}]} {
    %get3A = arith.constant 0 : index
    %get3A_0 = arith.constant 0 : index
    %get3A_1 = arith.constant 0 : index
    %get3A_2 = vector.load %arg1[%get3A, %get3A_0, %get3A_1] : memref<2x400x128xf32, #tpu.memory_space<vmem>>, vector<1x400x128xf32>
    %get3A_3 = vector.shape_cast %get3A_2 : vector<1x400x128xf32> to vector<400x128xf32>
    %get3A_4 = arith.constant 1 : index
    %get3A_5 = arith.constant 0 : index
    %get3A_6 = arith.constant 0 : index
    %get3A_7 = vector.load %arg1[%get3A_4, %get3A_5, %get3A_6] : memref<2x400x128xf32, #tpu.memory_space<vmem>>, vector<1x400x128xf32>
    %get3A_8 = vector.shape_cast %get3A_7 : vector<1x400x128xf32> to vector<400x128xf32>
    %add3A = arith.addf %get3A_3, %get3A_8 : vector<400x128xf32>
    %get3A_9 = arith.constant 0 : index
    %get3A_10 = arith.constant 0 : index
    %get3A_11 = vector.load %arg2[%get3A_9, %get3A_10] : memref<400x32xf32, #tpu.memory_space<vmem>>, vector<400x32xf32>
    %reduce_sum3A = arith.constant dense<0.000000e+00> : vector<400xf32>
    %reduce_sum3A_12 = vector.multi_reduction <add>, %get3A_11, %reduce_sum3A [1] : vector<400x32xf32> to vector<400xf32>
    %max3A = arith.constant 1.000000e+00 : f32
    %max3A_13 = vector.broadcast %max3A : f32 to vector<400xf32>
    %max3A_14 = arith.maximumf %reduce_sum3A_12, %max3A_13 : vector<400xf32>
    %broadcast_in_dim3A = vector.shape_cast %max3A_14 : vector<400xf32> to vector<400x1xf32>
    %div3A = vector.broadcast %broadcast_in_dim3A : vector<400x1xf32> to vector<400x128xf32>
    %div3A_15 = arith.divf %add3A, %div3A : vector<400x128xf32>
    %get3A_16 = arith.constant 0 : index
    %get3A_17 = arith.constant 0 : index
    %get3A_18 = vector.load %arg3[%get3A_16, %get3A_17] : memref<400x128xf32, #tpu.memory_space<vmem>>, vector<400x128xf32>
    %add3A_19 = arith.addf %div3A_15, %get3A_18 : vector<400x128xf32>
    %max3A_20 = arith.constant 0.000000e+00 : f32
    %max3A_21 = vector.broadcast %max3A_20 : f32 to vector<400x128xf32>
    %max3A_22 = arith.maximumf %add3A_19, %max3A_21 : vector<400x128xf32>
    %get3A_23 = arith.constant 0 : index
    %get3A_24 = arith.constant 0 : index
    %get3A_25 = vector.load %arg4[%get3A_23, %get3A_24] : memref<128x64xf32, #tpu.memory_space<vmem>>, vector<128x64xf32>
    %dot_general3A = arith.constant dense<0.000000e+00> : vector<400x64xf32>
    %dot_general3A_26 = tpu.matmul %max3A_22, %get3A_25, %dot_general3A {dimension_numbers = #tpu.dot_dimension_numbers<[1], [0], [0], [1], [0, 0, 1, 1], [], []>, transpose_lhs_hint = false} : vector<400x128xf32>, vector<128x64xf32>, vector<400x64xf32> -> vector<400x64xf32>
    %get3A_27 = arith.constant 0 : index
    %get3A_28 = arith.constant 0 : index
    %get3A_29 = vector.load %arg5[%get3A_27, %get3A_28] : memref<1x64xf32, #tpu.memory_space<vmem>>, vector<1x64xf32>
    %add3A_30 = vector.broadcast %get3A_29 : vector<1x64xf32> to vector<400x64xf32>
    %add3A_31 = arith.addf %dot_general3A_26, %add3A_30 : vector<400x64xf32>
    %swap3A = arith.constant 0 : index
    %swap3A_32 = arith.constant 0 : index
    %swap3A_33 = vector.load %arg6[%swap3A, %swap3A_32] : memref<400x64xf32, #tpu.memory_space<vmem>>, vector<400x64xf32>
    tpu.vector_store %arg6[%swap3A, %swap3A_32], %add3A_31 {strides = array<i32>} : memref<400x64xf32, #tpu.memory_space<vmem>>, vector<400x64xf32>,
    return
  }
  func.func @transform_0(%arg0: i32) -> (i32, i32, i32) {
    %c0_i32 = arith.constant 0 : i32
    %c0_i32_0 = arith.constant 0 : i32
    %c0_i32_1 = arith.constant 0 : i32
    return %c0_i32, %arg0, %c0_i32_0 : i32, i32, i32
  }
  func.func @transform_1(%arg0: i32) -> (i32, i32) {
    %c0_i32 = arith.constant 0 : i32
    %c0_i32_0 = arith.constant 0 : i32
    return %arg0, %c0_i32 : i32, i32
  }
  func.func @transform_2(%arg0: i32) -> (i32, i32) {
    %c0_i32 = arith.constant 0 : i32
    %c0_i32_0 = arith.constant 0 : i32
    return %arg0, %c0_i32 : i32, i32
  }
  func.func @transform_3(%arg0: i32) -> (i32, i32) {
    %c0_i32 = arith.constant 0 : i32
    %c0_i32_0 = arith.constant 0 : i32
    %c0_i32_1 = arith.constant 0 : i32
    return %c0_i32, %c0_i32_0 : i32, i32
  }
  func.func @transform_4(%arg0: i32) -> (i32, i32) {
    %c0_i32 = arith.constant 0 : i32
    %c0_i32_0 = arith.constant 0 : i32
    %c0_i32_1 = arith.constant 0 : i32
    return %c0_i32, %c0_i32_0 : i32, i32
  }
  func.func @transform_5(%arg0: i32) -> (i32, i32) {
    %c0_i32 = arith.constant 0 : i32
    %c0_i32_0 = arith.constant 0 : i32
    return %arg0, %c0_i32 : i32, i32
  }
}

</mosaic_0001>

<sc_bundles>
// kernel: sage_sc_aggregate.4.cloned.1.call-start
scs
__scs_entry_jumppad:
0x0: {  	(pc) =	sbr.rel $0x88, $3  }
0x1: {  	(tag) =	ssettag $0x0;
	lr =	simm.s32 $0x1  }
0x2: {  	[smem:$0x3F97] =	sst lr;
	_ =	strace $0xD0000000  }
0x3: {  	_ = 	snop  }
0x4: {  	_ = 	snop  }
0x5: {  	_ = 	snop  }
0x6: {  	_ = 	snop  }
0x7: {  	_ = 	snop  }
__scs_overlays_trampoline_lowered:
0x8: {  	[smem:$0x3FA6] =	sst s0  }
0x9: {  	[smem:$0x3FA7] =	sst s1  }
0xa: {  	[smem:$0x3FA8] =	sst s2  }
0xb: {  	[smem:$0x3FA9] =	sst s3  }
0xc: {  	[smem:$0x3FAA] =	sst s4  }
0xd: {  	[smem:$0x3FAB] =	sst s5  }
0xe: {  	[smem:$0x3FAC] =	sst s6  }
0xf: {  	[smem:$0x3FAD] =	sst s7  }
0x10: {  	[smem:$0x3FAE] =	sst s8  }
0x11: {  	[smem:$0x3FAF] =	sst s9;
	s0 =	simm.s32 @!p0 $0x0  }
0x12: {  	s1 =	sld [smem:$0x3F95];
	s0 =	simm.s32 @p0 $0x1  }
0x13: {  	[smem:$0x3FB0] =	sst s0;
	s0 =	simm.s32 @!p1 $0x0  }
0x14: {  	s2 =	sld [smem:$0x3F94];
	s0 =	simm.s32 @p1 $0x1  }
0x15: {  	[smem:$0x3FB1] =	sst s0;
	s0 =	simm.s32 @!p2 $0x0  }
0x16: {  	s3 =	sld [smem:$0x3FDB];
	s0 =	simm.s32 @p2 $0x1  }
0x17: {  	s4 =	simm.s32 $0x1BF5;
	[smem:$0x3FB3] =	sst s0  }
0x18: {  	s0 =	sld [smem:$0x3F96];
	_ =	swait.ge [sflag:s4], $0x0  }
0x19: {  	s7 =	sld [smem:$0x3F97]  }
0x1a: {  	s8 =	sadd.s32 $0xFFFFE003, lr  }
0x1b: {  	s9 =	sadd.s32 $0xFFFFFEF7, lr;
	s5 =	simm.s32 $0xFFFFFFFF;
	p2 =	slt.u32 s8, $0xFFFFF086  }
0x1c: {  	p1 =	slt.u32 s9, $0xF7A;
	s5 =	simm.s32 @!p2 $0x0  }
0x1d: {  	s5 =	simm.s32 @p1 $0x1;
	p0 =	seq.s32 s7, s2  }
0x1e: {  	s7 =	smul.u32 @!p0 $0xF7A, s2;
	p2 =	seq.s32 @!p0 s5, $0x0  }
0x1f: {  	s9 =	smul.u32 $0xF7A, s1;
	s8 =	simm.s32 @!p0 $0x1BF5;
	p2 =	por !p2, p0  }
0x20: {  	[sflag:s8] =	ssyncset.s32 @!p0 $0xFFFFF086;
	s6 =	sadd.s32 @!p0 s3, s7;
	s7 =	simm.s32 @!p0 $0x108  }
0x21: {  	s3 =	sadd.s32 s3, s9;
	s6 =	sadd.s32 @!p0 $0x88, s6;
	s7 =	simm.s32 @p2 $0x1082  }
0x22: {  	[simem:s7], [sflag:s8] =	dma.local @!p0 [hbm:s6], $0xF7A  }
0x23: {  	s9 =	sor.u32 $0xD0000000, s2;
	s6 =	simm.s32 $0x108;
	_ =	swait.ge @!p0 [sflag:s8], $0x0  }
0x24: {  	s3 =	sadd.s32 $0x88, s3;
	s6 =	simm.s32 @!p1 $0x1082;
	[sflag:s4] =	ssyncset.s32 $0xFFFFF086  }
0x25: {  	[simem:s6], [sflag:s4] =	dma.local [hbm:s3], $0xF7A  }
0x26: {  	[smem:$0x3F97] =	sst s1;
	(tag) =	ssettag s2;
	_ =	strace s9  }
0x27: {  	s1 =	sld [smem:$0x3FA7]  }
0x28: {  	s2 =	sld [smem:$0x3FA8]  }
0x29: {  	s4 =	sld [smem:$0x3FAA]  }
0x2a: {  	p0 =	seq.s32 s5, $0x0;
	s5 =	sld [smem:$0x3FAB]  }
0x2b: {  	s6 =	sld [smem:$0x3FAC]  }
0x2c: {  	s7 =	sld [smem:$0x3FAD]  }
0x2d: {  	s3 =	simm.s32 $0x108;
	s8 =	sld [smem:$0x3FAE]  }
0x2e: {  	s3 =	simm.s32 @!p0 $0x1082;
	s9 =	sld [smem:$0x3FAF]  }
0x2f: {  	lr =	sadd.s32 s0, s3;
	s0 =	sld [smem:$0x3FA6]  }
0x30: {  	s3 =	sld [smem:$0x3FA9]  }
0x31: {  	[smem:$0x3FB2] =	sst s10  }
0x32: {  	s10 =	sld [smem:$0x3FB0];
	_ =	sdelay $0x3  }
0x33: {  	p0 =	seq.s32 s10, $0x1;
	s10 =	sld [smem:$0x3FB2];
	_ =	sdelay $0x3  }
0x34: {  	[smem:$0x3FB2] =	sst s10  }
0x35: {  	s10 =	sld [smem:$0x3FB1];
	_ =	sdelay $0x3  }
0x36: {  	p1 =	seq.s32 s10, $0x1;
	s10 =	sld [smem:$0x3FB2];
	_ =	sdelay $0x3  }
0x37: {  	[smem:$0x3FB2] =	sst s10  }
0x38: {  	s10 =	sld [smem:$0x3FB3]  }
0x39: {  	_ = 	snop;
	(pc) =	sbr.ind lr, $3  }
0x3a: {  	_ = 	snop  }
0x3b: {  	_ = 	snop  }
0x3c: {  	p2 =	seq.s32 s10, $0x1;
	s10 =	sld [smem:$0x3FB2]  }
0x3d: {  	_ =	shalt  }
0x3e: {  	_ =	shalt  }
0x3f: {  	_ =	shalt  }
0x40: {  	_ =	shalt  }
0x41: {  	_ =	shalt  }
0x42: {  	_ =	shalt  }
0x43: {  	_ =	shalt  }
0x44: {  	_ =	shalt  }
0x45: {  	_ =	shalt  }
0x46: {  	_ =	shalt  }
0x47: {  	_ =	shalt  }
0x48: {  	_ =	shalt  }
0x49: {  	_ =	shalt  }
0x4a: {  	_ =	shalt  }
0x4b: {  	_ =	shalt  }
0x4c: {  	_ =	shalt  }
0x4d: {  	_ =	shalt  }
0x4e: {  	_ =	shalt  }
0x4f: {  	_ =	shalt  }
0x50: {  	_ =	shalt  }
0x51: {  	_ =	shalt  }
0x52: {  	_ =	shalt  }
0x53: {  	_ =	shalt  }
0x54: {  	_ =	shalt  }
0x55: {  	_ =	shalt  }
0x56: {  	_ =	shalt  }
0x57: {  	_ =	shalt  }
0x58: {  	_ =	shalt  }
0x59: {  	_ =	shalt  }
0x5a: {  	_ =	shalt  }
0x5b: {  	_ =	shalt  }
0x5c: {  	_ =	shalt  }
0x5d: {  	_ =	shalt  }
0x5e: {  	_ =	shalt  }
0x5f: {  	_ =	shalt  }
0x60: {  	_ =	shalt  }
0x61: {  	_ =	shalt  }
0x62: {  	_ =	shalt  }
0x63: {  	_ =	shalt  }
0x64: {  	_ =	shalt  }
0x65: {  	_ =	shalt  }
0x66: {  	_ =	shalt  }
0x67: {  	_ =	shalt  }
0x68: {  	_ =	shalt  }
0x69: {  	_ =	shalt  }
0x6a: {  	_ =	shalt  }
0x6b: {  	_ =	shalt  }
0x6c: {  	_ =	shalt  }
0x6d: {  	_ =	shalt  }
0x6e: {  	_ =	shalt  }
0x6f: {  	_ =	shalt  }
0x70: {  	_ =	shalt  }
0x71: {  	_ =	shalt  }
0x72: {  	_ =	shalt  }
0x73: {  	_ =	shalt  }
0x74: {  	_ =	shalt  }
0x75: {  	_ =	shalt  }
0x76: {  	_ =	shalt  }
0x77: {  	_ =	shalt  }
0x78: {  	_ =	shalt  }
0x79: {  	_ =	shalt  }
0x7a: {  	_ =	shalt  }
0x7b: {  	_ =	shalt  }
0x7c: {  	_ =	shalt  }
0x7d: {  	_ =	shalt  }
0x7e: {  	_ =	shalt  }
0x7f: {  	_ =	shalt  }
0x80: {  	_ =	shalt  }
0x81: {  	_ =	shalt  }
0x82: {  	_ =	shalt  }
0x83: {  	_ =	shalt  }
0x84: {  	_ =	shalt  }
0x85: {  	_ =	shalt  }
0x86: {  	_ =	shalt  }
0x87: {  	_ =	shalt  }
.Lfunc_end0:
.L_simem_size_0:
called_computation_lowered:
.L_overlay_start_0:
0x88: {  	s2 =	sld [smem:$0x3FD9]  }
0x89: {  	s3 =	sld [smem:$0x3FFE];
	_ =	sdelay $0x1  }
0x8a: {  	s1 =	srdreg.scid  }
0x8b: {  	s0 =	sand.u32 $0x1, s1  }
0x8c: {  	s17 =	sshll.u32 s0, $0xA;
	s2 =	sadd.s32 s3, s2  }
0x8d: {  	s2 =	sadd.s32 s2, s17  }
0x8e: {  	[smem:$0x3FBE] =	sst s2  }
0x8f: {  	_ = 	snop  }
0x90: {  	s2 =	sld [smem:$0x3FD0];
	(tm) =	ssettm $0x1  }
0x91: {  	s18 =	sld [smem:$0x3FFB];
	_ =	sdelay $0x3  }
0x92: {  	_ =	strace s18  }
0x93: {  	s3 =	sld [smem:$0x3FFC];
	_ =	sdelay $0x3  }
0x94: {  	_ =	strace s3  }
0x95: {  	s3 =	sld [smem:$0x3FFD];
	_ =	sdelay $0x3  }
0x96: {  	_ =	strace s3  }
0x97: {  	_ =	strace $0x8FFFFFFF  }
0x98: {  	s19 =	sld [smem:$0x3FDB];
	_ =	sdelay $0x1  }
0x99: {  	s4 =	simm.s32 $_scs_section_size  }
0x9a: {  	s5 =	simm.s32 $_size__tile_overlayer_lowered;
	s6 =	simm.s32 $_tile_overlayer_lowered  }
0x9b: {  	s22 =	simm.s32 $0x1BFF;
	s21 =	sshll.u32 s6, $0x1;
	s3 =	sadd.s32 s4, s19  }
0x9c: {  	s7 =	simm.s32 $0x0;
	s20 =	sshll.u32 s5, $0x1;
	s5 =	sadd.s32 s21, s3  }
0x9d: {  	[timem:s7], [sflag:s22] =	dma.local [hbm:s5], s20  }
0x9e: {  	_ =	swait.ge [sflag:s22], s20  }
0x9f: {  	s4 =	ssub.s32 $0x0, s20;
	[sflag:s22] =	ssyncset.done $0x0  }
0xa0: {  	[sflag:s22] =	ssyncadd.s32 s4;
	_ =	sdelay $0x1  }
0xa1: {  	s23 =	simm.s32 $0x1B8B  }
0xa2: {  	_ =	swait.ge [sflag:s23], $0x1  }
0xa3: {  	[sflag:s23] =	ssyncset.done $0x0  }
0xa4: {  	s25 =	simm.s32 $0x1B8E;
	s24 =	sld [smem:$0x3FFE];
	[sflag:s23] =	ssyncadd.s32 $0xFFFFFFFF  }
0xa5: {  	s26 =	simm.s32 $execute0_lowered;
	[smem:$0x3FD2] =	sst s25  }
0xa6: {  	s5 =	sshll.u32 s26, $0x1;
	_ =	strace $0x80000046;
	[dreg:$0x1] =	wrdreg $0xFFFFFFFF  }
0xa7: {  	s28 =	simm.s32 $_size_execute0_lowered;
	s3 =	sadd.s32 s3, s5;
	[dreg:$0x0] =	wrdreg $0x0  }
0xa8: {  	s5 =	sshll.u32 s28, $0x1;
	[dreg:$0x2] =	wrdreg s3  }
0xa9: {  	[dreg:$0x3] =	wrdreg s5  }
0xaa: {  	[dreg:$0x4] =	wrdreg $0xC0  }
0xab: {  	_ =	task [dreg:s7], $0x5FFFF  }
0xac: {  	[dreg:$0x1] =	wrdreg $0xFFFFFFFF  }
0xad: {  	[dreg:$0x0] =	wrdreg $0x60  }
0xae: {  	[dreg:$0x2] =	wrdreg s2  }
0xaf: {  	[dreg:$0x3] =	wrdreg s24  }
0xb0: {  	[dreg:$0x4] =	wrdreg $0x98000  }
0xb1: {  	[dreg:$0x5] =	wrdreg $0x9  }
0xb2: {  	_ =	task.clear_ibuf [dreg:s7], $0x6FFFF;
	_ =	strace $0x90000046  }
0xb3: {  	s29 =	simm.s32 $0x9;
	_ =	strace $0x80000048  }
0xb4: {  	_ =	swait.ge [sflag:s29], $0x1  }
0xb5: {  	[sflag:s29] =	ssyncadd.s32 $0xFFFFFFFF  }
0xb6: {  	_ =	strace $0x90000048  }
0xb7: {  	_ =	sfence  }
0xb8: {  	s30 =	sld [smem:$0x0];
	_ =	sdelay $0x2  }
0xb9: {  	s31 =	sshll.u32 s1, $0xD;
	s1 =	sshrl.u32 s1, $0x2  }
0xba: {  	s3 =	sand.u32 $0x4000, s31;
	s1 =	sadd.s32 s1, s30  }
0xbb: {  	s0 =	sor.u32 s3, s0;
	s1 =	sshll.u32 s1, $0x11  }
0xbc: {  	s0 =	sor.u32 s1, s0  }
0xbd: {  	s0 =	sadd.s32 $0x8F2B, s0  }
0xbe: {  	[sflag:s0] =	ssyncadd.remote.s32 $0x1  }
0xbf: {  	_ =	sfence.sel $0xFFFF  }
0xc0: {  	[dreg:$0x0] =	wrdreg $0xFFFFFFFF;
	(pc) =	sbr.abs _section_cstart, $3  }
0xc1: {  	[dreg:$0x1] =	wrdreg $0xFFFFFFFF  }
0xc2: {  	_ =	task.clear_ibuf [dreg:s7], $0x2FFFF;
	_ =	strace $0x9FFFFFFF  }
0xc3: {  	(tm) =	ssettm $0x7FFFFFFF  }
tec
execute0_lowered:
.L_overlay_start_1:
0x0: {  	(tag) =	ssettag $0x1  }
0x1: {  	s0 =	srdreg.scid  }
0x2: {  	s1 =	rddreg [dreg:$0x0];
	s10 =	stileid.u32  }
0x3: {  	s3 =	rddreg [dreg:$0x1];
	s7 =	simm.s32 $0x0;
	s22 =	smul.u32 $0x14000, s10  }
0x4: {  	s0 =	sand.u32 $0x1, s0;
	[smem:$0x7FF] =	sst s7;
	s24 =	smul.u32 $0x50000, s10  }
0x5: {  	s9 =	sshll.u32 s10, $0x7;
	s2 =	sshll.u32 s0, $0x4;
	s6 =	smul.u32 $0x140000, s0  }
0x6: {  	s9 =	sand.u32 $0x380, s9;
	s0 =	ssub.s32 $0x2, s0;
	s4 =	sor.u32 s10, s2  }
0x7: {  	s2 =	rddreg [dreg:$0x2];
	_ =	strace $0x80000047;
	s25 =	sshrl.u32 s0, $0x1  }
0x8: {  	s26 =	sshrl.u32 s24, $0x2;
	s5 =	smul.u32 $0x500, s4;
	s4 =	sshrl.u32 s4, $0x3  }
0x9: {  	s6 =	sadd.s32 s22, s6;
	s0 =	ssub.s32 s0, s25;
	s23 =	smul.u32 $0x14000, s4  }
0xa: {  	s4 =	sadd.s32 $0xC600, s3;
	s6 =	sshrl.u32 s6, $0x3;
	s0 =	smax.u32 s0, $0x1  }
0xb: {  	s8 =	sadd.s32 s5, s3;
	s1 =	sadd.s32 s1, s5;
	[dreg:$0x17] =	wrdreg s0  }
0xc: {  	s6 =	sadd.s32 s6, s3;
	s7 =	sor.u32 s9, s23;
	[dreg:$0x4] =	wrdreg s1  }
0xd: {  	s30 =	sadd.s32 $0x2600, s8;
	s21 =	sadd.s32 $0x33800, s6;
	s7 =	sshrl.u32 s7, $0x3  }
0xe: {  	[dreg:$0x5] =	wrdreg s30;
	s3 =	sadd.s32 s7, s3;
	s7 =	sadd.s32 s26, s2  }
0xf: {  	[dreg:$0x15] =	wrdreg s21;
	s31 =	sadd.s32 $0x800, s7  }
0x10: {  	s5 =	sadd.s32 $0x1000, s7;
	[dreg:$0x6] =	wrdreg s31  }
0x11: {  	s8 =	sadd.s32 $0x1800, s7;
	[dreg:$0x7] =	wrdreg s5  }
0x12: {  	s9 =	sadd.s32 $0x2000, s7;
	[dreg:$0x8] =	wrdreg s8  }
0x13: {  	s10 =	sadd.s32 $0x2800, s7;
	[dreg:$0x9] =	wrdreg s9  }
0x14: {  	s11 =	sadd.s32 $0x3000, s7;
	[dreg:$0xa] =	wrdreg s10  }
0x15: {  	s12 =	sadd.s32 $0x3800, s7;
	[dreg:$0xb] =	wrdreg s11  }
0x16: {  	s13 =	sadd.s32 $0x4000, s7;
	[dreg:$0xc] =	wrdreg s12  }
0x17: {  	s14 =	sadd.s32 $0x4800, s7;
	[dreg:$0xd] =	wrdreg s13  }
0x18: {  	s15 =	sadd.s32 $0x5000, s7;
	[dreg:$0xe] =	wrdreg s14  }
0x19: {  	s16 =	sadd.s32 $0x5800, s7;
	[dreg:$0xf] =	wrdreg s15  }
0x1a: {  	s17 =	sadd.s32 $0x6000, s7;
	[dreg:$0x10] =	wrdreg s16  }
0x1b: {  	s18 =	sadd.s32 $0x6800, s7;
	[dreg:$0x11] =	wrdreg s17  }
0x1c: {  	s19 =	sadd.s32 $0x7000, s7;
	[dreg:$0x12] =	wrdreg s18  }
0x1d: {  	s20 =	sadd.s32 $0x7800, s7;
	[dreg:$0x13] =	wrdreg s19  }
0x1e: {  	s22 =	sadd.s32 $0x83800, s3;
	[dreg:$0x14] =	wrdreg s20  }
0x1f: {  	s23 =	sadd.s32 $0x8000, s7;
	[dreg:$0x16] =	wrdreg s22  }
0x20: {  	s28 =	simm.s32 $0x1D800;
	s24 =	sadd.s32 $0x8800, s7;
	[dreg:$0x18] =	wrdreg s23  }
0x21: {  	s29 =	simm.s32 $0x0;
	s25 =	sadd.s32 $0x9000, s7;
	[dreg:$0x19] =	wrdreg s24  }
0x22: {  	s26 =	sadd.s32 $0x9800, s7;
	s30 =	sadd.s32 $0xA000, s7;
	[dreg:$0x1a] =	wrdreg s25  }
0x23: {  	s0 =	sadd.s32 $0xB000, s7;
	s3 =	sadd.s32 $0xB800, s7;
	[dreg:$0x1b] =	wrdreg s26  }
0x24: {  	s6 =	sadd.s32 $0xC800, s7;
	s21 =	sadd.s32 $0x13800, s7;
	[dreg:$0x1c] =	wrdreg s30  }
0x25: {  	s31 =	sadd.s32 $0xA800, s7;
	s5 =	sadd.s32 $0xC000, s7;
	s8 =	sadd.s32 $0xD000, s7  }
0x26: {  	s9 =	sadd.s32 $0xD800, s7;
	s10 =	sadd.s32 $0xE000, s7;
	s11 =	sadd.s32 $0xE800, s7  }
0x27: {  	s12 =	sadd.s32 $0xF000, s7;
	s13 =	sadd.s32 $0xF800, s7;
	s14 =	sadd.s32 $0x10000, s7  }
0x28: {  	s15 =	sadd.s32 $0x10800, s7;
	s16 =	sadd.s32 $0x11000, s7;
	s17 =	sadd.s32 $0x11800, s7  }
0x29: {  	s18 =	sadd.s32 $0x12000, s7;
	s19 =	sadd.s32 $0x12800, s7;
	s20 =	sadd.s32 $0x13000, s7  }
0x2a: {  	s22 =	simm.s32 $0x2;
	s23 =	simm.s32 $0x9000;
	s24 =	simm.s32 $0x80  }
0x2b: {  	v0 =	vimm.f32 $0.0e+00;
	v1 =	vimm.f32 $1.000000000e+00;
	s25 =	simm.s32 $0x5000;
	s26 =	simm.s32 $0x1;
	[dreg:$0x1d] =	wrdreg s31  }
.LBB2_1:
0x2c: {  	s1 =	simm.s32 $0x0;
	s30 =	rddreg [dreg:$0x4]  }
0x2d: {  	[tilespmem:s1], [sflag:$0x2] =	stream.linear.gather [hbm4b:s30+s1], $0x2780, $0x38;
	v63 =	vld [tilespmem:$0x0]  }
0x2e: {  	_ =	swait.ge [sflag:s22], $0x2780  }
0x2f: {  	[sflag:s22] =	ssyncset.done $0x0  }
0x30: {  	s31 =	simm.s32 $0x2800;
	s30 =	rddreg [dreg:$0x5];
	[sflag:s22] =	ssyncadd.s32 $0xFFFFD880  }
0x31: {  	[tilespmem:s31], [sflag:$0x2] =	stream.linear.gather [hbm4b:s30+s1], $0x2780, $0x38;
	v63 =	vld [tilespmem:$0x0]  }
0x32: {  	_ =	swait.ge [sflag:s22], $0x2780  }
0x33: {  	[sflag:s22] =	ssyncset.done $0x0  }
0x34: {  	[sflag:s22] =	ssyncadd.s32 $0xFFFFD880  }
0x35: {  	[tilespmem:$0x9000] =	vst v0  }
0x36: {  	[tilespmem:$0x9010] =	vst v0  }
0x37: {  	[tilespmem:$0x9020] =	vst v0  }
0x38: {  	[tilespmem:$0x9030] =	vst v0  }
0x39: {  	[tilespmem:$0x9040] =	vst v0  }
0x3a: {  	[tilespmem:$0x9050] =	vst v0  }
0x3b: {  	[tilespmem:$0x9060] =	vst v0  }
0x3c: {  	[tilespmem:$0x9070] =	vst v0  }
0x3d: {  	[tilespmem:$0x9080] =	vst v0  }
0x3e: {  	[tilespmem:$0x9090] =	vst v0  }
0x3f: {  	[tilespmem:$0x90A0] =	vst v0  }
0x40: {  	[tilespmem:$0x90B0] =	vst v0  }
0x41: {  	[tilespmem:$0x90C0] =	vst v0  }
0x42: {  	[tilespmem:$0x90D0] =	vst v0  }
0x43: {  	[tilespmem:$0x90E0] =	vst v0  }
0x44: {  	[tilespmem:$0x90F0] =	vst v0  }
0x45: {  	[tilespmem:$0x9100] =	vst v0  }
0x46: {  	[tilespmem:$0x9110] =	vst v0  }
0x47: {  	[tilespmem:$0x9120] =	vst v0  }
0x48: {  	[tilespmem:$0x9130] =	vst v0  }
0x49: {  	[tilespmem:$0x9140] =	vst v0  }
0x4a: {  	[tilespmem:$0x9150] =	vst v0  }
0x4b: {  	[tilespmem:$0x9160] =	vst v0  }
0x4c: {  	[tilespmem:$0x9170] =	vst v0  }
0x4d: {  	[tilespmem:$0x9180] =	vst v0  }
0x4e: {  	[tilespmem:$0x9190] =	vst v0  }
0x4f: {  	[tilespmem:$0x91A0] =	vst v0  }
0x50: {  	[tilespmem:$0x91B0] =	vst v0  }
0x51: {  	[tilespmem:$0x91C0] =	vst v0  }
0x52: {  	[tilespmem:$0x91D0] =	vst v0  }
0x53: {  	[tilespmem:$0x91E0] =	vst v0  }
0x54: {  	[tilespmem:$0x91F0] =	vst v0  }
0x55: {  	[tilespmem:$0x9200] =	vst v0  }
0x56: {  	[tilespmem:$0x9210] =	vst v0  }
0x57: {  	[tilespmem:$0x9220] =	vst v0  }
0x58: {  	[tilespmem:$0x9230] =	vst v0  }
0x59: {  	[tilespmem:$0x9240] =	vst v0  }
0x5a: {  	[tilespmem:$0x9250] =	vst v0  }
0x5b: {  	[tilespmem:$0x9260] =	vst v0  }
0x5c: {  	[tilespmem:$0x9270] =	vst v0  }
0x5d: {  	[tilespmem:$0x9280] =	vst v0  }
0x5e: {  	[tilespmem:$0x9290] =	vst v0  }
0x5f: {  	[tilespmem:$0x92A0] =	vst v0  }
0x60: {  	[tilespmem:$0x92B0] =	vst v0  }
0x61: {  	[tilespmem:$0x92C0] =	vst v0  }
0x62: {  	[tilespmem:$0x92D0] =	vst v0  }
0x63: {  	[tilespmem:$0x92E0] =	vst v0  }
0x64: {  	[tilespmem:$0x92F0] =	vst v0  }
0x65: {  	[tilespmem:$0x9300] =	vst v0  }
0x66: {  	[tilespmem:$0x9310] =	vst v0  }
0x67: {  	[tilespmem:$0x9320] =	vst v0  }
0x68: {  	[tilespmem:$0x9330] =	vst v0  }
0x69: {  	[tilespmem:$0x9340] =	vst v0  }
0x6a: {  	[tilespmem:$0x9350] =	vst v0  }
0x6b: {  	[tilespmem:$0x9360] =	vst v0  }
0x6c: {  	[tilespmem:$0x9370] =	vst v0  }
0x6d: {  	[tilespmem:$0x9380] =	vst v0  }
0x6e: {  	[tilespmem:$0x9390] =	vst v0  }
0x6f: {  	[tilespmem:$0x93A0] =	vst v0  }
0x70: {  	[tilespmem:$0x93B0] =	vst v0  }
0x71: {  	[tilespmem:$0x93C0] =	vst v0  }
0x72: {  	[tilespmem:$0x93D0] =	vst v0  }
0x73: {  	[tilespmem:$0x93E0] =	vst v0  }
0x74: {  	[tilespmem:$0x93F0] =	vst v0  }
0x75: {  	[tilespmem:$0x9400] =	vst v0  }
0x76: {  	[tilespmem:$0x9410] =	vst v0  }
0x77: {  	[tilespmem:$0x9420] =	vst v0  }
0x78: {  	[tilespmem:$0x9430] =	vst v0  }
0x79: {  	[tilespmem:$0x9440] =	vst v0  }
0x7a: {  	[tilespmem:$0x9450] =	vst v0  }
0x7b: {  	[tilespmem:$0x9460] =	vst v0  }
0x7c: {  	[tilespmem:$0x9470] =	vst v0  }
0x7d: {  	[tilespmem:$0x9480] =	vst v0  }
0x7e: {  	[tilespmem:$0x9490] =	vst v0  }
0x7f: {  	[tilespmem:$0x94A0] =	vst v0  }
0x80: {  	[tilespmem:$0x94B0] =	vst v0  }
0x81: {  	[tilespmem:$0x94C0] =	vst v0  }
0x82: {  	[tilespmem:$0x94D0] =	vst v0  }
0x83: {  	[tilespmem:$0x94E0] =	vst v0  }
0x84: {  	[tilespmem:$0x94F0] =	vst v0  }
0x85: {  	[tilespmem:$0x9500] =	vst v0  }
0x86: {  	[tilespmem:$0x9510] =	vst v0  }
0x87: {  	[tilespmem:$0x9520] =	vst v0  }
0x88: {  	[tilespmem:$0x9530] =	vst v0  }
0x89: {  	[tilespmem:$0x9540] =	vst v0  }
0x8a: {  	[tilespmem:$0x9550] =	vst v0  }
0x8b: {  	[tilespmem:$0x9560] =	vst v0  }
0x8c: {  	[tilespmem:$0x9570] =	vst v0  }
0x8d: {  	[tilespmem:$0x9580] =	vst v0  }
0x8e: {  	[tilespmem:$0x9590] =	vst v0  }
0x8f: {  	[tilespmem:$0x95A0] =	vst v0  }
0x90: {  	[tilespmem:$0x95B0] =	vst v0  }
0x91: {  	[tilespmem:$0x95C0] =	vst v0  }
0x92: {  	[tilespmem:$0x95D0] =	vst v0  }
0x93: {  	[tilespmem:$0x95E0] =	vst v0  }
0x94: {  	[tilespmem:$0x95F0] =	vst v0  }
0x95: {  	[tilespmem:$0x9600] =	vst v0  }
0x96: {  	[tilespmem:$0x9610] =	vst v0  }
0x97: {  	[tilespmem:$0x9620] =	vst v0  }
0x98: {  	[tilespmem:$0x9630] =	vst v0  }
0x99: {  	[tilespmem:$0x9640] =	vst v0  }
0x9a: {  	[tilespmem:$0x9650] =	vst v0  }
0x9b: {  	[tilespmem:$0x9660] =	vst v0  }
0x9c: {  	[tilespmem:$0x9670] =	vst v0  }
0x9d: {  	[tilespmem:$0x9680] =	vst v0  }
0x9e: {  	[tilespmem:$0x9690] =	vst v0  }
0x9f: {  	[tilespmem:$0x96A0] =	vst v0  }
0xa0: {  	[tilespmem:$0x96B0] =	vst v0  }
0xa1: {  	[tilespmem:$0x96C0] =	vst v0  }
0xa2: {  	[tilespmem:$0x96D0] =	vst v0  }
0xa3: {  	[tilespmem:$0x96E0] =	vst v0  }
0xa4: {  	[tilespmem:$0x96F0] =	vst v0  }
0xa5: {  	[tilespmem:$0x9700] =	vst v0  }
0xa6: {  	[tilespmem:$0x9710] =	vst v0  }
0xa7: {  	[tilespmem:$0x9720] =	vst v0  }
0xa8: {  	[tilespmem:$0x9730] =	vst v0  }
0xa9: {  	[tilespmem:$0x9740] =	vst v0  }
0xaa: {  	[tilespmem:$0x9750] =	vst v0  }
0xab: {  	[tilespmem:$0x9760] =	vst v0  }
0xac: {  	[tilespmem:$0x9770] =	vst v0  }
0xad: {  	[tilespmem:$0x9780] =	vst v0  }
0xae: {  	[tilespmem:$0x9790] =	vst v0  }
0xaf: {  	[tilespmem:$0x97A0] =	vst v0  }
0xb0: {  	[tilespmem:$0x97B0] =	vst v0  }
0xb1: {  	[tilespmem:$0x97C0] =	vst v0  }
0xb2: {  	[tilespmem:$0x97D0] =	vst v0  }
0xb3: {  	[tilespmem:$0x97E0] =	vst v0  }
0xb4: {  	[tilespmem:$0x97F0] =	vst v0  }
0xb5: {  	[spmem:s7] =	stream.linear.scatter [tilespmem:s23], [sflag:$0x2], $0x800, $0x38;
	v63 =	vld [tilespmem:$0x0]  }
0xb6: {  	_ =	swait.ge [sflag:s22], $0x800  }
0xb7: {  	[sflag:s22] =	ssyncset.done $0x0  }
0xb8: {  	s1 =	rddreg [dreg:$0x6];
	[sflag:s22] =	ssyncadd.s32 $0xFFFFF800  }
0xb9: {  	[spmem:s1] =	stream.linear.scatter [tilespmem:s23], [sflag:$0x2], $0x800, $0x38;
	v63 =	vld [tilespmem:$0x0]  }
0xba: {  	_ =	swait.ge [sflag:s22], $0x800  }
0xbb: {  	[sflag:s22] =	ssyncset.done $0x0  }
0xbc: {  	s1 =	rddreg [dreg:$0x7];
	[sflag:s22] =	ssyncadd.s32 $0xFFFFF800  }
0xbd: {  	[spmem:s1] =	stream.linear.scatter [tilespmem:s23], [sflag:$0x2], $0x800, $0x38;
	v63 =	vld [tilespmem:$0x0]  }
0xbe: {  	_ =	swait.ge [sflag:s22], $0x800  }
0xbf: {  	[sflag:s22] =	ssyncset.done $0x0  }
0xc0: {  	s1 =	rddreg [dreg:$0x8];
	[sflag:s22] =	ssyncadd.s32 $0xFFFFF800  }
0xc1: {  	[spmem:s1] =	stream.linear.scatter [tilespmem:s23], [sflag:$0x2], $0x800, $0x38;
	v63 =	vld [tilespmem:$0x0]  }
0xc2: {  	_ =	swait.ge [sflag:s22], $0x800  }
0xc3: {  	[sflag:s22] =	ssyncset.done $0x0  }
0xc4: {  	s1 =	rddreg [dreg:$0x9];
	[sflag:s22] =	ssyncadd.s32 $0xFFFFF800  }
0xc5: {  	[spmem:s1] =	stream.linear.scatter [tilespmem:s23], [sflag:$0x2], $0x800, $0x38;
	v63 =	vld [tilespmem:$0x0]  }
0xc6: {  	_ =	swait.ge [sflag:s22], $0x800  }
0xc7: {  	[sflag:s22] =	ssyncset.done $0x0  }
0xc8: {  	s1 =	rddreg [dreg:$0xa];
	[sflag:s22] =	ssyncadd.s32 $0xFFFFF800  }
0xc9: {  	[spmem:s1] =	stream.linear.scatter [tilespmem:s23], [sflag:$0x2], $0x800, $0x38;
	v63 =	vld [tilespmem:$0x0]  }
0xca: {  	_ =	swait.ge [sflag:s22], $0x800  }
0xcb: {  	[sflag:s22] =	ssyncset.done $0x0  }
0xcc: {  	s1 =	rddreg [dreg:$0xb];
	[sflag:s22] =	ssyncadd.s32 $0xFFFFF800  }
0xcd: {  	[spmem:s1] =	stream.linear.scatter [tilespmem:s23], [sflag:$0x2], $0x800, $0x38;
	v63 =	vld [tilespmem:$0x0]  }
0xce: {  	_ =	swait.ge [sflag:s22], $0x800  }
0xcf: {  	[sflag:s22] =	ssyncset.done $0x0  }
0xd0: {  	s1 =	rddreg [dreg:$0xc];
	[sflag:s22] =	ssyncadd.s32 $0xFFFFF800  }
0xd1: {  	[spmem:s1] =	stream.linear.scatter [tilespmem:s23], [sflag:$0x2], $0x800, $0x38;
	v63 =	vld [tilespmem:$0x0]  }
0xd2: {  	_ =	swait.ge [sflag:s22], $0x800  }
0xd3: {  	[sflag:s22] =	ssyncset.done $0x0  }
0xd4: {  	s1 =	rddreg [dreg:$0xd];
	[sflag:s22] =	ssyncadd.s32 $0xFFFFF800  }
0xd5: {  	[spmem:s1] =	stream.linear.scatter [tilespmem:s23], [sflag:$0x2], $0x800, $0x38;
	v63 =	vld [tilespmem:$0x0]  }
0xd6: {  	_ =	swait.ge [sflag:s22], $0x800  }
0xd7: {  	[sflag:s22] =	ssyncset.done $0x0  }
0xd8: {  	s1 =	rddreg [dreg:$0xe];
	[sflag:s22] =	ssyncadd.s32 $0xFFFFF800  }
0xd9: {  	[spmem:s1] =	stream.linear.scatter [tilespmem:s23], [sflag:$0x2], $0x800, $0x38;
	v63 =	vld [tilespmem:$0x0]  }
0xda: {  	_ =	swait.ge [sflag:s22], $0x800  }
0xdb: {  	[sflag:s22] =	ssyncset.done $0x0  }
0xdc: {  	s1 =	rddreg [dreg:$0xf];
	[sflag:s22] =	ssyncadd.s32 $0xFFFFF800  }
0xdd: {  	[spmem:s1] =	stream.linear.scatter [tilespmem:s23], [sflag:$0x2], $0x800, $0x38;
	v63 =	vld [tilespmem:$0x0]  }
0xde: {  	_ =	swait.ge [sflag:s22], $0x800  }
0xdf: {  	[sflag:s22] =	ssyncset.done $0x0  }
0xe0: {  	s1 =	rddreg [dreg:$0x10];
	[sflag:s22] =	ssyncadd.s32 $0xFFFFF800  }
0xe1: {  	[spmem:s1] =	stream.linear.scatter [tilespmem:s23], [sflag:$0x2], $0x800, $0x38;
	v63 =	vld [tilespmem:$0x0]  }
0xe2: {  	_ =	swait.ge [sflag:s22], $0x800  }
0xe3: {  	[sflag:s22] =	ssyncset.done $0x0  }
0xe4: {  	s1 =	rddreg [dreg:$0x11];
	[sflag:s22] =	ssyncadd.s32 $0xFFFFF800  }
0xe5: {  	[spmem:s1] =	stream.linear.scatter [tilespmem:s23], [sflag:$0x2], $0x800, $0x38;
	v63 =	vld [tilespmem:$0x0]  }
0xe6: {  	_ =	swait.ge [sflag:s22], $0x800  }
0xe7: {  	[sflag:s22] =	ssyncset.done $0x0  }
0xe8: {  	s1 =	rddreg [dreg:$0x12];
	[sflag:s22] =	ssyncadd.s32 $0xFFFFF800  }
0xe9: {  	[spmem:s1] =	stream.linear.scatter [tilespmem:s23], [sflag:$0x2], $0x800, $0x38;
	v63 =	vld [tilespmem:$0x0]  }
0xea: {  	_ =	swait.ge [sflag:s22], $0x800  }
0xeb: {  	[sflag:s22] =	ssyncset.done $0x0  }
0xec: {  	s1 =	rddreg [dreg:$0x13];
	[sflag:s22] =	ssyncadd.s32 $0xFFFFF800  }
0xed: {  	[spmem:s1] =	stream.linear.scatter [tilespmem:s23], [sflag:$0x2], $0x800, $0x38;
	v63 =	vld [tilespmem:$0x0]  }
0xee: {  	_ =	swait.ge [sflag:s22], $0x800  }
0xef: {  	[sflag:s22] =	ssyncset.done $0x0  }
0xf0: {  	s1 =	rddreg [dreg:$0x14];
	[sflag:s22] =	ssyncadd.s32 $0xFFFFF800  }
0xf1: {  	[spmem:s1] =	stream.linear.scatter [tilespmem:s23], [sflag:$0x2], $0x800, $0x38;
	v63 =	vld [tilespmem:$0x0]  }
0xf2: {  	_ =	swait.ge [sflag:s22], $0x800  }
0xf3: {  	[sflag:s22] =	ssyncset.done $0x0  }
0xf4: {  	s1 =	rddreg [dreg:$0x18];
	[sflag:s22] =	ssyncadd.s32 $0xFFFFF800  }
0xf5: {  	[spmem:s1] =	stream.linear.scatter [tilespmem:s23], [sflag:$0x2], $0x800, $0x38;
	v63 =	vld [tilespmem:$0x0]  }
0xf6: {  	_ =	swait.ge [sflag:s22], $0x800  }
0xf7: {  	[sflag:s22] =	ssyncset.done $0x0  }
0xf8: {  	s1 =	rddreg [dreg:$0x19];
	[sflag:s22] =	ssyncadd.s32 $0xFFFFF800  }
0xf9: {  	[spmem:s1] =	stream.linear.scatter [tilespmem:s23], [sflag:$0x2], $0x800, $0x38;
	v63 =	vld [tilespmem:$0x0]  }
0xfa: {  	_ =	swait.ge [sflag:s22], $0x800  }
0xfb: {  	[sflag:s22] =	ssyncset.done $0x0  }
0xfc: {  	s1 =	rddreg [dreg:$0x1a];
	[sflag:s22] =	ssyncadd.s32 $0xFFFFF800  }
0xfd: {  	[spmem:s1] =	stream.linear.scatter [tilespmem:s23], [sflag:$0x2], $0x800, $0x38;
	v63 =	vld [tilespmem:$0x0]  }
0xfe: {  	_ =	swait.ge [sflag:s22], $0x800  }
0xff: {  	[sflag:s22] =	ssyncset.done $0x0  }
0x100: {  	s1 =	rddreg [dreg:$0x1b];
	[sflag:s22] =	ssyncadd.s32 $0xFFFFF800  }
0x101: {  	[spmem:s1] =	stream.linear.scatter [tilespmem:s23], [sflag:$0x2], $0x800, $0x38;
	v63 =	vld [tilespmem:$0x0]  }
0x102: {  	_ =	swait.ge [sflag:s22], $0x800  }
0x103: {  	[sflag:s22] =	ssyncset.done $0x0  }
0x104: {  	s1 =	rddreg [dreg:$0x1c];
	[sflag:s22] =	ssyncadd.s32 $0xFFFFF800  }
0x105: {  	[spmem:s1] =	stream.linear.scatter [tilespmem:s23], [sflag:$0x2], $0x800, $0x38;
	v63 =	vld [tilespmem:$0x0]  }
0x106: {  	_ =	swait.ge [sflag:s22], $0x800  }
0x107: {  	[sflag:s22] =	ssyncset.done $0x0  }
0x108: {  	s1 =	rddreg [dreg:$0x1d];
	[sflag:s22] =	ssyncadd.s32 $0xFFFFF800  }
0x109: {  	[spmem:s1] =	stream.linear.scatter [tilespmem:s23], [sflag:$0x2], $0x800, $0x38;
	v63 =	vld [tilespmem:$0x0]  }
0x10a: {  	_ =	swait.ge [sflag:s22], $0x800  }
0x10b: {  	[sflag:s22] =	ssyncset.done $0x0  }
0x10c: {  	[sflag:s22] =	ssyncadd.s32 $0xFFFFF800  }
0x10d: {  	[spmem:s0] =	stream.linear.scatter [tilespmem:s23], [sflag:$0x2], $0x800, $0x38;
	v63 =	vld [tilespmem:$0x0]  }
0x10e: {  	_ =	swait.ge [sflag:s22], $0x800  }
0x10f: {  	[sflag:s22] =	ssyncset.done $0x0  }
0x110: {  	[sflag:s22] =	ssyncadd.s32 $0xFFFFF800  }
0x111: {  	[spmem:s3] =	stream.linear.scatter [tilespmem:s23], [sflag:$0x2], $0x800, $0x38;
	v63 =	vld [tilespmem:$0x0]  }
0x112: {  	_ =	swait.ge [sflag:s22], $0x800  }
0x113: {  	[sflag:s22] =	ssyncset.done $0x0  }
0x114: {  	[sflag:s22] =	ssyncadd.s32 $0xFFFFF800  }
0x115: {  	[spmem:s5] =	stream.linear.scatter [tilespmem:s23], [sflag:$0x2], $0x800, $0x38;
	v63 =	vld [tilespmem:$0x0]  }
0x116: {  	_ =	swait.ge [sflag:s22], $0x800  }
0x117: {  	[sflag:s22] =	ssyncset.done $0x0  }
0x118: {  	[sflag:s22] =	ssyncadd.s32 $0xFFFFF800  }
0x119: {  	[spmem:s6] =	stream.linear.scatter [tilespmem:s23], [sflag:$0x2], $0x800, $0x38;
	v63 =	vld [tilespmem:$0x0]  }
0x11a: {  	_ =	swait.ge [sflag:s22], $0x800  }
0x11b: {  	[sflag:s22] =	ssyncset.done $0x0  }
0x11c: {  	[sflag:s22] =	ssyncadd.s32 $0xFFFFF800  }
0x11d: {  	[spmem:s8] =	stream.linear.scatter [tilespmem:s23], [sflag:$0x2], $0x800, $0x38;
	v63 =	vld [tilespmem:$0x0]  }
0x11e: {  	_ =	swait.ge [sflag:s22], $0x800  }
0x11f: {  	[sflag:s22] =	ssyncset.done $0x0  }
0x120: {  	[sflag:s22] =	ssyncadd.s32 $0xFFFFF800  }
0x121: {  	[spmem:s9] =	stream.linear.scatter [tilespmem:s23], [sflag:$0x2], $0x800, $0x38;
	v63 =	vld [tilespmem:$0x0]  }
0x122: {  	_ =	swait.ge [sflag:s22], $0x800  }
0x123: {  	[sflag:s22] =	ssyncset.done $0x0  }
0x124: {  	[sflag:s22] =	ssyncadd.s32 $0xFFFFF800  }
0x125: {  	[spmem:s10] =	stream.linear.scatter [tilespmem:s23], [sflag:$0x2], $0x800, $0x38;
	v63 =	vld [tilespmem:$0x0]  }
0x126: {  	_ =	swait.ge [sflag:s22], $0x800  }
0x127: {  	[sflag:s22] =	ssyncset.done $0x0  }
0x128: {  	[sflag:s22] =	ssyncadd.s32 $0xFFFFF800  }
0x129: {  	[spmem:s11] =	stream.linear.scatter [tilespmem:s23], [sflag:$0x2], $0x800, $0x38;
	v63 =	vld [tilespmem:$0x0]  }
0x12a: {  	_ =	swait.ge [sflag:s22], $0x800  }
0x12b: {  	[sflag:s22] =	ssyncset.done $0x0  }
0x12c: {  	[sflag:s22] =	ssyncadd.s32 $0xFFFFF800  }
0x12d: {  	[spmem:s12] =	stream.linear.scatter [tilespmem:s23], [sflag:$0x2], $0x800, $0x38;
	v63 =	vld [tilespmem:$0x0]  }
0x12e: {  	_ =	swait.ge [sflag:s22], $0x800  }
0x12f: {  	[sflag:s22] =	ssyncset.done $0x0  }
0x130: {  	[sflag:s22] =	ssyncadd.s32 $0xFFFFF800  }
0x131: {  	[spmem:s13] =	stream.linear.scatter [tilespmem:s23], [sflag:$0x2], $0x800, $0x38;
	v63 =	vld [tilespmem:$0x0]  }
0x132: {  	_ =	swait.ge [sflag:s22], $0x800  }
0x133: {  	[sflag:s22] =	ssyncset.done $0x0  }
0x134: {  	[sflag:s22] =	ssyncadd.s32 $0xFFFFF800  }
0x135: {  	[spmem:s14] =	stream.linear.scatter [tilespmem:s23], [sflag:$0x2], $0x800, $0x38;
	v63 =	vld [tilespmem:$0x0]  }
0x136: {  	_ =	swait.ge [sflag:s22], $0x800  }
0x137: {  	[sflag:s22] =	ssyncset.done $0x0  }
0x138: {  	[sflag:s22] =	ssyncadd.s32 $0xFFFFF800  }
0x139: {  	[spmem:s15] =	stream.linear.scatter [tilespmem:s23], [sflag:$0x2], $0x800, $0x38;
	v63 =	vld [tilespmem:$0x0]  }
0x13a: {  	_ =	swait.ge [sflag:s22], $0x800  }
0x13b: {  	[sflag:s22] =	ssyncset.done $0x0  }
0x13c: {  	[sflag:s22] =	ssyncadd.s32 $0xFFFFF800  }
0x13d: {  	[spmem:s16] =	stream.linear.scatter [tilespmem:s23], [sflag:$0x2], $0x800, $0x38;
	v63 =	vld [tilespmem:$0x0]  }
0x13e: {  	_ =	swait.ge [sflag:s22], $0x800  }
0x13f: {  	[sflag:s22] =	ssyncset.done $0x0  }
0x140: {  	[sflag:s22] =	ssyncadd.s32 $0xFFFFF800  }
0x141: {  	[spmem:s17] =	stream.linear.scatter [tilespmem:s23], [sflag:$0x2], $0x800, $0x38;
	v63 =	vld [tilespmem:$0x0]  }
0x142: {  	_ =	swait.ge [sflag:s22], $0x800  }
0x143: {  	[sflag:s22] =	ssyncset.done $0x0  }
0x144: {  	[sflag:s22] =	ssyncadd.s32 $0xFFFFF800  }
0x145: {  	[spmem:s18] =	stream.linear.scatter [tilespmem:s23], [sflag:$0x2], $0x800, $0x38;
	v63 =	vld [tilespmem:$0x0]  }
0x146: {  	_ =	swait.ge [sflag:s22], $0x800  }
0x147: {  	[sflag:s22] =	ssyncset.done $0x0  }
0x148: {  	[sflag:s22] =	ssyncadd.s32 $0xFFFFF800  }
0x149: {  	[spmem:s19] =	stream.linear.scatter [tilespmem:s23], [sflag:$0x2], $0x800, $0x38;
	v63 =	vld [tilespmem:$0x0]  }
0x14a: {  	_ =	swait.ge [sflag:s22], $0x800  }
0x14b: {  	[sflag:s22] =	ssyncset.done $0x0  }
0x14c: {  	[sflag:s22] =	ssyncadd.s32 $0xFFFFF800  }
0x14d: {  	[spmem:s20] =	stream.linear.scatter [tilespmem:s23], [sflag:$0x2], $0x800, $0x38;
	v63 =	vld [tilespmem:$0x0]  }
0x14e: {  	_ =	swait.ge [sflag:s22], $0x800  }
0x14f: {  	[sflag:s22] =	ssyncset.done $0x0  }
0x150: {  	[sflag:s22] =	ssyncadd.s32 $0xFFFFF800  }
0x151: {  	[spmem:s21] =	stream.linear.scatter [tilespmem:s23], [sflag:$0x2], $0x800, $0x38;
	v63 =	vld [tilespmem:$0x0]  }
0x152: {  	_ =	swait.ge [sflag:s22], $0x800  }
0x153: {  	[sflag:s22] =	ssyncset.done $0x0  }
0x154: {  	s30 =	simm.s32 $0x40;
	s31 =	simm.s32 $0x0;
	[sflag:s22] =	ssyncadd.s32 $0xFFFFF800  }
.LBB2_2:
0x155: {  	p0 =	sne.s32 s30, $0x9FC0;
	[tilespmem:s31+$0x1D800] =	vst v0;
	s31 =	smov.u32 s30;
	s30 =	sadd.s32 $0x40, s30  }
.Ltmp0:
0x156: {  	(pc) =	sbr.rel @p0 .LBB2_2-.Ltmp0, $2  }
0x157: {  	_ =	sdelay $0x2  }
0x158: {  	s31 =	sshra.s32 s31, $0x2  }
0x159: {  	[tilespmem:s31+$0x1D800] =	vst v0  }
0x15a: {  	s30 =	simm.s32 $0x0;
	[bflag:$0x0] =	sbarrier.arrive $0xFFFF  }
.LBB2_4:
0x15b: {  	s31 =	sshra.s32 s30, $0x2  }
0x15c: {  	[tilespmem:s25], [sflag:$0x1] =	stream.indirect.gather [hbm4b:s4+s24], $0x80, s31, s24, $0xb8;
	v63 =	vld [tilespmem:$0x0]  }
0x15d: {  	_ =	swait.ge [sflag:s26], $0x4000  }
0x15e: {  	[sflag:s26] =	ssyncset.done $0x0  }
0x15f: {  	s1 =	sadd.s32 $0x2800, s31;
	[sflag:s26] =	ssyncadd.s32 $0xFFFFC000  }
0x160: {  	[spmem:s2] =	stream.indirect.scatter.add.f32 [tilespmem:s25], [sflag:$0x2], $0x80, s1, s24, $0xb8;
	v63 =	vld [tilespmem:$0x0]  }
0x161: {  	_ =	swait.ge [sflag:s22], $0x4000  }
0x162: {  	[sflag:s22] =	ssyncset.done $0x0  }
0x163: {  	[sflag:s22] =	ssyncadd.s32 $0xFFFFC000  }
0x164: {  	v2 =	vld [tilespmem:s31+$0x2800];
	_ =	sdelay $0x7  }
0x165: {  	[tilespmem:v2+s28+$0x0] =	vst.idx.add.f32.msk $0xffff, v1  }
0x166: {  	v2 =	vld [tilespmem:s31+$0x2810];
	_ =	sdelay $0x7  }
0x167: {  	[tilespmem:v2+s28+$0x0] =	vst.idx.add.f32.msk $0xffff, v1  }
0x168: {  	v2 =	vld [tilespmem:s31+$0x2820];
	_ =	sdelay $0x7  }
0x169: {  	[tilespmem:v2+s28+$0x0] =	vst.idx.add.f32.msk $0xffff, v1  }
0x16a: {  	v2 =	vld [tilespmem:s31+$0x2830];
	_ =	sdelay $0x7  }
0x16b: {  	[tilespmem:v2+s28+$0x0] =	vst.idx.add.f32.msk $0xffff, v1  }
0x16c: {  	v2 =	vld [tilespmem:s31+$0x2840];
	_ =	sdelay $0x7  }
0x16d: {  	[tilespmem:v2+s28+$0x0] =	vst.idx.add.f32.msk $0xffff, v1  }
0x16e: {  	v2 =	vld [tilespmem:s31+$0x2850];
	_ =	sdelay $0x7  }
0x16f: {  	[tilespmem:v2+s28+$0x0] =	vst.idx.add.f32.msk $0xffff, v1  }
0x170: {  	v2 =	vld [tilespmem:s31+$0x2860];
	_ =	sdelay $0x7  }
0x171: {  	[tilespmem:v2+s28+$0x0] =	vst.idx.add.f32.msk $0xffff, v1  }
0x172: {  	v2 =	vld [tilespmem:s31+$0x2870];
	_ =	sdelay $0x2  }
0x173: {  	p0 =	sne.s32 s30, $0x9C00  }
.Ltmp1:
0x174: {  	_ = 	snop;
	(pc) =	sbr.rel @p0 .LBB2_4-.Ltmp1, $2  }
0x175: {  	_ =	sdelay $0x2  }
0x176: {  	s30 =	sadd.s32 $0x200, s30;
	[tilespmem:v2+s28+$0x0] =	vst.idx.add.f32.msk $0xffff, v1  }
0x177: {  	s1 =	stileid.u32  }
0x178: {  	[bflag:$0x0] =	sbarrier.arrive $0xFFFF;
	s1 =	sshll.u32 s1, $0x6  }
0x179: {  	s30 =	sshrl.u32 s7, $0x3;
	s31 =	rddreg [dreg:$0x15];
	s1 =	sor.u32 $0x1C02, s1  }
0x17a: {  	[hbm:s31], [sflag:s1] =	dma.local [spmem:s30], $0x2800  }
0x17b: {  	_ =	swait.ge [sflag:s22], $0x2800  }
0x17c: {  	[sflag:s22] =	ssyncset.done $0x0  }
0x17d: {  	s31 =	simm.s32 $0x400;
	s1 =	rddreg [dreg:$0x16];
	[sflag:s22] =	ssyncadd.s32 $0xFFFFD800  }
0x17e: {  	[hbm4b:s1+s24] =	stream.strided.scatter [tilespmem:s28], [sflag:$0x2], $0x2800, s31, s24, $0x38;
	v63 =	vld [tilespmem:$0x0]  }
0x17f: {  	_ =	swait.ge [sflag:s22], $0x2800  }
0x180: {  	s29 =	sadd.s32 $0x1, s29;
	s31 =	rddreg [dreg:$0x17]  }
0x181: {  	p0 =	sne.s32 s29, s31  }
.Ltmp2:
0x182: {  	_ = 	snop;
	(pc) =	sbr.rel @p0 .LBB2_1-.Ltmp2, $3  }
0x183: {  	_ =	sdelay $0x1  }
0x184: {  	[sflag:s22] =	ssyncset.done $0x0  }
0x185: {  	[sflag:s22] =	ssyncadd.s32 $0xFFFFD800  }
0x186: {  	_ =	sfence.sel $0x180000  }
0x187: {  	[bflag:$0x0] =	sbarrier.arrive $0xFFFF  }
0x188: {  	_ =	strace $0x90000047  }
0x189: {  	s0 =	stileid.u32;
	[bflag:$0x2] =	sbarrier.arrive $0xFFFF  }
0x18a: {  	p0 =	sne.s32 s0, $0x0;
	s0 =	rddreg [dreg:$0x3]  }
0x18b: {  	s0 =	sadd.s32 @!p0 $0x100000, s0  }
0x18c: {  	[sflag:s0] =	ssyncadd.tile.s32 @!p0 $0x1;
	_ =	shalt  }
.Lfunc_end2:
_tile_overlayer_lowered:
.L_overlay_start_2:
0x18d: {  	(tag) =	ssettag $0x2  }
0x18e: {  	s0 =	rddreg [dreg:$0x0];
	s2 =	stileid.u32  }
0x18f: {  	s1 =	rddreg [dreg:$0x1];
	p0 =	sne.s32 s2, $0x0  }
0x190: {  	s3 =	rddreg [dreg:$0x2];
	[bflag:$0x3] =	sbarrier.arrive $0xFFFF;
	s2 =	simm.s32 @!p0 $0x1C02  }
0x191: {  	[timem:s3], [sflag:s2] =	dma.local @!p0 [hbm:s0], s1  }
0x192: {  	s0 =	simm.s32 @!p0 $0x2  }
0x193: {  	_ =	swait.ge @!p0 [sflag:s0], s1  }
0x194: {  	s1 =	ssub.s32 @!p0 $0x0, s1;
	[sflag:s0] =	ssyncset.done @!p0 $0x0  }
0x195: {  	[sflag:s0] =	ssyncadd.s32 @!p0 s1  }
0x196: {  	[bflag:$0x3] =	sbarrier.arrive $0xFFFF  }
0x197: {  	_ =	shalt  }

// kernel: sage_sc_aggregate.7.cloned.1.call-start
scs
__scs_entry_jumppad:
0x0: {  	(pc) =	sbr.rel $0x88, $3  }
0x1: {  	(tag) =	ssettag $0x0;
	lr =	simm.s32 $0x1  }
0x2: {  	[smem:$0x3F97] =	sst lr;
	_ =	strace $0xD0000000  }
0x3: {  	_ = 	snop  }
0x4: {  	_ = 	snop  }
0x5: {  	_ = 	snop  }
0x6: {  	_ = 	snop  }
0x7: {  	_ = 	snop  }
__scs_overlays_trampoline_lowered:
0x8: {  	[smem:$0x3FA6] =	sst s0  }
0x9: {  	[smem:$0x3FA7] =	sst s1  }
0xa: {  	[smem:$0x3FA8] =	sst s2  }
0xb: {  	[smem:$0x3FA9] =	sst s3  }
0xc: {  	[smem:$0x3FAA] =	sst s4  }
0xd: {  	[smem:$0x3FAB] =	sst s5  }
0xe: {  	[smem:$0x3FAC] =	sst s6  }
0xf: {  	[smem:$0x3FAD] =	sst s7  }
0x10: {  	[smem:$0x3FAE] =	sst s8  }
0x11: {  	[smem:$0x3FAF] =	sst s9;
	s0 =	simm.s32 @!p0 $0x0  }
0x12: {  	s1 =	sld [smem:$0x3F95];
	s0 =	simm.s32 @p0 $0x1  }
0x13: {  	[smem:$0x3FB0] =	sst s0;
	s0 =	simm.s32 @!p1 $0x0  }
0x14: {  	s2 =	sld [smem:$0x3F94];
	s0 =	simm.s32 @p1 $0x1  }
0x15: {  	[smem:$0x3FB1] =	sst s0;
	s0 =	simm.s32 @!p2 $0x0  }
0x16: {  	s3 =	sld [smem:$0x3FDB];
	s0 =	simm.s32 @p2 $0x1  }
0x17: {  	s4 =	simm.s32 $0x1BF5;
	[smem:$0x3FB3] =	sst s0  }
0x18: {  	s0 =	sld [smem:$0x3F96];
	_ =	swait.ge [sflag:s4], $0x0  }
0x19: {  	s7 =	sld [smem:$0x3F97]  }
0x1a: {  	s8 =	sadd.s32 $0xFFFFE003, lr  }
0x1b: {  	s9 =	sadd.s32 $0xFFFFFEF7, lr;
	s5 =	simm.s32 $0xFFFFFFFF;
	p2 =	slt.u32 s8, $0xFFFFF086  }
0x1c: {  	p1 =	slt.u32 s9, $0xF7A;
	s5 =	simm.s32 @!p2 $0x0  }
0x1d: {  	s5 =	simm.s32 @p1 $0x1;
	p0 =	seq.s32 s7, s2  }
0x1e: {  	s7 =	smul.u32 @!p0 $0xF7A, s2;
	p2 =	seq.s32 @!p0 s5, $0x0  }
0x1f: {  	s9 =	smul.u32 $0xF7A, s1;
	s8 =	simm.s32 @!p0 $0x1BF5;
	p2 =	por !p2, p0  }
0x20: {  	[sflag:s8] =	ssyncset.s32 @!p0 $0xFFFFF086;
	s6 =	sadd.s32 @!p0 s3, s7;
	s7 =	simm.s32 @!p0 $0x108  }
0x21: {  	s3 =	sadd.s32 s3, s9;
	s6 =	sadd.s32 @!p0 $0x88, s6;
	s7 =	simm.s32 @p2 $0x1082  }
0x22: {  	[simem:s7], [sflag:s8] =	dma.local @!p0 [hbm:s6], $0xF7A  }
0x23: {  	s9 =	sor.u32 $0xD0000000, s2;
	s6 =	simm.s32 $0x108;
	_ =	swait.ge @!p0 [sflag:s8], $0x0  }
0x24: {  	s3 =	sadd.s32 $0x88, s3;
	s6 =	simm.s32 @!p1 $0x1082;
	[sflag:s4] =	ssyncset.s32 $0xFFFFF086  }
0x25: {  	[simem:s6], [sflag:s4] =	dma.local [hbm:s3], $0xF7A  }
0x26: {  	[smem:$0x3F97] =	sst s1;
	(tag) =	ssettag s2;
	_ =	strace s9  }
0x27: {  	s1 =	sld [smem:$0x3FA7]  }
0x28: {  	s2 =	sld [smem:$0x3FA8]  }
0x29: {  	s4 =	sld [smem:$0x3FAA]  }
0x2a: {  	p0 =	seq.s32 s5, $0x0;
	s5 =	sld [smem:$0x3FAB]  }
0x2b: {  	s6 =	sld [smem:$0x3FAC]  }
0x2c: {  	s7 =	sld [smem:$0x3FAD]  }
0x2d: {  	s3 =	simm.s32 $0x108;
	s8 =	sld [smem:$0x3FAE]  }
0x2e: {  	s3 =	simm.s32 @!p0 $0x1082;
	s9 =	sld [smem:$0x3FAF]  }
0x2f: {  	lr =	sadd.s32 s0, s3;
	s0 =	sld [smem:$0x3FA6]  }
0x30: {  	s3 =	sld [smem:$0x3FA9]  }
0x31: {  	[smem:$0x3FB2] =	sst s10  }
0x32: {  	s10 =	sld [smem:$0x3FB0];
	_ =	sdelay $0x3  }
0x33: {  	p0 =	seq.s32 s10, $0x1;
	s10 =	sld [smem:$0x3FB2];
	_ =	sdelay $0x3  }
0x34: {  	[smem:$0x3FB2] =	sst s10  }
0x35: {  	s10 =	sld [smem:$0x3FB1];
	_ =	sdelay $0x3  }
0x36: {  	p1 =	seq.s32 s10, $0x1;
	s10 =	sld [smem:$0x3FB2];
	_ =	sdelay $0x3  }
0x37: {  	[smem:$0x3FB2] =	sst s10  }
0x38: {  	s10 =	sld [smem:$0x3FB3]  }
0x39: {  	_ = 	snop;
	(pc) =	sbr.ind lr, $3  }
0x3a: {  	_ = 	snop  }
0x3b: {  	_ = 	snop  }
0x3c: {  	p2 =	seq.s32 s10, $0x1;
	s10 =	sld [smem:$0x3FB2]  }
0x3d: {  	_ =	shalt  }
0x3e: {  	_ =	shalt  }
0x3f: {  	_ =	shalt  }
0x40: {  	_ =	shalt  }
0x41: {  	_ =	shalt  }
0x42: {  	_ =	shalt  }
0x43: {  	_ =	shalt  }
0x44: {  	_ =	shalt  }
0x45: {  	_ =	shalt  }
0x46: {  	_ =	shalt  }
0x47: {  	_ =	shalt  }
0x48: {  	_ =	shalt  }
0x49: {  	_ =	shalt  }
0x4a: {  	_ =	shalt  }
0x4b: {  	_ =	shalt  }
0x4c: {  	_ =	shalt  }
0x4d: {  	_ =	shalt  }
0x4e: {  	_ =	shalt  }
0x4f: {  	_ =	shalt  }
0x50: {  	_ =	shalt  }
0x51: {  	_ =	shalt  }
0x52: {  	_ =	shalt  }
0x53: {  	_ =	shalt  }
0x54: {  	_ =	shalt  }
0x55: {  	_ =	shalt  }
0x56: {  	_ =	shalt  }
0x57: {  	_ =	shalt  }
0x58: {  	_ =	shalt  }
0x59: {  	_ =	shalt  }
0x5a: {  	_ =	shalt  }
0x5b: {  	_ =	shalt  }
0x5c: {  	_ =	shalt  }
0x5d: {  	_ =	shalt  }
0x5e: {  	_ =	shalt  }
0x5f: {  	_ =	shalt  }
0x60: {  	_ =	shalt  }
0x61: {  	_ =	shalt  }
0x62: {  	_ =	shalt  }
0x63: {  	_ =	shalt  }
0x64: {  	_ =	shalt  }
0x65: {  	_ =	shalt  }
0x66: {  	_ =	shalt  }
0x67: {  	_ =	shalt  }
0x68: {  	_ =	shalt  }
0x69: {  	_ =	shalt  }
0x6a: {  	_ =	shalt  }
0x6b: {  	_ =	shalt  }
0x6c: {  	_ =	shalt  }
0x6d: {  	_ =	shalt  }
0x6e: {  	_ =	shalt  }
0x6f: {  	_ =	shalt  }
0x70: {  	_ =	shalt  }
0x71: {  	_ =	shalt  }
0x72: {  	_ =	shalt  }
0x73: {  	_ =	shalt  }
0x74: {  	_ =	shalt  }
0x75: {  	_ =	shalt  }
0x76: {  	_ =	shalt  }
0x77: {  	_ =	shalt  }
0x78: {  	_ =	shalt  }
0x79: {  	_ =	shalt  }
0x7a: {  	_ =	shalt  }
0x7b: {  	_ =	shalt  }
0x7c: {  	_ =	shalt  }
0x7d: {  	_ =	shalt  }
0x7e: {  	_ =	shalt  }
0x7f: {  	_ =	shalt  }
0x80: {  	_ =	shalt  }
0x81: {  	_ =	shalt  }
0x82: {  	_ =	shalt  }
0x83: {  	_ =	shalt  }
0x84: {  	_ =	shalt  }
0x85: {  	_ =	shalt  }
0x86: {  	_ =	shalt  }
0x87: {  	_ =	shalt  }
.Lfunc_end0:
.L_simem_size_0:
called_computation.1_lowered:
.L_overlay_start_0:
0x88: {  	s2 =	sld [smem:$0x3FD9]  }
0x89: {  	s3 =	sld [smem:$0x3FFE];
	_ =	sdelay $0x1  }
0x8a: {  	s1 =	srdreg.scid  }
0x8b: {  	s0 =	sand.u32 $0x1, s1  }
0x8c: {  	s17 =	sshll.u32 s0, $0xA;
	s2 =	sadd.s32 s3, s2  }
0x8d: {  	s2 =	sadd.s32 s2, s17  }
0x8e: {  	[smem:$0x3FBE] =	sst s2  }
0x8f: {  	_ = 	snop  }
0x90: {  	s2 =	sld [smem:$0x3FD0];
	(tm) =	ssettm $0x1  }
0x91: {  	s18 =	sld [smem:$0x3FFB];
	_ =	sdelay $0x3  }
0x92: {  	_ =	strace s18  }
0x93: {  	s3 =	sld [smem:$0x3FFC];
	_ =	sdelay $0x3  }
0x94: {  	_ =	strace s3  }
0x95: {  	s3 =	sld [smem:$0x3FFD];
	_ =	sdelay $0x3  }
0x96: {  	_ =	strace s3  }
0x97: {  	_ =	strace $0x8FFFFFFF  }
0x98: {  	s19 =	sld [smem:$0x3FDB];
	_ =	sdelay $0x1  }
0x99: {  	s4 =	simm.s32 $_scs_section_size  }
0x9a: {  	s5 =	simm.s32 $_size__tile_overlayer_lowered;
	s6 =	simm.s32 $_tile_overlayer_lowered  }
0x9b: {  	s22 =	simm.s32 $0x1BFF;
	s21 =	sshll.u32 s6, $0x1;
	s3 =	sadd.s32 s4, s19  }
0x9c: {  	s7 =	simm.s32 $0x0;
	s20 =	sshll.u32 s5, $0x1;
	s5 =	sadd.s32 s21, s3  }
0x9d: {  	[timem:s7], [sflag:s22] =	dma.local [hbm:s5], s20  }
0x9e: {  	_ =	swait.ge [sflag:s22], s20  }
0x9f: {  	s4 =	ssub.s32 $0x0, s20;
	[sflag:s22] =	ssyncset.done $0x0  }
0xa0: {  	[sflag:s22] =	ssyncadd.s32 s4;
	_ =	sdelay $0x1  }
0xa1: {  	s23 =	simm.s32 $0x1B8B  }
0xa2: {  	_ =	swait.ge [sflag:s23], $0x1  }
0xa3: {  	[sflag:s23] =	ssyncset.done $0x0  }
0xa4: {  	s25 =	simm.s32 $0x1B8E;
	s24 =	sld [smem:$0x3FFE];
	[sflag:s23] =	ssyncadd.s32 $0xFFFFFFFF  }
0xa5: {  	s26 =	simm.s32 $execute0_lowered;
	[smem:$0x3FD2] =	sst s25  }
0xa6: {  	s5 =	sshll.u32 s26, $0x1;
	_ =	strace $0x80000049;
	[dreg:$0x1] =	wrdreg $0xFFFFFFFF  }
0xa7: {  	s28 =	simm.s32 $_size_execute0_lowered;
	s3 =	sadd.s32 s3, s5;
	[dreg:$0x0] =	wrdreg $0x0  }
0xa8: {  	s5 =	sshll.u32 s28, $0x1;
	[dreg:$0x2] =	wrdreg s3  }
0xa9: {  	[dreg:$0x3] =	wrdreg s5  }
0xaa: {  	[dreg:$0x4] =	wrdreg $0xC0  }
0xab: {  	_ =	task [dreg:s7], $0x5FFFF  }
0xac: {  	[dreg:$0x1] =	wrdreg $0xFFFFFFFF  }
0xad: {  	[dreg:$0x0] =	wrdreg $0x60  }
0xae: {  	[dreg:$0x2] =	wrdreg s2  }
0xaf: {  	[dreg:$0x3] =	wrdreg s24  }
0xb0: {  	[dreg:$0x4] =	wrdreg $0x98000  }
0xb1: {  	[dreg:$0x5] =	wrdreg $0x9  }
0xb2: {  	_ =	task.clear_ibuf [dreg:s7], $0x6FFFF;
	_ =	strace $0x90000049  }
0xb3: {  	s29 =	simm.s32 $0x9;
	_ =	strace $0x8000004B  }
0xb4: {  	_ =	swait.ge [sflag:s29], $0x1  }
0xb5: {  	[sflag:s29] =	ssyncadd.s32 $0xFFFFFFFF  }
0xb6: {  	_ =	strace $0x9000004B  }
0xb7: {  	_ =	sfence  }
0xb8: {  	s30 =	sld [smem:$0x0];
	_ =	sdelay $0x2  }
0xb9: {  	s31 =	sshll.u32 s1, $0xD;
	s1 =	sshrl.u32 s1, $0x2  }
0xba: {  	s3 =	sand.u32 $0x4000, s31;
	s1 =	sadd.s32 s1, s30  }
0xbb: {  	s0 =	sor.u32 s3, s0;
	s1 =	sshll.u32 s1, $0x11  }
0xbc: {  	s0 =	sor.u32 s1, s0  }
0xbd: {  	s0 =	sadd.s32 $0x8F2B, s0  }
0xbe: {  	[sflag:s0] =	ssyncadd.remote.s32 $0x1  }
0xbf: {  	_ =	sfence.sel $0xFFFF  }
0xc0: {  	[dreg:$0x0] =	wrdreg $0xFFFFFFFF;
	(pc) =	sbr.abs _section_cstart, $3  }
0xc1: {  	[dreg:$0x1] =	wrdreg $0xFFFFFFFF  }
0xc2: {  	_ =	task.clear_ibuf [dreg:s7], $0x2FFFF;
	_ =	strace $0x9FFFFFFF  }
0xc3: {  	(tm) =	ssettm $0x7FFFFFFF  }
tec
execute0_lowered:
.L_overlay_start_1:
0x0: {  	(tag) =	ssettag $0x1  }
0x1: {  	s0 =	srdreg.scid;
	s1 =	rddreg [dreg:$0x0]  }
0x2: {  	s8 =	stileid.u32;
	s3 =	rddreg [dreg:$0x1];
	s6 =	simm.s32 $0x0  }
0x3: {  	s0 =	sand.u32 $0x1, s0;
	[smem:$0x7FF] =	sst s6;
	s30 =	smul.u32 $0x14000, s8  }
0x4: {  	s2 =	sshll.u32 s0, $0x4;
	s29 =	smul.u32 $0x140000, s0;
	s0 =	ssub.s32 $0x2, s0  }
0x5: {  	s4 =	sor.u32 s8, s2;
	s2 =	rddreg [dreg:$0x2];
	s8 =	smul.u32 $0x50000, s8  }
0x6: {  	_ =	strace $0x8000004A;
	s9 =	sshrl.u32 s0, $0x1;
	s5 =	smul.u32 $0x500, s4  }
0x7: {  	s6 =	sadd.s32 s30, s29;
	s4 =	sadd.s32 $0xC600, s3;
	s0 =	ssub.s32 s0, s9  }
0x8: {  	s6 =	sshrl.u32 s6, $0x3;
	s31 =	sshrl.u32 s8, $0x2;
	s0 =	smax.u32 s0, $0x1  }
0x9: {  	s7 =	sadd.s32 s5, s3;
	s1 =	sadd.s32 s1, s5;
	[dreg:$0x17] =	wrdreg s0  }
0xa: {  	s3 =	sadd.s32 s6, s3;
	[dreg:$0x4] =	wrdreg s1;
	s8 =	sadd.s32 $0x2600, s7  }
0xb: {  	s7 =	sadd.s32 s31, s2;
	s25 =	sadd.s32 $0x33800, s3;
	[dreg:$0x5] =	wrdreg s8  }
0xc: {  	s9 =	sadd.s32 $0x800, s7;
	[dreg:$0x16] =	wrdreg s25  }
0xd: {  	s10 =	sadd.s32 $0x1000, s7;
	[dreg:$0x6] =	wrdreg s9  }
0xe: {  	s11 =	sadd.s32 $0x1800, s7;
	[dreg:$0x7] =	wrdreg s10  }
0xf: {  	s12 =	sadd.s32 $0x2000, s7;
	[dreg:$0x8] =	wrdreg s11  }
0x10: {  	s13 =	sadd.s32 $0x2800, s7;
	[dreg:$0x9] =	wrdreg s12  }
0x11: {  	s14 =	sadd.s32 $0x3000, s7;
	[dreg:$0xa] =	wrdreg s13  }
0x12: {  	s15 =	sadd.s32 $0x3800, s7;
	[dreg:$0xb] =	wrdreg s14  }
0x13: {  	s16 =	sadd.s32 $0x4000, s7;
	[dreg:$0xc] =	wrdreg s15  }
0x14: {  	s17 =	sadd.s32 $0x4800, s7;
	[dreg:$0xd] =	wrdreg s16  }
0x15: {  	s18 =	sadd.s32 $0x5000, s7;
	[dreg:$0xe] =	wrdreg s17  }
0x16: {  	s19 =	sadd.s32 $0x5800, s7;
	[dreg:$0xf] =	wrdreg s18  }
0x17: {  	s20 =	sadd.s32 $0x6000, s7;
	[dreg:$0x10] =	wrdreg s19  }
0x18: {  	s21 =	sadd.s32 $0x6800, s7;
	[dreg:$0x11] =	wrdreg s20  }
0x19: {  	s22 =	sadd.s32 $0x7000, s7;
	[dreg:$0x12] =	wrdreg s21  }
0x1a: {  	s23 =	sadd.s32 $0x7800, s7;
	s24 =	sadd.s32 $0x8000, s7;
	[dreg:$0x13] =	wrdreg s22  }
0x1b: {  	s26 =	sadd.s32 $0x8800, s7;
	s28 =	sadd.s32 $0x9000, s7;
	[dreg:$0x14] =	wrdreg s23  }
0x1c: {  	s29 =	sadd.s32 $0x9800, s7;
	s30 =	sadd.s32 $0xA000, s7;
	[dreg:$0x15] =	wrdreg s24  }
0x1d: {  	s31 =	sadd.s32 $0xA800, s7;
	s1 =	sadd.s32 $0xB000, s7;
	[dreg:$0x18] =	wrdreg s26  }
0x1e: {  	s0 =	sadd.s32 $0xB800, s7;
	s3 =	sadd.s32 $0xC000, s7;
	[dreg:$0x19] =	wrdreg s28  }
0x1f: {  	s5 =	sadd.s32 $0xC800, s7;
	s6 =	sadd.s32 $0xD000, s7;
	[dreg:$0x1a] =	wrdreg s29  }
0x20: {  	s8 =	sadd.s32 $0xD800, s7;
	s25 =	simm.s32 $0x1;
	[dreg:$0x1b] =	wrdreg s30  }
0x21: {  	[dreg:$0x1c] =	wrdreg s31;
	s9 =	sadd.s32 $0xE000, s7;
	s10 =	sadd.s32 $0xE800, s7  }
0x22: {  	s11 =	sadd.s32 $0xF000, s7;
	s12 =	sadd.s32 $0xF800, s7;
	s13 =	sadd.s32 $0x10000, s7  }
0x23: {  	s14 =	sadd.s32 $0x10800, s7;
	s15 =	sadd.s32 $0x11000, s7;
	s16 =	sadd.s32 $0x11800, s7  }
0x24: {  	s17 =	sadd.s32 $0x12000, s7;
	s18 =	sadd.s32 $0x12800, s7;
	s19 =	sadd.s32 $0x13000, s7  }
0x25: {  	s20 =	sadd.s32 $0x13800, s7;
	s21 =	simm.s32 $0x2;
	s22 =	simm.s32 $0x9000  }
0x26: {  	v0 =	vimm.f32 $0.0e+00;
	s23 =	simm.s32 $0x80;
	s24 =	simm.s32 $0x5000;
	s26 =	simm.s32 $0x0  }
.LBB2_1:
0x27: {  	s28 =	simm.s32 $0x0;
	s29 =	rddreg [dreg:$0x4]  }
0x28: {  	[tilespmem:s28], [sflag:$0x2] =	stream.linear.gather [hbm4b:s29+s28], $0x2780, $0x38;
	[tilespmem:$0x1D800] =	vst v63  }
0x29: {  	_ =	swait.ge [sflag:s21], $0x2780  }
0x2a: {  	[sflag:s21] =	ssyncset.done $0x0  }
0x2b: {  	s30 =	simm.s32 $0x2800;
	s29 =	rddreg [dreg:$0x5];
	[sflag:s21] =	ssyncadd.s32 $0xFFFFD880  }
0x2c: {  	[tilespmem:s30], [sflag:$0x2] =	stream.linear.gather [hbm4b:s29+s28], $0x2780, $0x38;
	[tilespmem:$0x1D800] =	vst v63  }
0x2d: {  	_ =	swait.ge [sflag:s21], $0x2780  }
0x2e: {  	[sflag:s21] =	ssyncset.done $0x0  }
0x2f: {  	[sflag:s21] =	ssyncadd.s32 $0xFFFFD880  }
0x30: {  	[tilespmem:$0x9000] =	vst v0  }
0x31: {  	[tilespmem:$0x9010] =	vst v0  }
0x32: {  	[tilespmem:$0x9020] =	vst v0  }
0x33: {  	[tilespmem:$0x9030] =	vst v0  }
0x34: {  	[tilespmem:$0x9040] =	vst v0  }
0x35: {  	[tilespmem:$0x9050] =	vst v0  }
0x36: {  	[tilespmem:$0x9060] =	vst v0  }
0x37: {  	[tilespmem:$0x9070] =	vst v0  }
0x38: {  	[tilespmem:$0x9080] =	vst v0  }
0x39: {  	[tilespmem:$0x9090] =	vst v0  }
0x3a: {  	[tilespmem:$0x90A0] =	vst v0  }
0x3b: {  	[tilespmem:$0x90B0] =	vst v0  }
0x3c: {  	[tilespmem:$0x90C0] =	vst v0  }
0x3d: {  	[tilespmem:$0x90D0] =	vst v0  }
0x3e: {  	[tilespmem:$0x90E0] =	vst v0  }
0x3f: {  	[tilespmem:$0x90F0] =	vst v0  }
0x40: {  	[tilespmem:$0x9100] =	vst v0  }
0x41: {  	[tilespmem:$0x9110] =	vst v0  }
0x42: {  	[tilespmem:$0x9120] =	vst v0  }
0x43: {  	[tilespmem:$0x9130] =	vst v0  }
0x44: {  	[tilespmem:$0x9140] =	vst v0  }
0x45: {  	[tilespmem:$0x9150] =	vst v0  }
0x46: {  	[tilespmem:$0x9160] =	vst v0  }
0x47: {  	[tilespmem:$0x9170] =	vst v0  }
0x48: {  	[tilespmem:$0x9180] =	vst v0  }
0x49: {  	[tilespmem:$0x9190] =	vst v0  }
0x4a: {  	[tilespmem:$0x91A0] =	vst v0  }
0x4b: {  	[tilespmem:$0x91B0] =	vst v0  }
0x4c: {  	[tilespmem:$0x91C0] =	vst v0  }
0x4d: {  	[tilespmem:$0x91D0] =	vst v0  }
0x4e: {  	[tilespmem:$0x91E0] =	vst v0  }
0x4f: {  	[tilespmem:$0x91F0] =	vst v0  }
0x50: {  	[tilespmem:$0x9200] =	vst v0  }
0x51: {  	[tilespmem:$0x9210] =	vst v0  }
0x52: {  	[tilespmem:$0x9220] =	vst v0  }
0x53: {  	[tilespmem:$0x9230] =	vst v0  }
0x54: {  	[tilespmem:$0x9240] =	vst v0  }
0x55: {  	[tilespmem:$0x9250] =	vst v0  }
0x56: {  	[tilespmem:$0x9260] =	vst v0  }
0x57: {  	[tilespmem:$0x9270] =	vst v0  }
0x58: {  	[tilespmem:$0x9280] =	vst v0  }
0x59: {  	[tilespmem:$0x9290] =	vst v0  }
0x5a: {  	[tilespmem:$0x92A0] =	vst v0  }
0x5b: {  	[tilespmem:$0x92B0] =	vst v0  }
0x5c: {  	[tilespmem:$0x92C0] =	vst v0  }
0x5d: {  	[tilespmem:$0x92D0] =	vst v0  }
0x5e: {  	[tilespmem:$0x92E0] =	vst v0  }
0x5f: {  	[tilespmem:$0x92F0] =	vst v0  }
0x60: {  	[tilespmem:$0x9300] =	vst v0  }
0x61: {  	[tilespmem:$0x9310] =	vst v0  }
0x62: {  	[tilespmem:$0x9320] =	vst v0  }
0x63: {  	[tilespmem:$0x9330] =	vst v0  }
0x64: {  	[tilespmem:$0x9340] =	vst v0  }
0x65: {  	[tilespmem:$0x9350] =	vst v0  }
0x66: {  	[tilespmem:$0x9360] =	vst v0  }
0x67: {  	[tilespmem:$0x9370] =	vst v0  }
0x68: {  	[tilespmem:$0x9380] =	vst v0  }
0x69: {  	[tilespmem:$0x9390] =	vst v0  }
0x6a: {  	[tilespmem:$0x93A0] =	vst v0  }
0x6b: {  	[tilespmem:$0x93B0] =	vst v0  }
0x6c: {  	[tilespmem:$0x93C0] =	vst v0  }
0x6d: {  	[tilespmem:$0x93D0] =	vst v0  }
0x6e: {  	[tilespmem:$0x93E0] =	vst v0  }
0x6f: {  	[tilespmem:$0x93F0] =	vst v0  }
0x70: {  	[tilespmem:$0x9400] =	vst v0  }
0x71: {  	[tilespmem:$0x9410] =	vst v0  }
0x72: {  	[tilespmem:$0x9420] =	vst v0  }
0x73: {  	[tilespmem:$0x9430] =	vst v0  }
0x74: {  	[tilespmem:$0x9440] =	vst v0  }
0x75: {  	[tilespmem:$0x9450] =	vst v0  }
0x76: {  	[tilespmem:$0x9460] =	vst v0  }
0x77: {  	[tilespmem:$0x9470] =	vst v0  }
0x78: {  	[tilespmem:$0x9480] =	vst v0  }
0x79: {  	[tilespmem:$0x9490] =	vst v0  }
0x7a: {  	[tilespmem:$0x94A0] =	vst v0  }
0x7b: {  	[tilespmem:$0x94B0] =	vst v0  }
0x7c: {  	[tilespmem:$0x94C0] =	vst v0  }
0x7d: {  	[tilespmem:$0x94D0] =	vst v0  }
0x7e: {  	[tilespmem:$0x94E0] =	vst v0  }
0x7f: {  	[tilespmem:$0x94F0] =	vst v0  }
0x80: {  	[tilespmem:$0x9500] =	vst v0  }
0x81: {  	[tilespmem:$0x9510] =	vst v0  }
0x82: {  	[tilespmem:$0x9520] =	vst v0  }
0x83: {  	[tilespmem:$0x9530] =	vst v0  }
0x84: {  	[tilespmem:$0x9540] =	vst v0  }
0x85: {  	[tilespmem:$0x9550] =	vst v0  }
0x86: {  	[tilespmem:$0x9560] =	vst v0  }
0x87: {  	[tilespmem:$0x9570] =	vst v0  }
0x88: {  	[tilespmem:$0x9580] =	vst v0  }
0x89: {  	[tilespmem:$0x9590] =	vst v0  }
0x8a: {  	[tilespmem:$0x95A0] =	vst v0  }
0x8b: {  	[tilespmem:$0x95B0] =	vst v0  }
0x8c: {  	[tilespmem:$0x95C0] =	vst v0  }
0x8d: {  	[tilespmem:$0x95D0] =	vst v0  }
0x8e: {  	[tilespmem:$0x95E0] =	vst v0  }
0x8f: {  	[tilespmem:$0x95F0] =	vst v0  }
0x90: {  	[tilespmem:$0x9600] =	vst v0  }
0x91: {  	[tilespmem:$0x9610] =	vst v0  }
0x92: {  	[tilespmem:$0x9620] =	vst v0  }
0x93: {  	[tilespmem:$0x9630] =	vst v0  }
0x94: {  	[tilespmem:$0x9640] =	vst v0  }
0x95: {  	[tilespmem:$0x9650] =	vst v0  }
0x96: {  	[tilespmem:$0x9660] =	vst v0  }
0x97: {  	[tilespmem:$0x9670] =	vst v0  }
0x98: {  	[tilespmem:$0x9680] =	vst v0  }
0x99: {  	[tilespmem:$0x9690] =	vst v0  }
0x9a: {  	[tilespmem:$0x96A0] =	vst v0  }
0x9b: {  	[tilespmem:$0x96B0] =	vst v0  }
0x9c: {  	[tilespmem:$0x96C0] =	vst v0  }
0x9d: {  	[tilespmem:$0x96D0] =	vst v0  }
0x9e: {  	[tilespmem:$0x96E0] =	vst v0  }
0x9f: {  	[tilespmem:$0x96F0] =	vst v0  }
0xa0: {  	[tilespmem:$0x9700] =	vst v0  }
0xa1: {  	[tilespmem:$0x9710] =	vst v0  }
0xa2: {  	[tilespmem:$0x9720] =	vst v0  }
0xa3: {  	[tilespmem:$0x9730] =	vst v0  }
0xa4: {  	[tilespmem:$0x9740] =	vst v0  }
0xa5: {  	[tilespmem:$0x9750] =	vst v0  }
0xa6: {  	[tilespmem:$0x9760] =	vst v0  }
0xa7: {  	[tilespmem:$0x9770] =	vst v0  }
0xa8: {  	[tilespmem:$0x9780] =	vst v0  }
0xa9: {  	[tilespmem:$0x9790] =	vst v0  }
0xaa: {  	[tilespmem:$0x97A0] =	vst v0  }
0xab: {  	[tilespmem:$0x97B0] =	vst v0  }
0xac: {  	[tilespmem:$0x97C0] =	vst v0  }
0xad: {  	[tilespmem:$0x97D0] =	vst v0  }
0xae: {  	[tilespmem:$0x97E0] =	vst v0  }
0xaf: {  	[tilespmem:$0x97F0] =	vst v0  }
0xb0: {  	[spmem:s7] =	stream.linear.scatter [tilespmem:s22], [sflag:$0x2], $0x800, $0x38;
	[tilespmem:$0x1D800] =	vst v63  }
0xb1: {  	_ =	swait.ge [sflag:s21], $0x800  }
0xb2: {  	[sflag:s21] =	ssyncset.done $0x0  }
0xb3: {  	s28 =	rddreg [dreg:$0x6];
	[sflag:s21] =	ssyncadd.s32 $0xFFFFF800  }
0xb4: {  	[spmem:s28] =	stream.linear.scatter [tilespmem:s22], [sflag:$0x2], $0x800, $0x38;
	[tilespmem:$0x1D800] =	vst v63  }
0xb5: {  	_ =	swait.ge [sflag:s21], $0x800  }
0xb6: {  	[sflag:s21] =	ssyncset.done $0x0  }
0xb7: {  	s28 =	rddreg [dreg:$0x7];
	[sflag:s21] =	ssyncadd.s32 $0xFFFFF800  }
0xb8: {  	[spmem:s28] =	stream.linear.scatter [tilespmem:s22], [sflag:$0x2], $0x800, $0x38;
	[tilespmem:$0x1D800] =	vst v63  }
0xb9: {  	_ =	swait.ge [sflag:s21], $0x800  }
0xba: {  	[sflag:s21] =	ssyncset.done $0x0  }
0xbb: {  	s28 =	rddreg [dreg:$0x8];
	[sflag:s21] =	ssyncadd.s32 $0xFFFFF800  }
0xbc: {  	[spmem:s28] =	stream.linear.scatter [tilespmem:s22], [sflag:$0x2], $0x800, $0x38;
	[tilespmem:$0x1D800] =	vst v63  }
0xbd: {  	_ =	swait.ge [sflag:s21], $0x800  }
0xbe: {  	[sflag:s21] =	ssyncset.done $0x0  }
0xbf: {  	s28 =	rddreg [dreg:$0x9];
	[sflag:s21] =	ssyncadd.s32 $0xFFFFF800  }
0xc0: {  	[spmem:s28] =	stream.linear.scatter [tilespmem:s22], [sflag:$0x2], $0x800, $0x38;
	[tilespmem:$0x1D800] =	vst v63  }
0xc1: {  	_ =	swait.ge [sflag:s21], $0x800  }
0xc2: {  	[sflag:s21] =	ssyncset.done $0x0  }
0xc3: {  	s28 =	rddreg [dreg:$0xa];
	[sflag:s21] =	ssyncadd.s32 $0xFFFFF800  }
0xc4: {  	[spmem:s28] =	stream.linear.scatter [tilespmem:s22], [sflag:$0x2], $0x800, $0x38;
	[tilespmem:$0x1D800] =	vst v63  }
0xc5: {  	_ =	swait.ge [sflag:s21], $0x800  }
0xc6: {  	[sflag:s21] =	ssyncset.done $0x0  }
0xc7: {  	s28 =	rddreg [dreg:$0xb];
	[sflag:s21] =	ssyncadd.s32 $0xFFFFF800  }
0xc8: {  	[spmem:s28] =	stream.linear.scatter [tilespmem:s22], [sflag:$0x2], $0x800, $0x38;
	[tilespmem:$0x1D800] =	vst v63  }
0xc9: {  	_ =	swait.ge [sflag:s21], $0x800  }
0xca: {  	[sflag:s21] =	ssyncset.done $0x0  }
0xcb: {  	s28 =	rddreg [dreg:$0xc];
	[sflag:s21] =	ssyncadd.s32 $0xFFFFF800  }
0xcc: {  	[spmem:s28] =	stream.linear.scatter [tilespmem:s22], [sflag:$0x2], $0x800, $0x38;
	[tilespmem:$0x1D800] =	vst v63  }
0xcd: {  	_ =	swait.ge [sflag:s21], $0x800  }
0xce: {  	[sflag:s21] =	ssyncset.done $0x0  }
0xcf: {  	s28 =	rddreg [dreg:$0xd];
	[sflag:s21] =	ssyncadd.s32 $0xFFFFF800  }
0xd0: {  	[spmem:s28] =	stream.linear.scatter [tilespmem:s22], [sflag:$0x2], $0x800, $0x38;
	[tilespmem:$0x1D800] =	vst v63  }
0xd1: {  	_ =	swait.ge [sflag:s21], $0x800  }
0xd2: {  	[sflag:s21] =	ssyncset.done $0x0  }
0xd3: {  	s28 =	rddreg [dreg:$0xe];
	[sflag:s21] =	ssyncadd.s32 $0xFFFFF800  }
0xd4: {  	[spmem:s28] =	stream.linear.scatter [tilespmem:s22], [sflag:$0x2], $0x800, $0x38;
	[tilespmem:$0x1D800] =	vst v63  }
0xd5: {  	_ =	swait.ge [sflag:s21], $0x800  }
0xd6: {  	[sflag:s21] =	ssyncset.done $0x0  }
0xd7: {  	s28 =	rddreg [dreg:$0xf];
	[sflag:s21] =	ssyncadd.s32 $0xFFFFF800  }
0xd8: {  	[spmem:s28] =	stream.linear.scatter [tilespmem:s22], [sflag:$0x2], $0x800, $0x38;
	[tilespmem:$0x1D800] =	vst v63  }
0xd9: {  	_ =	swait.ge [sflag:s21], $0x800  }
0xda: {  	[sflag:s21] =	ssyncset.done $0x0  }
0xdb: {  	s28 =	rddreg [dreg:$0x10];
	[sflag:s21] =	ssyncadd.s32 $0xFFFFF800  }
0xdc: {  	[spmem:s28] =	stream.linear.scatter [tilespmem:s22], [sflag:$0x2], $0x800, $0x38;
	[tilespmem:$0x1D800] =	vst v63  }
0xdd: {  	_ =	swait.ge [sflag:s21], $0x800  }
0xde: {  	[sflag:s21] =	ssyncset.done $0x0  }
0xdf: {  	s28 =	rddreg [dreg:$0x11];
	[sflag:s21] =	ssyncadd.s32 $0xFFFFF800  }
0xe0: {  	[spmem:s28] =	stream.linear.scatter [tilespmem:s22], [sflag:$0x2], $0x800, $0x38;
	[tilespmem:$0x1D800] =	vst v63  }
0xe1: {  	_ =	swait.ge [sflag:s21], $0x800  }
0xe2: {  	[sflag:s21] =	ssyncset.done $0x0  }
0xe3: {  	s28 =	rddreg [dreg:$0x12];
	[sflag:s21] =	ssyncadd.s32 $0xFFFFF800  }
0xe4: {  	[spmem:s28] =	stream.linear.scatter [tilespmem:s22], [sflag:$0x2], $0x800, $0x38;
	[tilespmem:$0x1D800] =	vst v63  }
0xe5: {  	_ =	swait.ge [sflag:s21], $0x800  }
0xe6: {  	[sflag:s21] =	ssyncset.done $0x0  }
0xe7: {  	s28 =	rddreg [dreg:$0x13];
	[sflag:s21] =	ssyncadd.s32 $0xFFFFF800  }
0xe8: {  	[spmem:s28] =	stream.linear.scatter [tilespmem:s22], [sflag:$0x2], $0x800, $0x38;
	[tilespmem:$0x1D800] =	vst v63  }
0xe9: {  	_ =	swait.ge [sflag:s21], $0x800  }
0xea: {  	[sflag:s21] =	ssyncset.done $0x0  }
0xeb: {  	s28 =	rddreg [dreg:$0x14];
	[sflag:s21] =	ssyncadd.s32 $0xFFFFF800  }
0xec: {  	[spmem:s28] =	stream.linear.scatter [tilespmem:s22], [sflag:$0x2], $0x800, $0x38;
	[tilespmem:$0x1D800] =	vst v63  }
0xed: {  	_ =	swait.ge [sflag:s21], $0x800  }
0xee: {  	[sflag:s21] =	ssyncset.done $0x0  }
0xef: {  	s28 =	rddreg [dreg:$0x15];
	[sflag:s21] =	ssyncadd.s32 $0xFFFFF800  }
0xf0: {  	[spmem:s28] =	stream.linear.scatter [tilespmem:s22], [sflag:$0x2], $0x800, $0x38;
	[tilespmem:$0x1D800] =	vst v63  }
0xf1: {  	_ =	swait.ge [sflag:s21], $0x800  }
0xf2: {  	[sflag:s21] =	ssyncset.done $0x0  }
0xf3: {  	s28 =	rddreg [dreg:$0x18];
	[sflag:s21] =	ssyncadd.s32 $0xFFFFF800  }
0xf4: {  	[spmem:s28] =	stream.linear.scatter [tilespmem:s22], [sflag:$0x2], $0x800, $0x38;
	[tilespmem:$0x1D800] =	vst v63  }
0xf5: {  	_ =	swait.ge [sflag:s21], $0x800  }
0xf6: {  	[sflag:s21] =	ssyncset.done $0x0  }
0xf7: {  	s28 =	rddreg [dreg:$0x19];
	[sflag:s21] =	ssyncadd.s32 $0xFFFFF800  }
0xf8: {  	[spmem:s28] =	stream.linear.scatter [tilespmem:s22], [sflag:$0x2], $0x800, $0x38;
	[tilespmem:$0x1D800] =	vst v63  }
0xf9: {  	_ =	swait.ge [sflag:s21], $0x800  }
0xfa: {  	[sflag:s21] =	ssyncset.done $0x0  }
0xfb: {  	s28 =	rddreg [dreg:$0x1a];
	[sflag:s21] =	ssyncadd.s32 $0xFFFFF800  }
0xfc: {  	[spmem:s28] =	stream.linear.scatter [tilespmem:s22], [sflag:$0x2], $0x800, $0x38;
	[tilespmem:$0x1D800] =	vst v63  }
0xfd: {  	_ =	swait.ge [sflag:s21], $0x800  }
0xfe: {  	[sflag:s21] =	ssyncset.done $0x0  }
0xff: {  	s28 =	rddreg [dreg:$0x1b];
	[sflag:s21] =	ssyncadd.s32 $0xFFFFF800  }
0x100: {  	[spmem:s28] =	stream.linear.scatter [tilespmem:s22], [sflag:$0x2], $0x800, $0x38;
	[tilespmem:$0x1D800] =	vst v63  }
0x101: {  	_ =	swait.ge [sflag:s21], $0x800  }
0x102: {  	[sflag:s21] =	ssyncset.done $0x0  }
0x103: {  	s28 =	rddreg [dreg:$0x1c];
	[sflag:s21] =	ssyncadd.s32 $0xFFFFF800  }
0x104: {  	[spmem:s28] =	stream.linear.scatter [tilespmem:s22], [sflag:$0x2], $0x800, $0x38;
	[tilespmem:$0x1D800] =	vst v63  }
0x105: {  	_ =	swait.ge [sflag:s21], $0x800  }
0x106: {  	[sflag:s21] =	ssyncset.done $0x0  }
0x107: {  	[sflag:s21] =	ssyncadd.s32 $0xFFFFF800  }
0x108: {  	[spmem:s1] =	stream.linear.scatter [tilespmem:s22], [sflag:$0x2], $0x800, $0x38;
	[tilespmem:$0x1D800] =	vst v63  }
0x109: {  	_ =	swait.ge [sflag:s21], $0x800  }
0x10a: {  	[sflag:s21] =	ssyncset.done $0x0  }
0x10b: {  	[sflag:s21] =	ssyncadd.s32 $0xFFFFF800  }
0x10c: {  	[spmem:s0] =	stream.linear.scatter [tilespmem:s22], [sflag:$0x2], $0x800, $0x38;
	[tilespmem:$0x1D800] =	vst v63  }
0x10d: {  	_ =	swait.ge [sflag:s21], $0x800  }
0x10e: {  	[sflag:s21] =	ssyncset.done $0x0  }
0x10f: {  	[sflag:s21] =	ssyncadd.s32 $0xFFFFF800  }
0x110: {  	[spmem:s3] =	stream.linear.scatter [tilespmem:s22], [sflag:$0x2], $0x800, $0x38;
	[tilespmem:$0x1D800] =	vst v63  }
0x111: {  	_ =	swait.ge [sflag:s21], $0x800  }
0x112: {  	[sflag:s21] =	ssyncset.done $0x0  }
0x113: {  	[sflag:s21] =	ssyncadd.s32 $0xFFFFF800  }
0x114: {  	[spmem:s5] =	stream.linear.scatter [tilespmem:s22], [sflag:$0x2], $0x800, $0x38;
	[tilespmem:$0x1D800] =	vst v63  }
0x115: {  	_ =	swait.ge [sflag:s21], $0x800  }
0x116: {  	[sflag:s21] =	ssyncset.done $0x0  }
0x117: {  	[sflag:s21] =	ssyncadd.s32 $0xFFFFF800  }
0x118: {  	[spmem:s6] =	stream.linear.scatter [tilespmem:s22], [sflag:$0x2], $0x800, $0x38;
	[tilespmem:$0x1D800] =	vst v63  }
0x119: {  	_ =	swait.ge [sflag:s21], $0x800  }
0x11a: {  	[sflag:s21] =	ssyncset.done $0x0  }
0x11b: {  	[sflag:s21] =	ssyncadd.s32 $0xFFFFF800  }
0x11c: {  	[spmem:s8] =	stream.linear.scatter [tilespmem:s22], [sflag:$0x2], $0x800, $0x38;
	[tilespmem:$0x1D800] =	vst v63  }
0x11d: {  	_ =	swait.ge [sflag:s21], $0x800  }
0x11e: {  	[sflag:s21] =	ssyncset.done $0x0  }
0x11f: {  	[sflag:s21] =	ssyncadd.s32 $0xFFFFF800  }
0x120: {  	[spmem:s9] =	stream.linear.scatter [tilespmem:s22], [sflag:$0x2], $0x800, $0x38;
	[tilespmem:$0x1D800] =	vst v63  }
0x121: {  	_ =	swait.ge [sflag:s21], $0x800  }
0x122: {  	[sflag:s21] =	ssyncset.done $0x0  }
0x123: {  	[sflag:s21] =	ssyncadd.s32 $0xFFFFF800  }
0x124: {  	[spmem:s10] =	stream.linear.scatter [tilespmem:s22], [sflag:$0x2], $0x800, $0x38;
	[tilespmem:$0x1D800] =	vst v63  }
0x125: {  	_ =	swait.ge [sflag:s21], $0x800  }
0x126: {  	[sflag:s21] =	ssyncset.done $0x0  }
0x127: {  	[sflag:s21] =	ssyncadd.s32 $0xFFFFF800  }
0x128: {  	[spmem:s11] =	stream.linear.scatter [tilespmem:s22], [sflag:$0x2], $0x800, $0x38;
	[tilespmem:$0x1D800] =	vst v63  }
0x129: {  	_ =	swait.ge [sflag:s21], $0x800  }
0x12a: {  	[sflag:s21] =	ssyncset.done $0x0  }
0x12b: {  	[sflag:s21] =	ssyncadd.s32 $0xFFFFF800  }
0x12c: {  	[spmem:s12] =	stream.linear.scatter [tilespmem:s22], [sflag:$0x2], $0x800, $0x38;
	[tilespmem:$0x1D800] =	vst v63  }
0x12d: {  	_ =	swait.ge [sflag:s21], $0x800  }
0x12e: {  	[sflag:s21] =	ssyncset.done $0x0  }
0x12f: {  	[sflag:s21] =	ssyncadd.s32 $0xFFFFF800  }
0x130: {  	[spmem:s13] =	stream.linear.scatter [tilespmem:s22], [sflag:$0x2], $0x800, $0x38;
	[tilespmem:$0x1D800] =	vst v63  }
0x131: {  	_ =	swait.ge [sflag:s21], $0x800  }
0x132: {  	[sflag:s21] =	ssyncset.done $0x0  }
0x133: {  	[sflag:s21] =	ssyncadd.s32 $0xFFFFF800  }
0x134: {  	[spmem:s14] =	stream.linear.scatter [tilespmem:s22], [sflag:$0x2], $0x800, $0x38;
	[tilespmem:$0x1D800] =	vst v63  }
0x135: {  	_ =	swait.ge [sflag:s21], $0x800  }
0x136: {  	[sflag:s21] =	ssyncset.done $0x0  }
0x137: {  	[sflag:s21] =	ssyncadd.s32 $0xFFFFF800  }
0x138: {  	[spmem:s15] =	stream.linear.scatter [tilespmem:s22], [sflag:$0x2], $0x800, $0x38;
	[tilespmem:$0x1D800] =	vst v63  }
0x139: {  	_ =	swait.ge [sflag:s21], $0x800  }
0x13a: {  	[sflag:s21] =	ssyncset.done $0x0  }
0x13b: {  	[sflag:s21] =	ssyncadd.s32 $0xFFFFF800  }
0x13c: {  	[spmem:s16] =	stream.linear.scatter [tilespmem:s22], [sflag:$0x2], $0x800, $0x38;
	[tilespmem:$0x1D800] =	vst v63  }
0x13d: {  	_ =	swait.ge [sflag:s21], $0x800  }
0x13e: {  	[sflag:s21] =	ssyncset.done $0x0  }
0x13f: {  	[sflag:s21] =	ssyncadd.s32 $0xFFFFF800  }
0x140: {  	[spmem:s17] =	stream.linear.scatter [tilespmem:s22], [sflag:$0x2], $0x800, $0x38;
	[tilespmem:$0x1D800] =	vst v63  }
0x141: {  	_ =	swait.ge [sflag:s21], $0x800  }
0x142: {  	[sflag:s21] =	ssyncset.done $0x0  }
0x143: {  	[sflag:s21] =	ssyncadd.s32 $0xFFFFF800  }
0x144: {  	[spmem:s18] =	stream.linear.scatter [tilespmem:s22], [sflag:$0x2], $0x800, $0x38;
	[tilespmem:$0x1D800] =	vst v63  }
0x145: {  	_ =	swait.ge [sflag:s21], $0x800  }
0x146: {  	[sflag:s21] =	ssyncset.done $0x0  }
0x147: {  	[sflag:s21] =	ssyncadd.s32 $0xFFFFF800  }
0x148: {  	[spmem:s19] =	stream.linear.scatter [tilespmem:s22], [sflag:$0x2], $0x800, $0x38;
	[tilespmem:$0x1D800] =	vst v63  }
0x149: {  	_ =	swait.ge [sflag:s21], $0x800  }
0x14a: {  	[sflag:s21] =	ssyncset.done $0x0  }
0x14b: {  	[sflag:s21] =	ssyncadd.s32 $0xFFFFF800  }
0x14c: {  	[spmem:s20] =	stream.linear.scatter [tilespmem:s22], [sflag:$0x2], $0x800, $0x38;
	[tilespmem:$0x1D800] =	vst v63  }
0x14d: {  	_ =	swait.ge [sflag:s21], $0x800  }
0x14e: {  	[sflag:s21] =	ssyncset.done $0x0  }
0x14f: {  	[sflag:s21] =	ssyncadd.s32 $0xFFFFF800  }
0x150: {  	s28 =	simm.s32 $0x0;
	[bflag:$0x0] =	sbarrier.arrive $0xFFFF  }
0x151: {  	[tilespmem:s24], [sflag:$0x1] =	stream.indirect.gather [hbm4b:s4+s23], $0x80, s28, s23, $0xb8;
	[tilespmem:$0x1D800] =	vst v63  }
0x152: {  	_ =	swait.ge [sflag:s25], $0x4000  }
0x153: {  	[sflag:s25] =	ssyncset.done $0x0  }
0x154: {  	s28 =	simm.s32 $0x2800;
	[sflag:s25] =	ssyncadd.s32 $0xFFFFC000  }
0x155: {  	[spmem:s2] =	stream.indirect.scatter.add.f32 [tilespmem:s24], [sflag:$0x2], $0x80, s28, s23, $0xb8;
	[tilespmem:$0x1D800] =	vst v63  }
0x156: {  	_ =	swait.ge [sflag:s21], $0x4000  }
0x157: {  	s29 =	simm.s32 $0x400;
	s28 =	simm.s32 $0x200;
	[sflag:s21] =	ssyncset.done $0x0  }
.LBB2_2:
0x158: {  	s30 =	sshra.s32 s28, $0x2  }
0x159: {  	[sflag:s21] =	ssyncadd.s32 $0xFFFFC000;
	s28 =	smov.u32 s29;
	s31 =	sadd.s32 $0x200, s29  }
0x15a: {  	[tilespmem:s24], [sflag:$0x1] =	stream.indirect.gather [hbm4b:s4+s23], $0x80, s30, s23, $0xb8;
	[tilespmem:$0x1D800] =	vst v63  }
0x15b: {  	p0 =	sne.s32 s29, $0x9C00;
	_ =	swait.ge [sflag:s25], $0x4000  }
.Ltmp0:
0x15c: {  	[sflag:s25] =	ssyncset.done $0x0;
	(pc) =	sbr.rel @p0 .LBB2_2-.Ltmp0, $4  }
0x15d: {  	s29 =	sadd.s32 $0x2800, s30;
	[sflag:s25] =	ssyncadd.s32 $0xFFFFC000  }
0x15e: {  	[spmem:s2] =	stream.indirect.scatter.add.f32 [tilespmem:s24], [sflag:$0x2], $0x80, s29, s23, $0xb8;
	[tilespmem:$0x1D800] =	vst v63  }
0x15f: {  	_ =	swait.ge [sflag:s21], $0x4000  }
0x160: {  	s29 =	smov.u32 s31;
	[sflag:s21] =	ssyncset.done $0x0  }
0x161: {  	s28 =	sshra.s32 s28, $0x2;
	[sflag:s21] =	ssyncadd.s32 $0xFFFFC000  }
0x162: {  	[tilespmem:s24], [sflag:$0x1] =	stream.indirect.gather [hbm4b:s4+s23], $0x80, s28, s23, $0xb8;
	[tilespmem:$0x1D800] =	vst v63  }
0x163: {  	_ =	swait.ge [sflag:s25], $0x4000  }
0x164: {  	[sflag:s25] =	ssyncset.done $0x0  }
0x165: {  	s28 =	sadd.s32 $0x2800, s28;
	[sflag:s25] =	ssyncadd.s32 $0xFFFFC000  }
0x166: {  	[spmem:s2] =	stream.indirect.scatter.add.f32 [tilespmem:s24], [sflag:$0x2], $0x80, s28, s23, $0xb8;
	[tilespmem:$0x1D800] =	vst v63  }
0x167: {  	_ =	swait.ge [sflag:s21], $0x4000  }
0x168: {  	[sflag:s21] =	ssyncset.done $0x0  }
0x169: {  	s30 =	stileid.u32;
	[sflag:s21] =	ssyncadd.s32 $0xFFFFC000  }
0x16a: {  	s28 =	sshll.u32 s30, $0x6;
	[bflag:$0x0] =	sbarrier.arrive $0xFFFF  }
0x16b: {  	s29 =	sshrl.u32 s7, $0x3;
	s28 =	sor.u32 $0x1C02, s28;
	s30 =	rddreg [dreg:$0x16]  }
0x16c: {  	[hbm:s30], [sflag:s28] =	dma.local [spmem:s29], $0x2800  }
0x16d: {  	_ =	swait.ge [sflag:s21], $0x2800  }
0x16e: {  	s26 =	sadd.s32 $0x1, s26;
	s31 =	rddreg [dreg:$0x17]  }
0x16f: {  	p0 =	sne.s32 s26, s31  }
.Ltmp1:
0x170: {  	_ = 	snop;
	(pc) =	sbr.rel @p0 .LBB2_1-.Ltmp1, $3  }
0x171: {  	_ =	sdelay $0x1  }
0x172: {  	[sflag:s21] =	ssyncset.done $0x0  }
0x173: {  	[sflag:s21] =	ssyncadd.s32 $0xFFFFD800  }
0x174: {  	_ =	sfence.sel $0x180000  }
0x175: {  	[bflag:$0x0] =	sbarrier.arrive $0xFFFF  }
0x176: {  	_ =	strace $0x9000004A  }
0x177: {  	s0 =	stileid.u32;
	[bflag:$0x2] =	sbarrier.arrive $0xFFFF  }
0x178: {  	p0 =	sne.s32 s0, $0x0;
	s0 =	rddreg [dreg:$0x3]  }
0x179: {  	s0 =	sadd.s32 @!p0 $0x100000, s0  }
0x17a: {  	[sflag:s0] =	ssyncadd.tile.s32 @!p0 $0x1;
	_ =	shalt  }
.Lfunc_end2:
_tile_overlayer_lowered:
.L_overlay_start_2:
0x17b: {  	(tag) =	ssettag $0x2  }
0x17c: {  	s0 =	rddreg [dreg:$0x0];
	s2 =	stileid.u32  }
0x17d: {  	s1 =	rddreg [dreg:$0x1];
	p0 =	sne.s32 s2, $0x0  }
0x17e: {  	s3 =	rddreg [dreg:$0x2];
	[bflag:$0x3] =	sbarrier.arrive $0xFFFF;
	s2 =	simm.s32 @!p0 $0x1C02  }
0x17f: {  	[timem:s3], [sflag:s2] =	dma.local @!p0 [hbm:s0], s1  }
0x180: {  	s0 =	simm.s32 @!p0 $0x2  }
0x181: {  	_ =	swait.ge @!p0 [sflag:s0], s1  }
0x182: {  	s1 =	ssub.s32 @!p0 $0x0, s1;
	[sflag:s0] =	ssyncset.done @!p0 $0x0  }
0x183: {  	[sflag:s0] =	ssyncadd.s32 @!p0 s1  }
0x184: {  	[bflag:$0x3] =	sbarrier.arrive $0xFFFF  }
0x185: {  	_ =	shalt  }

</sc_bundles>
